<compile_context>
chip_gen: v7x
topology: tpu7x:2x2x1
jax: 0.10.2.dev20260603
libtpu: 0.0.44.dev20260713+nightly
codegen_flags: <defaults>
</compile_context>

<pallas_src>
import jax
import jax.numpy as jnp
from jax import lax
from jax.experimental import pallas as pl
from jax.experimental.pallas import tpu as pltpu
from jax.experimental.pallas import tpu_sc as plsc

CROP = 7
NSAMP = CROP * CROP
HALF = 98
HALF_PAD = 104
C = 256
N_ROI = 1000
NW = 32
ROIS_PER_W = 32
OUT_ROWS = NSAMP * C // 128


def _sc_body(table, prop, out, prop_v, idx_v, w_v, rows_v, out_v, sem):
    wid = lax.axis_index("s") * 2 + lax.axis_index("c")
    base_roi = wid * ROIS_PER_W
    pltpu.sync_copy(prop.at[pl.ds(base_roi * 7, ROIS_PER_W * 7)], prop_v)

    iota = lax.iota(jnp.int32, 16)
    zeros16 = jnp.zeros((16,), dtype=jnp.int32)
    for b in range(2):
        idx_v[b, 0, pl.ds(88, 16)] = zeros16
        idx_v[b, 1, pl.ds(88, 16)] = zeros16

    def _gen_and_fire(r, b):
        r7 = jnp.full((16,), r * 7, dtype=jnp.int32)

        def col(j):
            return plsc.load_gather(prop_v, [r7 + j])

        x0, y0, x1, y1 = col(1), col(2), col(3), col(4)
        area = (x1 - x0) * (y1 - y0)
        one = jnp.full((16,), 1, dtype=jnp.int32)
        zero = jnp.full((16,), 0, dtype=jnp.int32)
        lvl = (jnp.where(area > 2304.0, one, zero)
               + jnp.where(area > 9216.0, one, zero)
               + jnp.where(area > 36864.0, one, zero))
        scale = jnp.where(lvl == 0, 0.25,
                          jnp.where(lvl == 1, 0.125,
                                    jnp.where(lvl == 2, 0.0625, 0.03125)))
        off = jnp.where(lvl == 0, 0,
                        jnp.where(lvl == 1, 16384,
                                  jnp.where(lvl == 2, 20480, 21504))).astype(jnp.int32)
        wl = jnp.where(lvl == 0, 128,
                       jnp.where(lvl == 1, 64,
                                 jnp.where(lvl == 2, 32, 16))).astype(jnp.int32)
        x0s = x0 * scale
        y0s = y0 * scale
        bw = (x1 * scale - x0s) / 7.0
        bh = (y1 * scale - y0s) / 7.0
        wmax = wl - 1
        bb = jnp.full((16,), b, dtype=jnp.int32)

        for j in range(4):
            p = iota + (16 * j)
            pyi = (p * 9363) >> 16
            pxi = p - pyi * 7
            yy = y0s + (pyi.astype(jnp.float32) + 0.5) * bh - 0.5
            xx = x0s + (pxi.astype(jnp.float32) + 0.5) * bw - 0.5
            yt = yy.astype(jnp.int32)
            yfi = jnp.where(yt.astype(jnp.float32) > yy, yt - 1, yt)
            xt = xx.astype(jnp.int32)
            xfi = jnp.where(xt.astype(jnp.float32) > xx, xt - 1, xt)
            ly = yy - yfi.astype(jnp.float32)
            lx = xx - xfi.astype(jnp.float32)
            hy = 1.0 - ly
            hx = 1.0 - lx
            y0c = jnp.clip(yfi, 0, wmax)
            y1c = jnp.clip(yfi + 1, 0, wmax)
            x0c = jnp.clip(xfi, 0, wmax)
            x1c = jnp.clip(xfi + 1, 0, wmax)
            b0 = off + y0c * wl
            b1 = off + y1c * wl
            idx4 = (b0 + x0c, b0 + x1c, b1 + x0c, b1 + x1c)
            w4 = (hy * hx, hy * lx, ly * hx, ly * lx)
            msk = p < NSAMP
            pos = p * 4
            for c4 in range(4):
                posc = pos + c4
                g = (posc * 669) >> 16
                rem = posc - g * HALF
                plsc.store_scatter(idx_v, [bb, g, rem], idx4[c4], mask=msk)
                plsc.store_scatter(w_v, [bb, p, jnp.full((16,), c4, dtype=jnp.int32)],
                                   w4[c4], mask=msk)
        for g in range(2):
            pltpu.async_copy(table.at[idx_v.at[b, g]],
                             rows_v.at[b, pl.ds(g * HALF_PAD, HALF_PAD)], sem)

    def _wait_gather(b):
        for g in range(2):
            pltpu.make_async_copy(table.at[idx_v.at[b, g]],
                                  rows_v.at[b, pl.ds(g * HALF_PAD, HALF_PAD)],
                                  sem).wait()

    def _combine(b):
        def py_body(py, c0):
            def px_body(px, c1):
                s = py * CROP + px
                s4 = s * 4
                wrow = w_v[b, s, :]
                w00 = wrow[0]
                w01 = wrow[1]
                w10 = wrow[2]
                w11 = wrow[3]

                def row(c4):
                    posc = s4 + c4
                    return posc + 6 * ((posc * 669) >> 16)
                r0, r1, r2, r3 = row(0), row(1), row(2), row(3)
                base = iota * NSAMP + s
                for cb in range(16):
                    sl = pl.ds(cb * 16, 16)
                    acc = ((rows_v[b, r0, sl] * w00 + rows_v[b, r1, sl] * w01)
                           + (rows_v[b, r2, sl] * w10 + rows_v[b, r3, sl] * w11))
                    pos = base + (cb * 16 * NSAMP)
                    plsc.store_scatter(out_v, [pos >> 7, pos & 127], acc)
                return c1
            return lax.fori_loop(0, CROP, px_body, c0)
        lax.fori_loop(0, CROP, py_body, 0)

    @pl.when(base_roi < N_ROI)
    def _():
        _gen_and_fire(0, 0)

    def pipe_body(i, carry):
        for half in range(2):
            r = 2 * i + half
            roi = base_roi + r

            @pl.when((r + 1 < ROIS_PER_W) & (roi + 1 < N_ROI))
            def _():
                _gen_and_fire(r + 1, 1 - half)

            @pl.when(roi < N_ROI)
            def _():
                _wait_gather(half)
                _combine(half)
                pltpu.sync_copy(out_v, out.at[pl.ds(roi * OUT_ROWS, OUT_ROWS)])
        return carry

    lax.fori_loop(0, ROIS_PER_W // 2, pipe_body, 0)


def kernel(f2, f3, f4, f5, proposals):
    parts = [jnp.transpose(f[0], (1, 2, 0)).reshape(-1, C) for f in (f2, f3, f4, f5)]
    table = jnp.concatenate(parts, axis=0)
    prop = jnp.pad(proposals, ((0, NW * ROIS_PER_W - proposals.shape[0]), (0, 0))).reshape(-1)
    mesh = plsc.VectorSubcoreMesh(core_axis_name="c", subcore_axis_name="s")
    k = pl.kernel(
        _sc_body,
        out_type=jax.ShapeDtypeStruct((N_ROI * OUT_ROWS, 128), jnp.float32),
        mesh=mesh,
        scratch_types=[
            pltpu.VMEM((ROIS_PER_W * 7,), jnp.float32),
            pltpu.VMEM((2, 2, HALF_PAD), jnp.int32),
            pltpu.VMEM((2, NSAMP, 16), jnp.float32),
            pltpu.VMEM((2, 2 * HALF_PAD, C), jnp.float32),
            pltpu.VMEM((OUT_ROWS, 128), jnp.float32),
            pltpu.SemaphoreType.DMA,
        ],
        compiler_params=pltpu.CompilerParams(use_tc_tiling_on_sc=False,
                                             needs_layout_passes=False),
    )
    return jnp.reshape(k(table, prop), (N_ROI, C, CROP, CROP))

# --- scband reference (transcript-rebuilt; emitter-appended) ---
"""Pipeline reference for scband-crop-roi-16527034155026 (READ-ONLY COPY).

The authoritative reference and input builder live on the scoring server;
editing this copy changes nothing except your own understanding.
"""

import jax, jax.numpy as jnp
import numpy as np

CROP_SIZE = 7
RPN_SCALES = (4, 8, 16, 32)
RPN_BASE_SIZES = (32.0, 64.0, 128.0, 256.0)


def setup_inputs(seed: int = 0):
    key = jax.random.key(seed)
    ks = jax.random.split(key, 7)
    f2 = jax.random.normal(ks[0], (1, 256, 128, 128), dtype=jnp.float32)
    f3 = jax.random.normal(ks[1], (1, 256, 64, 64), dtype=jnp.float32)
    f4 = jax.random.normal(ks[2], (1, 256, 32, 32), dtype=jnp.float32)
    f5 = jax.random.normal(ks[3], (1, 256, 16, 16), dtype=jnp.float32)
    N = 1000
    x0 = jax.random.uniform(ks[4], (N,), minval=0.0, maxval=380.0)
    y0 = jax.random.uniform(ks[5], (N,), minval=0.0, maxval=380.0)
    wh = jax.random.uniform(ks[6], (N, 2), minval=8.0, maxval=300.0)
    x1 = jnp.minimum(x0 + wh[:, 0], 511.0)
    y1 = jnp.minimum(y0 + wh[:, 1], 511.0)
    proposals = jnp.stack([jnp.zeros(N), x0, y0, x1, y1, 0.9 * jnp.ones(N), jnp.ones(N)], axis=1).astype(jnp.float32)
    return {"f2": f2, "f3": f3, "f4": f4, "f5": f5, "proposals": proposals}


def _roi_crop(feat, rois, crop_size, spatial_scale):
    # feat: [1, C, H, W]; rois: [N, 5] = (batch_idx, x0, y0, x1, y1) in image coords.
    # Bilinear RoIAlign-style crop (sampling_ratio=1) to crop_size x crop_size.
    f = feat[0]
    C, H, W = f.shape
    x0 = rois[:, 1] * spatial_scale
    y0 = rois[:, 2] * spatial_scale
    x1 = rois[:, 3] * spatial_scale
    y1 = rois[:, 4] * spatial_scale
    bw = (x1 - x0) / crop_size
    bh = (y1 - y0) / crop_size
    i = jnp.arange(crop_size, dtype=jnp.float32) + 0.5
    ys = y0[:, None] + i[None, :] * bh[:, None] - 0.5
    xs = x0[:, None] + i[None, :] * bw[:, None] - 0.5
    N = rois.shape[0]
    yy = jnp.broadcast_to(ys[:, :, None], (N, crop_size, crop_size))
    xx = jnp.broadcast_to(xs[:, None, :], (N, crop_size, crop_size))
    yf = jnp.floor(yy)
    xf = jnp.floor(xx)
    ly = yy - yf
    lx = xx - xf
    hy = 1.0 - ly
    hx = 1.0 - lx
    y0i = jnp.clip(yf, 0, H - 1).astype(jnp.int32)
    y1i = jnp.clip(yf + 1.0, 0, H - 1).astype(jnp.int32)
    x0i = jnp.clip(xf, 0, W - 1).astype(jnp.int32)
    x1i = jnp.clip(xf + 1.0, 0, W - 1).astype(jnp.int32)
    v = (f[:, y0i, x0i] * (hy * hx)[None]
         + f[:, y0i, x1i] * (hy * lx)[None]
         + f[:, y1i, x0i] * (ly * hx)[None]
         + f[:, y1i, x1i] * (ly * lx)[None])
    return jnp.transpose(v, (1, 0, 2, 3))


def reference(f2, f3, f4, f5, proposals):
    fs = [f2, f3, f4, f5]
    boxes = proposals[:, 1:5]
    wh = boxes[:, 2:4] - boxes[:, 0:2]
    sizes = jnp.sqrt(wh[:, 0] * wh[:, 1])
    base = jnp.array(RPN_BASE_SIZES, dtype=jnp.float32)
    distances = jnp.abs(sizes[:, None] - base[None, :])
    min_index = jnp.argmin(distances, axis=1)
    rois = proposals[:, 0:5]
    out = jnp.zeros((proposals.shape[0], f2.shape[1], CROP_SIZE, CROP_SIZE), dtype=f2.dtype)
    for l in range(len(fs)):
        c = _roi_crop(fs[l], rois, CROP_SIZE, 1.0 / RPN_SCALES[l])
        mask = (min_index == l).astype(c.dtype)[:, None, None, None]
        out = out + c * mask
    return out

if __name__ == "__main__":
    import jax
    _d = setup_inputs()
    print(jax.jit(kernel)(*tuple(_d.values())))

</pallas_src>

<mosaic_0001>
#map = affine_map<(d0, d1) -> (0, 0)>
#map1 = affine_map<(d0, d1) -> (0)>
module attributes {stable_mosaic.version = 14 : i64} {
  func.func @_sc_body(%arg0: i32, %arg1: i32, %arg2: memref<21760x256xf32, #tpu.memory_space<hbm>>, %arg3: memref<7168xf32, #tpu.memory_space<hbm>>, %arg4: memref<98000x128xf32, #tpu.memory_space<hbm>>, %arg5: memref<224xf32, #tpu.memory_space<vmem>>, %arg6: memref<2x2x104xi32, #tpu.memory_space<vmem>>, %arg7: memref<2x49x16xf32, #tpu.memory_space<vmem>>, %arg8: memref<2x208x256xf32, #tpu.memory_space<vmem>>, %arg9: memref<98x128xf32, #tpu.memory_space<vmem>>, %arg10: memref<!tpu.dma_semaphore, #tpu.memory_space<semaphore_mem>>) attributes {dimension_semantics = [#tpu.dimension_semantics<core_parallel>, #tpu.dimension_semantics<subcore_parallel>], iteration_bounds = array<i64: 2, 16>, scalar_prefetch = 0 : i64, scratch_operands = 6 : i64, tpu.core_type = #tpu.core_type<sc_vector_subcore>, window_params = [{transform_indices = #map}, {transform_indices = #map1}, {transform_indices = #map}]} {
    %mul3A = arith.constant 2 : i32
    %mul3A_0 = arith.muli %arg1, %mul3A : i32
    %add3A = arith.addi %mul3A_0, %arg0 : i32
    %mul3A_1 = arith.constant 32 : i32
    %mul3A_2 = arith.muli %add3A, %mul3A_1 : i32
    %mul3A_3 = arith.constant 7 : i32
    %mul3A_4 = arith.muli %mul3A_2, %mul3A_3 : i32
    "tpu.region"() ({
      %run_scoped3A = tpu.sem_alloc : memref<!tpu.dma_semaphore, #tpu.memory_space<semaphore_mem>>
      %dma_start3A = tpu.memref_slice %arg3[%mul3A_4] : memref<7168xf32, #tpu.memory_space<hbm>> -> memref<224xf32, #tpu.memory_space<hbm>>
      %dma_start3A_36 = tpu.memref_slice %arg3[%mul3A_4] : memref<7168xf32, #tpu.memory_space<hbm>> -> memref<224xf32, #tpu.memory_space<hbm>>
      tpu.enqueue_dma source(%dma_start3A_36 : memref<224xf32, #tpu.memory_space<hbm>>) target(%arg5 : memref<224xf32, #tpu.memory_space<vmem>>) target_semaphore(%run_scoped3A : memref<!tpu.dma_semaphore, #tpu.memory_space<semaphore_mem>>)
      %dma_wait3A = tpu.memref_slice %arg3[%mul3A_4] : memref<7168xf32, #tpu.memory_space<hbm>> -> memref<224xf32, #tpu.memory_space<hbm>>
      %dma_wait3A_37 = tpu.memref_slice %arg3[%mul3A_4] : memref<7168xf32, #tpu.memory_space<hbm>> -> memref<224xf32, #tpu.memory_space<hbm>>
      tpu.wait_dma2 semaphore(%run_scoped3A : memref<!tpu.dma_semaphore, #tpu.memory_space<semaphore_mem>>) src(%dma_wait3A_37 : memref<224xf32, #tpu.memory_space<hbm>>) dst(%arg5 : memref<224xf32, #tpu.memory_space<vmem>>)
      tpu.yield
    }) : () -> ()
    %iota3A = tpu.iota {dimensions = array<i32: 0>} : vector<16xi32>
    %broadcast_in_dim3A = arith.constant 0 : i32
    %broadcast_in_dim3A_5 = vector.broadcast %broadcast_in_dim3A : i32 to vector<16xi32>
    %swap3A = arith.constant 0 : i32
    %swap3A_6 = arith.constant 0 : i32
    %swap3A_7 = arith.index_cast %swap3A : i32 to index
    %swap3A_8 = arith.index_cast %swap3A_6 : i32 to index
    %swap3A_9 = arith.constant 88 : index
    %swap3A_10 = tpu.vector_load %arg6[%swap3A_7, %swap3A_8, %swap3A_9] {strides = array<i32>} : memref<2x2x104xi32, #tpu.memory_space<vmem>>, vector<16xi32>,
    tpu.vector_store %arg6[%swap3A_7, %swap3A_8, %swap3A_9], %broadcast_in_dim3A_5 {strides = array<i32>} : memref<2x2x104xi32, #tpu.memory_space<vmem>>, vector<16xi32>,
    %swap3A_11 = arith.constant 0 : i32
    %swap3A_12 = arith.constant 1 : i32
    %swap3A_13 = arith.index_cast %swap3A_11 : i32 to index
    %swap3A_14 = arith.index_cast %swap3A_12 : i32 to index
    %swap3A_15 = arith.constant 88 : index
    %swap3A_16 = tpu.vector_load %arg6[%swap3A_13, %swap3A_14, %swap3A_15] {strides = array<i32>} : memref<2x2x104xi32, #tpu.memory_space<vmem>>, vector<16xi32>,
    tpu.vector_store %arg6[%swap3A_13, %swap3A_14, %swap3A_15], %broadcast_in_dim3A_5 {strides = array<i32>} : memref<2x2x104xi32, #tpu.memory_space<vmem>>, vector<16xi32>,
    %swap3A_17 = arith.constant 1 : i32
    %swap3A_18 = arith.constant 0 : i32
    %swap3A_19 = arith.index_cast %swap3A_17 : i32 to index
    %swap3A_20 = arith.index_cast %swap3A_18 : i32 to index
    %swap3A_21 = arith.constant 88 : index
    %swap3A_22 = tpu.vector_load %arg6[%swap3A_19, %swap3A_20, %swap3A_21] {strides = array<i32>} : memref<2x2x104xi32, #tpu.memory_space<vmem>>, vector<16xi32>,
    tpu.vector_store %arg6[%swap3A_19, %swap3A_20, %swap3A_21], %broadcast_in_dim3A_5 {strides = array<i32>} : memref<2x2x104xi32, #tpu.memory_space<vmem>>, vector<16xi32>,
    %swap3A_23 = arith.constant 1 : i32
    %swap3A_24 = arith.constant 1 : i32
    %swap3A_25 = arith.index_cast %swap3A_23 : i32 to index
    %swap3A_26 = arith.index_cast %swap3A_24 : i32 to index
    %swap3A_27 = arith.constant 88 : index
    %swap3A_28 = tpu.vector_load %arg6[%swap3A_25, %swap3A_26, %swap3A_27] {strides = array<i32>} : memref<2x2x104xi32, #tpu.memory_space<vmem>>, vector<16xi32>,
    tpu.vector_store %arg6[%swap3A_25, %swap3A_26, %swap3A_27], %broadcast_in_dim3A_5 {strides = array<i32>} : memref<2x2x104xi32, #tpu.memory_space<vmem>>, vector<16xi32>,
    %lt3A = arith.constant 1000 : i32
    %lt3A_29 = arith.cmpi slt, %mul3A_2, %lt3A : i32
    %convert_element_type3A = arith.extui %lt3A_29 : i1 to i32
    %cond3A = arith.constant 0 : i32
    %cond3A_30 = arith.cmpi ne, %convert_element_type3A, %cond3A : i32
    scf.if %cond3A_30 {
      %broadcast_in_dim3A_36 = arith.constant 0 : i32
      %broadcast_in_dim3A_37 = vector.broadcast %broadcast_in_dim3A_36 : i32 to vector<16xi32>
      %add3A_38 = arith.constant 1 : i32
      %add3A_39 = vector.broadcast %add3A_38 : i32 to vector<16xi32>
      %add3A_40 = arith.addi %broadcast_in_dim3A_37, %add3A_39 : vector<16xi32>
      %gather3A = tpu.vector_load_idx %arg5[%add3A_40] : memref<224xf32, #tpu.memory_space<vmem>>[vector<16xi32>], vector<16xf32>,
      %add3A_41 = arith.constant 2 : i32
      %add3A_42 = vector.broadcast %add3A_41 : i32 to vector<16xi32>
      %add3A_43 = arith.addi %broadcast_in_dim3A_37, %add3A_42 : vector<16xi32>
      %gather3A_44 = tpu.vector_load_idx %arg5[%add3A_43] : memref<224xf32, #tpu.memory_space<vmem>>[vector<16xi32>], vector<16xf32>,
      %add3A_45 = arith.constant 3 : i32
      %add3A_46 = vector.broadcast %add3A_45 : i32 to vector<16xi32>
      %add3A_47 = arith.addi %broadcast_in_dim3A_37, %add3A_46 : vector<16xi32>
      %gather3A_48 = tpu.vector_load_idx %arg5[%add3A_47] : memref<224xf32, #tpu.memory_space<vmem>>[vector<16xi32>], vector<16xf32>,
      %add3A_49 = arith.constant 4 : i32
      %add3A_50 = vector.broadcast %add3A_49 : i32 to vector<16xi32>
      %add3A_51 = arith.addi %broadcast_in_dim3A_37, %add3A_50 : vector<16xi32>
      %gather3A_52 = tpu.vector_load_idx %arg5[%add3A_51] : memref<224xf32, #tpu.memory_space<vmem>>[vector<16xi32>], vector<16xf32>,
      %sub3A = arith.subf %gather3A_48, %gather3A : vector<16xf32>
      %sub3A_53 = arith.subf %gather3A_52, %gather3A_44 : vector<16xf32>
      %mul3A_54 = arith.mulf %sub3A, %sub3A_53 : vector<16xf32>
      %broadcast_in_dim3A_55 = arith.constant 1 : i32
      %broadcast_in_dim3A_56 = vector.broadcast %broadcast_in_dim3A_55 : i32 to vector<16xi32>
      %broadcast_in_dim3A_57 = arith.constant 0 : i32
      %broadcast_in_dim3A_58 = vector.broadcast %broadcast_in_dim3A_57 : i32 to vector<16xi32>
      %gt3A = arith.constant 2.304000e+03 : f32
      %gt3A_59 = vector.broadcast %gt3A : f32 to vector<16xf32>
      %gt3A_60 = arith.cmpf ogt, %mul3A_54, %gt3A_59 : vector<16xf32>
      %select_n3A = arith.select %gt3A_60, %broadcast_in_dim3A_56, %broadcast_in_dim3A_58 : vector<16xi1>, vector<16xi32>
      %gt3A_61 = arith.constant 9.216000e+03 : f32
      %gt3A_62 = vector.broadcast %gt3A_61 : f32 to vector<16xf32>
      %gt3A_63 = arith.cmpf ogt, %mul3A_54, %gt3A_62 : vector<16xf32>
      %select_n3A_64 = arith.select %gt3A_63, %broadcast_in_dim3A_56, %broadcast_in_dim3A_58 : vector<16xi1>, vector<16xi32>
      %add3A_65 = arith.addi %select_n3A, %select_n3A_64 : vector<16xi32>
      %gt3A_66 = arith.constant 3.686400e+04 : f32
      %gt3A_67 = vector.broadcast %gt3A_66 : f32 to vector<16xf32>
      %gt3A_68 = arith.cmpf ogt, %mul3A_54, %gt3A_67 : vector<16xf32>
      %select_n3A_69 = arith.select %gt3A_68, %broadcast_in_dim3A_56, %broadcast_in_dim3A_58 : vector<16xi1>, vector<16xi32>
      %add3A_70 = arith.addi %add3A_65, %select_n3A_69 : vector<16xi32>
      %eq3A = arith.constant 0 : i32
      %eq3A_71 = vector.broadcast %eq3A : i32 to vector<16xi32>
      %eq3A_72 = arith.cmpi eq, %add3A_70, %eq3A_71 : vector<16xi32>
      %eq3A_73 = arith.constant 1 : i32
      %eq3A_74 = vector.broadcast %eq3A_73 : i32 to vector<16xi32>
      %eq3A_75 = arith.cmpi eq, %add3A_70, %eq3A_74 : vector<16xi32>
      %eq3A_76 = arith.constant 2 : i32
      %eq3A_77 = vector.broadcast %eq3A_76 : i32 to vector<16xi32>
      %eq3A_78 = arith.cmpi eq, %add3A_70, %eq3A_77 : vector<16xi32>
      %jit3A = arith.constant 6.250000e-02 : f32
      %jit3A_79 = arith.constant 3.125000e-02 : f32
      %broadcast_in_dim3A_80 = vector.broadcast %jit3A : f32 to vector<16xf32>
      %broadcast_in_dim3A_81 = vector.broadcast %jit3A_79 : f32 to vector<16xf32>
      %select_n3A_82 = arith.select %eq3A_78, %broadcast_in_dim3A_80, %broadcast_in_dim3A_81 : vector<16xi1>, vector<16xf32>
      %jit3A_83 = arith.constant 1.250000e-01 : f32
      %broadcast_in_dim3A_84 = vector.broadcast %jit3A_83 : f32 to vector<16xf32>
      %select_n3A_85 = arith.select %eq3A_75, %broadcast_in_dim3A_84, %select_n3A_82 : vector<16xi1>, vector<16xf32>
      %jit3A_86 = arith.constant 2.500000e-01 : f32
      %broadcast_in_dim3A_87 = vector.broadcast %jit3A_86 : f32 to vector<16xf32>
      %select_n3A_88 = arith.select %eq3A_72, %broadcast_in_dim3A_87, %select_n3A_85 : vector<16xi1>, vector<16xf32>
      %eq3A_89 = arith.constant 0 : i32
      %eq3A_90 = vector.broadcast %eq3A_89 : i32 to vector<16xi32>
      %eq3A_91 = arith.cmpi eq, %add3A_70, %eq3A_90 : vector<16xi32>
      %eq3A_92 = arith.constant 1 : i32
      %eq3A_93 = vector.broadcast %eq3A_92 : i32 to vector<16xi32>
      %eq3A_94 = arith.cmpi eq, %add3A_70, %eq3A_93 : vector<16xi32>
      %eq3A_95 = arith.constant 2 : i32
      %eq3A_96 = vector.broadcast %eq3A_95 : i32 to vector<16xi32>
      %eq3A_97 = arith.cmpi eq, %add3A_70, %eq3A_96 : vector<16xi32>
      %jit3A_98 = arith.constant 20480 : i32
      %jit3A_99 = arith.constant 21504 : i32
      %broadcast_in_dim3A_100 = vector.broadcast %jit3A_98 : i32 to vector<16xi32>
      %broadcast_in_dim3A_101 = vector.broadcast %jit3A_99 : i32 to vector<16xi32>
      %select_n3A_102 = arith.select %eq3A_97, %broadcast_in_dim3A_100, %broadcast_in_dim3A_101 : vector<16xi1>, vector<16xi32>
      %jit3A_103 = arith.constant 16384 : i32
      %broadcast_in_dim3A_104 = vector.broadcast %jit3A_103 : i32 to vector<16xi32>
      %select_n3A_105 = arith.select %eq3A_94, %broadcast_in_dim3A_104, %select_n3A_102 : vector<16xi1>, vector<16xi32>
      %jit3A_106 = arith.constant 0 : i32
      %broadcast_in_dim3A_107 = vector.broadcast %jit3A_106 : i32 to vector<16xi32>
      %select_n3A_108 = arith.select %eq3A_91, %broadcast_in_dim3A_107, %select_n3A_105 : vector<16xi1>, vector<16xi32>
      %eq3A_109 = arith.constant 0 : i32
      %eq3A_110 = vector.broadcast %eq3A_109 : i32 to vector<16xi32>
      %eq3A_111 = arith.cmpi eq, %add3A_70, %eq3A_110 : vector<16xi32>
      %eq3A_112 = arith.constant 1 : i32
      %eq3A_113 = vector.broadcast %eq3A_112 : i32 to vector<16xi32>
      %eq3A_114 = arith.cmpi eq, %add3A_70, %eq3A_113 : vector<16xi32>
      %eq3A_115 = arith.constant 2 : i32
      %eq3A_116 = vector.broadcast %eq3A_115 : i32 to vector<16xi32>
      %eq3A_117 = arith.cmpi eq, %add3A_70, %eq3A_116 : vector<16xi32>
      %jit3A_118 = arith.constant 32 : i32
      %jit3A_119 = arith.constant 16 : i32
      %broadcast_in_dim3A_120 = vector.broadcast %jit3A_118 : i32 to vector<16xi32>
      %broadcast_in_dim3A_121 = vector.broadcast %jit3A_119 : i32 to vector<16xi32>
      %select_n3A_122 = arith.select %eq3A_117, %broadcast_in_dim3A_120, %broadcast_in_dim3A_121 : vector<16xi1>, vector<16xi32>
      %jit3A_123 = arith.constant 64 : i32
      %broadcast_in_dim3A_124 = vector.broadcast %jit3A_123 : i32 to vector<16xi32>
      %select_n3A_125 = arith.select %eq3A_114, %broadcast_in_dim3A_124, %select_n3A_122 : vector<16xi1>, vector<16xi32>
      %jit3A_126 = arith.constant 128 : i32
      %broadcast_in_dim3A_127 = vector.broadcast %jit3A_126 : i32 to vector<16xi32>
      %select_n3A_128 = arith.select %eq3A_111, %broadcast_in_dim3A_127, %select_n3A_125 : vector<16xi1>, vector<16xi32>
      %mul3A_129 = arith.mulf %gather3A, %select_n3A_88 : vector<16xf32>
      %mul3A_130 = arith.mulf %gather3A_44, %select_n3A_88 : vector<16xf32>
      %mul3A_131 = arith.mulf %gather3A_48, %select_n3A_88 : vector<16xf32>
      %sub3A_132 = arith.subf %mul3A_131, %mul3A_129 : vector<16xf32>
      %div3A = arith.constant 7.000000e+00 : f32
      %div3A_133 = vector.broadcast %div3A : f32 to vector<16xf32>
      %div3A_134 = arith.divf %sub3A_132, %div3A_133 : vector<16xf32>
      %mul3A_135 = arith.mulf %gather3A_52, %select_n3A_88 : vector<16xf32>
      %sub3A_136 = arith.subf %mul3A_135, %mul3A_130 : vector<16xf32>
      %div3A_137 = arith.constant 7.000000e+00 : f32
      %div3A_138 = vector.broadcast %div3A_137 : f32 to vector<16xf32>
      %div3A_139 = arith.divf %sub3A_136, %div3A_138 : vector<16xf32>
      %sub3A_140 = arith.constant 1 : i32
      %sub3A_141 = vector.broadcast %sub3A_140 : i32 to vector<16xi32>
      %sub3A_142 = arith.subi %select_n3A_128, %sub3A_141 : vector<16xi32>
      %broadcast_in_dim3A_143 = arith.constant 0 : i32
      %broadcast_in_dim3A_144 = vector.broadcast %broadcast_in_dim3A_143 : i32 to vector<16xi32>
      %add3A_145 = arith.constant 0 : i32
      %add3A_146 = vector.broadcast %add3A_145 : i32 to vector<16xi32>
      %add3A_147 = arith.addi %iota3A, %add3A_146 : vector<16xi32>
      %mul3A_148 = arith.constant 9363 : i32
      %mul3A_149 = vector.broadcast %mul3A_148 : i32 to vector<16xi32>
      %mul3A_150 = arith.muli %add3A_147, %mul3A_149 : vector<16xi32>
      %shift_right_arithmetic3A = arith.constant 16 : i32
      %shift_right_arithmetic3A_151 = vector.broadcast %shift_right_arithmetic3A : i32 to vector<16xi32>
      %shift_right_arithmetic3A_152 = arith.shrsi %mul3A_150, %shift_right_arithmetic3A_151 : vector<16xi32>
      %mul3A_153 = arith.constant 7 : i32
      %mul3A_154 = vector.broadcast %mul3A_153 : i32 to vector<16xi32>
      %mul3A_155 = arith.muli %shift_right_arithmetic3A_152, %mul3A_154 : vector<16xi32>
      %sub3A_156 = arith.subi %add3A_147, %mul3A_155 : vector<16xi32>
      %convert_element_type3A_157 = arith.sitofp %shift_right_arithmetic3A_152 : vector<16xi32> to vector<16xf32>
      %add3A_158 = arith.constant 5.000000e-01 : f32
      %add3A_159 = vector.broadcast %add3A_158 : f32 to vector<16xf32>
      %add3A_160 = arith.addf %convert_element_type3A_157, %add3A_159 : vector<16xf32>
      %mul3A_161 = arith.mulf %add3A_160, %div3A_139 : vector<16xf32>
      %add3A_162 = arith.addf %mul3A_130, %mul3A_161 : vector<16xf32>
      %sub3A_163 = arith.constant 5.000000e-01 : f32
      %sub3A_164 = vector.broadcast %sub3A_163 : f32 to vector<16xf32>
      %sub3A_165 = arith.subf %add3A_162, %sub3A_164 : vector<16xf32>
      %convert_element_type3A_166 = arith.sitofp %sub3A_156 : vector<16xi32> to vector<16xf32>
      %add3A_167 = arith.constant 5.000000e-01 : f32
      %add3A_168 = vector.broadcast %add3A_167 : f32 to vector<16xf32>
      %add3A_169 = arith.addf %convert_element_type3A_166, %add3A_168 : vector<16xf32>
      %mul3A_170 = arith.mulf %add3A_169, %div3A_134 : vector<16xf32>
      %add3A_171 = arith.addf %mul3A_129, %mul3A_170 : vector<16xf32>
      %sub3A_172 = arith.constant 5.000000e-01 : f32
      %sub3A_173 = vector.broadcast %sub3A_172 : f32 to vector<16xf32>
      %sub3A_174 = arith.subf %add3A_171, %sub3A_173 : vector<16xf32>
      %convert_element_type3A_175 = arith.fptosi %sub3A_165 : vector<16xf32> to vector<16xi32>
      %convert_element_type3A_176 = arith.sitofp %convert_element_type3A_175 : vector<16xi32> to vector<16xf32>
      %gt3A_177 = arith.cmpf ogt, %convert_element_type3A_176, %sub3A_165 : vector<16xf32>
      %sub3A_178 = arith.constant 1 : i32
      %sub3A_179 = vector.broadcast %sub3A_178 : i32 to vector<16xi32>
      %sub3A_180 = arith.subi %convert_element_type3A_175, %sub3A_179 : vector<16xi32>
      %select_n3A_181 = arith.select %gt3A_177, %sub3A_180, %convert_element_type3A_175 : vector<16xi1>, vector<16xi32>
      %convert_element_type3A_182 = arith.fptosi %sub3A_174 : vector<16xf32> to vector<16xi32>
      %convert_element_type3A_183 = arith.sitofp %convert_element_type3A_182 : vector<16xi32> to vector<16xf32>
      %gt3A_184 = arith.cmpf ogt, %convert_element_type3A_183, %sub3A_174 : vector<16xf32>
      %sub3A_185 = arith.constant 1 : i32
      %sub3A_186 = vector.broadcast %sub3A_185 : i32 to vector<16xi32>
      %sub3A_187 = arith.subi %convert_element_type3A_182, %sub3A_186 : vector<16xi32>
      %select_n3A_188 = arith.select %gt3A_184, %sub3A_187, %convert_element_type3A_182 : vector<16xi1>, vector<16xi32>
      %convert_element_type3A_189 = arith.sitofp %select_n3A_181 : vector<16xi32> to vector<16xf32>
      %sub3A_190 = arith.subf %sub3A_165, %convert_element_type3A_189 : vector<16xf32>
      %convert_element_type3A_191 = arith.sitofp %select_n3A_188 : vector<16xi32> to vector<16xf32>
      %sub3A_192 = arith.subf %sub3A_174, %convert_element_type3A_191 : vector<16xf32>
      %sub3A_193 = arith.constant 1.000000e+00 : f32
      %sub3A_194 = vector.broadcast %sub3A_193 : f32 to vector<16xf32>
      %sub3A_195 = arith.subf %sub3A_194, %sub3A_190 : vector<16xf32>
      %sub3A_196 = arith.constant 1.000000e+00 : f32
      %sub3A_197 = vector.broadcast %sub3A_196 : f32 to vector<16xf32>
      %sub3A_198 = arith.subf %sub3A_197, %sub3A_192 : vector<16xf32>
      %jit3A_199 = arith.constant 0 : i32
      %max3A = vector.broadcast %jit3A_199 : i32 to vector<16xi32>
      %max3A_200 = arith.maxsi %max3A, %select_n3A_181 : vector<16xi32>
      %min3A = arith.minsi %sub3A_142, %max3A_200 : vector<16xi32>
      %add3A_201 = arith.constant 1 : i32
      %add3A_202 = vector.broadcast %add3A_201 : i32 to vector<16xi32>
      %add3A_203 = arith.addi %select_n3A_181, %add3A_202 : vector<16xi32>
      %jit3A_204 = arith.constant 0 : i32
      %max3A_205 = vector.broadcast %jit3A_204 : i32 to vector<16xi32>
      %max3A_206 = arith.maxsi %max3A_205, %add3A_203 : vector<16xi32>
      %min3A_207 = arith.minsi %sub3A_142, %max3A_206 : vector<16xi32>
      %jit3A_208 = arith.constant 0 : i32
      %max3A_209 = vector.broadcast %jit3A_208 : i32 to vector<16xi32>
      %max3A_210 = arith.maxsi %max3A_209, %select_n3A_188 : vector<16xi32>
      %min3A_211 = arith.minsi %sub3A_142, %max3A_210 : vector<16xi32>
      %add3A_212 = arith.constant 1 : i32
      %add3A_213 = vector.broadcast %add3A_212 : i32 to vector<16xi32>
      %add3A_214 = arith.addi %select_n3A_188, %add3A_213 : vector<16xi32>
      %jit3A_215 = arith.constant 0 : i32
      %max3A_216 = vector.broadcast %jit3A_215 : i32 to vector<16xi32>
      %max3A_217 = arith.maxsi %max3A_216, %add3A_214 : vector<16xi32>
      %min3A_218 = arith.minsi %sub3A_142, %max3A_217 : vector<16xi32>
      %mul3A_219 = arith.muli %min3A, %select_n3A_128 : vector<16xi32>
      %add3A_220 = arith.addi %select_n3A_108, %mul3A_219 : vector<16xi32>
      %mul3A_221 = arith.muli %min3A_207, %select_n3A_128 : vector<16xi32>
      %add3A_222 = arith.addi %select_n3A_108, %mul3A_221 : vector<16xi32>
      %add3A_223 = arith.addi %add3A_220, %min3A_211 : vector<16xi32>
      %add3A_224 = arith.addi %add3A_220, %min3A_218 : vector<16xi32>
      %add3A_225 = arith.addi %add3A_222, %min3A_211 : vector<16xi32>
      %add3A_226 = arith.addi %add3A_222, %min3A_218 : vector<16xi32>
      %mul3A_227 = arith.mulf %sub3A_195, %sub3A_198 : vector<16xf32>
      %mul3A_228 = arith.mulf %sub3A_195, %sub3A_192 : vector<16xf32>
      %mul3A_229 = arith.mulf %sub3A_190, %sub3A_198 : vector<16xf32>
      %mul3A_230 = arith.mulf %sub3A_190, %sub3A_192 : vector<16xf32>
      %lt3A_231 = arith.constant 49 : i32
      %lt3A_232 = vector.broadcast %lt3A_231 : i32 to vector<16xi32>
      %lt3A_233 = arith.cmpi slt, %add3A_147, %lt3A_232 : vector<16xi32>
      %mul3A_234 = arith.constant 4 : i32
      %mul3A_235 = vector.broadcast %mul3A_234 : i32 to vector<16xi32>
      %mul3A_236 = arith.muli %add3A_147, %mul3A_235 : vector<16xi32>
      %add3A_237 = arith.constant 0 : i32
      %add3A_238 = vector.broadcast %add3A_237 : i32 to vector<16xi32>
      %add3A_239 = arith.addi %mul3A_236, %add3A_238 : vector<16xi32>
      %mul3A_240 = arith.constant 669 : i32
      %mul3A_241 = vector.broadcast %mul3A_240 : i32 to vector<16xi32>
      %mul3A_242 = arith.muli %add3A_239, %mul3A_241 : vector<16xi32>
      %shift_right_arithmetic3A_243 = arith.constant 16 : i32
      %shift_right_arithmetic3A_244 = vector.broadcast %shift_right_arithmetic3A_243 : i32 to vector<16xi32>
      %shift_right_arithmetic3A_245 = arith.shrsi %mul3A_242, %shift_right_arithmetic3A_244 : vector<16xi32>
      %mul3A_246 = arith.constant 98 : i32
      %mul3A_247 = vector.broadcast %mul3A_246 : i32 to vector<16xi32>
      %mul3A_248 = arith.muli %shift_right_arithmetic3A_245, %mul3A_247 : vector<16xi32>
      %sub3A_249 = arith.subi %add3A_239, %mul3A_248 : vector<16xi32>
      tpu.vector_store_idx %arg6[%broadcast_in_dim3A_144, %shift_right_arithmetic3A_245, %sub3A_249], %add3A_223 masked %lt3A_233 : memref<2x2x104xi32, #tpu.memory_space<vmem>>[vector<16xi32>, vector<16xi32>, vector<16xi32>], vector<16xi32>, vector<16xi1>
      %broadcast_in_dim3A_250 = arith.constant 0 : i32
      %broadcast_in_dim3A_251 = vector.broadcast %broadcast_in_dim3A_250 : i32 to vector<16xi32>
      tpu.vector_store_idx %arg7[%broadcast_in_dim3A_144, %add3A_147, %broadcast_in_dim3A_251], %mul3A_227 masked %lt3A_233 : memref<2x49x16xf32, #tpu.memory_space<vmem>>[vector<16xi32>, vector<16xi32>, vector<16xi32>], vector<16xf32>, vector<16xi1>
      %add3A_252 = arith.constant 1 : i32
      %add3A_253 = vector.broadcast %add3A_252 : i32 to vector<16xi32>
      %add3A_254 = arith.addi %mul3A_236, %add3A_253 : vector<16xi32>
      %mul3A_255 = arith.constant 669 : i32
      %mul3A_256 = vector.broadcast %mul3A_255 : i32 to vector<16xi32>
      %mul3A_257 = arith.muli %add3A_254, %mul3A_256 : vector<16xi32>
      %shift_right_arithmetic3A_258 = arith.constant 16 : i32
      %shift_right_arithmetic3A_259 = vector.broadcast %shift_right_arithmetic3A_258 : i32 to vector<16xi32>
      %shift_right_arithmetic3A_260 = arith.shrsi %mul3A_257, %shift_right_arithmetic3A_259 : vector<16xi32>
      %mul3A_261 = arith.constant 98 : i32
      %mul3A_262 = vector.broadcast %mul3A_261 : i32 to vector<16xi32>
      %mul3A_263 = arith.muli %shift_right_arithmetic3A_260, %mul3A_262 : vector<16xi32>
      %sub3A_264 = arith.subi %add3A_254, %mul3A_263 : vector<16xi32>
      tpu.vector_store_idx %arg6[%broadcast_in_dim3A_144, %shift_right_arithmetic3A_260, %sub3A_264], %add3A_224 masked %lt3A_233 : memref<2x2x104xi32, #tpu.memory_space<vmem>>[vector<16xi32>, vector<16xi32>, vector<16xi32>], vector<16xi32>, vector<16xi1>
      %broadcast_in_dim3A_265 = arith.constant 1 : i32
      %broadcast_in_dim3A_266 = vector.broadcast %broadcast_in_dim3A_265 : i32 to vector<16xi32>
      tpu.vector_store_idx %arg7[%broadcast_in_dim3A_144, %add3A_147, %broadcast_in_dim3A_266], %mul3A_228 masked %lt3A_233 : memref<2x49x16xf32, #tpu.memory_space<vmem>>[vector<16xi32>, vector<16xi32>, vector<16xi32>], vector<16xf32>, vector<16xi1>
      %add3A_267 = arith.constant 2 : i32
      %add3A_268 = vector.broadcast %add3A_267 : i32 to vector<16xi32>
      %add3A_269 = arith.addi %mul3A_236, %add3A_268 : vector<16xi32>
      %mul3A_270 = arith.constant 669 : i32
      %mul3A_271 = vector.broadcast %mul3A_270 : i32 to vector<16xi32>
      %mul3A_272 = arith.muli %add3A_269, %mul3A_271 : vector<16xi32>
      %shift_right_arithmetic3A_273 = arith.constant 16 : i32
      %shift_right_arithmetic3A_274 = vector.broadcast %shift_right_arithmetic3A_273 : i32 to vector<16xi32>
      %shift_right_arithmetic3A_275 = arith.shrsi %mul3A_272, %shift_right_arithmetic3A_274 : vector<16xi32>
      %mul3A_276 = arith.constant 98 : i32
      %mul3A_277 = vector.broadcast %mul3A_276 : i32 to vector<16xi32>
      %mul3A_278 = arith.muli %shift_right_arithmetic3A_275, %mul3A_277 : vector<16xi32>
      %sub3A_279 = arith.subi %add3A_269, %mul3A_278 : vector<16xi32>
      tpu.vector_store_idx %arg6[%broadcast_in_dim3A_144, %shift_right_arithmetic3A_275, %sub3A_279], %add3A_225 masked %lt3A_233 : memref<2x2x104xi32, #tpu.memory_space<vmem>>[vector<16xi32>, vector<16xi32>, vector<16xi32>], vector<16xi32>, vector<16xi1>
      %broadcast_in_dim3A_280 = arith.constant 2 : i32
      %broadcast_in_dim3A_281 = vector.broadcast %broadcast_in_dim3A_280 : i32 to vector<16xi32>
      tpu.vector_store_idx %arg7[%broadcast_in_dim3A_144, %add3A_147, %broadcast_in_dim3A_281], %mul3A_229 masked %lt3A_233 : memref<2x49x16xf32, #tpu.memory_space<vmem>>[vector<16xi32>, vector<16xi32>, vector<16xi32>], vector<16xf32>, vector<16xi1>
      %add3A_282 = arith.constant 3 : i32
      %add3A_283 = vector.broadcast %add3A_282 : i32 to vector<16xi32>
      %add3A_284 = arith.addi %mul3A_236, %add3A_283 : vector<16xi32>
      %mul3A_285 = arith.constant 669 : i32
      %mul3A_286 = vector.broadcast %mul3A_285 : i32 to vector<16xi32>
      %mul3A_287 = arith.muli %add3A_284, %mul3A_286 : vector<16xi32>
      %shift_right_arithmetic3A_288 = arith.constant 16 : i32
      %shift_right_arithmetic3A_289 = vector.broadcast %shift_right_arithmetic3A_288 : i32 to vector<16xi32>
      %shift_right_arithmetic3A_290 = arith.shrsi %mul3A_287, %shift_right_arithmetic3A_289 : vector<16xi32>
      %mul3A_291 = arith.constant 98 : i32
      %mul3A_292 = vector.broadcast %mul3A_291 : i32 to vector<16xi32>
      %mul3A_293 = arith.muli %shift_right_arithmetic3A_290, %mul3A_292 : vector<16xi32>
      %sub3A_294 = arith.subi %add3A_284, %mul3A_293 : vector<16xi32>
      tpu.vector_store_idx %arg6[%broadcast_in_dim3A_144, %shift_right_arithmetic3A_290, %sub3A_294], %add3A_226 masked %lt3A_233 : memref<2x2x104xi32, #tpu.memory_space<vmem>>[vector<16xi32>, vector<16xi32>, vector<16xi32>], vector<16xi32>, vector<16xi1>
      %broadcast_in_dim3A_295 = arith.constant 3 : i32
      %broadcast_in_dim3A_296 = vector.broadcast %broadcast_in_dim3A_295 : i32 to vector<16xi32>
      tpu.vector_store_idx %arg7[%broadcast_in_dim3A_144, %add3A_147, %broadcast_in_dim3A_296], %mul3A_230 masked %lt3A_233 : memref<2x49x16xf32, #tpu.memory_space<vmem>>[vector<16xi32>, vector<16xi32>, vector<16xi32>], vector<16xf32>, vector<16xi1>
      %add3A_297 = arith.constant 16 : i32
      %add3A_298 = vector.broadcast %add3A_297 : i32 to vector<16xi32>
      %add3A_299 = arith.addi %iota3A, %add3A_298 : vector<16xi32>
      %mul3A_300 = arith.constant 9363 : i32
      %mul3A_301 = vector.broadcast %mul3A_300 : i32 to vector<16xi32>
      %mul3A_302 = arith.muli %add3A_299, %mul3A_301 : vector<16xi32>
      %shift_right_arithmetic3A_303 = arith.constant 16 : i32
      %shift_right_arithmetic3A_304 = vector.broadcast %shift_right_arithmetic3A_303 : i32 to vector<16xi32>
      %shift_right_arithmetic3A_305 = arith.shrsi %mul3A_302, %shift_right_arithmetic3A_304 : vector<16xi32>
      %mul3A_306 = arith.constant 7 : i32
      %mul3A_307 = vector.broadcast %mul3A_306 : i32 to vector<16xi32>
      %mul3A_308 = arith.muli %shift_right_arithmetic3A_305, %mul3A_307 : vector<16xi32>
      %sub3A_309 = arith.subi %add3A_299, %mul3A_308 : vector<16xi32>
      %convert_element_type3A_310 = arith.sitofp %shift_right_arithmetic3A_305 : vector<16xi32> to vector<16xf32>
      %add3A_311 = arith.constant 5.000000e-01 : f32
      %add3A_312 = vector.broadcast %add3A_311 : f32 to vector<16xf32>
      %add3A_313 = arith.addf %convert_element_type3A_310, %add3A_312 : vector<16xf32>
      %mul3A_314 = arith.mulf %add3A_313, %div3A_139 : vector<16xf32>
      %add3A_315 = arith.addf %mul3A_130, %mul3A_314 : vector<16xf32>
      %sub3A_316 = arith.constant 5.000000e-01 : f32
      %sub3A_317 = vector.broadcast %sub3A_316 : f32 to vector<16xf32>
      %sub3A_318 = arith.subf %add3A_315, %sub3A_317 : vector<16xf32>
      %convert_element_type3A_319 = arith.sitofp %sub3A_309 : vector<16xi32> to vector<16xf32>
      %add3A_320 = arith.constant 5.000000e-01 : f32
      %add3A_321 = vector.broadcast %add3A_320 : f32 to vector<16xf32>
      %add3A_322 = arith.addf %convert_element_type3A_319, %add3A_321 : vector<16xf32>
      %mul3A_323 = arith.mulf %add3A_322, %div3A_134 : vector<16xf32>
      %add3A_324 = arith.addf %mul3A_129, %mul3A_323 : vector<16xf32>
      %sub3A_325 = arith.constant 5.000000e-01 : f32
      %sub3A_326 = vector.broadcast %sub3A_325 : f32 to vector<16xf32>
      %sub3A_327 = arith.subf %add3A_324, %sub3A_326 : vector<16xf32>
      %convert_element_type3A_328 = arith.fptosi %sub3A_318 : vector<16xf32> to vector<16xi32>
      %convert_element_type3A_329 = arith.sitofp %convert_element_type3A_328 : vector<16xi32> to vector<16xf32>
      %gt3A_330 = arith.cmpf ogt, %convert_element_type3A_329, %sub3A_318 : vector<16xf32>
      %sub3A_331 = arith.constant 1 : i32
      %sub3A_332 = vector.broadcast %sub3A_331 : i32 to vector<16xi32>
      %sub3A_333 = arith.subi %convert_element_type3A_328, %sub3A_332 : vector<16xi32>
      %select_n3A_334 = arith.select %gt3A_330, %sub3A_333, %convert_element_type3A_328 : vector<16xi1>, vector<16xi32>
      %convert_element_type3A_335 = arith.fptosi %sub3A_327 : vector<16xf32> to vector<16xi32>
      %convert_element_type3A_336 = arith.sitofp %convert_element_type3A_335 : vector<16xi32> to vector<16xf32>
      %gt3A_337 = arith.cmpf ogt, %convert_element_type3A_336, %sub3A_327 : vector<16xf32>
      %sub3A_338 = arith.constant 1 : i32
      %sub3A_339 = vector.broadcast %sub3A_338 : i32 to vector<16xi32>
      %sub3A_340 = arith.subi %convert_element_type3A_335, %sub3A_339 : vector<16xi32>
      %select_n3A_341 = arith.select %gt3A_337, %sub3A_340, %convert_element_type3A_335 : vector<16xi1>, vector<16xi32>
      %convert_element_type3A_342 = arith.sitofp %select_n3A_334 : vector<16xi32> to vector<16xf32>
      %sub3A_343 = arith.subf %sub3A_318, %convert_element_type3A_342 : vector<16xf32>
      %convert_element_type3A_344 = arith.sitofp %select_n3A_341 : vector<16xi32> to vector<16xf32>
      %sub3A_345 = arith.subf %sub3A_327, %convert_element_type3A_344 : vector<16xf32>
      %sub3A_346 = arith.constant 1.000000e+00 : f32
      %sub3A_347 = vector.broadcast %sub3A_346 : f32 to vector<16xf32>
      %sub3A_348 = arith.subf %sub3A_347, %sub3A_343 : vector<16xf32>
      %sub3A_349 = arith.constant 1.000000e+00 : f32
      %sub3A_350 = vector.broadcast %sub3A_349 : f32 to vector<16xf32>
      %sub3A_351 = arith.subf %sub3A_350, %sub3A_345 : vector<16xf32>
      %jit3A_352 = arith.constant 0 : i32
      %max3A_353 = vector.broadcast %jit3A_352 : i32 to vector<16xi32>
      %max3A_354 = arith.maxsi %max3A_353, %select_n3A_334 : vector<16xi32>
      %min3A_355 = arith.minsi %sub3A_142, %max3A_354 : vector<16xi32>
      %add3A_356 = arith.constant 1 : i32
      %add3A_357 = vector.broadcast %add3A_356 : i32 to vector<16xi32>
      %add3A_358 = arith.addi %select_n3A_334, %add3A_357 : vector<16xi32>
      %jit3A_359 = arith.constant 0 : i32
      %max3A_360 = vector.broadcast %jit3A_359 : i32 to vector<16xi32>
      %max3A_361 = arith.maxsi %max3A_360, %add3A_358 : vector<16xi32>
      %min3A_362 = arith.minsi %sub3A_142, %max3A_361 : vector<16xi32>
      %jit3A_363 = arith.constant 0 : i32
      %max3A_364 = vector.broadcast %jit3A_363 : i32 to vector<16xi32>
      %max3A_365 = arith.maxsi %max3A_364, %select_n3A_341 : vector<16xi32>
      %min3A_366 = arith.minsi %sub3A_142, %max3A_365 : vector<16xi32>
      %add3A_367 = arith.constant 1 : i32
      %add3A_368 = vector.broadcast %add3A_367 : i32 to vector<16xi32>
      %add3A_369 = arith.addi %select_n3A_341, %add3A_368 : vector<16xi32>
      %jit3A_370 = arith.constant 0 : i32
      %max3A_371 = vector.broadcast %jit3A_370 : i32 to vector<16xi32>
      %max3A_372 = arith.maxsi %max3A_371, %add3A_369 : vector<16xi32>
      %min3A_373 = arith.minsi %sub3A_142, %max3A_372 : vector<16xi32>
      %mul3A_374 = arith.muli %min3A_355, %select_n3A_128 : vector<16xi32>
      %add3A_375 = arith.addi %select_n3A_108, %mul3A_374 : vector<16xi32>
      %mul3A_376 = arith.muli %min3A_362, %select_n3A_128 : vector<16xi32>
      %add3A_377 = arith.addi %select_n3A_108, %mul3A_376 : vector<16xi32>
      %add3A_378 = arith.addi %add3A_375, %min3A_366 : vector<16xi32>
      %add3A_379 = arith.addi %add3A_375, %min3A_373 : vector<16xi32>
      %add3A_380 = arith.addi %add3A_377, %min3A_366 : vector<16xi32>
      %add3A_381 = arith.addi %add3A_377, %min3A_373 : vector<16xi32>
      %mul3A_382 = arith.mulf %sub3A_348, %sub3A_351 : vector<16xf32>
      %mul3A_383 = arith.mulf %sub3A_348, %sub3A_345 : vector<16xf32>
      %mul3A_384 = arith.mulf %sub3A_343, %sub3A_351 : vector<16xf32>
      %mul3A_385 = arith.mulf %sub3A_343, %sub3A_345 : vector<16xf32>
      %lt3A_386 = arith.constant 49 : i32
      %lt3A_387 = vector.broadcast %lt3A_386 : i32 to vector<16xi32>
      %lt3A_388 = arith.cmpi slt, %add3A_299, %lt3A_387 : vector<16xi32>
      %mul3A_389 = arith.constant 4 : i32
      %mul3A_390 = vector.broadcast %mul3A_389 : i32 to vector<16xi32>
      %mul3A_391 = arith.muli %add3A_299, %mul3A_390 : vector<16xi32>
      %add3A_392 = arith.constant 0 : i32
      %add3A_393 = vector.broadcast %add3A_392 : i32 to vector<16xi32>
      %add3A_394 = arith.addi %mul3A_391, %add3A_393 : vector<16xi32>
      %mul3A_395 = arith.constant 669 : i32
      %mul3A_396 = vector.broadcast %mul3A_395 : i32 to vector<16xi32>
      %mul3A_397 = arith.muli %add3A_394, %mul3A_396 : vector<16xi32>
      %shift_right_arithmetic3A_398 = arith.constant 16 : i32
      %shift_right_arithmetic3A_399 = vector.broadcast %shift_right_arithmetic3A_398 : i32 to vector<16xi32>
      %shift_right_arithmetic3A_400 = arith.shrsi %mul3A_397, %shift_right_arithmetic3A_399 : vector<16xi32>
      %mul3A_401 = arith.constant 98 : i32
      %mul3A_402 = vector.broadcast %mul3A_401 : i32 to vector<16xi32>
      %mul3A_403 = arith.muli %shift_right_arithmetic3A_400, %mul3A_402 : vector<16xi32>
      %sub3A_404 = arith.subi %add3A_394, %mul3A_403 : vector<16xi32>
      tpu.vector_store_idx %arg6[%broadcast_in_dim3A_144, %shift_right_arithmetic3A_400, %sub3A_404], %add3A_378 masked %lt3A_388 : memref<2x2x104xi32, #tpu.memory_space<vmem>>[vector<16xi32>, vector<16xi32>, vector<16xi32>], vector<16xi32>, vector<16xi1>
      %broadcast_in_dim3A_405 = arith.constant 0 : i32
      %broadcast_in_dim3A_406 = vector.broadcast %broadcast_in_dim3A_405 : i32 to vector<16xi32>
      tpu.vector_store_idx %arg7[%broadcast_in_dim3A_144, %add3A_299, %broadcast_in_dim3A_406], %mul3A_382 masked %lt3A_388 : memref<2x49x16xf32, #tpu.memory_space<vmem>>[vector<16xi32>, vector<16xi32>, vector<16xi32>], vector<16xf32>, vector<16xi1>
      %add3A_407 = arith.constant 1 : i32
      %add3A_408 = vector.broadcast %add3A_407 : i32 to vector<16xi32>
      %add3A_409 = arith.addi %mul3A_391, %add3A_408 : vector<16xi32>
      %mul3A_410 = arith.constant 669 : i32
      %mul3A_411 = vector.broadcast %mul3A_410 : i32 to vector<16xi32>
      %mul3A_412 = arith.muli %add3A_409, %mul3A_411 : vector<16xi32>
      %shift_right_arithmetic3A_413 = arith.constant 16 : i32
      %shift_right_arithmetic3A_414 = vector.broadcast %shift_right_arithmetic3A_413 : i32 to vector<16xi32>
      %shift_right_arithmetic3A_415 = arith.shrsi %mul3A_412, %shift_right_arithmetic3A_414 : vector<16xi32>
      %mul3A_416 = arith.constant 98 : i32
      %mul3A_417 = vector.broadcast %mul3A_416 : i32 to vector<16xi32>
      %mul3A_418 = arith.muli %shift_right_arithmetic3A_415, %mul3A_417 : vector<16xi32>
      %sub3A_419 = arith.subi %add3A_409, %mul3A_418 : vector<16xi32>
      tpu.vector_store_idx %arg6[%broadcast_in_dim3A_144, %shift_right_arithmetic3A_415, %sub3A_419], %add3A_379 masked %lt3A_388 : memref<2x2x104xi32, #tpu.memory_space<vmem>>[vector<16xi32>, vector<16xi32>, vector<16xi32>], vector<16xi32>, vector<16xi1>
      %broadcast_in_dim3A_420 = arith.constant 1 : i32
      %broadcast_in_dim3A_421 = vector.broadcast %broadcast_in_dim3A_420 : i32 to vector<16xi32>
      tpu.vector_store_idx %arg7[%broadcast_in_dim3A_144, %add3A_299, %broadcast_in_dim3A_421], %mul3A_383 masked %lt3A_388 : memref<2x49x16xf32, #tpu.memory_space<vmem>>[vector<16xi32>, vector<16xi32>, vector<16xi32>], vector<16xf32>, vector<16xi1>
      %add3A_422 = arith.constant 2 : i32
      %add3A_423 = vector.broadcast %add3A_422 : i32 to vector<16xi32>
      %add3A_424 = arith.addi %mul3A_391, %add3A_423 : vector<16xi32>
      %mul3A_425 = arith.constant 669 : i32
      %mul3A_426 = vector.broadcast %mul3A_425 : i32 to vector<16xi32>
      %mul3A_427 = arith.muli %add3A_424, %mul3A_426 : vector<16xi32>
      %shift_right_arithmetic3A_428 = arith.constant 16 : i32
      %shift_right_arithmetic3A_429 = vector.broadcast %shift_right_arithmetic3A_428 : i32 to vector<16xi32>
      %shift_right_arithmetic3A_430 = arith.shrsi %mul3A_427, %shift_right_arithmetic3A_429 : vector<16xi32>
      %mul3A_431 = arith.constant 98 : i32
      %mul3A_432 = vector.broadcast %mul3A_431 : i32 to vector<16xi32>
      %mul3A_433 = arith.muli %shift_right_arithmetic3A_430, %mul3A_432 : vector<16xi32>
      %sub3A_434 = arith.subi %add3A_424, %mul3A_433 : vector<16xi32>
      tpu.vector_store_idx %arg6[%broadcast_in_dim3A_144, %shift_right_arithmetic3A_430, %sub3A_434], %add3A_380 masked %lt3A_388 : memref<2x2x104xi32, #tpu.memory_space<vmem>>[vector<16xi32>, vector<16xi32>, vector<16xi32>], vector<16xi32>, vector<16xi1>
      %broadcast_in_dim3A_435 = arith.constant 2 : i32
      %broadcast_in_dim3A_436 = vector.broadcast %broadcast_in_dim3A_435 : i32 to vector<16xi32>
      tpu.vector_store_idx %arg7[%broadcast_in_dim3A_144, %add3A_299, %broadcast_in_dim3A_436], %mul3A_384 masked %lt3A_388 : memref<2x49x16xf32, #tpu.memory_space<vmem>>[vector<16xi32>, vector<16xi32>, vector<16xi32>], vector<16xf32>, vector<16xi1>
      %add3A_437 = arith.constant 3 : i32
      %add3A_438 = vector.broadcast %add3A_437 : i32 to vector<16xi32>
      %add3A_439 = arith.addi %mul3A_391, %add3A_438 : vector<16xi32>
      %mul3A_440 = arith.constant 669 : i32
      %mul3A_441 = vector.broadcast %mul3A_440 : i32 to vector<16xi32>
      %mul3A_442 = arith.muli %add3A_439, %mul3A_441 : vector<16xi32>
      %shift_right_arithmetic3A_443 = arith.constant 16 : i32
      %shift_right_arithmetic3A_444 = vector.broadcast %shift_right_arithmetic3A_443 : i32 to vector<16xi32>
      %shift_right_arithmetic3A_445 = arith.shrsi %mul3A_442, %shift_right_arithmetic3A_444 : vector<16xi32>
      %mul3A_446 = arith.constant 98 : i32
      %mul3A_447 = vector.broadcast %mul3A_446 : i32 to vector<16xi32>
      %mul3A_448 = arith.muli %shift_right_arithmetic3A_445, %mul3A_447 : vector<16xi32>
      %sub3A_449 = arith.subi %add3A_439, %mul3A_448 : vector<16xi32>
      tpu.vector_store_idx %arg6[%broadcast_in_dim3A_144, %shift_right_arithmetic3A_445, %sub3A_449], %add3A_381 masked %lt3A_388 : memref<2x2x104xi32, #tpu.memory_space<vmem>>[vector<16xi32>, vector<16xi32>, vector<16xi32>], vector<16xi32>, vector<16xi1>
      %broadcast_in_dim3A_450 = arith.constant 3 : i32
      %broadcast_in_dim3A_451 = vector.broadcast %broadcast_in_dim3A_450 : i32 to vector<16xi32>
      tpu.vector_store_idx %arg7[%broadcast_in_dim3A_144, %add3A_299, %broadcast_in_dim3A_451], %mul3A_385 masked %lt3A_388 : memref<2x49x16xf32, #tpu.memory_space<vmem>>[vector<16xi32>, vector<16xi32>, vector<16xi32>], vector<16xf32>, vector<16xi1>
      %add3A_452 = arith.constant 32 : i32
      %add3A_453 = vector.broadcast %add3A_452 : i32 to vector<16xi32>
      %add3A_454 = arith.addi %iota3A, %add3A_453 : vector<16xi32>
      %mul3A_455 = arith.constant 9363 : i32
      %mul3A_456 = vector.broadcast %mul3A_455 : i32 to vector<16xi32>
      %mul3A_457 = arith.muli %add3A_454, %mul3A_456 : vector<16xi32>
      %shift_right_arithmetic3A_458 = arith.constant 16 : i32
      %shift_right_arithmetic3A_459 = vector.broadcast %shift_right_arithmetic3A_458 : i32 to vector<16xi32>
      %shift_right_arithmetic3A_460 = arith.shrsi %mul3A_457, %shift_right_arithmetic3A_459 : vector<16xi32>
      %mul3A_461 = arith.constant 7 : i32
      %mul3A_462 = vector.broadcast %mul3A_461 : i32 to vector<16xi32>
      %mul3A_463 = arith.muli %shift_right_arithmetic3A_460, %mul3A_462 : vector<16xi32>
      %sub3A_464 = arith.subi %add3A_454, %mul3A_463 : vector<16xi32>
      %convert_element_type3A_465 = arith.sitofp %shift_right_arithmetic3A_460 : vector<16xi32> to vector<16xf32>
      %add3A_466 = arith.constant 5.000000e-01 : f32
      %add3A_467 = vector.broadcast %add3A_466 : f32 to vector<16xf32>
      %add3A_468 = arith.addf %convert_element_type3A_465, %add3A_467 : vector<16xf32>
      %mul3A_469 = arith.mulf %add3A_468, %div3A_139 : vector<16xf32>
      %add3A_470 = arith.addf %mul3A_130, %mul3A_469 : vector<16xf32>
      %sub3A_471 = arith.constant 5.000000e-01 : f32
      %sub3A_472 = vector.broadcast %sub3A_471 : f32 to vector<16xf32>
      %sub3A_473 = arith.subf %add3A_470, %sub3A_472 : vector<16xf32>
      %convert_element_type3A_474 = arith.sitofp %sub3A_464 : vector<16xi32> to vector<16xf32>
      %add3A_475 = arith.constant 5.000000e-01 : f32
      %add3A_476 = vector.broadcast %add3A_475 : f32 to vector<16xf32>
      %add3A_477 = arith.addf %convert_element_type3A_474, %add3A_476 : vector<16xf32>
      %mul3A_478 = arith.mulf %add3A_477, %div3A_134 : vector<16xf32>
      %add3A_479 = arith.addf %mul3A_129, %mul3A_478 : vector<16xf32>
      %sub3A_480 = arith.constant 5.000000e-01 : f32
      %sub3A_481 = vector.broadcast %sub3A_480 : f32 to vector<16xf32>
      %sub3A_482 = arith.subf %add3A_479, %sub3A_481 : vector<16xf32>
      %convert_element_type3A_483 = arith.fptosi %sub3A_473 : vector<16xf32> to vector<16xi32>
      %convert_element_type3A_484 = arith.sitofp %convert_element_type3A_483 : vector<16xi32> to vector<16xf32>
      %gt3A_485 = arith.cmpf ogt, %convert_element_type3A_484, %sub3A_473 : vector<16xf32>
      %sub3A_486 = arith.constant 1 : i32
      %sub3A_487 = vector.broadcast %sub3A_486 : i32 to vector<16xi32>
      %sub3A_488 = arith.subi %convert_element_type3A_483, %sub3A_487 : vector<16xi32>
      %select_n3A_489 = arith.select %gt3A_485, %sub3A_488, %convert_element_type3A_483 : vector<16xi1>, vector<16xi32>
      %convert_element_type3A_490 = arith.fptosi %sub3A_482 : vector<16xf32> to vector<16xi32>
      %convert_element_type3A_491 = arith.sitofp %convert_element_type3A_490 : vector<16xi32> to vector<16xf32>
      %gt3A_492 = arith.cmpf ogt, %convert_element_type3A_491, %sub3A_482 : vector<16xf32>
      %sub3A_493 = arith.constant 1 : i32
      %sub3A_494 = vector.broadcast %sub3A_493 : i32 to vector<16xi32>
      %sub3A_495 = arith.subi %convert_element_type3A_490, %sub3A_494 : vector<16xi32>
      %select_n3A_496 = arith.select %gt3A_492, %sub3A_495, %convert_element_type3A_490 : vector<16xi1>, vector<16xi32>
      %convert_element_type3A_497 = arith.sitofp %select_n3A_489 : vector<16xi32> to vector<16xf32>
      %sub3A_498 = arith.subf %sub3A_473, %convert_element_type3A_497 : vector<16xf32>
      %convert_element_type3A_499 = arith.sitofp %select_n3A_496 : vector<16xi32> to vector<16xf32>
      %sub3A_500 = arith.subf %sub3A_482, %convert_element_type3A_499 : vector<16xf32>
      %sub3A_501 = arith.constant 1.000000e+00 : f32
      %sub3A_502 = vector.broadcast %sub3A_501 : f32 to vector<16xf32>
      %sub3A_503 = arith.subf %sub3A_502, %sub3A_498 : vector<16xf32>
      %sub3A_504 = arith.constant 1.000000e+00 : f32
      %sub3A_505 = vector.broadcast %sub3A_504 : f32 to vector<16xf32>
      %sub3A_506 = arith.subf %sub3A_505, %sub3A_500 : vector<16xf32>
      %jit3A_507 = arith.constant 0 : i32
      %max3A_508 = vector.broadcast %jit3A_507 : i32 to vector<16xi32>
      %max3A_509 = arith.maxsi %max3A_508, %select_n3A_489 : vector<16xi32>
      %min3A_510 = arith.minsi %sub3A_142, %max3A_509 : vector<16xi32>
      %add3A_511 = arith.constant 1 : i32
      %add3A_512 = vector.broadcast %add3A_511 : i32 to vector<16xi32>
      %add3A_513 = arith.addi %select_n3A_489, %add3A_512 : vector<16xi32>
      %jit3A_514 = arith.constant 0 : i32
      %max3A_515 = vector.broadcast %jit3A_514 : i32 to vector<16xi32>
      %max3A_516 = arith.maxsi %max3A_515, %add3A_513 : vector<16xi32>
      %min3A_517 = arith.minsi %sub3A_142, %max3A_516 : vector<16xi32>
      %jit3A_518 = arith.constant 0 : i32
      %max3A_519 = vector.broadcast %jit3A_518 : i32 to vector<16xi32>
      %max3A_520 = arith.maxsi %max3A_519, %select_n3A_496 : vector<16xi32>
      %min3A_521 = arith.minsi %sub3A_142, %max3A_520 : vector<16xi32>
      %add3A_522 = arith.constant 1 : i32
      %add3A_523 = vector.broadcast %add3A_522 : i32 to vector<16xi32>
      %add3A_524 = arith.addi %select_n3A_496, %add3A_523 : vector<16xi32>
      %jit3A_525 = arith.constant 0 : i32
      %max3A_526 = vector.broadcast %jit3A_525 : i32 to vector<16xi32>
      %max3A_527 = arith.maxsi %max3A_526, %add3A_524 : vector<16xi32>
      %min3A_528 = arith.minsi %sub3A_142, %max3A_527 : vector<16xi32>
      %mul3A_529 = arith.muli %min3A_510, %select_n3A_128 : vector<16xi32>
      %add3A_530 = arith.addi %select_n3A_108, %mul3A_529 : vector<16xi32>
      %mul3A_531 = arith.muli %min3A_517, %select_n3A_128 : vector<16xi32>
      %add3A_532 = arith.addi %select_n3A_108, %mul3A_531 : vector<16xi32>
      %add3A_533 = arith.addi %add3A_530, %min3A_521 : vector<16xi32>
      %add3A_534 = arith.addi %add3A_530, %min3A_528 : vector<16xi32>
      %add3A_535 = arith.addi %add3A_532, %min3A_521 : vector<16xi32>
      %add3A_536 = arith.addi %add3A_532, %min3A_528 : vector<16xi32>
      %mul3A_537 = arith.mulf %sub3A_503, %sub3A_506 : vector<16xf32>
      %mul3A_538 = arith.mulf %sub3A_503, %sub3A_500 : vector<16xf32>
      %mul3A_539 = arith.mulf %sub3A_498, %sub3A_506 : vector<16xf32>
      %mul3A_540 = arith.mulf %sub3A_498, %sub3A_500 : vector<16xf32>
      %lt3A_541 = arith.constant 49 : i32
      %lt3A_542 = vector.broadcast %lt3A_541 : i32 to vector<16xi32>
      %lt3A_543 = arith.cmpi slt, %add3A_454, %lt3A_542 : vector<16xi32>
      %mul3A_544 = arith.constant 4 : i32
      %mul3A_545 = vector.broadcast %mul3A_544 : i32 to vector<16xi32>
      %mul3A_546 = arith.muli %add3A_454, %mul3A_545 : vector<16xi32>
      %add3A_547 = arith.constant 0 : i32
      %add3A_548 = vector.broadcast %add3A_547 : i32 to vector<16xi32>
      %add3A_549 = arith.addi %mul3A_546, %add3A_548 : vector<16xi32>
      %mul3A_550 = arith.constant 669 : i32
      %mul3A_551 = vector.broadcast %mul3A_550 : i32 to vector<16xi32>
      %mul3A_552 = arith.muli %add3A_549, %mul3A_551 : vector<16xi32>
      %shift_right_arithmetic3A_553 = arith.constant 16 : i32
      %shift_right_arithmetic3A_554 = vector.broadcast %shift_right_arithmetic3A_553 : i32 to vector<16xi32>
      %shift_right_arithmetic3A_555 = arith.shrsi %mul3A_552, %shift_right_arithmetic3A_554 : vector<16xi32>
      %mul3A_556 = arith.constant 98 : i32
      %mul3A_557 = vector.broadcast %mul3A_556 : i32 to vector<16xi32>
      %mul3A_558 = arith.muli %shift_right_arithmetic3A_555, %mul3A_557 : vector<16xi32>
      %sub3A_559 = arith.subi %add3A_549, %mul3A_558 : vector<16xi32>
      tpu.vector_store_idx %arg6[%broadcast_in_dim3A_144, %shift_right_arithmetic3A_555, %sub3A_559], %add3A_533 masked %lt3A_543 : memref<2x2x104xi32, #tpu.memory_space<vmem>>[vector<16xi32>, vector<16xi32>, vector<16xi32>], vector<16xi32>, vector<16xi1>
      %broadcast_in_dim3A_560 = arith.constant 0 : i32
      %broadcast_in_dim3A_561 = vector.broadcast %broadcast_in_dim3A_560 : i32 to vector<16xi32>
      tpu.vector_store_idx %arg7[%broadcast_in_dim3A_144, %add3A_454, %broadcast_in_dim3A_561], %mul3A_537 masked %lt3A_543 : memref<2x49x16xf32, #tpu.memory_space<vmem>>[vector<16xi32>, vector<16xi32>, vector<16xi32>], vector<16xf32>, vector<16xi1>
      %add3A_562 = arith.constant 1 : i32
      %add3A_563 = vector.broadcast %add3A_562 : i32 to vector<16xi32>
      %add3A_564 = arith.addi %mul3A_546, %add3A_563 : vector<16xi32>
      %mul3A_565 = arith.constant 669 : i32
      %mul3A_566 = vector.broadcast %mul3A_565 : i32 to vector<16xi32>
      %mul3A_567 = arith.muli %add3A_564, %mul3A_566 : vector<16xi32>
      %shift_right_arithmetic3A_568 = arith.constant 16 : i32
      %shift_right_arithmetic3A_569 = vector.broadcast %shift_right_arithmetic3A_568 : i32 to vector<16xi32>
      %shift_right_arithmetic3A_570 = arith.shrsi %mul3A_567, %shift_right_arithmetic3A_569 : vector<16xi32>
      %mul3A_571 = arith.constant 98 : i32
      %mul3A_572 = vector.broadcast %mul3A_571 : i32 to vector<16xi32>
      %mul3A_573 = arith.muli %shift_right_arithmetic3A_570, %mul3A_572 : vector<16xi32>
      %sub3A_574 = arith.subi %add3A_564, %mul3A_573 : vector<16xi32>
      tpu.vector_store_idx %arg6[%broadcast_in_dim3A_144, %shift_right_arithmetic3A_570, %sub3A_574], %add3A_534 masked %lt3A_543 : memref<2x2x104xi32, #tpu.memory_space<vmem>>[vector<16xi32>, vector<16xi32>, vector<16xi32>], vector<16xi32>, vector<16xi1>
      %broadcast_in_dim3A_575 = arith.constant 1 : i32
      %broadcast_in_dim3A_576 = vector.broadcast %broadcast_in_dim3A_575 : i32 to vector<16xi32>
      tpu.vector_store_idx %arg7[%broadcast_in_dim3A_144, %add3A_454, %broadcast_in_dim3A_576], %mul3A_538 masked %lt3A_543 : memref<2x49x16xf32, #tpu.memory_space<vmem>>[vector<16xi32>, vector<16xi32>, vector<16xi32>], vector<16xf32>, vector<16xi1>
      %add3A_577 = arith.constant 2 : i32
      %add3A_578 = vector.broadcast %add3A_577 : i32 to vector<16xi32>
      %add3A_579 = arith.addi %mul3A_546, %add3A_578 : vector<16xi32>
      %mul3A_580 = arith.constant 669 : i32
      %mul3A_581 = vector.broadcast %mul3A_580 : i32 to vector<16xi32>
      %mul3A_582 = arith.muli %add3A_579, %mul3A_581 : vector<16xi32>
      %shift_right_arithmetic3A_583 = arith.constant 16 : i32
      %shift_right_arithmetic3A_584 = vector.broadcast %shift_right_arithmetic3A_583 : i32 to vector<16xi32>
      %shift_right_arithmetic3A_585 = arith.shrsi %mul3A_582, %shift_right_arithmetic3A_584 : vector<16xi32>
      %mul3A_586 = arith.constant 98 : i32
      %mul3A_587 = vector.broadcast %mul3A_586 : i32 to vector<16xi32>
      %mul3A_588 = arith.muli %shift_right_arithmetic3A_585, %mul3A_587 : vector<16xi32>
      %sub3A_589 = arith.subi %add3A_579, %mul3A_588 : vector<16xi32>
      tpu.vector_store_idx %arg6[%broadcast_in_dim3A_144, %shift_right_arithmetic3A_585, %sub3A_589], %add3A_535 masked %lt3A_543 : memref<2x2x104xi32, #tpu.memory_space<vmem>>[vector<16xi32>, vector<16xi32>, vector<16xi32>], vector<16xi32>, vector<16xi1>
      %broadcast_in_dim3A_590 = arith.constant 2 : i32
      %broadcast_in_dim3A_591 = vector.broadcast %broadcast_in_dim3A_590 : i32 to vector<16xi32>
      tpu.vector_store_idx %arg7[%broadcast_in_dim3A_144, %add3A_454, %broadcast_in_dim3A_591], %mul3A_539 masked %lt3A_543 : memref<2x49x16xf32, #tpu.memory_space<vmem>>[vector<16xi32>, vector<16xi32>, vector<16xi32>], vector<16xf32>, vector<16xi1>
      %add3A_592 = arith.constant 3 : i32
      %add3A_593 = vector.broadcast %add3A_592 : i32 to vector<16xi32>
      %add3A_594 = arith.addi %mul3A_546, %add3A_593 : vector<16xi32>
      %mul3A_595 = arith.constant 669 : i32
      %mul3A_596 = vector.broadcast %mul3A_595 : i32 to vector<16xi32>
      %mul3A_597 = arith.muli %add3A_594, %mul3A_596 : vector<16xi32>
      %shift_right_arithmetic3A_598 = arith.constant 16 : i32
      %shift_right_arithmetic3A_599 = vector.broadcast %shift_right_arithmetic3A_598 : i32 to vector<16xi32>
      %shift_right_arithmetic3A_600 = arith.shrsi %mul3A_597, %shift_right_arithmetic3A_599 : vector<16xi32>
      %mul3A_601 = arith.constant 98 : i32
      %mul3A_602 = vector.broadcast %mul3A_601 : i32 to vector<16xi32>
      %mul3A_603 = arith.muli %shift_right_arithmetic3A_600, %mul3A_602 : vector<16xi32>
      %sub3A_604 = arith.subi %add3A_594, %mul3A_603 : vector<16xi32>
      tpu.vector_store_idx %arg6[%broadcast_in_dim3A_144, %shift_right_arithmetic3A_600, %sub3A_604], %add3A_536 masked %lt3A_543 : memref<2x2x104xi32, #tpu.memory_space<vmem>>[vector<16xi32>, vector<16xi32>, vector<16xi32>], vector<16xi32>, vector<16xi1>
      %broadcast_in_dim3A_605 = arith.constant 3 : i32
      %broadcast_in_dim3A_606 = vector.broadcast %broadcast_in_dim3A_605 : i32 to vector<16xi32>
      tpu.vector_store_idx %arg7[%broadcast_in_dim3A_144, %add3A_454, %broadcast_in_dim3A_606], %mul3A_540 masked %lt3A_543 : memref<2x49x16xf32, #tpu.memory_space<vmem>>[vector<16xi32>, vector<16xi32>, vector<16xi32>], vector<16xf32>, vector<16xi1>
      %add3A_607 = arith.constant 48 : i32
      %add3A_608 = vector.broadcast %add3A_607 : i32 to vector<16xi32>
      %add3A_609 = arith.addi %iota3A, %add3A_608 : vector<16xi32>
      %mul3A_610 = arith.constant 9363 : i32
      %mul3A_611 = vector.broadcast %mul3A_610 : i32 to vector<16xi32>
      %mul3A_612 = arith.muli %add3A_609, %mul3A_611 : vector<16xi32>
      %shift_right_arithmetic3A_613 = arith.constant 16 : i32
      %shift_right_arithmetic3A_614 = vector.broadcast %shift_right_arithmetic3A_613 : i32 to vector<16xi32>
      %shift_right_arithmetic3A_615 = arith.shrsi %mul3A_612, %shift_right_arithmetic3A_614 : vector<16xi32>
      %mul3A_616 = arith.constant 7 : i32
      %mul3A_617 = vector.broadcast %mul3A_616 : i32 to vector<16xi32>
      %mul3A_618 = arith.muli %shift_right_arithmetic3A_615, %mul3A_617 : vector<16xi32>
      %sub3A_619 = arith.subi %add3A_609, %mul3A_618 : vector<16xi32>
      %convert_element_type3A_620 = arith.sitofp %shift_right_arithmetic3A_615 : vector<16xi32> to vector<16xf32>
      %add3A_621 = arith.constant 5.000000e-01 : f32
      %add3A_622 = vector.broadcast %add3A_621 : f32 to vector<16xf32>
      %add3A_623 = arith.addf %convert_element_type3A_620, %add3A_622 : vector<16xf32>
      %mul3A_624 = arith.mulf %add3A_623, %div3A_139 : vector<16xf32>
      %add3A_625 = arith.addf %mul3A_130, %mul3A_624 : vector<16xf32>
      %sub3A_626 = arith.constant 5.000000e-01 : f32
      %sub3A_627 = vector.broadcast %sub3A_626 : f32 to vector<16xf32>
      %sub3A_628 = arith.subf %add3A_625, %sub3A_627 : vector<16xf32>
      %convert_element_type3A_629 = arith.sitofp %sub3A_619 : vector<16xi32> to vector<16xf32>
      %add3A_630 = arith.constant 5.000000e-01 : f32
      %add3A_631 = vector.broadcast %add3A_630 : f32 to vector<16xf32>
      %add3A_632 = arith.addf %convert_element_type3A_629, %add3A_631 : vector<16xf32>
      %mul3A_633 = arith.mulf %add3A_632, %div3A_134 : vector<16xf32>
      %add3A_634 = arith.addf %mul3A_129, %mul3A_633 : vector<16xf32>
      %sub3A_635 = arith.constant 5.000000e-01 : f32
      %sub3A_636 = vector.broadcast %sub3A_635 : f32 to vector<16xf32>
      %sub3A_637 = arith.subf %add3A_634, %sub3A_636 : vector<16xf32>
      %convert_element_type3A_638 = arith.fptosi %sub3A_628 : vector<16xf32> to vector<16xi32>
      %convert_element_type3A_639 = arith.sitofp %convert_element_type3A_638 : vector<16xi32> to vector<16xf32>
      %gt3A_640 = arith.cmpf ogt, %convert_element_type3A_639, %sub3A_628 : vector<16xf32>
      %sub3A_641 = arith.constant 1 : i32
      %sub3A_642 = vector.broadcast %sub3A_641 : i32 to vector<16xi32>
      %sub3A_643 = arith.subi %convert_element_type3A_638, %sub3A_642 : vector<16xi32>
      %select_n3A_644 = arith.select %gt3A_640, %sub3A_643, %convert_element_type3A_638 : vector<16xi1>, vector<16xi32>
      %convert_element_type3A_645 = arith.fptosi %sub3A_637 : vector<16xf32> to vector<16xi32>
      %convert_element_type3A_646 = arith.sitofp %convert_element_type3A_645 : vector<16xi32> to vector<16xf32>
      %gt3A_647 = arith.cmpf ogt, %convert_element_type3A_646, %sub3A_637 : vector<16xf32>
      %sub3A_648 = arith.constant 1 : i32
      %sub3A_649 = vector.broadcast %sub3A_648 : i32 to vector<16xi32>
      %sub3A_650 = arith.subi %convert_element_type3A_645, %sub3A_649 : vector<16xi32>
      %select_n3A_651 = arith.select %gt3A_647, %sub3A_650, %convert_element_type3A_645 : vector<16xi1>, vector<16xi32>
      %convert_element_type3A_652 = arith.sitofp %select_n3A_644 : vector<16xi32> to vector<16xf32>
      %sub3A_653 = arith.subf %sub3A_628, %convert_element_type3A_652 : vector<16xf32>
      %convert_element_type3A_654 = arith.sitofp %select_n3A_651 : vector<16xi32> to vector<16xf32>
      %sub3A_655 = arith.subf %sub3A_637, %convert_element_type3A_654 : vector<16xf32>
      %sub3A_656 = arith.constant 1.000000e+00 : f32
      %sub3A_657 = vector.broadcast %sub3A_656 : f32 to vector<16xf32>
      %sub3A_658 = arith.subf %sub3A_657, %sub3A_653 : vector<16xf32>
      %sub3A_659 = arith.constant 1.000000e+00 : f32
      %sub3A_660 = vector.broadcast %sub3A_659 : f32 to vector<16xf32>
      %sub3A_661 = arith.subf %sub3A_660, %sub3A_655 : vector<16xf32>
      %jit3A_662 = arith.constant 0 : i32
      %max3A_663 = vector.broadcast %jit3A_662 : i32 to vector<16xi32>
      %max3A_664 = arith.maxsi %max3A_663, %select_n3A_644 : vector<16xi32>
      %min3A_665 = arith.minsi %sub3A_142, %max3A_664 : vector<16xi32>
      %add3A_666 = arith.constant 1 : i32
      %add3A_667 = vector.broadcast %add3A_666 : i32 to vector<16xi32>
      %add3A_668 = arith.addi %select_n3A_644, %add3A_667 : vector<16xi32>
      %jit3A_669 = arith.constant 0 : i32
      %max3A_670 = vector.broadcast %jit3A_669 : i32 to vector<16xi32>
      %max3A_671 = arith.maxsi %max3A_670, %add3A_668 : vector<16xi32>
      %min3A_672 = arith.minsi %sub3A_142, %max3A_671 : vector<16xi32>
      %jit3A_673 = arith.constant 0 : i32
      %max3A_674 = vector.broadcast %jit3A_673 : i32 to vector<16xi32>
      %max3A_675 = arith.maxsi %max3A_674, %select_n3A_651 : vector<16xi32>
      %min3A_676 = arith.minsi %sub3A_142, %max3A_675 : vector<16xi32>
      %add3A_677 = arith.constant 1 : i32
      %add3A_678 = vector.broadcast %add3A_677 : i32 to vector<16xi32>
      %add3A_679 = arith.addi %select_n3A_651, %add3A_678 : vector<16xi32>
      %jit3A_680 = arith.constant 0 : i32
      %max3A_681 = vector.broadcast %jit3A_680 : i32 to vector<16xi32>
      %max3A_682 = arith.maxsi %max3A_681, %add3A_679 : vector<16xi32>
      %min3A_683 = arith.minsi %sub3A_142, %max3A_682 : vector<16xi32>
      %mul3A_684 = arith.muli %min3A_665, %select_n3A_128 : vector<16xi32>
      %add3A_685 = arith.addi %select_n3A_108, %mul3A_684 : vector<16xi32>
      %mul3A_686 = arith.muli %min3A_672, %select_n3A_128 : vector<16xi32>
      %add3A_687 = arith.addi %select_n3A_108, %mul3A_686 : vector<16xi32>
      %add3A_688 = arith.addi %add3A_685, %min3A_676 : vector<16xi32>
      %add3A_689 = arith.addi %add3A_685, %min3A_683 : vector<16xi32>
      %add3A_690 = arith.addi %add3A_687, %min3A_676 : vector<16xi32>
      %add3A_691 = arith.addi %add3A_687, %min3A_683 : vector<16xi32>
      %mul3A_692 = arith.mulf %sub3A_658, %sub3A_661 : vector<16xf32>
      %mul3A_693 = arith.mulf %sub3A_658, %sub3A_655 : vector<16xf32>
      %mul3A_694 = arith.mulf %sub3A_653, %sub3A_661 : vector<16xf32>
      %mul3A_695 = arith.mulf %sub3A_653, %sub3A_655 : vector<16xf32>
      %lt3A_696 = arith.constant 49 : i32
      %lt3A_697 = vector.broadcast %lt3A_696 : i32 to vector<16xi32>
      %lt3A_698 = arith.cmpi slt, %add3A_609, %lt3A_697 : vector<16xi32>
      %mul3A_699 = arith.constant 4 : i32
      %mul3A_700 = vector.broadcast %mul3A_699 : i32 to vector<16xi32>
      %mul3A_701 = arith.muli %add3A_609, %mul3A_700 : vector<16xi32>
      %add3A_702 = arith.constant 0 : i32
      %add3A_703 = vector.broadcast %add3A_702 : i32 to vector<16xi32>
      %add3A_704 = arith.addi %mul3A_701, %add3A_703 : vector<16xi32>
      %mul3A_705 = arith.constant 669 : i32
      %mul3A_706 = vector.broadcast %mul3A_705 : i32 to vector<16xi32>
      %mul3A_707 = arith.muli %add3A_704, %mul3A_706 : vector<16xi32>
      %shift_right_arithmetic3A_708 = arith.constant 16 : i32
      %shift_right_arithmetic3A_709 = vector.broadcast %shift_right_arithmetic3A_708 : i32 to vector<16xi32>
      %shift_right_arithmetic3A_710 = arith.shrsi %mul3A_707, %shift_right_arithmetic3A_709 : vector<16xi32>
      %mul3A_711 = arith.constant 98 : i32
      %mul3A_712 = vector.broadcast %mul3A_711 : i32 to vector<16xi32>
      %mul3A_713 = arith.muli %shift_right_arithmetic3A_710, %mul3A_712 : vector<16xi32>
      %sub3A_714 = arith.subi %add3A_704, %mul3A_713 : vector<16xi32>
      tpu.vector_store_idx %arg6[%broadcast_in_dim3A_144, %shift_right_arithmetic3A_710, %sub3A_714], %add3A_688 masked %lt3A_698 : memref<2x2x104xi32, #tpu.memory_space<vmem>>[vector<16xi32>, vector<16xi32>, vector<16xi32>], vector<16xi32>, vector<16xi1>
      %broadcast_in_dim3A_715 = arith.constant 0 : i32
      %broadcast_in_dim3A_716 = vector.broadcast %broadcast_in_dim3A_715 : i32 to vector<16xi32>
      tpu.vector_store_idx %arg7[%broadcast_in_dim3A_144, %add3A_609, %broadcast_in_dim3A_716], %mul3A_692 masked %lt3A_698 : memref<2x49x16xf32, #tpu.memory_space<vmem>>[vector<16xi32>, vector<16xi32>, vector<16xi32>], vector<16xf32>, vector<16xi1>
      %add3A_717 = arith.constant 1 : i32
      %add3A_718 = vector.broadcast %add3A_717 : i32 to vector<16xi32>
      %add3A_719 = arith.addi %mul3A_701, %add3A_718 : vector<16xi32>
      %mul3A_720 = arith.constant 669 : i32
      %mul3A_721 = vector.broadcast %mul3A_720 : i32 to vector<16xi32>
      %mul3A_722 = arith.muli %add3A_719, %mul3A_721 : vector<16xi32>
      %shift_right_arithmetic3A_723 = arith.constant 16 : i32
      %shift_right_arithmetic3A_724 = vector.broadcast %shift_right_arithmetic3A_723 : i32 to vector<16xi32>
      %shift_right_arithmetic3A_725 = arith.shrsi %mul3A_722, %shift_right_arithmetic3A_724 : vector<16xi32>
      %mul3A_726 = arith.constant 98 : i32
      %mul3A_727 = vector.broadcast %mul3A_726 : i32 to vector<16xi32>
      %mul3A_728 = arith.muli %shift_right_arithmetic3A_725, %mul3A_727 : vector<16xi32>
      %sub3A_729 = arith.subi %add3A_719, %mul3A_728 : vector<16xi32>
      tpu.vector_store_idx %arg6[%broadcast_in_dim3A_144, %shift_right_arithmetic3A_725, %sub3A_729], %add3A_689 masked %lt3A_698 : memref<2x2x104xi32, #tpu.memory_space<vmem>>[vector<16xi32>, vector<16xi32>, vector<16xi32>], vector<16xi32>, vector<16xi1>
      %broadcast_in_dim3A_730 = arith.constant 1 : i32
      %broadcast_in_dim3A_731 = vector.broadcast %broadcast_in_dim3A_730 : i32 to vector<16xi32>
      tpu.vector_store_idx %arg7[%broadcast_in_dim3A_144, %add3A_609, %broadcast_in_dim3A_731], %mul3A_693 masked %lt3A_698 : memref<2x49x16xf32, #tpu.memory_space<vmem>>[vector<16xi32>, vector<16xi32>, vector<16xi32>], vector<16xf32>, vector<16xi1>
      %add3A_732 = arith.constant 2 : i32
      %add3A_733 = vector.broadcast %add3A_732 : i32 to vector<16xi32>
      %add3A_734 = arith.addi %mul3A_701, %add3A_733 : vector<16xi32>
      %mul3A_735 = arith.constant 669 : i32
      %mul3A_736 = vector.broadcast %mul3A_735 : i32 to vector<16xi32>
      %mul3A_737 = arith.muli %add3A_734, %mul3A_736 : vector<16xi32>
      %shift_right_arithmetic3A_738 = arith.constant 16 : i32
      %shift_right_arithmetic3A_739 = vector.broadcast %shift_right_arithmetic3A_738 : i32 to vector<16xi32>
      %shift_right_arithmetic3A_740 = arith.shrsi %mul3A_737, %shift_right_arithmetic3A_739 : vector<16xi32>
      %mul3A_741 = arith.constant 98 : i32
      %mul3A_742 = vector.broadcast %mul3A_741 : i32 to vector<16xi32>
      %mul3A_743 = arith.muli %shift_right_arithmetic3A_740, %mul3A_742 : vector<16xi32>
      %sub3A_744 = arith.subi %add3A_734, %mul3A_743 : vector<16xi32>
      tpu.vector_store_idx %arg6[%broadcast_in_dim3A_144, %shift_right_arithmetic3A_740, %sub3A_744], %add3A_690 masked %lt3A_698 : memref<2x2x104xi32, #tpu.memory_space<vmem>>[vector<16xi32>, vector<16xi32>, vector<16xi32>], vector<16xi32>, vector<16xi1>
      %broadcast_in_dim3A_745 = arith.constant 2 : i32
      %broadcast_in_dim3A_746 = vector.broadcast %broadcast_in_dim3A_745 : i32 to vector<16xi32>
      tpu.vector_store_idx %arg7[%broadcast_in_dim3A_144, %add3A_609, %broadcast_in_dim3A_746], %mul3A_694 masked %lt3A_698 : memref<2x49x16xf32, #tpu.memory_space<vmem>>[vector<16xi32>, vector<16xi32>, vector<16xi32>], vector<16xf32>, vector<16xi1>
      %add3A_747 = arith.constant 3 : i32
      %add3A_748 = vector.broadcast %add3A_747 : i32 to vector<16xi32>
      %add3A_749 = arith.addi %mul3A_701, %add3A_748 : vector<16xi32>
      %mul3A_750 = arith.constant 669 : i32
      %mul3A_751 = vector.broadcast %mul3A_750 : i32 to vector<16xi32>
      %mul3A_752 = arith.muli %add3A_749, %mul3A_751 : vector<16xi32>
      %shift_right_arithmetic3A_753 = arith.constant 16 : i32
      %shift_right_arithmetic3A_754 = vector.broadcast %shift_right_arithmetic3A_753 : i32 to vector<16xi32>
      %shift_right_arithmetic3A_755 = arith.shrsi %mul3A_752, %shift_right_arithmetic3A_754 : vector<16xi32>
      %mul3A_756 = arith.constant 98 : i32
      %mul3A_757 = vector.broadcast %mul3A_756 : i32 to vector<16xi32>
      %mul3A_758 = arith.muli %shift_right_arithmetic3A_755, %mul3A_757 : vector<16xi32>
      %sub3A_759 = arith.subi %add3A_749, %mul3A_758 : vector<16xi32>
      tpu.vector_store_idx %arg6[%broadcast_in_dim3A_144, %shift_right_arithmetic3A_755, %sub3A_759], %add3A_691 masked %lt3A_698 : memref<2x2x104xi32, #tpu.memory_space<vmem>>[vector<16xi32>, vector<16xi32>, vector<16xi32>], vector<16xi32>, vector<16xi1>
      %broadcast_in_dim3A_760 = arith.constant 3 : i32
      %broadcast_in_dim3A_761 = vector.broadcast %broadcast_in_dim3A_760 : i32 to vector<16xi32>
      tpu.vector_store_idx %arg7[%broadcast_in_dim3A_144, %add3A_609, %broadcast_in_dim3A_761], %mul3A_695 masked %lt3A_698 : memref<2x49x16xf32, #tpu.memory_space<vmem>>[vector<16xi32>, vector<16xi32>, vector<16xi32>], vector<16xf32>, vector<16xi1>
      %dma_start3A = arith.constant 0 : i32
      %dma_start3A_762 = arith.constant 0 : i32
      %dma_start3A_763 = arith.constant 0 : i32
      %dma_start3A_764 = arith.constant 0 : i32
      %dma_start3A_765 = arith.constant 0 : i32
      %dma_start3A_766 = tpu.memref_slice %arg8[%dma_start3A_763, %dma_start3A_764, %dma_start3A_765] : memref<2x208x256xf32, #tpu.memory_space<vmem>> -> memref<1x104x256xf32, #tpu.memory_space<vmem>>
      %dma_start3A_767 = tpu.memref_squeeze %dma_start3A_766 : memref<1x104x256xf32, #tpu.memory_space<vmem>> -> memref<104x256xf32, #tpu.memory_space<vmem>>
      %dma_start3A_768 = arith.constant 0 : i32
      %dma_start3A_769 = tpu.memref_slice %arg6[%dma_start3A, %dma_start3A_762, %dma_start3A_768] : memref<2x2x104xi32, #tpu.memory_space<vmem>> -> memref<1x1x104xi32, #tpu.memory_space<vmem>>
      %dma_start3A_770 = tpu.memref_squeeze %dma_start3A_769 : memref<1x1x104xi32, #tpu.memory_space<vmem>> -> memref<104xi32, #tpu.memory_space<vmem>>
      %dma_start3A_771 = arith.constant 0 : i32
      %dma_start3A_772 = arith.constant 0 : i32
      %dma_start3A_773 = tpu.memref_slice %arg2[%dma_start3A_771, %dma_start3A_772] : memref<21760x256xf32, #tpu.memory_space<hbm>> -> memref<21760x256xf32, #tpu.memory_space<hbm>>
      tpu.enqueue_indirect_dma source(%dma_start3A_773 : memref<21760x256xf32, #tpu.memory_space<hbm>>) target(%dma_start3A_767 : memref<104x256xf32, #tpu.memory_space<vmem>>) offsets(%dma_start3A_770 : memref<104xi32, #tpu.memory_space<vmem>>) semaphore(%arg10 : memref<!tpu.dma_semaphore, #tpu.memory_space<semaphore_mem>>)
      %dma_start3A_774 = arith.constant 0 : i32
      %dma_start3A_775 = arith.constant 1 : i32
      %dma_start3A_776 = arith.constant 0 : i32
      %dma_start3A_777 = arith.constant 104 : i32
      %dma_start3A_778 = arith.constant 0 : i32
      %dma_start3A_779 = tpu.memref_slice %arg8[%dma_start3A_776, %dma_start3A_777, %dma_start3A_778] : memref<2x208x256xf32, #tpu.memory_space<vmem>> -> memref<1x104x256xf32, #tpu.memory_space<vmem>>
      %dma_start3A_780 = tpu.memref_squeeze %dma_start3A_779 : memref<1x104x256xf32, #tpu.memory_space<vmem>> -> memref<104x256xf32, #tpu.memory_space<vmem>>
      %dma_start3A_781 = arith.constant 0 : i32
      %dma_start3A_782 = tpu.memref_slice %arg6[%dma_start3A_774, %dma_start3A_775, %dma_start3A_781] : memref<2x2x104xi32, #tpu.memory_space<vmem>> -> memref<1x1x104xi32, #tpu.memory_space<vmem>>
      %dma_start3A_783 = tpu.memref_squeeze %dma_start3A_782 : memref<1x1x104xi32, #tpu.memory_space<vmem>> -> memref<104xi32, #tpu.memory_space<vmem>>
      %dma_start3A_784 = arith.constant 0 : i32
      %dma_start3A_785 = arith.constant 0 : i32
      %dma_start3A_786 = tpu.memref_slice %arg2[%dma_start3A_784, %dma_start3A_785] : memref<21760x256xf32, #tpu.memory_space<hbm>> -> memref<21760x256xf32, #tpu.memory_space<hbm>>
      tpu.enqueue_indirect_dma source(%dma_start3A_786 : memref<21760x256xf32, #tpu.memory_space<hbm>>) target(%dma_start3A_780 : memref<104x256xf32, #tpu.memory_space<vmem>>) offsets(%dma_start3A_783 : memref<104xi32, #tpu.memory_space<vmem>>) semaphore(%arg10 : memref<!tpu.dma_semaphore, #tpu.memory_space<semaphore_mem>>)
    } else {
    }
    %scan3A = arith.constant 0 : i32
    %scan3A_31 = arith.constant 0 : i32
    %scan3A_32 = arith.constant 16 : i32
    %scan3A_33 = arith.addi %scan3A_31, %scan3A_32 : i32
    %scan3A_34 = arith.constant 1 : i32
    scf.for %scan3A_36 = %scan3A_31 to %scan3A_33 step %scan3A_34  : i32 {
      %mul3A_37 = arith.constant 2 : i32
      %mul3A_38 = arith.muli %mul3A_37, %scan3A_36 : i32
      %add3A_39 = arith.constant 0 : i32
      %add3A_40 = arith.addi %mul3A_38, %add3A_39 : i32
      %add3A_41 = arith.addi %mul3A_2, %add3A_40 : i32
      %add3A_42 = arith.constant 1 : i32
      %add3A_43 = arith.addi %add3A_40, %add3A_42 : i32
      %lt3A_44 = arith.constant 32 : i32
      %lt3A_45 = arith.cmpi slt, %add3A_43, %lt3A_44 : i32
      %add3A_46 = arith.constant 1 : i32
      %add3A_47 = arith.addi %add3A_41, %add3A_46 : i32
      %lt3A_48 = arith.constant 1000 : i32
      %lt3A_49 = arith.cmpi slt, %add3A_47, %lt3A_48 : i32
      %and3A = arith.andi %lt3A_45, %lt3A_49 : i1
      %convert_element_type3A_50 = arith.extui %and3A : i1 to i32
      %cond3A_51 = arith.constant 0 : i32
      %cond3A_52 = arith.cmpi ne, %convert_element_type3A_50, %cond3A_51 : i32
      scf.if %cond3A_52 {
        %add3A_80 = arith.constant 1 : i32
        %add3A_81 = arith.addi %add3A_40, %add3A_80 : i32
        %mul3A_82 = arith.constant 7 : i32
        %mul3A_83 = arith.muli %add3A_81, %mul3A_82 : i32
        %broadcast_in_dim3A_84 = vector.broadcast %mul3A_83 : i32 to vector<16xi32>
        %add3A_85 = arith.constant 1 : i32
        %add3A_86 = vector.broadcast %add3A_85 : i32 to vector<16xi32>
        %add3A_87 = arith.addi %broadcast_in_dim3A_84, %add3A_86 : vector<16xi32>
        %gather3A = tpu.vector_load_idx %arg5[%add3A_87] : memref<224xf32, #tpu.memory_space<vmem>>[vector<16xi32>], vector<16xf32>,
        %add3A_88 = arith.constant 2 : i32
        %add3A_89 = vector.broadcast %add3A_88 : i32 to vector<16xi32>
        %add3A_90 = arith.addi %broadcast_in_dim3A_84, %add3A_89 : vector<16xi32>
        %gather3A_91 = tpu.vector_load_idx %arg5[%add3A_90] : memref<224xf32, #tpu.memory_space<vmem>>[vector<16xi32>], vector<16xf32>,
        %add3A_92 = arith.constant 3 : i32
        %add3A_93 = vector.broadcast %add3A_92 : i32 to vector<16xi32>
        %add3A_94 = arith.addi %broadcast_in_dim3A_84, %add3A_93 : vector<16xi32>
        %gather3A_95 = tpu.vector_load_idx %arg5[%add3A_94] : memref<224xf32, #tpu.memory_space<vmem>>[vector<16xi32>], vector<16xf32>,
        %add3A_96 = arith.constant 4 : i32
        %add3A_97 = vector.broadcast %add3A_96 : i32 to vector<16xi32>
        %add3A_98 = arith.addi %broadcast_in_dim3A_84, %add3A_97 : vector<16xi32>
        %gather3A_99 = tpu.vector_load_idx %arg5[%add3A_98] : memref<224xf32, #tpu.memory_space<vmem>>[vector<16xi32>], vector<16xf32>,
        %sub3A = arith.subf %gather3A_95, %gather3A : vector<16xf32>
        %sub3A_100 = arith.subf %gather3A_99, %gather3A_91 : vector<16xf32>
        %mul3A_101 = arith.mulf %sub3A, %sub3A_100 : vector<16xf32>
        %broadcast_in_dim3A_102 = arith.constant 1 : i32
        %broadcast_in_dim3A_103 = vector.broadcast %broadcast_in_dim3A_102 : i32 to vector<16xi32>
        %broadcast_in_dim3A_104 = arith.constant 0 : i32
        %broadcast_in_dim3A_105 = vector.broadcast %broadcast_in_dim3A_104 : i32 to vector<16xi32>
        %gt3A = arith.constant 2.304000e+03 : f32
        %gt3A_106 = vector.broadcast %gt3A : f32 to vector<16xf32>
        %gt3A_107 = arith.cmpf ogt, %mul3A_101, %gt3A_106 : vector<16xf32>
        %select_n3A = arith.select %gt3A_107, %broadcast_in_dim3A_103, %broadcast_in_dim3A_105 : vector<16xi1>, vector<16xi32>
        %gt3A_108 = arith.constant 9.216000e+03 : f32
        %gt3A_109 = vector.broadcast %gt3A_108 : f32 to vector<16xf32>
        %gt3A_110 = arith.cmpf ogt, %mul3A_101, %gt3A_109 : vector<16xf32>
        %select_n3A_111 = arith.select %gt3A_110, %broadcast_in_dim3A_103, %broadcast_in_dim3A_105 : vector<16xi1>, vector<16xi32>
        %add3A_112 = arith.addi %select_n3A, %select_n3A_111 : vector<16xi32>
        %gt3A_113 = arith.constant 3.686400e+04 : f32
        %gt3A_114 = vector.broadcast %gt3A_113 : f32 to vector<16xf32>
        %gt3A_115 = arith.cmpf ogt, %mul3A_101, %gt3A_114 : vector<16xf32>
        %select_n3A_116 = arith.select %gt3A_115, %broadcast_in_dim3A_103, %broadcast_in_dim3A_105 : vector<16xi1>, vector<16xi32>
        %add3A_117 = arith.addi %add3A_112, %select_n3A_116 : vector<16xi32>
        %eq3A = arith.constant 0 : i32
        %eq3A_118 = vector.broadcast %eq3A : i32 to vector<16xi32>
        %eq3A_119 = arith.cmpi eq, %add3A_117, %eq3A_118 : vector<16xi32>
        %eq3A_120 = arith.constant 1 : i32
        %eq3A_121 = vector.broadcast %eq3A_120 : i32 to vector<16xi32>
        %eq3A_122 = arith.cmpi eq, %add3A_117, %eq3A_121 : vector<16xi32>
        %eq3A_123 = arith.constant 2 : i32
        %eq3A_124 = vector.broadcast %eq3A_123 : i32 to vector<16xi32>
        %eq3A_125 = arith.cmpi eq, %add3A_117, %eq3A_124 : vector<16xi32>
        %jit3A = arith.constant 6.250000e-02 : f32
        %jit3A_126 = arith.constant 3.125000e-02 : f32
        %broadcast_in_dim3A_127 = vector.broadcast %jit3A : f32 to vector<16xf32>
        %broadcast_in_dim3A_128 = vector.broadcast %jit3A_126 : f32 to vector<16xf32>
        %select_n3A_129 = arith.select %eq3A_125, %broadcast_in_dim3A_127, %broadcast_in_dim3A_128 : vector<16xi1>, vector<16xf32>
        %jit3A_130 = arith.constant 1.250000e-01 : f32
        %broadcast_in_dim3A_131 = vector.broadcast %jit3A_130 : f32 to vector<16xf32>
        %select_n3A_132 = arith.select %eq3A_122, %broadcast_in_dim3A_131, %select_n3A_129 : vector<16xi1>, vector<16xf32>
        %jit3A_133 = arith.constant 2.500000e-01 : f32
        %broadcast_in_dim3A_134 = vector.broadcast %jit3A_133 : f32 to vector<16xf32>
        %select_n3A_135 = arith.select %eq3A_119, %broadcast_in_dim3A_134, %select_n3A_132 : vector<16xi1>, vector<16xf32>
        %eq3A_136 = arith.constant 0 : i32
        %eq3A_137 = vector.broadcast %eq3A_136 : i32 to vector<16xi32>
        %eq3A_138 = arith.cmpi eq, %add3A_117, %eq3A_137 : vector<16xi32>
        %eq3A_139 = arith.constant 1 : i32
        %eq3A_140 = vector.broadcast %eq3A_139 : i32 to vector<16xi32>
        %eq3A_141 = arith.cmpi eq, %add3A_117, %eq3A_140 : vector<16xi32>
        %eq3A_142 = arith.constant 2 : i32
        %eq3A_143 = vector.broadcast %eq3A_142 : i32 to vector<16xi32>
        %eq3A_144 = arith.cmpi eq, %add3A_117, %eq3A_143 : vector<16xi32>
        %jit3A_145 = arith.constant 20480 : i32
        %jit3A_146 = arith.constant 21504 : i32
        %broadcast_in_dim3A_147 = vector.broadcast %jit3A_145 : i32 to vector<16xi32>
        %broadcast_in_dim3A_148 = vector.broadcast %jit3A_146 : i32 to vector<16xi32>
        %select_n3A_149 = arith.select %eq3A_144, %broadcast_in_dim3A_147, %broadcast_in_dim3A_148 : vector<16xi1>, vector<16xi32>
        %jit3A_150 = arith.constant 16384 : i32
        %broadcast_in_dim3A_151 = vector.broadcast %jit3A_150 : i32 to vector<16xi32>
        %select_n3A_152 = arith.select %eq3A_141, %broadcast_in_dim3A_151, %select_n3A_149 : vector<16xi1>, vector<16xi32>
        %jit3A_153 = arith.constant 0 : i32
        %broadcast_in_dim3A_154 = vector.broadcast %jit3A_153 : i32 to vector<16xi32>
        %select_n3A_155 = arith.select %eq3A_138, %broadcast_in_dim3A_154, %select_n3A_152 : vector<16xi1>, vector<16xi32>
        %eq3A_156 = arith.constant 0 : i32
        %eq3A_157 = vector.broadcast %eq3A_156 : i32 to vector<16xi32>
        %eq3A_158 = arith.cmpi eq, %add3A_117, %eq3A_157 : vector<16xi32>
        %eq3A_159 = arith.constant 1 : i32
        %eq3A_160 = vector.broadcast %eq3A_159 : i32 to vector<16xi32>
        %eq3A_161 = arith.cmpi eq, %add3A_117, %eq3A_160 : vector<16xi32>
        %eq3A_162 = arith.constant 2 : i32
        %eq3A_163 = vector.broadcast %eq3A_162 : i32 to vector<16xi32>
        %eq3A_164 = arith.cmpi eq, %add3A_117, %eq3A_163 : vector<16xi32>
        %jit3A_165 = arith.constant 32 : i32
        %jit3A_166 = arith.constant 16 : i32
        %broadcast_in_dim3A_167 = vector.broadcast %jit3A_165 : i32 to vector<16xi32>
        %broadcast_in_dim3A_168 = vector.broadcast %jit3A_166 : i32 to vector<16xi32>
        %select_n3A_169 = arith.select %eq3A_164, %broadcast_in_dim3A_167, %broadcast_in_dim3A_168 : vector<16xi1>, vector<16xi32>
        %jit3A_170 = arith.constant 64 : i32
        %broadcast_in_dim3A_171 = vector.broadcast %jit3A_170 : i32 to vector<16xi32>
        %select_n3A_172 = arith.select %eq3A_161, %broadcast_in_dim3A_171, %select_n3A_169 : vector<16xi1>, vector<16xi32>
        %jit3A_173 = arith.constant 128 : i32
        %broadcast_in_dim3A_174 = vector.broadcast %jit3A_173 : i32 to vector<16xi32>
        %select_n3A_175 = arith.select %eq3A_158, %broadcast_in_dim3A_174, %select_n3A_172 : vector<16xi1>, vector<16xi32>
        %mul3A_176 = arith.mulf %gather3A, %select_n3A_135 : vector<16xf32>
        %mul3A_177 = arith.mulf %gather3A_91, %select_n3A_135 : vector<16xf32>
        %mul3A_178 = arith.mulf %gather3A_95, %select_n3A_135 : vector<16xf32>
        %sub3A_179 = arith.subf %mul3A_178, %mul3A_176 : vector<16xf32>
        %div3A = arith.constant 7.000000e+00 : f32
        %div3A_180 = vector.broadcast %div3A : f32 to vector<16xf32>
        %div3A_181 = arith.divf %sub3A_179, %div3A_180 : vector<16xf32>
        %mul3A_182 = arith.mulf %gather3A_99, %select_n3A_135 : vector<16xf32>
        %sub3A_183 = arith.subf %mul3A_182, %mul3A_177 : vector<16xf32>
        %div3A_184 = arith.constant 7.000000e+00 : f32
        %div3A_185 = vector.broadcast %div3A_184 : f32 to vector<16xf32>
        %div3A_186 = arith.divf %sub3A_183, %div3A_185 : vector<16xf32>
        %sub3A_187 = arith.constant 1 : i32
        %sub3A_188 = vector.broadcast %sub3A_187 : i32 to vector<16xi32>
        %sub3A_189 = arith.subi %select_n3A_175, %sub3A_188 : vector<16xi32>
        %broadcast_in_dim3A_190 = arith.constant 1 : i32
        %broadcast_in_dim3A_191 = vector.broadcast %broadcast_in_dim3A_190 : i32 to vector<16xi32>
        %add3A_192 = arith.constant 0 : i32
        %add3A_193 = vector.broadcast %add3A_192 : i32 to vector<16xi32>
        %add3A_194 = arith.addi %iota3A, %add3A_193 : vector<16xi32>
        %mul3A_195 = arith.constant 9363 : i32
        %mul3A_196 = vector.broadcast %mul3A_195 : i32 to vector<16xi32>
        %mul3A_197 = arith.muli %add3A_194, %mul3A_196 : vector<16xi32>
        %shift_right_arithmetic3A = arith.constant 16 : i32
        %shift_right_arithmetic3A_198 = vector.broadcast %shift_right_arithmetic3A : i32 to vector<16xi32>
        %shift_right_arithmetic3A_199 = arith.shrsi %mul3A_197, %shift_right_arithmetic3A_198 : vector<16xi32>
        %mul3A_200 = arith.constant 7 : i32
        %mul3A_201 = vector.broadcast %mul3A_200 : i32 to vector<16xi32>
        %mul3A_202 = arith.muli %shift_right_arithmetic3A_199, %mul3A_201 : vector<16xi32>
        %sub3A_203 = arith.subi %add3A_194, %mul3A_202 : vector<16xi32>
        %convert_element_type3A_204 = arith.sitofp %shift_right_arithmetic3A_199 : vector<16xi32> to vector<16xf32>
        %add3A_205 = arith.constant 5.000000e-01 : f32
        %add3A_206 = vector.broadcast %add3A_205 : f32 to vector<16xf32>
        %add3A_207 = arith.addf %convert_element_type3A_204, %add3A_206 : vector<16xf32>
        %mul3A_208 = arith.mulf %add3A_207, %div3A_186 : vector<16xf32>
        %add3A_209 = arith.addf %mul3A_177, %mul3A_208 : vector<16xf32>
        %sub3A_210 = arith.constant 5.000000e-01 : f32
        %sub3A_211 = vector.broadcast %sub3A_210 : f32 to vector<16xf32>
        %sub3A_212 = arith.subf %add3A_209, %sub3A_211 : vector<16xf32>
        %convert_element_type3A_213 = arith.sitofp %sub3A_203 : vector<16xi32> to vector<16xf32>
        %add3A_214 = arith.constant 5.000000e-01 : f32
        %add3A_215 = vector.broadcast %add3A_214 : f32 to vector<16xf32>
        %add3A_216 = arith.addf %convert_element_type3A_213, %add3A_215 : vector<16xf32>
        %mul3A_217 = arith.mulf %add3A_216, %div3A_181 : vector<16xf32>
        %add3A_218 = arith.addf %mul3A_176, %mul3A_217 : vector<16xf32>
        %sub3A_219 = arith.constant 5.000000e-01 : f32
        %sub3A_220 = vector.broadcast %sub3A_219 : f32 to vector<16xf32>
        %sub3A_221 = arith.subf %add3A_218, %sub3A_220 : vector<16xf32>
        %convert_element_type3A_222 = arith.fptosi %sub3A_212 : vector<16xf32> to vector<16xi32>
        %convert_element_type3A_223 = arith.sitofp %convert_element_type3A_222 : vector<16xi32> to vector<16xf32>
        %gt3A_224 = arith.cmpf ogt, %convert_element_type3A_223, %sub3A_212 : vector<16xf32>
        %sub3A_225 = arith.constant 1 : i32
        %sub3A_226 = vector.broadcast %sub3A_225 : i32 to vector<16xi32>
        %sub3A_227 = arith.subi %convert_element_type3A_222, %sub3A_226 : vector<16xi32>
        %select_n3A_228 = arith.select %gt3A_224, %sub3A_227, %convert_element_type3A_222 : vector<16xi1>, vector<16xi32>
        %convert_element_type3A_229 = arith.fptosi %sub3A_221 : vector<16xf32> to vector<16xi32>
        %convert_element_type3A_230 = arith.sitofp %convert_element_type3A_229 : vector<16xi32> to vector<16xf32>
        %gt3A_231 = arith.cmpf ogt, %convert_element_type3A_230, %sub3A_221 : vector<16xf32>
        %sub3A_232 = arith.constant 1 : i32
        %sub3A_233 = vector.broadcast %sub3A_232 : i32 to vector<16xi32>
        %sub3A_234 = arith.subi %convert_element_type3A_229, %sub3A_233 : vector<16xi32>
        %select_n3A_235 = arith.select %gt3A_231, %sub3A_234, %convert_element_type3A_229 : vector<16xi1>, vector<16xi32>
        %convert_element_type3A_236 = arith.sitofp %select_n3A_228 : vector<16xi32> to vector<16xf32>
        %sub3A_237 = arith.subf %sub3A_212, %convert_element_type3A_236 : vector<16xf32>
        %convert_element_type3A_238 = arith.sitofp %select_n3A_235 : vector<16xi32> to vector<16xf32>
        %sub3A_239 = arith.subf %sub3A_221, %convert_element_type3A_238 : vector<16xf32>
        %sub3A_240 = arith.constant 1.000000e+00 : f32
        %sub3A_241 = vector.broadcast %sub3A_240 : f32 to vector<16xf32>
        %sub3A_242 = arith.subf %sub3A_241, %sub3A_237 : vector<16xf32>
        %sub3A_243 = arith.constant 1.000000e+00 : f32
        %sub3A_244 = vector.broadcast %sub3A_243 : f32 to vector<16xf32>
        %sub3A_245 = arith.subf %sub3A_244, %sub3A_239 : vector<16xf32>
        %jit3A_246 = arith.constant 0 : i32
        %max3A = vector.broadcast %jit3A_246 : i32 to vector<16xi32>
        %max3A_247 = arith.maxsi %max3A, %select_n3A_228 : vector<16xi32>
        %min3A = arith.minsi %sub3A_189, %max3A_247 : vector<16xi32>
        %add3A_248 = arith.constant 1 : i32
        %add3A_249 = vector.broadcast %add3A_248 : i32 to vector<16xi32>
        %add3A_250 = arith.addi %select_n3A_228, %add3A_249 : vector<16xi32>
        %jit3A_251 = arith.constant 0 : i32
        %max3A_252 = vector.broadcast %jit3A_251 : i32 to vector<16xi32>
        %max3A_253 = arith.maxsi %max3A_252, %add3A_250 : vector<16xi32>
        %min3A_254 = arith.minsi %sub3A_189, %max3A_253 : vector<16xi32>
        %jit3A_255 = arith.constant 0 : i32
        %max3A_256 = vector.broadcast %jit3A_255 : i32 to vector<16xi32>
        %max3A_257 = arith.maxsi %max3A_256, %select_n3A_235 : vector<16xi32>
        %min3A_258 = arith.minsi %sub3A_189, %max3A_257 : vector<16xi32>
        %add3A_259 = arith.constant 1 : i32
        %add3A_260 = vector.broadcast %add3A_259 : i32 to vector<16xi32>
        %add3A_261 = arith.addi %select_n3A_235, %add3A_260 : vector<16xi32>
        %jit3A_262 = arith.constant 0 : i32
        %max3A_263 = vector.broadcast %jit3A_262 : i32 to vector<16xi32>
        %max3A_264 = arith.maxsi %max3A_263, %add3A_261 : vector<16xi32>
        %min3A_265 = arith.minsi %sub3A_189, %max3A_264 : vector<16xi32>
        %mul3A_266 = arith.muli %min3A, %select_n3A_175 : vector<16xi32>
        %add3A_267 = arith.addi %select_n3A_155, %mul3A_266 : vector<16xi32>
        %mul3A_268 = arith.muli %min3A_254, %select_n3A_175 : vector<16xi32>
        %add3A_269 = arith.addi %select_n3A_155, %mul3A_268 : vector<16xi32>
        %add3A_270 = arith.addi %add3A_267, %min3A_258 : vector<16xi32>
        %add3A_271 = arith.addi %add3A_267, %min3A_265 : vector<16xi32>
        %add3A_272 = arith.addi %add3A_269, %min3A_258 : vector<16xi32>
        %add3A_273 = arith.addi %add3A_269, %min3A_265 : vector<16xi32>
        %mul3A_274 = arith.mulf %sub3A_242, %sub3A_245 : vector<16xf32>
        %mul3A_275 = arith.mulf %sub3A_242, %sub3A_239 : vector<16xf32>
        %mul3A_276 = arith.mulf %sub3A_237, %sub3A_245 : vector<16xf32>
        %mul3A_277 = arith.mulf %sub3A_237, %sub3A_239 : vector<16xf32>
        %lt3A_278 = arith.constant 49 : i32
        %lt3A_279 = vector.broadcast %lt3A_278 : i32 to vector<16xi32>
        %lt3A_280 = arith.cmpi slt, %add3A_194, %lt3A_279 : vector<16xi32>
        %mul3A_281 = arith.constant 4 : i32
        %mul3A_282 = vector.broadcast %mul3A_281 : i32 to vector<16xi32>
        %mul3A_283 = arith.muli %add3A_194, %mul3A_282 : vector<16xi32>
        %add3A_284 = arith.constant 0 : i32
        %add3A_285 = vector.broadcast %add3A_284 : i32 to vector<16xi32>
        %add3A_286 = arith.addi %mul3A_283, %add3A_285 : vector<16xi32>
        %mul3A_287 = arith.constant 669 : i32
        %mul3A_288 = vector.broadcast %mul3A_287 : i32 to vector<16xi32>
        %mul3A_289 = arith.muli %add3A_286, %mul3A_288 : vector<16xi32>
        %shift_right_arithmetic3A_290 = arith.constant 16 : i32
        %shift_right_arithmetic3A_291 = vector.broadcast %shift_right_arithmetic3A_290 : i32 to vector<16xi32>
        %shift_right_arithmetic3A_292 = arith.shrsi %mul3A_289, %shift_right_arithmetic3A_291 : vector<16xi32>
        %mul3A_293 = arith.constant 98 : i32
        %mul3A_294 = vector.broadcast %mul3A_293 : i32 to vector<16xi32>
        %mul3A_295 = arith.muli %shift_right_arithmetic3A_292, %mul3A_294 : vector<16xi32>
        %sub3A_296 = arith.subi %add3A_286, %mul3A_295 : vector<16xi32>
        tpu.vector_store_idx %arg6[%broadcast_in_dim3A_191, %shift_right_arithmetic3A_292, %sub3A_296], %add3A_270 masked %lt3A_280 : memref<2x2x104xi32, #tpu.memory_space<vmem>>[vector<16xi32>, vector<16xi32>, vector<16xi32>], vector<16xi32>, vector<16xi1>
        %broadcast_in_dim3A_297 = arith.constant 0 : i32
        %broadcast_in_dim3A_298 = vector.broadcast %broadcast_in_dim3A_297 : i32 to vector<16xi32>
        tpu.vector_store_idx %arg7[%broadcast_in_dim3A_191, %add3A_194, %broadcast_in_dim3A_298], %mul3A_274 masked %lt3A_280 : memref<2x49x16xf32, #tpu.memory_space<vmem>>[vector<16xi32>, vector<16xi32>, vector<16xi32>], vector<16xf32>, vector<16xi1>
        %add3A_299 = arith.constant 1 : i32
        %add3A_300 = vector.broadcast %add3A_299 : i32 to vector<16xi32>
        %add3A_301 = arith.addi %mul3A_283, %add3A_300 : vector<16xi32>
        %mul3A_302 = arith.constant 669 : i32
        %mul3A_303 = vector.broadcast %mul3A_302 : i32 to vector<16xi32>
        %mul3A_304 = arith.muli %add3A_301, %mul3A_303 : vector<16xi32>
        %shift_right_arithmetic3A_305 = arith.constant 16 : i32
        %shift_right_arithmetic3A_306 = vector.broadcast %shift_right_arithmetic3A_305 : i32 to vector<16xi32>
        %shift_right_arithmetic3A_307 = arith.shrsi %mul3A_304, %shift_right_arithmetic3A_306 : vector<16xi32>
        %mul3A_308 = arith.constant 98 : i32
        %mul3A_309 = vector.broadcast %mul3A_308 : i32 to vector<16xi32>
        %mul3A_310 = arith.muli %shift_right_arithmetic3A_307, %mul3A_309 : vector<16xi32>
        %sub3A_311 = arith.subi %add3A_301, %mul3A_310 : vector<16xi32>
        tpu.vector_store_idx %arg6[%broadcast_in_dim3A_191, %shift_right_arithmetic3A_307, %sub3A_311], %add3A_271 masked %lt3A_280 : memref<2x2x104xi32, #tpu.memory_space<vmem>>[vector<16xi32>, vector<16xi32>, vector<16xi32>], vector<16xi32>, vector<16xi1>
        %broadcast_in_dim3A_312 = arith.constant 1 : i32
        %broadcast_in_dim3A_313 = vector.broadcast %broadcast_in_dim3A_312 : i32 to vector<16xi32>
        tpu.vector_store_idx %arg7[%broadcast_in_dim3A_191, %add3A_194, %broadcast_in_dim3A_313], %mul3A_275 masked %lt3A_280 : memref<2x49x16xf32, #tpu.memory_space<vmem>>[vector<16xi32>, vector<16xi32>, vector<16xi32>], vector<16xf32>, vector<16xi1>
        %add3A_314 = arith.constant 2 : i32
        %add3A_315 = vector.broadcast %add3A_314 : i32 to vector<16xi32>
        %add3A_316 = arith.addi %mul3A_283, %add3A_315 : vector<16xi32>
        %mul3A_317 = arith.constant 669 : i32
        %mul3A_318 = vector.broadcast %mul3A_317 : i32 to vector<16xi32>
        %mul3A_319 = arith.muli %add3A_316, %mul3A_318 : vector<16xi32>
        %shift_right_arithmetic3A_320 = arith.constant 16 : i32
        %shift_right_arithmetic3A_321 = vector.broadcast %shift_right_arithmetic3A_320 : i32 to vector<16xi32>
        %shift_right_arithmetic3A_322 = arith.shrsi %mul3A_319, %shift_right_arithmetic3A_321 : vector<16xi32>
        %mul3A_323 = arith.constant 98 : i32
        %mul3A_324 = vector.broadcast %mul3A_323 : i32 to vector<16xi32>
        %mul3A_325 = arith.muli %shift_right_arithmetic3A_322, %mul3A_324 : vector<16xi32>
        %sub3A_326 = arith.subi %add3A_316, %mul3A_325 : vector<16xi32>
        tpu.vector_store_idx %arg6[%broadcast_in_dim3A_191, %shift_right_arithmetic3A_322, %sub3A_326], %add3A_272 masked %lt3A_280 : memref<2x2x104xi32, #tpu.memory_space<vmem>>[vector<16xi32>, vector<16xi32>, vector<16xi32>], vector<16xi32>, vector<16xi1>
        %broadcast_in_dim3A_327 = arith.constant 2 : i32
        %broadcast_in_dim3A_328 = vector.broadcast %broadcast_in_dim3A_327 : i32 to vector<16xi32>
        tpu.vector_store_idx %arg7[%broadcast_in_dim3A_191, %add3A_194, %broadcast_in_dim3A_328], %mul3A_276 masked %lt3A_280 : memref<2x49x16xf32, #tpu.memory_space<vmem>>[vector<16xi32>, vector<16xi32>, vector<16xi32>], vector<16xf32>, vector<16xi1>
        %add3A_329 = arith.constant 3 : i32
        %add3A_330 = vector.broadcast %add3A_329 : i32 to vector<16xi32>
        %add3A_331 = arith.addi %mul3A_283, %add3A_330 : vector<16xi32>
        %mul3A_332 = arith.constant 669 : i32
        %mul3A_333 = vector.broadcast %mul3A_332 : i32 to vector<16xi32>
        %mul3A_334 = arith.muli %add3A_331, %mul3A_333 : vector<16xi32>
        %shift_right_arithmetic3A_335 = arith.constant 16 : i32
        %shift_right_arithmetic3A_336 = vector.broadcast %shift_right_arithmetic3A_335 : i32 to vector<16xi32>
        %shift_right_arithmetic3A_337 = arith.shrsi %mul3A_334, %shift_right_arithmetic3A_336 : vector<16xi32>
        %mul3A_338 = arith.constant 98 : i32
        %mul3A_339 = vector.broadcast %mul3A_338 : i32 to vector<16xi32>
        %mul3A_340 = arith.muli %shift_right_arithmetic3A_337, %mul3A_339 : vector<16xi32>
        %sub3A_341 = arith.subi %add3A_331, %mul3A_340 : vector<16xi32>
        tpu.vector_store_idx %arg6[%broadcast_in_dim3A_191, %shift_right_arithmetic3A_337, %sub3A_341], %add3A_273 masked %lt3A_280 : memref<2x2x104xi32, #tpu.memory_space<vmem>>[vector<16xi32>, vector<16xi32>, vector<16xi32>], vector<16xi32>, vector<16xi1>
        %broadcast_in_dim3A_342 = arith.constant 3 : i32
        %broadcast_in_dim3A_343 = vector.broadcast %broadcast_in_dim3A_342 : i32 to vector<16xi32>
        tpu.vector_store_idx %arg7[%broadcast_in_dim3A_191, %add3A_194, %broadcast_in_dim3A_343], %mul3A_277 masked %lt3A_280 : memref<2x49x16xf32, #tpu.memory_space<vmem>>[vector<16xi32>, vector<16xi32>, vector<16xi32>], vector<16xf32>, vector<16xi1>
        %add3A_344 = arith.constant 16 : i32
        %add3A_345 = vector.broadcast %add3A_344 : i32 to vector<16xi32>
        %add3A_346 = arith.addi %iota3A, %add3A_345 : vector<16xi32>
        %mul3A_347 = arith.constant 9363 : i32
        %mul3A_348 = vector.broadcast %mul3A_347 : i32 to vector<16xi32>
        %mul3A_349 = arith.muli %add3A_346, %mul3A_348 : vector<16xi32>
        %shift_right_arithmetic3A_350 = arith.constant 16 : i32
        %shift_right_arithmetic3A_351 = vector.broadcast %shift_right_arithmetic3A_350 : i32 to vector<16xi32>
        %shift_right_arithmetic3A_352 = arith.shrsi %mul3A_349, %shift_right_arithmetic3A_351 : vector<16xi32>
        %mul3A_353 = arith.constant 7 : i32
        %mul3A_354 = vector.broadcast %mul3A_353 : i32 to vector<16xi32>
        %mul3A_355 = arith.muli %shift_right_arithmetic3A_352, %mul3A_354 : vector<16xi32>
        %sub3A_356 = arith.subi %add3A_346, %mul3A_355 : vector<16xi32>
        %convert_element_type3A_357 = arith.sitofp %shift_right_arithmetic3A_352 : vector<16xi32> to vector<16xf32>
        %add3A_358 = arith.constant 5.000000e-01 : f32
        %add3A_359 = vector.broadcast %add3A_358 : f32 to vector<16xf32>
        %add3A_360 = arith.addf %convert_element_type3A_357, %add3A_359 : vector<16xf32>
        %mul3A_361 = arith.mulf %add3A_360, %div3A_186 : vector<16xf32>
        %add3A_362 = arith.addf %mul3A_177, %mul3A_361 : vector<16xf32>
        %sub3A_363 = arith.constant 5.000000e-01 : f32
        %sub3A_364 = vector.broadcast %sub3A_363 : f32 to vector<16xf32>
        %sub3A_365 = arith.subf %add3A_362, %sub3A_364 : vector<16xf32>
        %convert_element_type3A_366 = arith.sitofp %sub3A_356 : vector<16xi32> to vector<16xf32>
        %add3A_367 = arith.constant 5.000000e-01 : f32
        %add3A_368 = vector.broadcast %add3A_367 : f32 to vector<16xf32>
        %add3A_369 = arith.addf %convert_element_type3A_366, %add3A_368 : vector<16xf32>
        %mul3A_370 = arith.mulf %add3A_369, %div3A_181 : vector<16xf32>
        %add3A_371 = arith.addf %mul3A_176, %mul3A_370 : vector<16xf32>
        %sub3A_372 = arith.constant 5.000000e-01 : f32
        %sub3A_373 = vector.broadcast %sub3A_372 : f32 to vector<16xf32>
        %sub3A_374 = arith.subf %add3A_371, %sub3A_373 : vector<16xf32>
        %convert_element_type3A_375 = arith.fptosi %sub3A_365 : vector<16xf32> to vector<16xi32>
        %convert_element_type3A_376 = arith.sitofp %convert_element_type3A_375 : vector<16xi32> to vector<16xf32>
        %gt3A_377 = arith.cmpf ogt, %convert_element_type3A_376, %sub3A_365 : vector<16xf32>
        %sub3A_378 = arith.constant 1 : i32
        %sub3A_379 = vector.broadcast %sub3A_378 : i32 to vector<16xi32>
        %sub3A_380 = arith.subi %convert_element_type3A_375, %sub3A_379 : vector<16xi32>
        %select_n3A_381 = arith.select %gt3A_377, %sub3A_380, %convert_element_type3A_375 : vector<16xi1>, vector<16xi32>
        %convert_element_type3A_382 = arith.fptosi %sub3A_374 : vector<16xf32> to vector<16xi32>
        %convert_element_type3A_383 = arith.sitofp %convert_element_type3A_382 : vector<16xi32> to vector<16xf32>
        %gt3A_384 = arith.cmpf ogt, %convert_element_type3A_383, %sub3A_374 : vector<16xf32>
        %sub3A_385 = arith.constant 1 : i32
        %sub3A_386 = vector.broadcast %sub3A_385 : i32 to vector<16xi32>
        %sub3A_387 = arith.subi %convert_element_type3A_382, %sub3A_386 : vector<16xi32>
        %select_n3A_388 = arith.select %gt3A_384, %sub3A_387, %convert_element_type3A_382 : vector<16xi1>, vector<16xi32>
        %convert_element_type3A_389 = arith.sitofp %select_n3A_381 : vector<16xi32> to vector<16xf32>
        %sub3A_390 = arith.subf %sub3A_365, %convert_element_type3A_389 : vector<16xf32>
        %convert_element_type3A_391 = arith.sitofp %select_n3A_388 : vector<16xi32> to vector<16xf32>
        %sub3A_392 = arith.subf %sub3A_374, %convert_element_type3A_391 : vector<16xf32>
        %sub3A_393 = arith.constant 1.000000e+00 : f32
        %sub3A_394 = vector.broadcast %sub3A_393 : f32 to vector<16xf32>
        %sub3A_395 = arith.subf %sub3A_394, %sub3A_390 : vector<16xf32>
        %sub3A_396 = arith.constant 1.000000e+00 : f32
        %sub3A_397 = vector.broadcast %sub3A_396 : f32 to vector<16xf32>
        %sub3A_398 = arith.subf %sub3A_397, %sub3A_392 : vector<16xf32>
        %jit3A_399 = arith.constant 0 : i32
        %max3A_400 = vector.broadcast %jit3A_399 : i32 to vector<16xi32>
        %max3A_401 = arith.maxsi %max3A_400, %select_n3A_381 : vector<16xi32>
        %min3A_402 = arith.minsi %sub3A_189, %max3A_401 : vector<16xi32>
        %add3A_403 = arith.constant 1 : i32
        %add3A_404 = vector.broadcast %add3A_403 : i32 to vector<16xi32>
        %add3A_405 = arith.addi %select_n3A_381, %add3A_404 : vector<16xi32>
        %jit3A_406 = arith.constant 0 : i32
        %max3A_407 = vector.broadcast %jit3A_406 : i32 to vector<16xi32>
        %max3A_408 = arith.maxsi %max3A_407, %add3A_405 : vector<16xi32>
        %min3A_409 = arith.minsi %sub3A_189, %max3A_408 : vector<16xi32>
        %jit3A_410 = arith.constant 0 : i32
        %max3A_411 = vector.broadcast %jit3A_410 : i32 to vector<16xi32>
        %max3A_412 = arith.maxsi %max3A_411, %select_n3A_388 : vector<16xi32>
        %min3A_413 = arith.minsi %sub3A_189, %max3A_412 : vector<16xi32>
        %add3A_414 = arith.constant 1 : i32
        %add3A_415 = vector.broadcast %add3A_414 : i32 to vector<16xi32>
        %add3A_416 = arith.addi %select_n3A_388, %add3A_415 : vector<16xi32>
        %jit3A_417 = arith.constant 0 : i32
        %max3A_418 = vector.broadcast %jit3A_417 : i32 to vector<16xi32>
        %max3A_419 = arith.maxsi %max3A_418, %add3A_416 : vector<16xi32>
        %min3A_420 = arith.minsi %sub3A_189, %max3A_419 : vector<16xi32>
        %mul3A_421 = arith.muli %min3A_402, %select_n3A_175 : vector<16xi32>
        %add3A_422 = arith.addi %select_n3A_155, %mul3A_421 : vector<16xi32>
        %mul3A_423 = arith.muli %min3A_409, %select_n3A_175 : vector<16xi32>
        %add3A_424 = arith.addi %select_n3A_155, %mul3A_423 : vector<16xi32>
        %add3A_425 = arith.addi %add3A_422, %min3A_413 : vector<16xi32>
        %add3A_426 = arith.addi %add3A_422, %min3A_420 : vector<16xi32>
        %add3A_427 = arith.addi %add3A_424, %min3A_413 : vector<16xi32>
        %add3A_428 = arith.addi %add3A_424, %min3A_420 : vector<16xi32>
        %mul3A_429 = arith.mulf %sub3A_395, %sub3A_398 : vector<16xf32>
        %mul3A_430 = arith.mulf %sub3A_395, %sub3A_392 : vector<16xf32>
        %mul3A_431 = arith.mulf %sub3A_390, %sub3A_398 : vector<16xf32>
        %mul3A_432 = arith.mulf %sub3A_390, %sub3A_392 : vector<16xf32>
        %lt3A_433 = arith.constant 49 : i32
        %lt3A_434 = vector.broadcast %lt3A_433 : i32 to vector<16xi32>
        %lt3A_435 = arith.cmpi slt, %add3A_346, %lt3A_434 : vector<16xi32>
        %mul3A_436 = arith.constant 4 : i32
        %mul3A_437 = vector.broadcast %mul3A_436 : i32 to vector<16xi32>
        %mul3A_438 = arith.muli %add3A_346, %mul3A_437 : vector<16xi32>
        %add3A_439 = arith.constant 0 : i32
        %add3A_440 = vector.broadcast %add3A_439 : i32 to vector<16xi32>
        %add3A_441 = arith.addi %mul3A_438, %add3A_440 : vector<16xi32>
        %mul3A_442 = arith.constant 669 : i32
        %mul3A_443 = vector.broadcast %mul3A_442 : i32 to vector<16xi32>
        %mul3A_444 = arith.muli %add3A_441, %mul3A_443 : vector<16xi32>
        %shift_right_arithmetic3A_445 = arith.constant 16 : i32
        %shift_right_arithmetic3A_446 = vector.broadcast %shift_right_arithmetic3A_445 : i32 to vector<16xi32>
        %shift_right_arithmetic3A_447 = arith.shrsi %mul3A_444, %shift_right_arithmetic3A_446 : vector<16xi32>
        %mul3A_448 = arith.constant 98 : i32
        %mul3A_449 = vector.broadcast %mul3A_448 : i32 to vector<16xi32>
        %mul3A_450 = arith.muli %shift_right_arithmetic3A_447, %mul3A_449 : vector<16xi32>
        %sub3A_451 = arith.subi %add3A_441, %mul3A_450 : vector<16xi32>
        tpu.vector_store_idx %arg6[%broadcast_in_dim3A_191, %shift_right_arithmetic3A_447, %sub3A_451], %add3A_425 masked %lt3A_435 : memref<2x2x104xi32, #tpu.memory_space<vmem>>[vector<16xi32>, vector<16xi32>, vector<16xi32>], vector<16xi32>, vector<16xi1>
        %broadcast_in_dim3A_452 = arith.constant 0 : i32
        %broadcast_in_dim3A_453 = vector.broadcast %broadcast_in_dim3A_452 : i32 to vector<16xi32>
        tpu.vector_store_idx %arg7[%broadcast_in_dim3A_191, %add3A_346, %broadcast_in_dim3A_453], %mul3A_429 masked %lt3A_435 : memref<2x49x16xf32, #tpu.memory_space<vmem>>[vector<16xi32>, vector<16xi32>, vector<16xi32>], vector<16xf32>, vector<16xi1>
        %add3A_454 = arith.constant 1 : i32
        %add3A_455 = vector.broadcast %add3A_454 : i32 to vector<16xi32>
        %add3A_456 = arith.addi %mul3A_438, %add3A_455 : vector<16xi32>
        %mul3A_457 = arith.constant 669 : i32
        %mul3A_458 = vector.broadcast %mul3A_457 : i32 to vector<16xi32>
        %mul3A_459 = arith.muli %add3A_456, %mul3A_458 : vector<16xi32>
        %shift_right_arithmetic3A_460 = arith.constant 16 : i32
        %shift_right_arithmetic3A_461 = vector.broadcast %shift_right_arithmetic3A_460 : i32 to vector<16xi32>
        %shift_right_arithmetic3A_462 = arith.shrsi %mul3A_459, %shift_right_arithmetic3A_461 : vector<16xi32>
        %mul3A_463 = arith.constant 98 : i32
        %mul3A_464 = vector.broadcast %mul3A_463 : i32 to vector<16xi32>
        %mul3A_465 = arith.muli %shift_right_arithmetic3A_462, %mul3A_464 : vector<16xi32>
        %sub3A_466 = arith.subi %add3A_456, %mul3A_465 : vector<16xi32>
        tpu.vector_store_idx %arg6[%broadcast_in_dim3A_191, %shift_right_arithmetic3A_462, %sub3A_466], %add3A_426 masked %lt3A_435 : memref<2x2x104xi32, #tpu.memory_space<vmem>>[vector<16xi32>, vector<16xi32>, vector<16xi32>], vector<16xi32>, vector<16xi1>
        %broadcast_in_dim3A_467 = arith.constant 1 : i32
        %broadcast_in_dim3A_468 = vector.broadcast %broadcast_in_dim3A_467 : i32 to vector<16xi32>
        tpu.vector_store_idx %arg7[%broadcast_in_dim3A_191, %add3A_346, %broadcast_in_dim3A_468], %mul3A_430 masked %lt3A_435 : memref<2x49x16xf32, #tpu.memory_space<vmem>>[vector<16xi32>, vector<16xi32>, vector<16xi32>], vector<16xf32>, vector<16xi1>
        %add3A_469 = arith.constant 2 : i32
        %add3A_470 = vector.broadcast %add3A_469 : i32 to vector<16xi32>
        %add3A_471 = arith.addi %mul3A_438, %add3A_470 : vector<16xi32>
        %mul3A_472 = arith.constant 669 : i32
        %mul3A_473 = vector.broadcast %mul3A_472 : i32 to vector<16xi32>
        %mul3A_474 = arith.muli %add3A_471, %mul3A_473 : vector<16xi32>
        %shift_right_arithmetic3A_475 = arith.constant 16 : i32
        %shift_right_arithmetic3A_476 = vector.broadcast %shift_right_arithmetic3A_475 : i32 to vector<16xi32>
        %shift_right_arithmetic3A_477 = arith.shrsi %mul3A_474, %shift_right_arithmetic3A_476 : vector<16xi32>
        %mul3A_478 = arith.constant 98 : i32
        %mul3A_479 = vector.broadcast %mul3A_478 : i32 to vector<16xi32>
        %mul3A_480 = arith.muli %shift_right_arithmetic3A_477, %mul3A_479 : vector<16xi32>
        %sub3A_481 = arith.subi %add3A_471, %mul3A_480 : vector<16xi32>
        tpu.vector_store_idx %arg6[%broadcast_in_dim3A_191, %shift_right_arithmetic3A_477, %sub3A_481], %add3A_427 masked %lt3A_435 : memref<2x2x104xi32, #tpu.memory_space<vmem>>[vector<16xi32>, vector<16xi32>, vector<16xi32>], vector<16xi32>, vector<16xi1>
        %broadcast_in_dim3A_482 = arith.constant 2 : i32
        %broadcast_in_dim3A_483 = vector.broadcast %broadcast_in_dim3A_482 : i32 to vector<16xi32>
        tpu.vector_store_idx %arg7[%broadcast_in_dim3A_191, %add3A_346, %broadcast_in_dim3A_483], %mul3A_431 masked %lt3A_435 : memref<2x49x16xf32, #tpu.memory_space<vmem>>[vector<16xi32>, vector<16xi32>, vector<16xi32>], vector<16xf32>, vector<16xi1>
        %add3A_484 = arith.constant 3 : i32
        %add3A_485 = vector.broadcast %add3A_484 : i32 to vector<16xi32>
        %add3A_486 = arith.addi %mul3A_438, %add3A_485 : vector<16xi32>
        %mul3A_487 = arith.constant 669 : i32
        %mul3A_488 = vector.broadcast %mul3A_487 : i32 to vector<16xi32>
        %mul3A_489 = arith.muli %add3A_486, %mul3A_488 : vector<16xi32>
        %shift_right_arithmetic3A_490 = arith.constant 16 : i32
        %shift_right_arithmetic3A_491 = vector.broadcast %shift_right_arithmetic3A_490 : i32 to vector<16xi32>
        %shift_right_arithmetic3A_492 = arith.shrsi %mul3A_489, %shift_right_arithmetic3A_491 : vector<16xi32>
        %mul3A_493 = arith.constant 98 : i32
        %mul3A_494 = vector.broadcast %mul3A_493 : i32 to vector<16xi32>
        %mul3A_495 = arith.muli %shift_right_arithmetic3A_492, %mul3A_494 : vector<16xi32>
        %sub3A_496 = arith.subi %add3A_486, %mul3A_495 : vector<16xi32>
        tpu.vector_store_idx %arg6[%broadcast_in_dim3A_191, %shift_right_arithmetic3A_492, %sub3A_496], %add3A_428 masked %lt3A_435 : memref<2x2x104xi32, #tpu.memory_space<vmem>>[vector<16xi32>, vector<16xi32>, vector<16xi32>], vector<16xi32>, vector<16xi1>
        %broadcast_in_dim3A_497 = arith.constant 3 : i32
        %broadcast_in_dim3A_498 = vector.broadcast %broadcast_in_dim3A_497 : i32 to vector<16xi32>
        tpu.vector_store_idx %arg7[%broadcast_in_dim3A_191, %add3A_346, %broadcast_in_dim3A_498], %mul3A_432 masked %lt3A_435 : memref<2x49x16xf32, #tpu.memory_space<vmem>>[vector<16xi32>, vector<16xi32>, vector<16xi32>], vector<16xf32>, vector<16xi1>
        %add3A_499 = arith.constant 32 : i32
        %add3A_500 = vector.broadcast %add3A_499 : i32 to vector<16xi32>
        %add3A_501 = arith.addi %iota3A, %add3A_500 : vector<16xi32>
        %mul3A_502 = arith.constant 9363 : i32
        %mul3A_503 = vector.broadcast %mul3A_502 : i32 to vector<16xi32>
        %mul3A_504 = arith.muli %add3A_501, %mul3A_503 : vector<16xi32>
        %shift_right_arithmetic3A_505 = arith.constant 16 : i32
        %shift_right_arithmetic3A_506 = vector.broadcast %shift_right_arithmetic3A_505 : i32 to vector<16xi32>
        %shift_right_arithmetic3A_507 = arith.shrsi %mul3A_504, %shift_right_arithmetic3A_506 : vector<16xi32>
        %mul3A_508 = arith.constant 7 : i32
        %mul3A_509 = vector.broadcast %mul3A_508 : i32 to vector<16xi32>
        %mul3A_510 = arith.muli %shift_right_arithmetic3A_507, %mul3A_509 : vector<16xi32>
        %sub3A_511 = arith.subi %add3A_501, %mul3A_510 : vector<16xi32>
        %convert_element_type3A_512 = arith.sitofp %shift_right_arithmetic3A_507 : vector<16xi32> to vector<16xf32>
        %add3A_513 = arith.constant 5.000000e-01 : f32
        %add3A_514 = vector.broadcast %add3A_513 : f32 to vector<16xf32>
        %add3A_515 = arith.addf %convert_element_type3A_512, %add3A_514 : vector<16xf32>
        %mul3A_516 = arith.mulf %add3A_515, %div3A_186 : vector<16xf32>
        %add3A_517 = arith.addf %mul3A_177, %mul3A_516 : vector<16xf32>
        %sub3A_518 = arith.constant 5.000000e-01 : f32
        %sub3A_519 = vector.broadcast %sub3A_518 : f32 to vector<16xf32>
        %sub3A_520 = arith.subf %add3A_517, %sub3A_519 : vector<16xf32>
        %convert_element_type3A_521 = arith.sitofp %sub3A_511 : vector<16xi32> to vector<16xf32>
        %add3A_522 = arith.constant 5.000000e-01 : f32
        %add3A_523 = vector.broadcast %add3A_522 : f32 to vector<16xf32>
        %add3A_524 = arith.addf %convert_element_type3A_521, %add3A_523 : vector<16xf32>
        %mul3A_525 = arith.mulf %add3A_524, %div3A_181 : vector<16xf32>
        %add3A_526 = arith.addf %mul3A_176, %mul3A_525 : vector<16xf32>
        %sub3A_527 = arith.constant 5.000000e-01 : f32
        %sub3A_528 = vector.broadcast %sub3A_527 : f32 to vector<16xf32>
        %sub3A_529 = arith.subf %add3A_526, %sub3A_528 : vector<16xf32>
        %convert_element_type3A_530 = arith.fptosi %sub3A_520 : vector<16xf32> to vector<16xi32>
        %convert_element_type3A_531 = arith.sitofp %convert_element_type3A_530 : vector<16xi32> to vector<16xf32>
        %gt3A_532 = arith.cmpf ogt, %convert_element_type3A_531, %sub3A_520 : vector<16xf32>
        %sub3A_533 = arith.constant 1 : i32
        %sub3A_534 = vector.broadcast %sub3A_533 : i32 to vector<16xi32>
        %sub3A_535 = arith.subi %convert_element_type3A_530, %sub3A_534 : vector<16xi32>
        %select_n3A_536 = arith.select %gt3A_532, %sub3A_535, %convert_element_type3A_530 : vector<16xi1>, vector<16xi32>
        %convert_element_type3A_537 = arith.fptosi %sub3A_529 : vector<16xf32> to vector<16xi32>
        %convert_element_type3A_538 = arith.sitofp %convert_element_type3A_537 : vector<16xi32> to vector<16xf32>
        %gt3A_539 = arith.cmpf ogt, %convert_element_type3A_538, %sub3A_529 : vector<16xf32>
        %sub3A_540 = arith.constant 1 : i32
        %sub3A_541 = vector.broadcast %sub3A_540 : i32 to vector<16xi32>
        %sub3A_542 = arith.subi %convert_element_type3A_537, %sub3A_541 : vector<16xi32>
        %select_n3A_543 = arith.select %gt3A_539, %sub3A_542, %convert_element_type3A_537 : vector<16xi1>, vector<16xi32>
        %convert_element_type3A_544 = arith.sitofp %select_n3A_536 : vector<16xi32> to vector<16xf32>
        %sub3A_545 = arith.subf %sub3A_520, %convert_element_type3A_544 : vector<16xf32>
        %convert_element_type3A_546 = arith.sitofp %select_n3A_543 : vector<16xi32> to vector<16xf32>
        %sub3A_547 = arith.subf %sub3A_529, %convert_element_type3A_546 : vector<16xf32>
        %sub3A_548 = arith.constant 1.000000e+00 : f32
        %sub3A_549 = vector.broadcast %sub3A_548 : f32 to vector<16xf32>
        %sub3A_550 = arith.subf %sub3A_549, %sub3A_545 : vector<16xf32>
        %sub3A_551 = arith.constant 1.000000e+00 : f32
        %sub3A_552 = vector.broadcast %sub3A_551 : f32 to vector<16xf32>
        %sub3A_553 = arith.subf %sub3A_552, %sub3A_547 : vector<16xf32>
        %jit3A_554 = arith.constant 0 : i32
        %max3A_555 = vector.broadcast %jit3A_554 : i32 to vector<16xi32>
        %max3A_556 = arith.maxsi %max3A_555, %select_n3A_536 : vector<16xi32>
        %min3A_557 = arith.minsi %sub3A_189, %max3A_556 : vector<16xi32>
        %add3A_558 = arith.constant 1 : i32
        %add3A_559 = vector.broadcast %add3A_558 : i32 to vector<16xi32>
        %add3A_560 = arith.addi %select_n3A_536, %add3A_559 : vector<16xi32>
        %jit3A_561 = arith.constant 0 : i32
        %max3A_562 = vector.broadcast %jit3A_561 : i32 to vector<16xi32>
        %max3A_563 = arith.maxsi %max3A_562, %add3A_560 : vector<16xi32>
        %min3A_564 = arith.minsi %sub3A_189, %max3A_563 : vector<16xi32>
        %jit3A_565 = arith.constant 0 : i32
        %max3A_566 = vector.broadcast %jit3A_565 : i32 to vector<16xi32>
        %max3A_567 = arith.maxsi %max3A_566, %select_n3A_543 : vector<16xi32>
        %min3A_568 = arith.minsi %sub3A_189, %max3A_567 : vector<16xi32>
        %add3A_569 = arith.constant 1 : i32
        %add3A_570 = vector.broadcast %add3A_569 : i32 to vector<16xi32>
        %add3A_571 = arith.addi %select_n3A_543, %add3A_570 : vector<16xi32>
        %jit3A_572 = arith.constant 0 : i32
        %max3A_573 = vector.broadcast %jit3A_572 : i32 to vector<16xi32>
        %max3A_574 = arith.maxsi %max3A_573, %add3A_571 : vector<16xi32>
        %min3A_575 = arith.minsi %sub3A_189, %max3A_574 : vector<16xi32>
        %mul3A_576 = arith.muli %min3A_557, %select_n3A_175 : vector<16xi32>
        %add3A_577 = arith.addi %select_n3A_155, %mul3A_576 : vector<16xi32>
        %mul3A_578 = arith.muli %min3A_564, %select_n3A_175 : vector<16xi32>
        %add3A_579 = arith.addi %select_n3A_155, %mul3A_578 : vector<16xi32>
        %add3A_580 = arith.addi %add3A_577, %min3A_568 : vector<16xi32>
        %add3A_581 = arith.addi %add3A_577, %min3A_575 : vector<16xi32>
        %add3A_582 = arith.addi %add3A_579, %min3A_568 : vector<16xi32>
        %add3A_583 = arith.addi %add3A_579, %min3A_575 : vector<16xi32>
        %mul3A_584 = arith.mulf %sub3A_550, %sub3A_553 : vector<16xf32>
        %mul3A_585 = arith.mulf %sub3A_550, %sub3A_547 : vector<16xf32>
        %mul3A_586 = arith.mulf %sub3A_545, %sub3A_553 : vector<16xf32>
        %mul3A_587 = arith.mulf %sub3A_545, %sub3A_547 : vector<16xf32>
        %lt3A_588 = arith.constant 49 : i32
        %lt3A_589 = vector.broadcast %lt3A_588 : i32 to vector<16xi32>
        %lt3A_590 = arith.cmpi slt, %add3A_501, %lt3A_589 : vector<16xi32>
        %mul3A_591 = arith.constant 4 : i32
        %mul3A_592 = vector.broadcast %mul3A_591 : i32 to vector<16xi32>
        %mul3A_593 = arith.muli %add3A_501, %mul3A_592 : vector<16xi32>
        %add3A_594 = arith.constant 0 : i32
        %add3A_595 = vector.broadcast %add3A_594 : i32 to vector<16xi32>
        %add3A_596 = arith.addi %mul3A_593, %add3A_595 : vector<16xi32>
        %mul3A_597 = arith.constant 669 : i32
        %mul3A_598 = vector.broadcast %mul3A_597 : i32 to vector<16xi32>
        %mul3A_599 = arith.muli %add3A_596, %mul3A_598 : vector<16xi32>
        %shift_right_arithmetic3A_600 = arith.constant 16 : i32
        %shift_right_arithmetic3A_601 = vector.broadcast %shift_right_arithmetic3A_600 : i32 to vector<16xi32>
        %shift_right_arithmetic3A_602 = arith.shrsi %mul3A_599, %shift_right_arithmetic3A_601 : vector<16xi32>
        %mul3A_603 = arith.constant 98 : i32
        %mul3A_604 = vector.broadcast %mul3A_603 : i32 to vector<16xi32>
        %mul3A_605 = arith.muli %shift_right_arithmetic3A_602, %mul3A_604 : vector<16xi32>
        %sub3A_606 = arith.subi %add3A_596, %mul3A_605 : vector<16xi32>
        tpu.vector_store_idx %arg6[%broadcast_in_dim3A_191, %shift_right_arithmetic3A_602, %sub3A_606], %add3A_580 masked %lt3A_590 : memref<2x2x104xi32, #tpu.memory_space<vmem>>[vector<16xi32>, vector<16xi32>, vector<16xi32>], vector<16xi32>, vector<16xi1>
        %broadcast_in_dim3A_607 = arith.constant 0 : i32
        %broadcast_in_dim3A_608 = vector.broadcast %broadcast_in_dim3A_607 : i32 to vector<16xi32>
        tpu.vector_store_idx %arg7[%broadcast_in_dim3A_191, %add3A_501, %broadcast_in_dim3A_608], %mul3A_584 masked %lt3A_590 : memref<2x49x16xf32, #tpu.memory_space<vmem>>[vector<16xi32>, vector<16xi32>, vector<16xi32>], vector<16xf32>, vector<16xi1>
        %add3A_609 = arith.constant 1 : i32
        %add3A_610 = vector.broadcast %add3A_609 : i32 to vector<16xi32>
        %add3A_611 = arith.addi %mul3A_593, %add3A_610 : vector<16xi32>
        %mul3A_612 = arith.constant 669 : i32
        %mul3A_613 = vector.broadcast %mul3A_612 : i32 to vector<16xi32>
        %mul3A_614 = arith.muli %add3A_611, %mul3A_613 : vector<16xi32>
        %shift_right_arithmetic3A_615 = arith.constant 16 : i32
        %shift_right_arithmetic3A_616 = vector.broadcast %shift_right_arithmetic3A_615 : i32 to vector<16xi32>
        %shift_right_arithmetic3A_617 = arith.shrsi %mul3A_614, %shift_right_arithmetic3A_616 : vector<16xi32>
        %mul3A_618 = arith.constant 98 : i32
        %mul3A_619 = vector.broadcast %mul3A_618 : i32 to vector<16xi32>
        %mul3A_620 = arith.muli %shift_right_arithmetic3A_617, %mul3A_619 : vector<16xi32>
        %sub3A_621 = arith.subi %add3A_611, %mul3A_620 : vector<16xi32>
        tpu.vector_store_idx %arg6[%broadcast_in_dim3A_191, %shift_right_arithmetic3A_617, %sub3A_621], %add3A_581 masked %lt3A_590 : memref<2x2x104xi32, #tpu.memory_space<vmem>>[vector<16xi32>, vector<16xi32>, vector<16xi32>], vector<16xi32>, vector<16xi1>
        %broadcast_in_dim3A_622 = arith.constant 1 : i32
        %broadcast_in_dim3A_623 = vector.broadcast %broadcast_in_dim3A_622 : i32 to vector<16xi32>
        tpu.vector_store_idx %arg7[%broadcast_in_dim3A_191, %add3A_501, %broadcast_in_dim3A_623], %mul3A_585 masked %lt3A_590 : memref<2x49x16xf32, #tpu.memory_space<vmem>>[vector<16xi32>, vector<16xi32>, vector<16xi32>], vector<16xf32>, vector<16xi1>
        %add3A_624 = arith.constant 2 : i32
        %add3A_625 = vector.broadcast %add3A_624 : i32 to vector<16xi32>
        %add3A_626 = arith.addi %mul3A_593, %add3A_625 : vector<16xi32>
        %mul3A_627 = arith.constant 669 : i32
        %mul3A_628 = vector.broadcast %mul3A_627 : i32 to vector<16xi32>
        %mul3A_629 = arith.muli %add3A_626, %mul3A_628 : vector<16xi32>
        %shift_right_arithmetic3A_630 = arith.constant 16 : i32
        %shift_right_arithmetic3A_631 = vector.broadcast %shift_right_arithmetic3A_630 : i32 to vector<16xi32>
        %shift_right_arithmetic3A_632 = arith.shrsi %mul3A_629, %shift_right_arithmetic3A_631 : vector<16xi32>
        %mul3A_633 = arith.constant 98 : i32
        %mul3A_634 = vector.broadcast %mul3A_633 : i32 to vector<16xi32>
        %mul3A_635 = arith.muli %shift_right_arithmetic3A_632, %mul3A_634 : vector<16xi32>
        %sub3A_636 = arith.subi %add3A_626, %mul3A_635 : vector<16xi32>
        tpu.vector_store_idx %arg6[%broadcast_in_dim3A_191, %shift_right_arithmetic3A_632, %sub3A_636], %add3A_582 masked %lt3A_590 : memref<2x2x104xi32, #tpu.memory_space<vmem>>[vector<16xi32>, vector<16xi32>, vector<16xi32>], vector<16xi32>, vector<16xi1>
        %broadcast_in_dim3A_637 = arith.constant 2 : i32
        %broadcast_in_dim3A_638 = vector.broadcast %broadcast_in_dim3A_637 : i32 to vector<16xi32>
        tpu.vector_store_idx %arg7[%broadcast_in_dim3A_191, %add3A_501, %broadcast_in_dim3A_638], %mul3A_586 masked %lt3A_590 : memref<2x49x16xf32, #tpu.memory_space<vmem>>[vector<16xi32>, vector<16xi32>, vector<16xi32>], vector<16xf32>, vector<16xi1>
        %add3A_639 = arith.constant 3 : i32
        %add3A_640 = vector.broadcast %add3A_639 : i32 to vector<16xi32>
        %add3A_641 = arith.addi %mul3A_593, %add3A_640 : vector<16xi32>
        %mul3A_642 = arith.constant 669 : i32
        %mul3A_643 = vector.broadcast %mul3A_642 : i32 to vector<16xi32>
        %mul3A_644 = arith.muli %add3A_641, %mul3A_643 : vector<16xi32>
        %shift_right_arithmetic3A_645 = arith.constant 16 : i32
        %shift_right_arithmetic3A_646 = vector.broadcast %shift_right_arithmetic3A_645 : i32 to vector<16xi32>
        %shift_right_arithmetic3A_647 = arith.shrsi %mul3A_644, %shift_right_arithmetic3A_646 : vector<16xi32>
        %mul3A_648 = arith.constant 98 : i32
        %mul3A_649 = vector.broadcast %mul3A_648 : i32 to vector<16xi32>
        %mul3A_650 = arith.muli %shift_right_arithmetic3A_647, %mul3A_649 : vector<16xi32>
        %sub3A_651 = arith.subi %add3A_641, %mul3A_650 : vector<16xi32>
        tpu.vector_store_idx %arg6[%broadcast_in_dim3A_191, %shift_right_arithmetic3A_647, %sub3A_651], %add3A_583 masked %lt3A_590 : memref<2x2x104xi32, #tpu.memory_space<vmem>>[vector<16xi32>, vector<16xi32>, vector<16xi32>], vector<16xi32>, vector<16xi1>
        %broadcast_in_dim3A_652 = arith.constant 3 : i32
        %broadcast_in_dim3A_653 = vector.broadcast %broadcast_in_dim3A_652 : i32 to vector<16xi32>
        tpu.vector_store_idx %arg7[%broadcast_in_dim3A_191, %add3A_501, %broadcast_in_dim3A_653], %mul3A_587 masked %lt3A_590 : memref<2x49x16xf32, #tpu.memory_space<vmem>>[vector<16xi32>, vector<16xi32>, vector<16xi32>], vector<16xf32>, vector<16xi1>
        %add3A_654 = arith.constant 48 : i32
        %add3A_655 = vector.broadcast %add3A_654 : i32 to vector<16xi32>
        %add3A_656 = arith.addi %iota3A, %add3A_655 : vector<16xi32>
        %mul3A_657 = arith.constant 9363 : i32
        %mul3A_658 = vector.broadcast %mul3A_657 : i32 to vector<16xi32>
        %mul3A_659 = arith.muli %add3A_656, %mul3A_658 : vector<16xi32>
        %shift_right_arithmetic3A_660 = arith.constant 16 : i32
        %shift_right_arithmetic3A_661 = vector.broadcast %shift_right_arithmetic3A_660 : i32 to vector<16xi32>
        %shift_right_arithmetic3A_662 = arith.shrsi %mul3A_659, %shift_right_arithmetic3A_661 : vector<16xi32>
        %mul3A_663 = arith.constant 7 : i32
        %mul3A_664 = vector.broadcast %mul3A_663 : i32 to vector<16xi32>
        %mul3A_665 = arith.muli %shift_right_arithmetic3A_662, %mul3A_664 : vector<16xi32>
        %sub3A_666 = arith.subi %add3A_656, %mul3A_665 : vector<16xi32>
        %convert_element_type3A_667 = arith.sitofp %shift_right_arithmetic3A_662 : vector<16xi32> to vector<16xf32>
        %add3A_668 = arith.constant 5.000000e-01 : f32
        %add3A_669 = vector.broadcast %add3A_668 : f32 to vector<16xf32>
        %add3A_670 = arith.addf %convert_element_type3A_667, %add3A_669 : vector<16xf32>
        %mul3A_671 = arith.mulf %add3A_670, %div3A_186 : vector<16xf32>
        %add3A_672 = arith.addf %mul3A_177, %mul3A_671 : vector<16xf32>
        %sub3A_673 = arith.constant 5.000000e-01 : f32
        %sub3A_674 = vector.broadcast %sub3A_673 : f32 to vector<16xf32>
        %sub3A_675 = arith.subf %add3A_672, %sub3A_674 : vector<16xf32>
        %convert_element_type3A_676 = arith.sitofp %sub3A_666 : vector<16xi32> to vector<16xf32>
        %add3A_677 = arith.constant 5.000000e-01 : f32
        %add3A_678 = vector.broadcast %add3A_677 : f32 to vector<16xf32>
        %add3A_679 = arith.addf %convert_element_type3A_676, %add3A_678 : vector<16xf32>
        %mul3A_680 = arith.mulf %add3A_679, %div3A_181 : vector<16xf32>
        %add3A_681 = arith.addf %mul3A_176, %mul3A_680 : vector<16xf32>
        %sub3A_682 = arith.constant 5.000000e-01 : f32
        %sub3A_683 = vector.broadcast %sub3A_682 : f32 to vector<16xf32>
        %sub3A_684 = arith.subf %add3A_681, %sub3A_683 : vector<16xf32>
        %convert_element_type3A_685 = arith.fptosi %sub3A_675 : vector<16xf32> to vector<16xi32>
        %convert_element_type3A_686 = arith.sitofp %convert_element_type3A_685 : vector<16xi32> to vector<16xf32>
        %gt3A_687 = arith.cmpf ogt, %convert_element_type3A_686, %sub3A_675 : vector<16xf32>
        %sub3A_688 = arith.constant 1 : i32
        %sub3A_689 = vector.broadcast %sub3A_688 : i32 to vector<16xi32>
        %sub3A_690 = arith.subi %convert_element_type3A_685, %sub3A_689 : vector<16xi32>
        %select_n3A_691 = arith.select %gt3A_687, %sub3A_690, %convert_element_type3A_685 : vector<16xi1>, vector<16xi32>
        %convert_element_type3A_692 = arith.fptosi %sub3A_684 : vector<16xf32> to vector<16xi32>
        %convert_element_type3A_693 = arith.sitofp %convert_element_type3A_692 : vector<16xi32> to vector<16xf32>
        %gt3A_694 = arith.cmpf ogt, %convert_element_type3A_693, %sub3A_684 : vector<16xf32>
        %sub3A_695 = arith.constant 1 : i32
        %sub3A_696 = vector.broadcast %sub3A_695 : i32 to vector<16xi32>
        %sub3A_697 = arith.subi %convert_element_type3A_692, %sub3A_696 : vector<16xi32>
        %select_n3A_698 = arith.select %gt3A_694, %sub3A_697, %convert_element_type3A_692 : vector<16xi1>, vector<16xi32>
        %convert_element_type3A_699 = arith.sitofp %select_n3A_691 : vector<16xi32> to vector<16xf32>
        %sub3A_700 = arith.subf %sub3A_675, %convert_element_type3A_699 : vector<16xf32>
        %convert_element_type3A_701 = arith.sitofp %select_n3A_698 : vector<16xi32> to vector<16xf32>
        %sub3A_702 = arith.subf %sub3A_684, %convert_element_type3A_701 : vector<16xf32>
        %sub3A_703 = arith.constant 1.000000e+00 : f32
        %sub3A_704 = vector.broadcast %sub3A_703 : f32 to vector<16xf32>
        %sub3A_705 = arith.subf %sub3A_704, %sub3A_700 : vector<16xf32>
        %sub3A_706 = arith.constant 1.000000e+00 : f32
        %sub3A_707 = vector.broadcast %sub3A_706 : f32 to vector<16xf32>
        %sub3A_708 = arith.subf %sub3A_707, %sub3A_702 : vector<16xf32>
        %jit3A_709 = arith.constant 0 : i32
        %max3A_710 = vector.broadcast %jit3A_709 : i32 to vector<16xi32>
        %max3A_711 = arith.maxsi %max3A_710, %select_n3A_691 : vector<16xi32>
        %min3A_712 = arith.minsi %sub3A_189, %max3A_711 : vector<16xi32>
        %add3A_713 = arith.constant 1 : i32
        %add3A_714 = vector.broadcast %add3A_713 : i32 to vector<16xi32>
        %add3A_715 = arith.addi %select_n3A_691, %add3A_714 : vector<16xi32>
        %jit3A_716 = arith.constant 0 : i32
        %max3A_717 = vector.broadcast %jit3A_716 : i32 to vector<16xi32>
        %max3A_718 = arith.maxsi %max3A_717, %add3A_715 : vector<16xi32>
        %min3A_719 = arith.minsi %sub3A_189, %max3A_718 : vector<16xi32>
        %jit3A_720 = arith.constant 0 : i32
        %max3A_721 = vector.broadcast %jit3A_720 : i32 to vector<16xi32>
        %max3A_722 = arith.maxsi %max3A_721, %select_n3A_698 : vector<16xi32>
        %min3A_723 = arith.minsi %sub3A_189, %max3A_722 : vector<16xi32>
        %add3A_724 = arith.constant 1 : i32
        %add3A_725 = vector.broadcast %add3A_724 : i32 to vector<16xi32>
        %add3A_726 = arith.addi %select_n3A_698, %add3A_725 : vector<16xi32>
        %jit3A_727 = arith.constant 0 : i32
        %max3A_728 = vector.broadcast %jit3A_727 : i32 to vector<16xi32>
        %max3A_729 = arith.maxsi %max3A_728, %add3A_726 : vector<16xi32>
        %min3A_730 = arith.minsi %sub3A_189, %max3A_729 : vector<16xi32>
        %mul3A_731 = arith.muli %min3A_712, %select_n3A_175 : vector<16xi32>
        %add3A_732 = arith.addi %select_n3A_155, %mul3A_731 : vector<16xi32>
        %mul3A_733 = arith.muli %min3A_719, %select_n3A_175 : vector<16xi32>
        %add3A_734 = arith.addi %select_n3A_155, %mul3A_733 : vector<16xi32>
        %add3A_735 = arith.addi %add3A_732, %min3A_723 : vector<16xi32>
        %add3A_736 = arith.addi %add3A_732, %min3A_730 : vector<16xi32>
        %add3A_737 = arith.addi %add3A_734, %min3A_723 : vector<16xi32>
        %add3A_738 = arith.addi %add3A_734, %min3A_730 : vector<16xi32>
        %mul3A_739 = arith.mulf %sub3A_705, %sub3A_708 : vector<16xf32>
        %mul3A_740 = arith.mulf %sub3A_705, %sub3A_702 : vector<16xf32>
        %mul3A_741 = arith.mulf %sub3A_700, %sub3A_708 : vector<16xf32>
        %mul3A_742 = arith.mulf %sub3A_700, %sub3A_702 : vector<16xf32>
        %lt3A_743 = arith.constant 49 : i32
        %lt3A_744 = vector.broadcast %lt3A_743 : i32 to vector<16xi32>
        %lt3A_745 = arith.cmpi slt, %add3A_656, %lt3A_744 : vector<16xi32>
        %mul3A_746 = arith.constant 4 : i32
        %mul3A_747 = vector.broadcast %mul3A_746 : i32 to vector<16xi32>
        %mul3A_748 = arith.muli %add3A_656, %mul3A_747 : vector<16xi32>
        %add3A_749 = arith.constant 0 : i32
        %add3A_750 = vector.broadcast %add3A_749 : i32 to vector<16xi32>
        %add3A_751 = arith.addi %mul3A_748, %add3A_750 : vector<16xi32>
        %mul3A_752 = arith.constant 669 : i32
        %mul3A_753 = vector.broadcast %mul3A_752 : i32 to vector<16xi32>
        %mul3A_754 = arith.muli %add3A_751, %mul3A_753 : vector<16xi32>
        %shift_right_arithmetic3A_755 = arith.constant 16 : i32
        %shift_right_arithmetic3A_756 = vector.broadcast %shift_right_arithmetic3A_755 : i32 to vector<16xi32>
        %shift_right_arithmetic3A_757 = arith.shrsi %mul3A_754, %shift_right_arithmetic3A_756 : vector<16xi32>
        %mul3A_758 = arith.constant 98 : i32
        %mul3A_759 = vector.broadcast %mul3A_758 : i32 to vector<16xi32>
        %mul3A_760 = arith.muli %shift_right_arithmetic3A_757, %mul3A_759 : vector<16xi32>
        %sub3A_761 = arith.subi %add3A_751, %mul3A_760 : vector<16xi32>
        tpu.vector_store_idx %arg6[%broadcast_in_dim3A_191, %shift_right_arithmetic3A_757, %sub3A_761], %add3A_735 masked %lt3A_745 : memref<2x2x104xi32, #tpu.memory_space<vmem>>[vector<16xi32>, vector<16xi32>, vector<16xi32>], vector<16xi32>, vector<16xi1>
        %broadcast_in_dim3A_762 = arith.constant 0 : i32
        %broadcast_in_dim3A_763 = vector.broadcast %broadcast_in_dim3A_762 : i32 to vector<16xi32>
        tpu.vector_store_idx %arg7[%broadcast_in_dim3A_191, %add3A_656, %broadcast_in_dim3A_763], %mul3A_739 masked %lt3A_745 : memref<2x49x16xf32, #tpu.memory_space<vmem>>[vector<16xi32>, vector<16xi32>, vector<16xi32>], vector<16xf32>, vector<16xi1>
        %add3A_764 = arith.constant 1 : i32
        %add3A_765 = vector.broadcast %add3A_764 : i32 to vector<16xi32>
        %add3A_766 = arith.addi %mul3A_748, %add3A_765 : vector<16xi32>
        %mul3A_767 = arith.constant 669 : i32
        %mul3A_768 = vector.broadcast %mul3A_767 : i32 to vector<16xi32>
        %mul3A_769 = arith.muli %add3A_766, %mul3A_768 : vector<16xi32>
        %shift_right_arithmetic3A_770 = arith.constant 16 : i32
        %shift_right_arithmetic3A_771 = vector.broadcast %shift_right_arithmetic3A_770 : i32 to vector<16xi32>
        %shift_right_arithmetic3A_772 = arith.shrsi %mul3A_769, %shift_right_arithmetic3A_771 : vector<16xi32>
        %mul3A_773 = arith.constant 98 : i32
        %mul3A_774 = vector.broadcast %mul3A_773 : i32 to vector<16xi32>
        %mul3A_775 = arith.muli %shift_right_arithmetic3A_772, %mul3A_774 : vector<16xi32>
        %sub3A_776 = arith.subi %add3A_766, %mul3A_775 : vector<16xi32>
        tpu.vector_store_idx %arg6[%broadcast_in_dim3A_191, %shift_right_arithmetic3A_772, %sub3A_776], %add3A_736 masked %lt3A_745 : memref<2x2x104xi32, #tpu.memory_space<vmem>>[vector<16xi32>, vector<16xi32>, vector<16xi32>], vector<16xi32>, vector<16xi1>
        %broadcast_in_dim3A_777 = arith.constant 1 : i32
        %broadcast_in_dim3A_778 = vector.broadcast %broadcast_in_dim3A_777 : i32 to vector<16xi32>
        tpu.vector_store_idx %arg7[%broadcast_in_dim3A_191, %add3A_656, %broadcast_in_dim3A_778], %mul3A_740 masked %lt3A_745 : memref<2x49x16xf32, #tpu.memory_space<vmem>>[vector<16xi32>, vector<16xi32>, vector<16xi32>], vector<16xf32>, vector<16xi1>
        %add3A_779 = arith.constant 2 : i32
        %add3A_780 = vector.broadcast %add3A_779 : i32 to vector<16xi32>
        %add3A_781 = arith.addi %mul3A_748, %add3A_780 : vector<16xi32>
        %mul3A_782 = arith.constant 669 : i32
        %mul3A_783 = vector.broadcast %mul3A_782 : i32 to vector<16xi32>
        %mul3A_784 = arith.muli %add3A_781, %mul3A_783 : vector<16xi32>
        %shift_right_arithmetic3A_785 = arith.constant 16 : i32
        %shift_right_arithmetic3A_786 = vector.broadcast %shift_right_arithmetic3A_785 : i32 to vector<16xi32>
        %shift_right_arithmetic3A_787 = arith.shrsi %mul3A_784, %shift_right_arithmetic3A_786 : vector<16xi32>
        %mul3A_788 = arith.constant 98 : i32
        %mul3A_789 = vector.broadcast %mul3A_788 : i32 to vector<16xi32>
        %mul3A_790 = arith.muli %shift_right_arithmetic3A_787, %mul3A_789 : vector<16xi32>
        %sub3A_791 = arith.subi %add3A_781, %mul3A_790 : vector<16xi32>
        tpu.vector_store_idx %arg6[%broadcast_in_dim3A_191, %shift_right_arithmetic3A_787, %sub3A_791], %add3A_737 masked %lt3A_745 : memref<2x2x104xi32, #tpu.memory_space<vmem>>[vector<16xi32>, vector<16xi32>, vector<16xi32>], vector<16xi32>, vector<16xi1>
        %broadcast_in_dim3A_792 = arith.constant 2 : i32
        %broadcast_in_dim3A_793 = vector.broadcast %broadcast_in_dim3A_792 : i32 to vector<16xi32>
        tpu.vector_store_idx %arg7[%broadcast_in_dim3A_191, %add3A_656, %broadcast_in_dim3A_793], %mul3A_741 masked %lt3A_745 : memref<2x49x16xf32, #tpu.memory_space<vmem>>[vector<16xi32>, vector<16xi32>, vector<16xi32>], vector<16xf32>, vector<16xi1>
        %add3A_794 = arith.constant 3 : i32
        %add3A_795 = vector.broadcast %add3A_794 : i32 to vector<16xi32>
        %add3A_796 = arith.addi %mul3A_748, %add3A_795 : vector<16xi32>
        %mul3A_797 = arith.constant 669 : i32
        %mul3A_798 = vector.broadcast %mul3A_797 : i32 to vector<16xi32>
        %mul3A_799 = arith.muli %add3A_796, %mul3A_798 : vector<16xi32>
        %shift_right_arithmetic3A_800 = arith.constant 16 : i32
        %shift_right_arithmetic3A_801 = vector.broadcast %shift_right_arithmetic3A_800 : i32 to vector<16xi32>
        %shift_right_arithmetic3A_802 = arith.shrsi %mul3A_799, %shift_right_arithmetic3A_801 : vector<16xi32>
        %mul3A_803 = arith.constant 98 : i32
        %mul3A_804 = vector.broadcast %mul3A_803 : i32 to vector<16xi32>
        %mul3A_805 = arith.muli %shift_right_arithmetic3A_802, %mul3A_804 : vector<16xi32>
        %sub3A_806 = arith.subi %add3A_796, %mul3A_805 : vector<16xi32>
        tpu.vector_store_idx %arg6[%broadcast_in_dim3A_191, %shift_right_arithmetic3A_802, %sub3A_806], %add3A_738 masked %lt3A_745 : memref<2x2x104xi32, #tpu.memory_space<vmem>>[vector<16xi32>, vector<16xi32>, vector<16xi32>], vector<16xi32>, vector<16xi1>
        %broadcast_in_dim3A_807 = arith.constant 3 : i32
        %broadcast_in_dim3A_808 = vector.broadcast %broadcast_in_dim3A_807 : i32 to vector<16xi32>
        tpu.vector_store_idx %arg7[%broadcast_in_dim3A_191, %add3A_656, %broadcast_in_dim3A_808], %mul3A_742 masked %lt3A_745 : memref<2x49x16xf32, #tpu.memory_space<vmem>>[vector<16xi32>, vector<16xi32>, vector<16xi32>], vector<16xf32>, vector<16xi1>
        %dma_start3A = arith.constant 1 : i32
        %dma_start3A_809 = arith.constant 0 : i32
        %dma_start3A_810 = arith.constant 1 : i32
        %dma_start3A_811 = arith.constant 0 : i32
        %dma_start3A_812 = arith.constant 0 : i32
        %dma_start3A_813 = tpu.memref_slice %arg8[%dma_start3A_810, %dma_start3A_811, %dma_start3A_812] : memref<2x208x256xf32, #tpu.memory_space<vmem>> -> memref<1x104x256xf32, #tpu.memory_space<vmem>>
        %dma_start3A_814 = tpu.memref_squeeze %dma_start3A_813 : memref<1x104x256xf32, #tpu.memory_space<vmem>> -> memref<104x256xf32, #tpu.memory_space<vmem>>
        %dma_start3A_815 = arith.constant 0 : i32
        %dma_start3A_816 = tpu.memref_slice %arg6[%dma_start3A, %dma_start3A_809, %dma_start3A_815] : memref<2x2x104xi32, #tpu.memory_space<vmem>> -> memref<1x1x104xi32, #tpu.memory_space<vmem>>
        %dma_start3A_817 = tpu.memref_squeeze %dma_start3A_816 : memref<1x1x104xi32, #tpu.memory_space<vmem>> -> memref<104xi32, #tpu.memory_space<vmem>>
        %dma_start3A_818 = arith.constant 0 : i32
        %dma_start3A_819 = arith.constant 0 : i32
        %dma_start3A_820 = tpu.memref_slice %arg2[%dma_start3A_818, %dma_start3A_819] : memref<21760x256xf32, #tpu.memory_space<hbm>> -> memref<21760x256xf32, #tpu.memory_space<hbm>>
        tpu.enqueue_indirect_dma source(%dma_start3A_820 : memref<21760x256xf32, #tpu.memory_space<hbm>>) target(%dma_start3A_814 : memref<104x256xf32, #tpu.memory_space<vmem>>) offsets(%dma_start3A_817 : memref<104xi32, #tpu.memory_space<vmem>>) semaphore(%arg10 : memref<!tpu.dma_semaphore, #tpu.memory_space<semaphore_mem>>)
        %dma_start3A_821 = arith.constant 1 : i32
        %dma_start3A_822 = arith.constant 1 : i32
        %dma_start3A_823 = arith.constant 1 : i32
        %dma_start3A_824 = arith.constant 104 : i32
        %dma_start3A_825 = arith.constant 0 : i32
        %dma_start3A_826 = tpu.memref_slice %arg8[%dma_start3A_823, %dma_start3A_824, %dma_start3A_825] : memref<2x208x256xf32, #tpu.memory_space<vmem>> -> memref<1x104x256xf32, #tpu.memory_space<vmem>>
        %dma_start3A_827 = tpu.memref_squeeze %dma_start3A_826 : memref<1x104x256xf32, #tpu.memory_space<vmem>> -> memref<104x256xf32, #tpu.memory_space<vmem>>
        %dma_start3A_828 = arith.constant 0 : i32
        %dma_start3A_829 = tpu.memref_slice %arg6[%dma_start3A_821, %dma_start3A_822, %dma_start3A_828] : memref<2x2x104xi32, #tpu.memory_space<vmem>> -> memref<1x1x104xi32, #tpu.memory_space<vmem>>
        %dma_start3A_830 = tpu.memref_squeeze %dma_start3A_829 : memref<1x1x104xi32, #tpu.memory_space<vmem>> -> memref<104xi32, #tpu.memory_space<vmem>>
        %dma_start3A_831 = arith.constant 0 : i32
        %dma_start3A_832 = arith.constant 0 : i32
        %dma_start3A_833 = tpu.memref_slice %arg2[%dma_start3A_831, %dma_start3A_832] : memref<21760x256xf32, #tpu.memory_space<hbm>> -> memref<21760x256xf32, #tpu.memory_space<hbm>>
        tpu.enqueue_indirect_dma source(%dma_start3A_833 : memref<21760x256xf32, #tpu.memory_space<hbm>>) target(%dma_start3A_827 : memref<104x256xf32, #tpu.memory_space<vmem>>) offsets(%dma_start3A_830 : memref<104xi32, #tpu.memory_space<vmem>>) semaphore(%arg10 : memref<!tpu.dma_semaphore, #tpu.memory_space<semaphore_mem>>)
      } else {
      }
      %lt3A_53 = arith.constant 1000 : i32
      %lt3A_54 = arith.cmpi slt, %add3A_41, %lt3A_53 : i32
      %convert_element_type3A_55 = arith.extui %lt3A_54 : i1 to i32
      %cond3A_56 = arith.constant 0 : i32
      %cond3A_57 = arith.cmpi ne, %convert_element_type3A_55, %cond3A_56 : i32
      scf.if %cond3A_57 {
        %dma_wait3A = arith.constant 0 : i32
        %dma_wait3A_80 = arith.constant 0 : i32
        %dma_wait3A_81 = arith.constant 0 : i32
        %dma_wait3A_82 = arith.constant 0 : i32
        %dma_wait3A_83 = arith.constant 0 : i32
        %dma_wait3A_84 = tpu.memref_slice %arg8[%dma_wait3A_81, %dma_wait3A_82, %dma_wait3A_83] : memref<2x208x256xf32, #tpu.memory_space<vmem>> -> memref<1x104x256xf32, #tpu.memory_space<vmem>>
        %dma_wait3A_85 = tpu.memref_squeeze %dma_wait3A_84 : memref<1x104x256xf32, #tpu.memory_space<vmem>> -> memref<104x256xf32, #tpu.memory_space<vmem>>
        %dma_wait3A_86 = arith.constant 0 : i32
        %dma_wait3A_87 = tpu.memref_slice %arg6[%dma_wait3A, %dma_wait3A_80, %dma_wait3A_86] : memref<2x2x104xi32, #tpu.memory_space<vmem>> -> memref<1x1x104xi32, #tpu.memory_space<vmem>>
        %dma_wait3A_88 = tpu.memref_squeeze %dma_wait3A_87 : memref<1x1x104xi32, #tpu.memory_space<vmem>> -> memref<104xi32, #tpu.memory_space<vmem>>
        %dma_wait3A_89 = arith.constant 0 : i32
        %dma_wait3A_90 = arith.constant 0 : i32
        %dma_wait3A_91 = tpu.memref_slice %arg2[%dma_wait3A_89, %dma_wait3A_90] : memref<21760x256xf32, #tpu.memory_space<hbm>> -> memref<21760x256xf32, #tpu.memory_space<hbm>>
        tpu.wait_indirect_dma semaphore(%arg10 : memref<!tpu.dma_semaphore, #tpu.memory_space<semaphore_mem>>) src(%dma_wait3A_91 : memref<21760x256xf32, #tpu.memory_space<hbm>>) dst(%dma_wait3A_85 : memref<104x256xf32, #tpu.memory_space<vmem>>)
        %dma_wait3A_92 = arith.constant 0 : i32
        %dma_wait3A_93 = arith.constant 1 : i32
        %dma_wait3A_94 = arith.constant 0 : i32
        %dma_wait3A_95 = arith.constant 104 : i32
        %dma_wait3A_96 = arith.constant 0 : i32
        %dma_wait3A_97 = tpu.memref_slice %arg8[%dma_wait3A_94, %dma_wait3A_95, %dma_wait3A_96] : memref<2x208x256xf32, #tpu.memory_space<vmem>> -> memref<1x104x256xf32, #tpu.memory_space<vmem>>
        %dma_wait3A_98 = tpu.memref_squeeze %dma_wait3A_97 : memref<1x104x256xf32, #tpu.memory_space<vmem>> -> memref<104x256xf32, #tpu.memory_space<vmem>>
        %dma_wait3A_99 = arith.constant 0 : i32
        %dma_wait3A_100 = tpu.memref_slice %arg6[%dma_wait3A_92, %dma_wait3A_93, %dma_wait3A_99] : memref<2x2x104xi32, #tpu.memory_space<vmem>> -> memref<1x1x104xi32, #tpu.memory_space<vmem>>
        %dma_wait3A_101 = tpu.memref_squeeze %dma_wait3A_100 : memref<1x1x104xi32, #tpu.memory_space<vmem>> -> memref<104xi32, #tpu.memory_space<vmem>>
        %dma_wait3A_102 = arith.constant 0 : i32
        %dma_wait3A_103 = arith.constant 0 : i32
        %dma_wait3A_104 = tpu.memref_slice %arg2[%dma_wait3A_102, %dma_wait3A_103] : memref<21760x256xf32, #tpu.memory_space<hbm>> -> memref<21760x256xf32, #tpu.memory_space<hbm>>
        tpu.wait_indirect_dma semaphore(%arg10 : memref<!tpu.dma_semaphore, #tpu.memory_space<semaphore_mem>>) src(%dma_wait3A_104 : memref<21760x256xf32, #tpu.memory_space<hbm>>) dst(%dma_wait3A_98 : memref<104x256xf32, #tpu.memory_space<vmem>>)
        %scan3A_105 = arith.constant 0 : i32
        %scan3A_106 = arith.constant 0 : i32
        %scan3A_107 = arith.constant 7 : i32
        %scan3A_108 = arith.addi %scan3A_106, %scan3A_107 : i32
        %scan3A_109 = arith.constant 1 : i32
        scf.for %scan3A_113 = %scan3A_106 to %scan3A_108 step %scan3A_109  : i32 {
          %scan3A_114 = arith.constant 0 : i32
          %scan3A_115 = arith.constant 7 : i32
          %scan3A_116 = arith.addi %scan3A_114, %scan3A_115 : i32
          %scan3A_117 = arith.constant 1 : i32
          scf.for %scan3A_119 = %scan3A_114 to %scan3A_116 step %scan3A_117  : i32 {
            %mul3A_120 = arith.constant 7 : i32
            %mul3A_121 = arith.muli %scan3A_113, %mul3A_120 : i32
            %add3A_122 = arith.addi %mul3A_121, %scan3A_119 : i32
            %mul3A_123 = arith.constant 4 : i32
            %mul3A_124 = arith.muli %add3A_122, %mul3A_123 : i32
            %get3A = arith.constant 0 : i32
            %get3A_125 = arith.index_cast %get3A : i32 to index
            %get3A_126 = arith.index_cast %add3A_122 : i32 to index
            %get3A_127 = arith.constant 0 : index
            %get3A_128 = tpu.vector_load %arg7[%get3A_125, %get3A_126, %get3A_127] {strides = array<i32>} : memref<2x49x16xf32, #tpu.memory_space<vmem>>, vector<16xf32>,
            %slice3A = vector.extract_strided_slice %get3A_128 {offsets = [0], sizes = [1], strides = [1]} : vector<16xf32> to vector<1xf32>
            %squeeze3A = vector.extract %slice3A[0] : f32 from vector<1xf32>
            %slice3A_129 = vector.extract_strided_slice %get3A_128 {offsets = [1], sizes = [1], strides = [1]} : vector<16xf32> to vector<1xf32>
            %squeeze3A_130 = vector.extract %slice3A_129[0] : f32 from vector<1xf32>
            %slice3A_131 = vector.extract_strided_slice %get3A_128 {offsets = [2], sizes = [1], strides = [1]} : vector<16xf32> to vector<1xf32>
            %squeeze3A_132 = vector.extract %slice3A_131[0] : f32 from vector<1xf32>
            %slice3A_133 = vector.extract_strided_slice %get3A_128 {offsets = [3], sizes = [1], strides = [1]} : vector<16xf32> to vector<1xf32>
            %squeeze3A_134 = vector.extract %slice3A_133[0] : f32 from vector<1xf32>
            %add3A_135 = arith.constant 0 : i32
            %add3A_136 = arith.addi %mul3A_124, %add3A_135 : i32
            %mul3A_137 = arith.constant 669 : i32
            %mul3A_138 = arith.muli %add3A_136, %mul3A_137 : i32
            %shift_right_arithmetic3A = arith.constant 16 : i32
            %shift_right_arithmetic3A_139 = arith.shrsi %mul3A_138, %shift_right_arithmetic3A : i32
            %mul3A_140 = arith.constant 6 : i32
            %mul3A_141 = arith.muli %mul3A_140, %shift_right_arithmetic3A_139 : i32
            %add3A_142 = arith.addi %add3A_136, %mul3A_141 : i32
            %add3A_143 = arith.constant 1 : i32
            %add3A_144 = arith.addi %mul3A_124, %add3A_143 : i32
            %mul3A_145 = arith.constant 669 : i32
            %mul3A_146 = arith.muli %add3A_144, %mul3A_145 : i32
            %shift_right_arithmetic3A_147 = arith.constant 16 : i32
            %shift_right_arithmetic3A_148 = arith.shrsi %mul3A_146, %shift_right_arithmetic3A_147 : i32
            %mul3A_149 = arith.constant 6 : i32
            %mul3A_150 = arith.muli %mul3A_149, %shift_right_arithmetic3A_148 : i32
            %add3A_151 = arith.addi %add3A_144, %mul3A_150 : i32
            %add3A_152 = arith.constant 2 : i32
            %add3A_153 = arith.addi %mul3A_124, %add3A_152 : i32
            %mul3A_154 = arith.constant 669 : i32
            %mul3A_155 = arith.muli %add3A_153, %mul3A_154 : i32
            %shift_right_arithmetic3A_156 = arith.constant 16 : i32
            %shift_right_arithmetic3A_157 = arith.shrsi %mul3A_155, %shift_right_arithmetic3A_156 : i32
            %mul3A_158 = arith.constant 6 : i32
            %mul3A_159 = arith.muli %mul3A_158, %shift_right_arithmetic3A_157 : i32
            %add3A_160 = arith.addi %add3A_153, %mul3A_159 : i32
            %add3A_161 = arith.constant 3 : i32
            %add3A_162 = arith.addi %mul3A_124, %add3A_161 : i32
            %mul3A_163 = arith.constant 669 : i32
            %mul3A_164 = arith.muli %add3A_162, %mul3A_163 : i32
            %shift_right_arithmetic3A_165 = arith.constant 16 : i32
            %shift_right_arithmetic3A_166 = arith.shrsi %mul3A_164, %shift_right_arithmetic3A_165 : i32
            %mul3A_167 = arith.constant 6 : i32
            %mul3A_168 = arith.muli %mul3A_167, %shift_right_arithmetic3A_166 : i32
            %add3A_169 = arith.addi %add3A_162, %mul3A_168 : i32
            %mul3A_170 = arith.constant 49 : i32
            %mul3A_171 = vector.broadcast %mul3A_170 : i32 to vector<16xi32>
            %mul3A_172 = arith.muli %iota3A, %mul3A_171 : vector<16xi32>
            %add3A_173 = vector.broadcast %add3A_122 : i32 to vector<16xi32>
            %add3A_174 = arith.addi %mul3A_172, %add3A_173 : vector<16xi32>
            %get3A_175 = arith.constant 0 : i32
            %get3A_176 = arith.index_cast %get3A_175 : i32 to index
            %get3A_177 = arith.index_cast %add3A_142 : i32 to index
            %get3A_178 = arith.constant 0 : index
            %get3A_179 = tpu.vector_load %arg8[%get3A_176, %get3A_177, %get3A_178] {strides = array<i32>} : memref<2x208x256xf32, #tpu.memory_space<vmem>>, vector<16xf32>,
            %mul3A_180 = vector.broadcast %squeeze3A : f32 to vector<16xf32>
            %mul3A_181 = arith.mulf %get3A_179, %mul3A_180 : vector<16xf32>
            %get3A_182 = arith.constant 0 : i32
            %get3A_183 = arith.index_cast %get3A_182 : i32 to index
            %get3A_184 = arith.index_cast %add3A_151 : i32 to index
            %get3A_185 = arith.constant 0 : index
            %get3A_186 = tpu.vector_load %arg8[%get3A_183, %get3A_184, %get3A_185] {strides = array<i32>} : memref<2x208x256xf32, #tpu.memory_space<vmem>>, vector<16xf32>,
            %mul3A_187 = vector.broadcast %squeeze3A_130 : f32 to vector<16xf32>
            %mul3A_188 = arith.mulf %get3A_186, %mul3A_187 : vector<16xf32>
            %add3A_189 = arith.addf %mul3A_181, %mul3A_188 : vector<16xf32>
            %get3A_190 = arith.constant 0 : i32
            %get3A_191 = arith.index_cast %get3A_190 : i32 to index
            %get3A_192 = arith.index_cast %add3A_160 : i32 to index
            %get3A_193 = arith.constant 0 : index
            %get3A_194 = tpu.vector_load %arg8[%get3A_191, %get3A_192, %get3A_193] {strides = array<i32>} : memref<2x208x256xf32, #tpu.memory_space<vmem>>, vector<16xf32>,
            %mul3A_195 = vector.broadcast %squeeze3A_132 : f32 to vector<16xf32>
            %mul3A_196 = arith.mulf %get3A_194, %mul3A_195 : vector<16xf32>
            %get3A_197 = arith.constant 0 : i32
            %get3A_198 = arith.index_cast %get3A_197 : i32 to index
            %get3A_199 = arith.index_cast %add3A_169 : i32 to index
            %get3A_200 = arith.constant 0 : index
            %get3A_201 = tpu.vector_load %arg8[%get3A_198, %get3A_199, %get3A_200] {strides = array<i32>} : memref<2x208x256xf32, #tpu.memory_space<vmem>>, vector<16xf32>,
            %mul3A_202 = vector.broadcast %squeeze3A_134 : f32 to vector<16xf32>
            %mul3A_203 = arith.mulf %get3A_201, %mul3A_202 : vector<16xf32>
            %add3A_204 = arith.addf %mul3A_196, %mul3A_203 : vector<16xf32>
            %add3A_205 = arith.addf %add3A_189, %add3A_204 : vector<16xf32>
            %add3A_206 = arith.constant 0 : i32
            %add3A_207 = vector.broadcast %add3A_206 : i32 to vector<16xi32>
            %add3A_208 = arith.addi %add3A_174, %add3A_207 : vector<16xi32>
            %shift_right_arithmetic3A_209 = arith.constant 7 : i32
            %shift_right_arithmetic3A_210 = vector.broadcast %shift_right_arithmetic3A_209 : i32 to vector<16xi32>
            %shift_right_arithmetic3A_211 = arith.shrsi %add3A_208, %shift_right_arithmetic3A_210 : vector<16xi32>
            %and3A_212 = arith.constant 127 : i32
            %and3A_213 = vector.broadcast %and3A_212 : i32 to vector<16xi32>
            %and3A_214 = arith.andi %add3A_208, %and3A_213 : vector<16xi32>
            tpu.vector_store_idx %arg9[%shift_right_arithmetic3A_211, %and3A_214], %add3A_205 : memref<98x128xf32, #tpu.memory_space<vmem>>[vector<16xi32>, vector<16xi32>], vector<16xf32>,
            %get3A_215 = arith.constant 0 : i32
            %get3A_216 = arith.index_cast %get3A_215 : i32 to index
            %get3A_217 = arith.index_cast %add3A_142 : i32 to index
            %get3A_218 = arith.constant 16 : index
            %get3A_219 = tpu.vector_load %arg8[%get3A_216, %get3A_217, %get3A_218] {strides = array<i32>} : memref<2x208x256xf32, #tpu.memory_space<vmem>>, vector<16xf32>,
            %mul3A_220 = vector.broadcast %squeeze3A : f32 to vector<16xf32>
            %mul3A_221 = arith.mulf %get3A_219, %mul3A_220 : vector<16xf32>
            %get3A_222 = arith.constant 0 : i32
            %get3A_223 = arith.index_cast %get3A_222 : i32 to index
            %get3A_224 = arith.index_cast %add3A_151 : i32 to index
            %get3A_225 = arith.constant 16 : index
            %get3A_226 = tpu.vector_load %arg8[%get3A_223, %get3A_224, %get3A_225] {strides = array<i32>} : memref<2x208x256xf32, #tpu.memory_space<vmem>>, vector<16xf32>,
            %mul3A_227 = vector.broadcast %squeeze3A_130 : f32 to vector<16xf32>
            %mul3A_228 = arith.mulf %get3A_226, %mul3A_227 : vector<16xf32>
            %add3A_229 = arith.addf %mul3A_221, %mul3A_228 : vector<16xf32>
            %get3A_230 = arith.constant 0 : i32
            %get3A_231 = arith.index_cast %get3A_230 : i32 to index
            %get3A_232 = arith.index_cast %add3A_160 : i32 to index
            %get3A_233 = arith.constant 16 : index
            %get3A_234 = tpu.vector_load %arg8[%get3A_231, %get3A_232, %get3A_233] {strides = array<i32>} : memref<2x208x256xf32, #tpu.memory_space<vmem>>, vector<16xf32>,
            %mul3A_235 = vector.broadcast %squeeze3A_132 : f32 to vector<16xf32>
            %mul3A_236 = arith.mulf %get3A_234, %mul3A_235 : vector<16xf32>
            %get3A_237 = arith.constant 0 : i32
            %get3A_238 = arith.index_cast %get3A_237 : i32 to index
            %get3A_239 = arith.index_cast %add3A_169 : i32 to index
            %get3A_240 = arith.constant 16 : index
            %get3A_241 = tpu.vector_load %arg8[%get3A_238, %get3A_239, %get3A_240] {strides = array<i32>} : memref<2x208x256xf32, #tpu.memory_space<vmem>>, vector<16xf32>,
            %mul3A_242 = vector.broadcast %squeeze3A_134 : f32 to vector<16xf32>
            %mul3A_243 = arith.mulf %get3A_241, %mul3A_242 : vector<16xf32>
            %add3A_244 = arith.addf %mul3A_236, %mul3A_243 : vector<16xf32>
            %add3A_245 = arith.addf %add3A_229, %add3A_244 : vector<16xf32>
            %add3A_246 = arith.constant 784 : i32
            %add3A_247 = vector.broadcast %add3A_246 : i32 to vector<16xi32>
            %add3A_248 = arith.addi %add3A_174, %add3A_247 : vector<16xi32>
            %shift_right_arithmetic3A_249 = arith.constant 7 : i32
            %shift_right_arithmetic3A_250 = vector.broadcast %shift_right_arithmetic3A_249 : i32 to vector<16xi32>
            %shift_right_arithmetic3A_251 = arith.shrsi %add3A_248, %shift_right_arithmetic3A_250 : vector<16xi32>
            %and3A_252 = arith.constant 127 : i32
            %and3A_253 = vector.broadcast %and3A_252 : i32 to vector<16xi32>
            %and3A_254 = arith.andi %add3A_248, %and3A_253 : vector<16xi32>
            tpu.vector_store_idx %arg9[%shift_right_arithmetic3A_251, %and3A_254], %add3A_245 : memref<98x128xf32, #tpu.memory_space<vmem>>[vector<16xi32>, vector<16xi32>], vector<16xf32>,
            %get3A_255 = arith.constant 0 : i32
            %get3A_256 = arith.index_cast %get3A_255 : i32 to index
            %get3A_257 = arith.index_cast %add3A_142 : i32 to index
            %get3A_258 = arith.constant 32 : index
            %get3A_259 = tpu.vector_load %arg8[%get3A_256, %get3A_257, %get3A_258] {strides = array<i32>} : memref<2x208x256xf32, #tpu.memory_space<vmem>>, vector<16xf32>,
            %mul3A_260 = vector.broadcast %squeeze3A : f32 to vector<16xf32>
            %mul3A_261 = arith.mulf %get3A_259, %mul3A_260 : vector<16xf32>
            %get3A_262 = arith.constant 0 : i32
            %get3A_263 = arith.index_cast %get3A_262 : i32 to index
            %get3A_264 = arith.index_cast %add3A_151 : i32 to index
            %get3A_265 = arith.constant 32 : index
            %get3A_266 = tpu.vector_load %arg8[%get3A_263, %get3A_264, %get3A_265] {strides = array<i32>} : memref<2x208x256xf32, #tpu.memory_space<vmem>>, vector<16xf32>,
            %mul3A_267 = vector.broadcast %squeeze3A_130 : f32 to vector<16xf32>
            %mul3A_268 = arith.mulf %get3A_266, %mul3A_267 : vector<16xf32>
            %add3A_269 = arith.addf %mul3A_261, %mul3A_268 : vector<16xf32>
            %get3A_270 = arith.constant 0 : i32
            %get3A_271 = arith.index_cast %get3A_270 : i32 to index
            %get3A_272 = arith.index_cast %add3A_160 : i32 to index
            %get3A_273 = arith.constant 32 : index
            %get3A_274 = tpu.vector_load %arg8[%get3A_271, %get3A_272, %get3A_273] {strides = array<i32>} : memref<2x208x256xf32, #tpu.memory_space<vmem>>, vector<16xf32>,
            %mul3A_275 = vector.broadcast %squeeze3A_132 : f32 to vector<16xf32>
            %mul3A_276 = arith.mulf %get3A_274, %mul3A_275 : vector<16xf32>
            %get3A_277 = arith.constant 0 : i32
            %get3A_278 = arith.index_cast %get3A_277 : i32 to index
            %get3A_279 = arith.index_cast %add3A_169 : i32 to index
            %get3A_280 = arith.constant 32 : index
            %get3A_281 = tpu.vector_load %arg8[%get3A_278, %get3A_279, %get3A_280] {strides = array<i32>} : memref<2x208x256xf32, #tpu.memory_space<vmem>>, vector<16xf32>,
            %mul3A_282 = vector.broadcast %squeeze3A_134 : f32 to vector<16xf32>
            %mul3A_283 = arith.mulf %get3A_281, %mul3A_282 : vector<16xf32>
            %add3A_284 = arith.addf %mul3A_276, %mul3A_283 : vector<16xf32>
            %add3A_285 = arith.addf %add3A_269, %add3A_284 : vector<16xf32>
            %add3A_286 = arith.constant 1568 : i32
            %add3A_287 = vector.broadcast %add3A_286 : i32 to vector<16xi32>
            %add3A_288 = arith.addi %add3A_174, %add3A_287 : vector<16xi32>
            %shift_right_arithmetic3A_289 = arith.constant 7 : i32
            %shift_right_arithmetic3A_290 = vector.broadcast %shift_right_arithmetic3A_289 : i32 to vector<16xi32>
            %shift_right_arithmetic3A_291 = arith.shrsi %add3A_288, %shift_right_arithmetic3A_290 : vector<16xi32>
            %and3A_292 = arith.constant 127 : i32
            %and3A_293 = vector.broadcast %and3A_292 : i32 to vector<16xi32>
            %and3A_294 = arith.andi %add3A_288, %and3A_293 : vector<16xi32>
            tpu.vector_store_idx %arg9[%shift_right_arithmetic3A_291, %and3A_294], %add3A_285 : memref<98x128xf32, #tpu.memory_space<vmem>>[vector<16xi32>, vector<16xi32>], vector<16xf32>,
            %get3A_295 = arith.constant 0 : i32
            %get3A_296 = arith.index_cast %get3A_295 : i32 to index
            %get3A_297 = arith.index_cast %add3A_142 : i32 to index
            %get3A_298 = arith.constant 48 : index
            %get3A_299 = tpu.vector_load %arg8[%get3A_296, %get3A_297, %get3A_298] {strides = array<i32>} : memref<2x208x256xf32, #tpu.memory_space<vmem>>, vector<16xf32>,
            %mul3A_300 = vector.broadcast %squeeze3A : f32 to vector<16xf32>
            %mul3A_301 = arith.mulf %get3A_299, %mul3A_300 : vector<16xf32>
            %get3A_302 = arith.constant 0 : i32
            %get3A_303 = arith.index_cast %get3A_302 : i32 to index
            %get3A_304 = arith.index_cast %add3A_151 : i32 to index
            %get3A_305 = arith.constant 48 : index
            %get3A_306 = tpu.vector_load %arg8[%get3A_303, %get3A_304, %get3A_305] {strides = array<i32>} : memref<2x208x256xf32, #tpu.memory_space<vmem>>, vector<16xf32>,
            %mul3A_307 = vector.broadcast %squeeze3A_130 : f32 to vector<16xf32>
            %mul3A_308 = arith.mulf %get3A_306, %mul3A_307 : vector<16xf32>
            %add3A_309 = arith.addf %mul3A_301, %mul3A_308 : vector<16xf32>
            %get3A_310 = arith.constant 0 : i32
            %get3A_311 = arith.index_cast %get3A_310 : i32 to index
            %get3A_312 = arith.index_cast %add3A_160 : i32 to index
            %get3A_313 = arith.constant 48 : index
            %get3A_314 = tpu.vector_load %arg8[%get3A_311, %get3A_312, %get3A_313] {strides = array<i32>} : memref<2x208x256xf32, #tpu.memory_space<vmem>>, vector<16xf32>,
            %mul3A_315 = vector.broadcast %squeeze3A_132 : f32 to vector<16xf32>
            %mul3A_316 = arith.mulf %get3A_314, %mul3A_315 : vector<16xf32>
            %get3A_317 = arith.constant 0 : i32
            %get3A_318 = arith.index_cast %get3A_317 : i32 to index
            %get3A_319 = arith.index_cast %add3A_169 : i32 to index
            %get3A_320 = arith.constant 48 : index
            %get3A_321 = tpu.vector_load %arg8[%get3A_318, %get3A_319, %get3A_320] {strides = array<i32>} : memref<2x208x256xf32, #tpu.memory_space<vmem>>, vector<16xf32>,
            %mul3A_322 = vector.broadcast %squeeze3A_134 : f32 to vector<16xf32>
            %mul3A_323 = arith.mulf %get3A_321, %mul3A_322 : vector<16xf32>
            %add3A_324 = arith.addf %mul3A_316, %mul3A_323 : vector<16xf32>
            %add3A_325 = arith.addf %add3A_309, %add3A_324 : vector<16xf32>
            %add3A_326 = arith.constant 2352 : i32
            %add3A_327 = vector.broadcast %add3A_326 : i32 to vector<16xi32>
            %add3A_328 = arith.addi %add3A_174, %add3A_327 : vector<16xi32>
            %shift_right_arithmetic3A_329 = arith.constant 7 : i32
            %shift_right_arithmetic3A_330 = vector.broadcast %shift_right_arithmetic3A_329 : i32 to vector<16xi32>
            %shift_right_arithmetic3A_331 = arith.shrsi %add3A_328, %shift_right_arithmetic3A_330 : vector<16xi32>
            %and3A_332 = arith.constant 127 : i32
            %and3A_333 = vector.broadcast %and3A_332 : i32 to vector<16xi32>
            %and3A_334 = arith.andi %add3A_328, %and3A_333 : vector<16xi32>
            tpu.vector_store_idx %arg9[%shift_right_arithmetic3A_331, %and3A_334], %add3A_325 : memref<98x128xf32, #tpu.memory_space<vmem>>[vector<16xi32>, vector<16xi32>], vector<16xf32>,
            %get3A_335 = arith.constant 0 : i32
            %get3A_336 = arith.index_cast %get3A_335 : i32 to index
            %get3A_337 = arith.index_cast %add3A_142 : i32 to index
            %get3A_338 = arith.constant 64 : index
            %get3A_339 = tpu.vector_load %arg8[%get3A_336, %get3A_337, %get3A_338] {strides = array<i32>} : memref<2x208x256xf32, #tpu.memory_space<vmem>>, vector<16xf32>,
            %mul3A_340 = vector.broadcast %squeeze3A : f32 to vector<16xf32>
            %mul3A_341 = arith.mulf %get3A_339, %mul3A_340 : vector<16xf32>
            %get3A_342 = arith.constant 0 : i32
            %get3A_343 = arith.index_cast %get3A_342 : i32 to index
            %get3A_344 = arith.index_cast %add3A_151 : i32 to index
            %get3A_345 = arith.constant 64 : index
            %get3A_346 = tpu.vector_load %arg8[%get3A_343, %get3A_344, %get3A_345] {strides = array<i32>} : memref<2x208x256xf32, #tpu.memory_space<vmem>>, vector<16xf32>,
            %mul3A_347 = vector.broadcast %squeeze3A_130 : f32 to vector<16xf32>
            %mul3A_348 = arith.mulf %get3A_346, %mul3A_347 : vector<16xf32>
            %add3A_349 = arith.addf %mul3A_341, %mul3A_348 : vector<16xf32>
            %get3A_350 = arith.constant 0 : i32
            %get3A_351 = arith.index_cast %get3A_350 : i32 to index
            %get3A_352 = arith.index_cast %add3A_160 : i32 to index
            %get3A_353 = arith.constant 64 : index
            %get3A_354 = tpu.vector_load %arg8[%get3A_351, %get3A_352, %get3A_353] {strides = array<i32>} : memref<2x208x256xf32, #tpu.memory_space<vmem>>, vector<16xf32>,
            %mul3A_355 = vector.broadcast %squeeze3A_132 : f32 to vector<16xf32>
            %mul3A_356 = arith.mulf %get3A_354, %mul3A_355 : vector<16xf32>
            %get3A_357 = arith.constant 0 : i32
            %get3A_358 = arith.index_cast %get3A_357 : i32 to index
            %get3A_359 = arith.index_cast %add3A_169 : i32 to index
            %get3A_360 = arith.constant 64 : index
            %get3A_361 = tpu.vector_load %arg8[%get3A_358, %get3A_359, %get3A_360] {strides = array<i32>} : memref<2x208x256xf32, #tpu.memory_space<vmem>>, vector<16xf32>,
            %mul3A_362 = vector.broadcast %squeeze3A_134 : f32 to vector<16xf32>
            %mul3A_363 = arith.mulf %get3A_361, %mul3A_362 : vector<16xf32>
            %add3A_364 = arith.addf %mul3A_356, %mul3A_363 : vector<16xf32>
            %add3A_365 = arith.addf %add3A_349, %add3A_364 : vector<16xf32>
            %add3A_366 = arith.constant 3136 : i32
            %add3A_367 = vector.broadcast %add3A_366 : i32 to vector<16xi32>
            %add3A_368 = arith.addi %add3A_174, %add3A_367 : vector<16xi32>
            %shift_right_arithmetic3A_369 = arith.constant 7 : i32
            %shift_right_arithmetic3A_370 = vector.broadcast %shift_right_arithmetic3A_369 : i32 to vector<16xi32>
            %shift_right_arithmetic3A_371 = arith.shrsi %add3A_368, %shift_right_arithmetic3A_370 : vector<16xi32>
            %and3A_372 = arith.constant 127 : i32
            %and3A_373 = vector.broadcast %and3A_372 : i32 to vector<16xi32>
            %and3A_374 = arith.andi %add3A_368, %and3A_373 : vector<16xi32>
            tpu.vector_store_idx %arg9[%shift_right_arithmetic3A_371, %and3A_374], %add3A_365 : memref<98x128xf32, #tpu.memory_space<vmem>>[vector<16xi32>, vector<16xi32>], vector<16xf32>,
            %get3A_375 = arith.constant 0 : i32
            %get3A_376 = arith.index_cast %get3A_375 : i32 to index
            %get3A_377 = arith.index_cast %add3A_142 : i32 to index
            %get3A_378 = arith.constant 80 : index
            %get3A_379 = tpu.vector_load %arg8[%get3A_376, %get3A_377, %get3A_378] {strides = array<i32>} : memref<2x208x256xf32, #tpu.memory_space<vmem>>, vector<16xf32>,
            %mul3A_380 = vector.broadcast %squeeze3A : f32 to vector<16xf32>
            %mul3A_381 = arith.mulf %get3A_379, %mul3A_380 : vector<16xf32>
            %get3A_382 = arith.constant 0 : i32
            %get3A_383 = arith.index_cast %get3A_382 : i32 to index
            %get3A_384 = arith.index_cast %add3A_151 : i32 to index
            %get3A_385 = arith.constant 80 : index
            %get3A_386 = tpu.vector_load %arg8[%get3A_383, %get3A_384, %get3A_385] {strides = array<i32>} : memref<2x208x256xf32, #tpu.memory_space<vmem>>, vector<16xf32>,
            %mul3A_387 = vector.broadcast %squeeze3A_130 : f32 to vector<16xf32>
            %mul3A_388 = arith.mulf %get3A_386, %mul3A_387 : vector<16xf32>
            %add3A_389 = arith.addf %mul3A_381, %mul3A_388 : vector<16xf32>
            %get3A_390 = arith.constant 0 : i32
            %get3A_391 = arith.index_cast %get3A_390 : i32 to index
            %get3A_392 = arith.index_cast %add3A_160 : i32 to index
            %get3A_393 = arith.constant 80 : index
            %get3A_394 = tpu.vector_load %arg8[%get3A_391, %get3A_392, %get3A_393] {strides = array<i32>} : memref<2x208x256xf32, #tpu.memory_space<vmem>>, vector<16xf32>,
            %mul3A_395 = vector.broadcast %squeeze3A_132 : f32 to vector<16xf32>
            %mul3A_396 = arith.mulf %get3A_394, %mul3A_395 : vector<16xf32>
            %get3A_397 = arith.constant 0 : i32
            %get3A_398 = arith.index_cast %get3A_397 : i32 to index
            %get3A_399 = arith.index_cast %add3A_169 : i32 to index
            %get3A_400 = arith.constant 80 : index
            %get3A_401 = tpu.vector_load %arg8[%get3A_398, %get3A_399, %get3A_400] {strides = array<i32>} : memref<2x208x256xf32, #tpu.memory_space<vmem>>, vector<16xf32>,
            %mul3A_402 = vector.broadcast %squeeze3A_134 : f32 to vector<16xf32>
            %mul3A_403 = arith.mulf %get3A_401, %mul3A_402 : vector<16xf32>
            %add3A_404 = arith.addf %mul3A_396, %mul3A_403 : vector<16xf32>
            %add3A_405 = arith.addf %add3A_389, %add3A_404 : vector<16xf32>
            %add3A_406 = arith.constant 3920 : i32
            %add3A_407 = vector.broadcast %add3A_406 : i32 to vector<16xi32>
            %add3A_408 = arith.addi %add3A_174, %add3A_407 : vector<16xi32>
            %shift_right_arithmetic3A_409 = arith.constant 7 : i32
            %shift_right_arithmetic3A_410 = vector.broadcast %shift_right_arithmetic3A_409 : i32 to vector<16xi32>
            %shift_right_arithmetic3A_411 = arith.shrsi %add3A_408, %shift_right_arithmetic3A_410 : vector<16xi32>
            %and3A_412 = arith.constant 127 : i32
            %and3A_413 = vector.broadcast %and3A_412 : i32 to vector<16xi32>
            %and3A_414 = arith.andi %add3A_408, %and3A_413 : vector<16xi32>
            tpu.vector_store_idx %arg9[%shift_right_arithmetic3A_411, %and3A_414], %add3A_405 : memref<98x128xf32, #tpu.memory_space<vmem>>[vector<16xi32>, vector<16xi32>], vector<16xf32>,
            %get3A_415 = arith.constant 0 : i32
            %get3A_416 = arith.index_cast %get3A_415 : i32 to index
            %get3A_417 = arith.index_cast %add3A_142 : i32 to index
            %get3A_418 = arith.constant 96 : index
            %get3A_419 = tpu.vector_load %arg8[%get3A_416, %get3A_417, %get3A_418] {strides = array<i32>} : memref<2x208x256xf32, #tpu.memory_space<vmem>>, vector<16xf32>,
            %mul3A_420 = vector.broadcast %squeeze3A : f32 to vector<16xf32>
            %mul3A_421 = arith.mulf %get3A_419, %mul3A_420 : vector<16xf32>
            %get3A_422 = arith.constant 0 : i32
            %get3A_423 = arith.index_cast %get3A_422 : i32 to index
            %get3A_424 = arith.index_cast %add3A_151 : i32 to index
            %get3A_425 = arith.constant 96 : index
            %get3A_426 = tpu.vector_load %arg8[%get3A_423, %get3A_424, %get3A_425] {strides = array<i32>} : memref<2x208x256xf32, #tpu.memory_space<vmem>>, vector<16xf32>,
            %mul3A_427 = vector.broadcast %squeeze3A_130 : f32 to vector<16xf32>
            %mul3A_428 = arith.mulf %get3A_426, %mul3A_427 : vector<16xf32>
            %add3A_429 = arith.addf %mul3A_421, %mul3A_428 : vector<16xf32>
            %get3A_430 = arith.constant 0 : i32
            %get3A_431 = arith.index_cast %get3A_430 : i32 to index
            %get3A_432 = arith.index_cast %add3A_160 : i32 to index
            %get3A_433 = arith.constant 96 : index
            %get3A_434 = tpu.vector_load %arg8[%get3A_431, %get3A_432, %get3A_433] {strides = array<i32>} : memref<2x208x256xf32, #tpu.memory_space<vmem>>, vector<16xf32>,
            %mul3A_435 = vector.broadcast %squeeze3A_132 : f32 to vector<16xf32>
            %mul3A_436 = arith.mulf %get3A_434, %mul3A_435 : vector<16xf32>
            %get3A_437 = arith.constant 0 : i32
            %get3A_438 = arith.index_cast %get3A_437 : i32 to index
            %get3A_439 = arith.index_cast %add3A_169 : i32 to index
            %get3A_440 = arith.constant 96 : index
            %get3A_441 = tpu.vector_load %arg8[%get3A_438, %get3A_439, %get3A_440] {strides = array<i32>} : memref<2x208x256xf32, #tpu.memory_space<vmem>>, vector<16xf32>,
            %mul3A_442 = vector.broadcast %squeeze3A_134 : f32 to vector<16xf32>
            %mul3A_443 = arith.mulf %get3A_441, %mul3A_442 : vector<16xf32>
            %add3A_444 = arith.addf %mul3A_436, %mul3A_443 : vector<16xf32>
            %add3A_445 = arith.addf %add3A_429, %add3A_444 : vector<16xf32>
            %add3A_446 = arith.constant 4704 : i32
            %add3A_447 = vector.broadcast %add3A_446 : i32 to vector<16xi32>
            %add3A_448 = arith.addi %add3A_174, %add3A_447 : vector<16xi32>
            %shift_right_arithmetic3A_449 = arith.constant 7 : i32
            %shift_right_arithmetic3A_450 = vector.broadcast %shift_right_arithmetic3A_449 : i32 to vector<16xi32>
            %shift_right_arithmetic3A_451 = arith.shrsi %add3A_448, %shift_right_arithmetic3A_450 : vector<16xi32>
            %and3A_452 = arith.constant 127 : i32
            %and3A_453 = vector.broadcast %and3A_452 : i32 to vector<16xi32>
            %and3A_454 = arith.andi %add3A_448, %and3A_453 : vector<16xi32>
            tpu.vector_store_idx %arg9[%shift_right_arithmetic3A_451, %and3A_454], %add3A_445 : memref<98x128xf32, #tpu.memory_space<vmem>>[vector<16xi32>, vector<16xi32>], vector<16xf32>,
            %get3A_455 = arith.constant 0 : i32
            %get3A_456 = arith.index_cast %get3A_455 : i32 to index
            %get3A_457 = arith.index_cast %add3A_142 : i32 to index
            %get3A_458 = arith.constant 112 : index
            %get3A_459 = tpu.vector_load %arg8[%get3A_456, %get3A_457, %get3A_458] {strides = array<i32>} : memref<2x208x256xf32, #tpu.memory_space<vmem>>, vector<16xf32>,
            %mul3A_460 = vector.broadcast %squeeze3A : f32 to vector<16xf32>
            %mul3A_461 = arith.mulf %get3A_459, %mul3A_460 : vector<16xf32>
            %get3A_462 = arith.constant 0 : i32
            %get3A_463 = arith.index_cast %get3A_462 : i32 to index
            %get3A_464 = arith.index_cast %add3A_151 : i32 to index
            %get3A_465 = arith.constant 112 : index
            %get3A_466 = tpu.vector_load %arg8[%get3A_463, %get3A_464, %get3A_465] {strides = array<i32>} : memref<2x208x256xf32, #tpu.memory_space<vmem>>, vector<16xf32>,
            %mul3A_467 = vector.broadcast %squeeze3A_130 : f32 to vector<16xf32>
            %mul3A_468 = arith.mulf %get3A_466, %mul3A_467 : vector<16xf32>
            %add3A_469 = arith.addf %mul3A_461, %mul3A_468 : vector<16xf32>
            %get3A_470 = arith.constant 0 : i32
            %get3A_471 = arith.index_cast %get3A_470 : i32 to index
            %get3A_472 = arith.index_cast %add3A_160 : i32 to index
            %get3A_473 = arith.constant 112 : index
            %get3A_474 = tpu.vector_load %arg8[%get3A_471, %get3A_472, %get3A_473] {strides = array<i32>} : memref<2x208x256xf32, #tpu.memory_space<vmem>>, vector<16xf32>,
            %mul3A_475 = vector.broadcast %squeeze3A_132 : f32 to vector<16xf32>
            %mul3A_476 = arith.mulf %get3A_474, %mul3A_475 : vector<16xf32>
            %get3A_477 = arith.constant 0 : i32
            %get3A_478 = arith.index_cast %get3A_477 : i32 to index
            %get3A_479 = arith.index_cast %add3A_169 : i32 to index
            %get3A_480 = arith.constant 112 : index
            %get3A_481 = tpu.vector_load %arg8[%get3A_478, %get3A_479, %get3A_480] {strides = array<i32>} : memref<2x208x256xf32, #tpu.memory_space<vmem>>, vector<16xf32>,
            %mul3A_482 = vector.broadcast %squeeze3A_134 : f32 to vector<16xf32>
            %mul3A_483 = arith.mulf %get3A_481, %mul3A_482 : vector<16xf32>
            %add3A_484 = arith.addf %mul3A_476, %mul3A_483 : vector<16xf32>
            %add3A_485 = arith.addf %add3A_469, %add3A_484 : vector<16xf32>
            %add3A_486 = arith.constant 5488 : i32
            %add3A_487 = vector.broadcast %add3A_486 : i32 to vector<16xi32>
            %add3A_488 = arith.addi %add3A_174, %add3A_487 : vector<16xi32>
            %shift_right_arithmetic3A_489 = arith.constant 7 : i32
            %shift_right_arithmetic3A_490 = vector.broadcast %shift_right_arithmetic3A_489 : i32 to vector<16xi32>
            %shift_right_arithmetic3A_491 = arith.shrsi %add3A_488, %shift_right_arithmetic3A_490 : vector<16xi32>
            %and3A_492 = arith.constant 127 : i32
            %and3A_493 = vector.broadcast %and3A_492 : i32 to vector<16xi32>
            %and3A_494 = arith.andi %add3A_488, %and3A_493 : vector<16xi32>
            tpu.vector_store_idx %arg9[%shift_right_arithmetic3A_491, %and3A_494], %add3A_485 : memref<98x128xf32, #tpu.memory_space<vmem>>[vector<16xi32>, vector<16xi32>], vector<16xf32>,
            %get3A_495 = arith.constant 0 : i32
            %get3A_496 = arith.index_cast %get3A_495 : i32 to index
            %get3A_497 = arith.index_cast %add3A_142 : i32 to index
            %get3A_498 = arith.constant 128 : index
            %get3A_499 = tpu.vector_load %arg8[%get3A_496, %get3A_497, %get3A_498] {strides = array<i32>} : memref<2x208x256xf32, #tpu.memory_space<vmem>>, vector<16xf32>,
            %mul3A_500 = vector.broadcast %squeeze3A : f32 to vector<16xf32>
            %mul3A_501 = arith.mulf %get3A_499, %mul3A_500 : vector<16xf32>
            %get3A_502 = arith.constant 0 : i32
            %get3A_503 = arith.index_cast %get3A_502 : i32 to index
            %get3A_504 = arith.index_cast %add3A_151 : i32 to index
            %get3A_505 = arith.constant 128 : index
            %get3A_506 = tpu.vector_load %arg8[%get3A_503, %get3A_504, %get3A_505] {strides = array<i32>} : memref<2x208x256xf32, #tpu.memory_space<vmem>>, vector<16xf32>,
            %mul3A_507 = vector.broadcast %squeeze3A_130 : f32 to vector<16xf32>
            %mul3A_508 = arith.mulf %get3A_506, %mul3A_507 : vector<16xf32>
            %add3A_509 = arith.addf %mul3A_501, %mul3A_508 : vector<16xf32>
            %get3A_510 = arith.constant 0 : i32
            %get3A_511 = arith.index_cast %get3A_510 : i32 to index
            %get3A_512 = arith.index_cast %add3A_160 : i32 to index
            %get3A_513 = arith.constant 128 : index
            %get3A_514 = tpu.vector_load %arg8[%get3A_511, %get3A_512, %get3A_513] {strides = array<i32>} : memref<2x208x256xf32, #tpu.memory_space<vmem>>, vector<16xf32>,
            %mul3A_515 = vector.broadcast %squeeze3A_132 : f32 to vector<16xf32>
            %mul3A_516 = arith.mulf %get3A_514, %mul3A_515 : vector<16xf32>
            %get3A_517 = arith.constant 0 : i32
            %get3A_518 = arith.index_cast %get3A_517 : i32 to index
            %get3A_519 = arith.index_cast %add3A_169 : i32 to index
            %get3A_520 = arith.constant 128 : index
            %get3A_521 = tpu.vector_load %arg8[%get3A_518, %get3A_519, %get3A_520] {strides = array<i32>} : memref<2x208x256xf32, #tpu.memory_space<vmem>>, vector<16xf32>,
            %mul3A_522 = vector.broadcast %squeeze3A_134 : f32 to vector<16xf32>
            %mul3A_523 = arith.mulf %get3A_521, %mul3A_522 : vector<16xf32>
            %add3A_524 = arith.addf %mul3A_516, %mul3A_523 : vector<16xf32>
            %add3A_525 = arith.addf %add3A_509, %add3A_524 : vector<16xf32>
            %add3A_526 = arith.constant 6272 : i32
            %add3A_527 = vector.broadcast %add3A_526 : i32 to vector<16xi32>
            %add3A_528 = arith.addi %add3A_174, %add3A_527 : vector<16xi32>
            %shift_right_arithmetic3A_529 = arith.constant 7 : i32
            %shift_right_arithmetic3A_530 = vector.broadcast %shift_right_arithmetic3A_529 : i32 to vector<16xi32>
            %shift_right_arithmetic3A_531 = arith.shrsi %add3A_528, %shift_right_arithmetic3A_530 : vector<16xi32>
            %and3A_532 = arith.constant 127 : i32
            %and3A_533 = vector.broadcast %and3A_532 : i32 to vector<16xi32>
            %and3A_534 = arith.andi %add3A_528, %and3A_533 : vector<16xi32>
            tpu.vector_store_idx %arg9[%shift_right_arithmetic3A_531, %and3A_534], %add3A_525 : memref<98x128xf32, #tpu.memory_space<vmem>>[vector<16xi32>, vector<16xi32>], vector<16xf32>,
            %get3A_535 = arith.constant 0 : i32
            %get3A_536 = arith.index_cast %get3A_535 : i32 to index
            %get3A_537 = arith.index_cast %add3A_142 : i32 to index
            %get3A_538 = arith.constant 144 : index
            %get3A_539 = tpu.vector_load %arg8[%get3A_536, %get3A_537, %get3A_538] {strides = array<i32>} : memref<2x208x256xf32, #tpu.memory_space<vmem>>, vector<16xf32>,
            %mul3A_540 = vector.broadcast %squeeze3A : f32 to vector<16xf32>
            %mul3A_541 = arith.mulf %get3A_539, %mul3A_540 : vector<16xf32>
            %get3A_542 = arith.constant 0 : i32
            %get3A_543 = arith.index_cast %get3A_542 : i32 to index
            %get3A_544 = arith.index_cast %add3A_151 : i32 to index
            %get3A_545 = arith.constant 144 : index
            %get3A_546 = tpu.vector_load %arg8[%get3A_543, %get3A_544, %get3A_545] {strides = array<i32>} : memref<2x208x256xf32, #tpu.memory_space<vmem>>, vector<16xf32>,
            %mul3A_547 = vector.broadcast %squeeze3A_130 : f32 to vector<16xf32>
            %mul3A_548 = arith.mulf %get3A_546, %mul3A_547 : vector<16xf32>
            %add3A_549 = arith.addf %mul3A_541, %mul3A_548 : vector<16xf32>
            %get3A_550 = arith.constant 0 : i32
            %get3A_551 = arith.index_cast %get3A_550 : i32 to index
            %get3A_552 = arith.index_cast %add3A_160 : i32 to index
            %get3A_553 = arith.constant 144 : index
            %get3A_554 = tpu.vector_load %arg8[%get3A_551, %get3A_552, %get3A_553] {strides = array<i32>} : memref<2x208x256xf32, #tpu.memory_space<vmem>>, vector<16xf32>,
            %mul3A_555 = vector.broadcast %squeeze3A_132 : f32 to vector<16xf32>
            %mul3A_556 = arith.mulf %get3A_554, %mul3A_555 : vector<16xf32>
            %get3A_557 = arith.constant 0 : i32
            %get3A_558 = arith.index_cast %get3A_557 : i32 to index
            %get3A_559 = arith.index_cast %add3A_169 : i32 to index
            %get3A_560 = arith.constant 144 : index
            %get3A_561 = tpu.vector_load %arg8[%get3A_558, %get3A_559, %get3A_560] {strides = array<i32>} : memref<2x208x256xf32, #tpu.memory_space<vmem>>, vector<16xf32>,
            %mul3A_562 = vector.broadcast %squeeze3A_134 : f32 to vector<16xf32>
            %mul3A_563 = arith.mulf %get3A_561, %mul3A_562 : vector<16xf32>
            %add3A_564 = arith.addf %mul3A_556, %mul3A_563 : vector<16xf32>
            %add3A_565 = arith.addf %add3A_549, %add3A_564 : vector<16xf32>
            %add3A_566 = arith.constant 7056 : i32
            %add3A_567 = vector.broadcast %add3A_566 : i32 to vector<16xi32>
            %add3A_568 = arith.addi %add3A_174, %add3A_567 : vector<16xi32>
            %shift_right_arithmetic3A_569 = arith.constant 7 : i32
            %shift_right_arithmetic3A_570 = vector.broadcast %shift_right_arithmetic3A_569 : i32 to vector<16xi32>
            %shift_right_arithmetic3A_571 = arith.shrsi %add3A_568, %shift_right_arithmetic3A_570 : vector<16xi32>
            %and3A_572 = arith.constant 127 : i32
            %and3A_573 = vector.broadcast %and3A_572 : i32 to vector<16xi32>
            %and3A_574 = arith.andi %add3A_568, %and3A_573 : vector<16xi32>
            tpu.vector_store_idx %arg9[%shift_right_arithmetic3A_571, %and3A_574], %add3A_565 : memref<98x128xf32, #tpu.memory_space<vmem>>[vector<16xi32>, vector<16xi32>], vector<16xf32>,
            %get3A_575 = arith.constant 0 : i32
            %get3A_576 = arith.index_cast %get3A_575 : i32 to index
            %get3A_577 = arith.index_cast %add3A_142 : i32 to index
            %get3A_578 = arith.constant 160 : index
            %get3A_579 = tpu.vector_load %arg8[%get3A_576, %get3A_577, %get3A_578] {strides = array<i32>} : memref<2x208x256xf32, #tpu.memory_space<vmem>>, vector<16xf32>,
            %mul3A_580 = vector.broadcast %squeeze3A : f32 to vector<16xf32>
            %mul3A_581 = arith.mulf %get3A_579, %mul3A_580 : vector<16xf32>
            %get3A_582 = arith.constant 0 : i32
            %get3A_583 = arith.index_cast %get3A_582 : i32 to index
            %get3A_584 = arith.index_cast %add3A_151 : i32 to index
            %get3A_585 = arith.constant 160 : index
            %get3A_586 = tpu.vector_load %arg8[%get3A_583, %get3A_584, %get3A_585] {strides = array<i32>} : memref<2x208x256xf32, #tpu.memory_space<vmem>>, vector<16xf32>,
            %mul3A_587 = vector.broadcast %squeeze3A_130 : f32 to vector<16xf32>
            %mul3A_588 = arith.mulf %get3A_586, %mul3A_587 : vector<16xf32>
            %add3A_589 = arith.addf %mul3A_581, %mul3A_588 : vector<16xf32>
            %get3A_590 = arith.constant 0 : i32
            %get3A_591 = arith.index_cast %get3A_590 : i32 to index
            %get3A_592 = arith.index_cast %add3A_160 : i32 to index
            %get3A_593 = arith.constant 160 : index
            %get3A_594 = tpu.vector_load %arg8[%get3A_591, %get3A_592, %get3A_593] {strides = array<i32>} : memref<2x208x256xf32, #tpu.memory_space<vmem>>, vector<16xf32>,
            %mul3A_595 = vector.broadcast %squeeze3A_132 : f32 to vector<16xf32>
            %mul3A_596 = arith.mulf %get3A_594, %mul3A_595 : vector<16xf32>
            %get3A_597 = arith.constant 0 : i32
            %get3A_598 = arith.index_cast %get3A_597 : i32 to index
            %get3A_599 = arith.index_cast %add3A_169 : i32 to index
            %get3A_600 = arith.constant 160 : index
            %get3A_601 = tpu.vector_load %arg8[%get3A_598, %get3A_599, %get3A_600] {strides = array<i32>} : memref<2x208x256xf32, #tpu.memory_space<vmem>>, vector<16xf32>,
            %mul3A_602 = vector.broadcast %squeeze3A_134 : f32 to vector<16xf32>
            %mul3A_603 = arith.mulf %get3A_601, %mul3A_602 : vector<16xf32>
            %add3A_604 = arith.addf %mul3A_596, %mul3A_603 : vector<16xf32>
            %add3A_605 = arith.addf %add3A_589, %add3A_604 : vector<16xf32>
            %add3A_606 = arith.constant 7840 : i32
            %add3A_607 = vector.broadcast %add3A_606 : i32 to vector<16xi32>
            %add3A_608 = arith.addi %add3A_174, %add3A_607 : vector<16xi32>
            %shift_right_arithmetic3A_609 = arith.constant 7 : i32
            %shift_right_arithmetic3A_610 = vector.broadcast %shift_right_arithmetic3A_609 : i32 to vector<16xi32>
            %shift_right_arithmetic3A_611 = arith.shrsi %add3A_608, %shift_right_arithmetic3A_610 : vector<16xi32>
            %and3A_612 = arith.constant 127 : i32
            %and3A_613 = vector.broadcast %and3A_612 : i32 to vector<16xi32>
            %and3A_614 = arith.andi %add3A_608, %and3A_613 : vector<16xi32>
            tpu.vector_store_idx %arg9[%shift_right_arithmetic3A_611, %and3A_614], %add3A_605 : memref<98x128xf32, #tpu.memory_space<vmem>>[vector<16xi32>, vector<16xi32>], vector<16xf32>,
            %get3A_615 = arith.constant 0 : i32
            %get3A_616 = arith.index_cast %get3A_615 : i32 to index
            %get3A_617 = arith.index_cast %add3A_142 : i32 to index
            %get3A_618 = arith.constant 176 : index
            %get3A_619 = tpu.vector_load %arg8[%get3A_616, %get3A_617, %get3A_618] {strides = array<i32>} : memref<2x208x256xf32, #tpu.memory_space<vmem>>, vector<16xf32>,
            %mul3A_620 = vector.broadcast %squeeze3A : f32 to vector<16xf32>
            %mul3A_621 = arith.mulf %get3A_619, %mul3A_620 : vector<16xf32>
            %get3A_622 = arith.constant 0 : i32
            %get3A_623 = arith.index_cast %get3A_622 : i32 to index
            %get3A_624 = arith.index_cast %add3A_151 : i32 to index
            %get3A_625 = arith.constant 176 : index
            %get3A_626 = tpu.vector_load %arg8[%get3A_623, %get3A_624, %get3A_625] {strides = array<i32>} : memref<2x208x256xf32, #tpu.memory_space<vmem>>, vector<16xf32>,
            %mul3A_627 = vector.broadcast %squeeze3A_130 : f32 to vector<16xf32>
            %mul3A_628 = arith.mulf %get3A_626, %mul3A_627 : vector<16xf32>
            %add3A_629 = arith.addf %mul3A_621, %mul3A_628 : vector<16xf32>
            %get3A_630 = arith.constant 0 : i32
            %get3A_631 = arith.index_cast %get3A_630 : i32 to index
            %get3A_632 = arith.index_cast %add3A_160 : i32 to index
            %get3A_633 = arith.constant 176 : index
            %get3A_634 = tpu.vector_load %arg8[%get3A_631, %get3A_632, %get3A_633] {strides = array<i32>} : memref<2x208x256xf32, #tpu.memory_space<vmem>>, vector<16xf32>,
            %mul3A_635 = vector.broadcast %squeeze3A_132 : f32 to vector<16xf32>
            %mul3A_636 = arith.mulf %get3A_634, %mul3A_635 : vector<16xf32>
            %get3A_637 = arith.constant 0 : i32
            %get3A_638 = arith.index_cast %get3A_637 : i32 to index
            %get3A_639 = arith.index_cast %add3A_169 : i32 to index
            %get3A_640 = arith.constant 176 : index
            %get3A_641 = tpu.vector_load %arg8[%get3A_638, %get3A_639, %get3A_640] {strides = array<i32>} : memref<2x208x256xf32, #tpu.memory_space<vmem>>, vector<16xf32>,
            %mul3A_642 = vector.broadcast %squeeze3A_134 : f32 to vector<16xf32>
            %mul3A_643 = arith.mulf %get3A_641, %mul3A_642 : vector<16xf32>
            %add3A_644 = arith.addf %mul3A_636, %mul3A_643 : vector<16xf32>
            %add3A_645 = arith.addf %add3A_629, %add3A_644 : vector<16xf32>
            %add3A_646 = arith.constant 8624 : i32
            %add3A_647 = vector.broadcast %add3A_646 : i32 to vector<16xi32>
            %add3A_648 = arith.addi %add3A_174, %add3A_647 : vector<16xi32>
            %shift_right_arithmetic3A_649 = arith.constant 7 : i32
            %shift_right_arithmetic3A_650 = vector.broadcast %shift_right_arithmetic3A_649 : i32 to vector<16xi32>
            %shift_right_arithmetic3A_651 = arith.shrsi %add3A_648, %shift_right_arithmetic3A_650 : vector<16xi32>
            %and3A_652 = arith.constant 127 : i32
            %and3A_653 = vector.broadcast %and3A_652 : i32 to vector<16xi32>
            %and3A_654 = arith.andi %add3A_648, %and3A_653 : vector<16xi32>
            tpu.vector_store_idx %arg9[%shift_right_arithmetic3A_651, %and3A_654], %add3A_645 : memref<98x128xf32, #tpu.memory_space<vmem>>[vector<16xi32>, vector<16xi32>], vector<16xf32>,
            %get3A_655 = arith.constant 0 : i32
            %get3A_656 = arith.index_cast %get3A_655 : i32 to index
            %get3A_657 = arith.index_cast %add3A_142 : i32 to index
            %get3A_658 = arith.constant 192 : index
            %get3A_659 = tpu.vector_load %arg8[%get3A_656, %get3A_657, %get3A_658] {strides = array<i32>} : memref<2x208x256xf32, #tpu.memory_space<vmem>>, vector<16xf32>,
            %mul3A_660 = vector.broadcast %squeeze3A : f32 to vector<16xf32>
            %mul3A_661 = arith.mulf %get3A_659, %mul3A_660 : vector<16xf32>
            %get3A_662 = arith.constant 0 : i32
            %get3A_663 = arith.index_cast %get3A_662 : i32 to index
            %get3A_664 = arith.index_cast %add3A_151 : i32 to index
            %get3A_665 = arith.constant 192 : index
            %get3A_666 = tpu.vector_load %arg8[%get3A_663, %get3A_664, %get3A_665] {strides = array<i32>} : memref<2x208x256xf32, #tpu.memory_space<vmem>>, vector<16xf32>,
            %mul3A_667 = vector.broadcast %squeeze3A_130 : f32 to vector<16xf32>
            %mul3A_668 = arith.mulf %get3A_666, %mul3A_667 : vector<16xf32>
            %add3A_669 = arith.addf %mul3A_661, %mul3A_668 : vector<16xf32>
            %get3A_670 = arith.constant 0 : i32
            %get3A_671 = arith.index_cast %get3A_670 : i32 to index
            %get3A_672 = arith.index_cast %add3A_160 : i32 to index
            %get3A_673 = arith.constant 192 : index
            %get3A_674 = tpu.vector_load %arg8[%get3A_671, %get3A_672, %get3A_673] {strides = array<i32>} : memref<2x208x256xf32, #tpu.memory_space<vmem>>, vector<16xf32>,
            %mul3A_675 = vector.broadcast %squeeze3A_132 : f32 to vector<16xf32>
            %mul3A_676 = arith.mulf %get3A_674, %mul3A_675 : vector<16xf32>
            %get3A_677 = arith.constant 0 : i32
            %get3A_678 = arith.index_cast %get3A_677 : i32 to index
            %get3A_679 = arith.index_cast %add3A_169 : i32 to index
            %get3A_680 = arith.constant 192 : index
            %get3A_681 = tpu.vector_load %arg8[%get3A_678, %get3A_679, %get3A_680] {strides = array<i32>} : memref<2x208x256xf32, #tpu.memory_space<vmem>>, vector<16xf32>,
            %mul3A_682 = vector.broadcast %squeeze3A_134 : f32 to vector<16xf32>
            %mul3A_683 = arith.mulf %get3A_681, %mul3A_682 : vector<16xf32>
            %add3A_684 = arith.addf %mul3A_676, %mul3A_683 : vector<16xf32>
            %add3A_685 = arith.addf %add3A_669, %add3A_684 : vector<16xf32>
            %add3A_686 = arith.constant 9408 : i32
            %add3A_687 = vector.broadcast %add3A_686 : i32 to vector<16xi32>
            %add3A_688 = arith.addi %add3A_174, %add3A_687 : vector<16xi32>
            %shift_right_arithmetic3A_689 = arith.constant 7 : i32
            %shift_right_arithmetic3A_690 = vector.broadcast %shift_right_arithmetic3A_689 : i32 to vector<16xi32>
            %shift_right_arithmetic3A_691 = arith.shrsi %add3A_688, %shift_right_arithmetic3A_690 : vector<16xi32>
            %and3A_692 = arith.constant 127 : i32
            %and3A_693 = vector.broadcast %and3A_692 : i32 to vector<16xi32>
            %and3A_694 = arith.andi %add3A_688, %and3A_693 : vector<16xi32>
            tpu.vector_store_idx %arg9[%shift_right_arithmetic3A_691, %and3A_694], %add3A_685 : memref<98x128xf32, #tpu.memory_space<vmem>>[vector<16xi32>, vector<16xi32>], vector<16xf32>,
            %get3A_695 = arith.constant 0 : i32
            %get3A_696 = arith.index_cast %get3A_695 : i32 to index
            %get3A_697 = arith.index_cast %add3A_142 : i32 to index
            %get3A_698 = arith.constant 208 : index
            %get3A_699 = tpu.vector_load %arg8[%get3A_696, %get3A_697, %get3A_698] {strides = array<i32>} : memref<2x208x256xf32, #tpu.memory_space<vmem>>, vector<16xf32>,
            %mul3A_700 = vector.broadcast %squeeze3A : f32 to vector<16xf32>
            %mul3A_701 = arith.mulf %get3A_699, %mul3A_700 : vector<16xf32>
            %get3A_702 = arith.constant 0 : i32
            %get3A_703 = arith.index_cast %get3A_702 : i32 to index
            %get3A_704 = arith.index_cast %add3A_151 : i32 to index
            %get3A_705 = arith.constant 208 : index
            %get3A_706 = tpu.vector_load %arg8[%get3A_703, %get3A_704, %get3A_705] {strides = array<i32>} : memref<2x208x256xf32, #tpu.memory_space<vmem>>, vector<16xf32>,
            %mul3A_707 = vector.broadcast %squeeze3A_130 : f32 to vector<16xf32>
            %mul3A_708 = arith.mulf %get3A_706, %mul3A_707 : vector<16xf32>
            %add3A_709 = arith.addf %mul3A_701, %mul3A_708 : vector<16xf32>
            %get3A_710 = arith.constant 0 : i32
            %get3A_711 = arith.index_cast %get3A_710 : i32 to index
            %get3A_712 = arith.index_cast %add3A_160 : i32 to index
            %get3A_713 = arith.constant 208 : index
            %get3A_714 = tpu.vector_load %arg8[%get3A_711, %get3A_712, %get3A_713] {strides = array<i32>} : memref<2x208x256xf32, #tpu.memory_space<vmem>>, vector<16xf32>,
            %mul3A_715 = vector.broadcast %squeeze3A_132 : f32 to vector<16xf32>
            %mul3A_716 = arith.mulf %get3A_714, %mul3A_715 : vector<16xf32>
            %get3A_717 = arith.constant 0 : i32
            %get3A_718 = arith.index_cast %get3A_717 : i32 to index
            %get3A_719 = arith.index_cast %add3A_169 : i32 to index
            %get3A_720 = arith.constant 208 : index
            %get3A_721 = tpu.vector_load %arg8[%get3A_718, %get3A_719, %get3A_720] {strides = array<i32>} : memref<2x208x256xf32, #tpu.memory_space<vmem>>, vector<16xf32>,
            %mul3A_722 = vector.broadcast %squeeze3A_134 : f32 to vector<16xf32>
            %mul3A_723 = arith.mulf %get3A_721, %mul3A_722 : vector<16xf32>
            %add3A_724 = arith.addf %mul3A_716, %mul3A_723 : vector<16xf32>
            %add3A_725 = arith.addf %add3A_709, %add3A_724 : vector<16xf32>
            %add3A_726 = arith.constant 10192 : i32
            %add3A_727 = vector.broadcast %add3A_726 : i32 to vector<16xi32>
            %add3A_728 = arith.addi %add3A_174, %add3A_727 : vector<16xi32>
            %shift_right_arithmetic3A_729 = arith.constant 7 : i32
            %shift_right_arithmetic3A_730 = vector.broadcast %shift_right_arithmetic3A_729 : i32 to vector<16xi32>
            %shift_right_arithmetic3A_731 = arith.shrsi %add3A_728, %shift_right_arithmetic3A_730 : vector<16xi32>
            %and3A_732 = arith.constant 127 : i32
            %and3A_733 = vector.broadcast %and3A_732 : i32 to vector<16xi32>
            %and3A_734 = arith.andi %add3A_728, %and3A_733 : vector<16xi32>
            tpu.vector_store_idx %arg9[%shift_right_arithmetic3A_731, %and3A_734], %add3A_725 : memref<98x128xf32, #tpu.memory_space<vmem>>[vector<16xi32>, vector<16xi32>], vector<16xf32>,
            %get3A_735 = arith.constant 0 : i32
            %get3A_736 = arith.index_cast %get3A_735 : i32 to index
            %get3A_737 = arith.index_cast %add3A_142 : i32 to index
            %get3A_738 = arith.constant 224 : index
            %get3A_739 = tpu.vector_load %arg8[%get3A_736, %get3A_737, %get3A_738] {strides = array<i32>} : memref<2x208x256xf32, #tpu.memory_space<vmem>>, vector<16xf32>,
            %mul3A_740 = vector.broadcast %squeeze3A : f32 to vector<16xf32>
            %mul3A_741 = arith.mulf %get3A_739, %mul3A_740 : vector<16xf32>
            %get3A_742 = arith.constant 0 : i32
            %get3A_743 = arith.index_cast %get3A_742 : i32 to index
            %get3A_744 = arith.index_cast %add3A_151 : i32 to index
            %get3A_745 = arith.constant 224 : index
            %get3A_746 = tpu.vector_load %arg8[%get3A_743, %get3A_744, %get3A_745] {strides = array<i32>} : memref<2x208x256xf32, #tpu.memory_space<vmem>>, vector<16xf32>,
            %mul3A_747 = vector.broadcast %squeeze3A_130 : f32 to vector<16xf32>
            %mul3A_748 = arith.mulf %get3A_746, %mul3A_747 : vector<16xf32>
            %add3A_749 = arith.addf %mul3A_741, %mul3A_748 : vector<16xf32>
            %get3A_750 = arith.constant 0 : i32
            %get3A_751 = arith.index_cast %get3A_750 : i32 to index
            %get3A_752 = arith.index_cast %add3A_160 : i32 to index
            %get3A_753 = arith.constant 224 : index
            %get3A_754 = tpu.vector_load %arg8[%get3A_751, %get3A_752, %get3A_753] {strides = array<i32>} : memref<2x208x256xf32, #tpu.memory_space<vmem>>, vector<16xf32>,
            %mul3A_755 = vector.broadcast %squeeze3A_132 : f32 to vector<16xf32>
            %mul3A_756 = arith.mulf %get3A_754, %mul3A_755 : vector<16xf32>
            %get3A_757 = arith.constant 0 : i32
            %get3A_758 = arith.index_cast %get3A_757 : i32 to index
            %get3A_759 = arith.index_cast %add3A_169 : i32 to index
            %get3A_760 = arith.constant 224 : index
            %get3A_761 = tpu.vector_load %arg8[%get3A_758, %get3A_759, %get3A_760] {strides = array<i32>} : memref<2x208x256xf32, #tpu.memory_space<vmem>>, vector<16xf32>,
            %mul3A_762 = vector.broadcast %squeeze3A_134 : f32 to vector<16xf32>
            %mul3A_763 = arith.mulf %get3A_761, %mul3A_762 : vector<16xf32>
            %add3A_764 = arith.addf %mul3A_756, %mul3A_763 : vector<16xf32>
            %add3A_765 = arith.addf %add3A_749, %add3A_764 : vector<16xf32>
            %add3A_766 = arith.constant 10976 : i32
            %add3A_767 = vector.broadcast %add3A_766 : i32 to vector<16xi32>
            %add3A_768 = arith.addi %add3A_174, %add3A_767 : vector<16xi32>
            %shift_right_arithmetic3A_769 = arith.constant 7 : i32
            %shift_right_arithmetic3A_770 = vector.broadcast %shift_right_arithmetic3A_769 : i32 to vector<16xi32>
            %shift_right_arithmetic3A_771 = arith.shrsi %add3A_768, %shift_right_arithmetic3A_770 : vector<16xi32>
            %and3A_772 = arith.constant 127 : i32
            %and3A_773 = vector.broadcast %and3A_772 : i32 to vector<16xi32>
            %and3A_774 = arith.andi %add3A_768, %and3A_773 : vector<16xi32>
            tpu.vector_store_idx %arg9[%shift_right_arithmetic3A_771, %and3A_774], %add3A_765 : memref<98x128xf32, #tpu.memory_space<vmem>>[vector<16xi32>, vector<16xi32>], vector<16xf32>,
            %get3A_775 = arith.constant 0 : i32
            %get3A_776 = arith.index_cast %get3A_775 : i32 to index
            %get3A_777 = arith.index_cast %add3A_142 : i32 to index
            %get3A_778 = arith.constant 240 : index
            %get3A_779 = tpu.vector_load %arg8[%get3A_776, %get3A_777, %get3A_778] {strides = array<i32>} : memref<2x208x256xf32, #tpu.memory_space<vmem>>, vector<16xf32>,
            %mul3A_780 = vector.broadcast %squeeze3A : f32 to vector<16xf32>
            %mul3A_781 = arith.mulf %get3A_779, %mul3A_780 : vector<16xf32>
            %get3A_782 = arith.constant 0 : i32
            %get3A_783 = arith.index_cast %get3A_782 : i32 to index
            %get3A_784 = arith.index_cast %add3A_151 : i32 to index
            %get3A_785 = arith.constant 240 : index
            %get3A_786 = tpu.vector_load %arg8[%get3A_783, %get3A_784, %get3A_785] {strides = array<i32>} : memref<2x208x256xf32, #tpu.memory_space<vmem>>, vector<16xf32>,
            %mul3A_787 = vector.broadcast %squeeze3A_130 : f32 to vector<16xf32>
            %mul3A_788 = arith.mulf %get3A_786, %mul3A_787 : vector<16xf32>
            %add3A_789 = arith.addf %mul3A_781, %mul3A_788 : vector<16xf32>
            %get3A_790 = arith.constant 0 : i32
            %get3A_791 = arith.index_cast %get3A_790 : i32 to index
            %get3A_792 = arith.index_cast %add3A_160 : i32 to index
            %get3A_793 = arith.constant 240 : index
            %get3A_794 = tpu.vector_load %arg8[%get3A_791, %get3A_792, %get3A_793] {strides = array<i32>} : memref<2x208x256xf32, #tpu.memory_space<vmem>>, vector<16xf32>,
            %mul3A_795 = vector.broadcast %squeeze3A_132 : f32 to vector<16xf32>
            %mul3A_796 = arith.mulf %get3A_794, %mul3A_795 : vector<16xf32>
            %get3A_797 = arith.constant 0 : i32
            %get3A_798 = arith.index_cast %get3A_797 : i32 to index
            %get3A_799 = arith.index_cast %add3A_169 : i32 to index
            %get3A_800 = arith.constant 240 : index
            %get3A_801 = tpu.vector_load %arg8[%get3A_798, %get3A_799, %get3A_800] {strides = array<i32>} : memref<2x208x256xf32, #tpu.memory_space<vmem>>, vector<16xf32>,
            %mul3A_802 = vector.broadcast %squeeze3A_134 : f32 to vector<16xf32>
            %mul3A_803 = arith.mulf %get3A_801, %mul3A_802 : vector<16xf32>
            %add3A_804 = arith.addf %mul3A_796, %mul3A_803 : vector<16xf32>
            %add3A_805 = arith.addf %add3A_789, %add3A_804 : vector<16xf32>
            %add3A_806 = arith.constant 11760 : i32
            %add3A_807 = vector.broadcast %add3A_806 : i32 to vector<16xi32>
            %add3A_808 = arith.addi %add3A_174, %add3A_807 : vector<16xi32>
            %shift_right_arithmetic3A_809 = arith.constant 7 : i32
            %shift_right_arithmetic3A_810 = vector.broadcast %shift_right_arithmetic3A_809 : i32 to vector<16xi32>
            %shift_right_arithmetic3A_811 = arith.shrsi %add3A_808, %shift_right_arithmetic3A_810 : vector<16xi32>
            %and3A_812 = arith.constant 127 : i32
            %and3A_813 = vector.broadcast %and3A_812 : i32 to vector<16xi32>
            %and3A_814 = arith.andi %add3A_808, %and3A_813 : vector<16xi32>
            tpu.vector_store_idx %arg9[%shift_right_arithmetic3A_811, %and3A_814], %add3A_805 : memref<98x128xf32, #tpu.memory_space<vmem>>[vector<16xi32>, vector<16xi32>], vector<16xf32>,
          }
          %scan3A_118 = arith.constant 7 : i32
        }
        %scan3A_110 = arith.constant 7 : i32
        %mul3A_111 = arith.constant 98 : i32
        %mul3A_112 = arith.muli %add3A_41, %mul3A_111 : i32
        "tpu.region"() ({
          %run_scoped3A = tpu.sem_alloc : memref<!tpu.dma_semaphore, #tpu.memory_space<semaphore_mem>>
          %dma_start3A = arith.constant 0 : i32
          %dma_start3A_113 = tpu.memref_slice %arg4[%mul3A_112, %dma_start3A] : memref<98000x128xf32, #tpu.memory_space<hbm>> -> memref<98x128xf32, #tpu.memory_space<hbm>>
          %dma_start3A_114 = arith.constant 0 : i32
          %dma_start3A_115 = tpu.memref_slice %arg4[%mul3A_112, %dma_start3A_114] : memref<98000x128xf32, #tpu.memory_space<hbm>> -> memref<98x128xf32, #tpu.memory_space<hbm>>
          tpu.enqueue_dma source(%arg9 : memref<98x128xf32, #tpu.memory_space<vmem>>) target(%dma_start3A_115 : memref<98x128xf32, #tpu.memory_space<hbm>>) target_semaphore(%run_scoped3A : memref<!tpu.dma_semaphore, #tpu.memory_space<semaphore_mem>>)
          %dma_wait3A_116 = arith.constant 0 : i32
          %dma_wait3A_117 = tpu.memref_slice %arg4[%mul3A_112, %dma_wait3A_116] : memref<98000x128xf32, #tpu.memory_space<hbm>> -> memref<98x128xf32, #tpu.memory_space<hbm>>
          %dma_wait3A_118 = arith.constant 0 : i32
          %dma_wait3A_119 = tpu.memref_slice %arg4[%mul3A_112, %dma_wait3A_118] : memref<98000x128xf32, #tpu.memory_space<hbm>> -> memref<98x128xf32, #tpu.memory_space<hbm>>
          tpu.wait_dma2 semaphore(%run_scoped3A : memref<!tpu.dma_semaphore, #tpu.memory_space<semaphore_mem>>) src(%arg9 : memref<98x128xf32, #tpu.memory_space<vmem>>) dst(%dma_wait3A_119 : memref<98x128xf32, #tpu.memory_space<hbm>>)
          tpu.yield
        }) : () -> ()
      } else {
      }
      %mul3A_58 = arith.constant 2 : i32
      %mul3A_59 = arith.muli %mul3A_58, %scan3A_36 : i32
      %add3A_60 = arith.constant 1 : i32
      %add3A_61 = arith.addi %mul3A_59, %add3A_60 : i32
      %add3A_62 = arith.addi %mul3A_2, %add3A_61 : i32
      %add3A_63 = arith.constant 1 : i32
      %add3A_64 = arith.addi %add3A_61, %add3A_63 : i32
      %lt3A_65 = arith.constant 32 : i32
      %lt3A_66 = arith.cmpi slt, %add3A_64, %lt3A_65 : i32
      %add3A_67 = arith.constant 1 : i32
      %add3A_68 = arith.addi %add3A_62, %add3A_67 : i32
      %lt3A_69 = arith.constant 1000 : i32
      %lt3A_70 = arith.cmpi slt, %add3A_68, %lt3A_69 : i32
      %and3A_71 = arith.andi %lt3A_66, %lt3A_70 : i1
      %convert_element_type3A_72 = arith.extui %and3A_71 : i1 to i32
      %cond3A_73 = arith.constant 0 : i32
      %cond3A_74 = arith.cmpi ne, %convert_element_type3A_72, %cond3A_73 : i32
      scf.if %cond3A_74 {
        %add3A_80 = arith.constant 1 : i32
        %add3A_81 = arith.addi %add3A_61, %add3A_80 : i32
        %mul3A_82 = arith.constant 7 : i32
        %mul3A_83 = arith.muli %add3A_81, %mul3A_82 : i32
        %broadcast_in_dim3A_84 = vector.broadcast %mul3A_83 : i32 to vector<16xi32>
        %add3A_85 = arith.constant 1 : i32
        %add3A_86 = vector.broadcast %add3A_85 : i32 to vector<16xi32>
        %add3A_87 = arith.addi %broadcast_in_dim3A_84, %add3A_86 : vector<16xi32>
        %gather3A = tpu.vector_load_idx %arg5[%add3A_87] : memref<224xf32, #tpu.memory_space<vmem>>[vector<16xi32>], vector<16xf32>,
        %add3A_88 = arith.constant 2 : i32
        %add3A_89 = vector.broadcast %add3A_88 : i32 to vector<16xi32>
        %add3A_90 = arith.addi %broadcast_in_dim3A_84, %add3A_89 : vector<16xi32>
        %gather3A_91 = tpu.vector_load_idx %arg5[%add3A_90] : memref<224xf32, #tpu.memory_space<vmem>>[vector<16xi32>], vector<16xf32>,
        %add3A_92 = arith.constant 3 : i32
        %add3A_93 = vector.broadcast %add3A_92 : i32 to vector<16xi32>
        %add3A_94 = arith.addi %broadcast_in_dim3A_84, %add3A_93 : vector<16xi32>
        %gather3A_95 = tpu.vector_load_idx %arg5[%add3A_94] : memref<224xf32, #tpu.memory_space<vmem>>[vector<16xi32>], vector<16xf32>,
        %add3A_96 = arith.constant 4 : i32
        %add3A_97 = vector.broadcast %add3A_96 : i32 to vector<16xi32>
        %add3A_98 = arith.addi %broadcast_in_dim3A_84, %add3A_97 : vector<16xi32>
        %gather3A_99 = tpu.vector_load_idx %arg5[%add3A_98] : memref<224xf32, #tpu.memory_space<vmem>>[vector<16xi32>], vector<16xf32>,
        %sub3A = arith.subf %gather3A_95, %gather3A : vector<16xf32>
        %sub3A_100 = arith.subf %gather3A_99, %gather3A_91 : vector<16xf32>
        %mul3A_101 = arith.mulf %sub3A, %sub3A_100 : vector<16xf32>
        %broadcast_in_dim3A_102 = arith.constant 1 : i32
        %broadcast_in_dim3A_103 = vector.broadcast %broadcast_in_dim3A_102 : i32 to vector<16xi32>
        %broadcast_in_dim3A_104 = arith.constant 0 : i32
        %broadcast_in_dim3A_105 = vector.broadcast %broadcast_in_dim3A_104 : i32 to vector<16xi32>
        %gt3A = arith.constant 2.304000e+03 : f32
        %gt3A_106 = vector.broadcast %gt3A : f32 to vector<16xf32>
        %gt3A_107 = arith.cmpf ogt, %mul3A_101, %gt3A_106 : vector<16xf32>
        %select_n3A = arith.select %gt3A_107, %broadcast_in_dim3A_103, %broadcast_in_dim3A_105 : vector<16xi1>, vector<16xi32>
        %gt3A_108 = arith.constant 9.216000e+03 : f32
        %gt3A_109 = vector.broadcast %gt3A_108 : f32 to vector<16xf32>
        %gt3A_110 = arith.cmpf ogt, %mul3A_101, %gt3A_109 : vector<16xf32>
        %select_n3A_111 = arith.select %gt3A_110, %broadcast_in_dim3A_103, %broadcast_in_dim3A_105 : vector<16xi1>, vector<16xi32>
        %add3A_112 = arith.addi %select_n3A, %select_n3A_111 : vector<16xi32>
        %gt3A_113 = arith.constant 3.686400e+04 : f32
        %gt3A_114 = vector.broadcast %gt3A_113 : f32 to vector<16xf32>
        %gt3A_115 = arith.cmpf ogt, %mul3A_101, %gt3A_114 : vector<16xf32>
        %select_n3A_116 = arith.select %gt3A_115, %broadcast_in_dim3A_103, %broadcast_in_dim3A_105 : vector<16xi1>, vector<16xi32>
        %add3A_117 = arith.addi %add3A_112, %select_n3A_116 : vector<16xi32>
        %eq3A = arith.constant 0 : i32
        %eq3A_118 = vector.broadcast %eq3A : i32 to vector<16xi32>
        %eq3A_119 = arith.cmpi eq, %add3A_117, %eq3A_118 : vector<16xi32>
        %eq3A_120 = arith.constant 1 : i32
        %eq3A_121 = vector.broadcast %eq3A_120 : i32 to vector<16xi32>
        %eq3A_122 = arith.cmpi eq, %add3A_117, %eq3A_121 : vector<16xi32>
        %eq3A_123 = arith.constant 2 : i32
        %eq3A_124 = vector.broadcast %eq3A_123 : i32 to vector<16xi32>
        %eq3A_125 = arith.cmpi eq, %add3A_117, %eq3A_124 : vector<16xi32>
        %jit3A = arith.constant 6.250000e-02 : f32
        %jit3A_126 = arith.constant 3.125000e-02 : f32
        %broadcast_in_dim3A_127 = vector.broadcast %jit3A : f32 to vector<16xf32>
        %broadcast_in_dim3A_128 = vector.broadcast %jit3A_126 : f32 to vector<16xf32>
        %select_n3A_129 = arith.select %eq3A_125, %broadcast_in_dim3A_127, %broadcast_in_dim3A_128 : vector<16xi1>, vector<16xf32>
        %jit3A_130 = arith.constant 1.250000e-01 : f32
        %broadcast_in_dim3A_131 = vector.broadcast %jit3A_130 : f32 to vector<16xf32>
        %select_n3A_132 = arith.select %eq3A_122, %broadcast_in_dim3A_131, %select_n3A_129 : vector<16xi1>, vector<16xf32>
        %jit3A_133 = arith.constant 2.500000e-01 : f32
        %broadcast_in_dim3A_134 = vector.broadcast %jit3A_133 : f32 to vector<16xf32>
        %select_n3A_135 = arith.select %eq3A_119, %broadcast_in_dim3A_134, %select_n3A_132 : vector<16xi1>, vector<16xf32>
        %eq3A_136 = arith.constant 0 : i32
        %eq3A_137 = vector.broadcast %eq3A_136 : i32 to vector<16xi32>
        %eq3A_138 = arith.cmpi eq, %add3A_117, %eq3A_137 : vector<16xi32>
        %eq3A_139 = arith.constant 1 : i32
        %eq3A_140 = vector.broadcast %eq3A_139 : i32 to vector<16xi32>
        %eq3A_141 = arith.cmpi eq, %add3A_117, %eq3A_140 : vector<16xi32>
        %eq3A_142 = arith.constant 2 : i32
        %eq3A_143 = vector.broadcast %eq3A_142 : i32 to vector<16xi32>
        %eq3A_144 = arith.cmpi eq, %add3A_117, %eq3A_143 : vector<16xi32>
        %jit3A_145 = arith.constant 20480 : i32
        %jit3A_146 = arith.constant 21504 : i32
        %broadcast_in_dim3A_147 = vector.broadcast %jit3A_145 : i32 to vector<16xi32>
        %broadcast_in_dim3A_148 = vector.broadcast %jit3A_146 : i32 to vector<16xi32>
        %select_n3A_149 = arith.select %eq3A_144, %broadcast_in_dim3A_147, %broadcast_in_dim3A_148 : vector<16xi1>, vector<16xi32>
        %jit3A_150 = arith.constant 16384 : i32
        %broadcast_in_dim3A_151 = vector.broadcast %jit3A_150 : i32 to vector<16xi32>
        %select_n3A_152 = arith.select %eq3A_141, %broadcast_in_dim3A_151, %select_n3A_149 : vector<16xi1>, vector<16xi32>
        %jit3A_153 = arith.constant 0 : i32
        %broadcast_in_dim3A_154 = vector.broadcast %jit3A_153 : i32 to vector<16xi32>
        %select_n3A_155 = arith.select %eq3A_138, %broadcast_in_dim3A_154, %select_n3A_152 : vector<16xi1>, vector<16xi32>
        %eq3A_156 = arith.constant 0 : i32
        %eq3A_157 = vector.broadcast %eq3A_156 : i32 to vector<16xi32>
        %eq3A_158 = arith.cmpi eq, %add3A_117, %eq3A_157 : vector<16xi32>
        %eq3A_159 = arith.constant 1 : i32
        %eq3A_160 = vector.broadcast %eq3A_159 : i32 to vector<16xi32>
        %eq3A_161 = arith.cmpi eq, %add3A_117, %eq3A_160 : vector<16xi32>
        %eq3A_162 = arith.constant 2 : i32
        %eq3A_163 = vector.broadcast %eq3A_162 : i32 to vector<16xi32>
        %eq3A_164 = arith.cmpi eq, %add3A_117, %eq3A_163 : vector<16xi32>
        %jit3A_165 = arith.constant 32 : i32
        %jit3A_166 = arith.constant 16 : i32
        %broadcast_in_dim3A_167 = vector.broadcast %jit3A_165 : i32 to vector<16xi32>
        %broadcast_in_dim3A_168 = vector.broadcast %jit3A_166 : i32 to vector<16xi32>
        %select_n3A_169 = arith.select %eq3A_164, %broadcast_in_dim3A_167, %broadcast_in_dim3A_168 : vector<16xi1>, vector<16xi32>
        %jit3A_170 = arith.constant 64 : i32
        %broadcast_in_dim3A_171 = vector.broadcast %jit3A_170 : i32 to vector<16xi32>
        %select_n3A_172 = arith.select %eq3A_161, %broadcast_in_dim3A_171, %select_n3A_169 : vector<16xi1>, vector<16xi32>
        %jit3A_173 = arith.constant 128 : i32
        %broadcast_in_dim3A_174 = vector.broadcast %jit3A_173 : i32 to vector<16xi32>
        %select_n3A_175 = arith.select %eq3A_158, %broadcast_in_dim3A_174, %select_n3A_172 : vector<16xi1>, vector<16xi32>
        %mul3A_176 = arith.mulf %gather3A, %select_n3A_135 : vector<16xf32>
        %mul3A_177 = arith.mulf %gather3A_91, %select_n3A_135 : vector<16xf32>
        %mul3A_178 = arith.mulf %gather3A_95, %select_n3A_135 : vector<16xf32>
        %sub3A_179 = arith.subf %mul3A_178, %mul3A_176 : vector<16xf32>
        %div3A = arith.constant 7.000000e+00 : f32
        %div3A_180 = vector.broadcast %div3A : f32 to vector<16xf32>
        %div3A_181 = arith.divf %sub3A_179, %div3A_180 : vector<16xf32>
        %mul3A_182 = arith.mulf %gather3A_99, %select_n3A_135 : vector<16xf32>
        %sub3A_183 = arith.subf %mul3A_182, %mul3A_177 : vector<16xf32>
        %div3A_184 = arith.constant 7.000000e+00 : f32
        %div3A_185 = vector.broadcast %div3A_184 : f32 to vector<16xf32>
        %div3A_186 = arith.divf %sub3A_183, %div3A_185 : vector<16xf32>
        %sub3A_187 = arith.constant 1 : i32
        %sub3A_188 = vector.broadcast %sub3A_187 : i32 to vector<16xi32>
        %sub3A_189 = arith.subi %select_n3A_175, %sub3A_188 : vector<16xi32>
        %broadcast_in_dim3A_190 = arith.constant 0 : i32
        %broadcast_in_dim3A_191 = vector.broadcast %broadcast_in_dim3A_190 : i32 to vector<16xi32>
        %add3A_192 = arith.constant 0 : i32
        %add3A_193 = vector.broadcast %add3A_192 : i32 to vector<16xi32>
        %add3A_194 = arith.addi %iota3A, %add3A_193 : vector<16xi32>
        %mul3A_195 = arith.constant 9363 : i32
        %mul3A_196 = vector.broadcast %mul3A_195 : i32 to vector<16xi32>
        %mul3A_197 = arith.muli %add3A_194, %mul3A_196 : vector<16xi32>
        %shift_right_arithmetic3A = arith.constant 16 : i32
        %shift_right_arithmetic3A_198 = vector.broadcast %shift_right_arithmetic3A : i32 to vector<16xi32>
        %shift_right_arithmetic3A_199 = arith.shrsi %mul3A_197, %shift_right_arithmetic3A_198 : vector<16xi32>
        %mul3A_200 = arith.constant 7 : i32
        %mul3A_201 = vector.broadcast %mul3A_200 : i32 to vector<16xi32>
        %mul3A_202 = arith.muli %shift_right_arithmetic3A_199, %mul3A_201 : vector<16xi32>
        %sub3A_203 = arith.subi %add3A_194, %mul3A_202 : vector<16xi32>
        %convert_element_type3A_204 = arith.sitofp %shift_right_arithmetic3A_199 : vector<16xi32> to vector<16xf32>
        %add3A_205 = arith.constant 5.000000e-01 : f32
        %add3A_206 = vector.broadcast %add3A_205 : f32 to vector<16xf32>
        %add3A_207 = arith.addf %convert_element_type3A_204, %add3A_206 : vector<16xf32>
        %mul3A_208 = arith.mulf %add3A_207, %div3A_186 : vector<16xf32>
        %add3A_209 = arith.addf %mul3A_177, %mul3A_208 : vector<16xf32>
        %sub3A_210 = arith.constant 5.000000e-01 : f32
        %sub3A_211 = vector.broadcast %sub3A_210 : f32 to vector<16xf32>
        %sub3A_212 = arith.subf %add3A_209, %sub3A_211 : vector<16xf32>
        %convert_element_type3A_213 = arith.sitofp %sub3A_203 : vector<16xi32> to vector<16xf32>
        %add3A_214 = arith.constant 5.000000e-01 : f32
        %add3A_215 = vector.broadcast %add3A_214 : f32 to vector<16xf32>
        %add3A_216 = arith.addf %convert_element_type3A_213, %add3A_215 : vector<16xf32>
        %mul3A_217 = arith.mulf %add3A_216, %div3A_181 : vector<16xf32>
        %add3A_218 = arith.addf %mul3A_176, %mul3A_217 : vector<16xf32>
        %sub3A_219 = arith.constant 5.000000e-01 : f32
        %sub3A_220 = vector.broadcast %sub3A_219 : f32 to vector<16xf32>
        %sub3A_221 = arith.subf %add3A_218, %sub3A_220 : vector<16xf32>
        %convert_element_type3A_222 = arith.fptosi %sub3A_212 : vector<16xf32> to vector<16xi32>
        %convert_element_type3A_223 = arith.sitofp %convert_element_type3A_222 : vector<16xi32> to vector<16xf32>
        %gt3A_224 = arith.cmpf ogt, %convert_element_type3A_223, %sub3A_212 : vector<16xf32>
        %sub3A_225 = arith.constant 1 : i32
        %sub3A_226 = vector.broadcast %sub3A_225 : i32 to vector<16xi32>
        %sub3A_227 = arith.subi %convert_element_type3A_222, %sub3A_226 : vector<16xi32>
        %select_n3A_228 = arith.select %gt3A_224, %sub3A_227, %convert_element_type3A_222 : vector<16xi1>, vector<16xi32>
        %convert_element_type3A_229 = arith.fptosi %sub3A_221 : vector<16xf32> to vector<16xi32>
        %convert_element_type3A_230 = arith.sitofp %convert_element_type3A_229 : vector<16xi32> to vector<16xf32>
        %gt3A_231 = arith.cmpf ogt, %convert_element_type3A_230, %sub3A_221 : vector<16xf32>
        %sub3A_232 = arith.constant 1 : i32
        %sub3A_233 = vector.broadcast %sub3A_232 : i32 to vector<16xi32>
        %sub3A_234 = arith.subi %convert_element_type3A_229, %sub3A_233 : vector<16xi32>
        %select_n3A_235 = arith.select %gt3A_231, %sub3A_234, %convert_element_type3A_229 : vector<16xi1>, vector<16xi32>
        %convert_element_type3A_236 = arith.sitofp %select_n3A_228 : vector<16xi32> to vector<16xf32>
        %sub3A_237 = arith.subf %sub3A_212, %convert_element_type3A_236 : vector<16xf32>
        %convert_element_type3A_238 = arith.sitofp %select_n3A_235 : vector<16xi32> to vector<16xf32>
        %sub3A_239 = arith.subf %sub3A_221, %convert_element_type3A_238 : vector<16xf32>
        %sub3A_240 = arith.constant 1.000000e+00 : f32
        %sub3A_241 = vector.broadcast %sub3A_240 : f32 to vector<16xf32>
        %sub3A_242 = arith.subf %sub3A_241, %sub3A_237 : vector<16xf32>
        %sub3A_243 = arith.constant 1.000000e+00 : f32
        %sub3A_244 = vector.broadcast %sub3A_243 : f32 to vector<16xf32>
        %sub3A_245 = arith.subf %sub3A_244, %sub3A_239 : vector<16xf32>
        %jit3A_246 = arith.constant 0 : i32
        %max3A = vector.broadcast %jit3A_246 : i32 to vector<16xi32>
        %max3A_247 = arith.maxsi %max3A, %select_n3A_228 : vector<16xi32>
        %min3A = arith.minsi %sub3A_189, %max3A_247 : vector<16xi32>
        %add3A_248 = arith.constant 1 : i32
        %add3A_249 = vector.broadcast %add3A_248 : i32 to vector<16xi32>
        %add3A_250 = arith.addi %select_n3A_228, %add3A_249 : vector<16xi32>
        %jit3A_251 = arith.constant 0 : i32
        %max3A_252 = vector.broadcast %jit3A_251 : i32 to vector<16xi32>
        %max3A_253 = arith.maxsi %max3A_252, %add3A_250 : vector<16xi32>
        %min3A_254 = arith.minsi %sub3A_189, %max3A_253 : vector<16xi32>
        %jit3A_255 = arith.constant 0 : i32
        %max3A_256 = vector.broadcast %jit3A_255 : i32 to vector<16xi32>
        %max3A_257 = arith.maxsi %max3A_256, %select_n3A_235 : vector<16xi32>
        %min3A_258 = arith.minsi %sub3A_189, %max3A_257 : vector<16xi32>
        %add3A_259 = arith.constant 1 : i32
        %add3A_260 = vector.broadcast %add3A_259 : i32 to vector<16xi32>
        %add3A_261 = arith.addi %select_n3A_235, %add3A_260 : vector<16xi32>
        %jit3A_262 = arith.constant 0 : i32
        %max3A_263 = vector.broadcast %jit3A_262 : i32 to vector<16xi32>
        %max3A_264 = arith.maxsi %max3A_263, %add3A_261 : vector<16xi32>
        %min3A_265 = arith.minsi %sub3A_189, %max3A_264 : vector<16xi32>
        %mul3A_266 = arith.muli %min3A, %select_n3A_175 : vector<16xi32>
        %add3A_267 = arith.addi %select_n3A_155, %mul3A_266 : vector<16xi32>
        %mul3A_268 = arith.muli %min3A_254, %select_n3A_175 : vector<16xi32>
        %add3A_269 = arith.addi %select_n3A_155, %mul3A_268 : vector<16xi32>
        %add3A_270 = arith.addi %add3A_267, %min3A_258 : vector<16xi32>
        %add3A_271 = arith.addi %add3A_267, %min3A_265 : vector<16xi32>
        %add3A_272 = arith.addi %add3A_269, %min3A_258 : vector<16xi32>
        %add3A_273 = arith.addi %add3A_269, %min3A_265 : vector<16xi32>
        %mul3A_274 = arith.mulf %sub3A_242, %sub3A_245 : vector<16xf32>
        %mul3A_275 = arith.mulf %sub3A_242, %sub3A_239 : vector<16xf32>
        %mul3A_276 = arith.mulf %sub3A_237, %sub3A_245 : vector<16xf32>
        %mul3A_277 = arith.mulf %sub3A_237, %sub3A_239 : vector<16xf32>
        %lt3A_278 = arith.constant 49 : i32
        %lt3A_279 = vector.broadcast %lt3A_278 : i32 to vector<16xi32>
        %lt3A_280 = arith.cmpi slt, %add3A_194, %lt3A_279 : vector<16xi32>
        %mul3A_281 = arith.constant 4 : i32
        %mul3A_282 = vector.broadcast %mul3A_281 : i32 to vector<16xi32>
        %mul3A_283 = arith.muli %add3A_194, %mul3A_282 : vector<16xi32>
        %add3A_284 = arith.constant 0 : i32
        %add3A_285 = vector.broadcast %add3A_284 : i32 to vector<16xi32>
        %add3A_286 = arith.addi %mul3A_283, %add3A_285 : vector<16xi32>
        %mul3A_287 = arith.constant 669 : i32
        %mul3A_288 = vector.broadcast %mul3A_287 : i32 to vector<16xi32>
        %mul3A_289 = arith.muli %add3A_286, %mul3A_288 : vector<16xi32>
        %shift_right_arithmetic3A_290 = arith.constant 16 : i32
        %shift_right_arithmetic3A_291 = vector.broadcast %shift_right_arithmetic3A_290 : i32 to vector<16xi32>
        %shift_right_arithmetic3A_292 = arith.shrsi %mul3A_289, %shift_right_arithmetic3A_291 : vector<16xi32>
        %mul3A_293 = arith.constant 98 : i32
        %mul3A_294 = vector.broadcast %mul3A_293 : i32 to vector<16xi32>
        %mul3A_295 = arith.muli %shift_right_arithmetic3A_292, %mul3A_294 : vector<16xi32>
        %sub3A_296 = arith.subi %add3A_286, %mul3A_295 : vector<16xi32>
        tpu.vector_store_idx %arg6[%broadcast_in_dim3A_191, %shift_right_arithmetic3A_292, %sub3A_296], %add3A_270 masked %lt3A_280 : memref<2x2x104xi32, #tpu.memory_space<vmem>>[vector<16xi32>, vector<16xi32>, vector<16xi32>], vector<16xi32>, vector<16xi1>
        %broadcast_in_dim3A_297 = arith.constant 0 : i32
        %broadcast_in_dim3A_298 = vector.broadcast %broadcast_in_dim3A_297 : i32 to vector<16xi32>
        tpu.vector_store_idx %arg7[%broadcast_in_dim3A_191, %add3A_194, %broadcast_in_dim3A_298], %mul3A_274 masked %lt3A_280 : memref<2x49x16xf32, #tpu.memory_space<vmem>>[vector<16xi32>, vector<16xi32>, vector<16xi32>], vector<16xf32>, vector<16xi1>
        %add3A_299 = arith.constant 1 : i32
        %add3A_300 = vector.broadcast %add3A_299 : i32 to vector<16xi32>
        %add3A_301 = arith.addi %mul3A_283, %add3A_300 : vector<16xi32>
        %mul3A_302 = arith.constant 669 : i32
        %mul3A_303 = vector.broadcast %mul3A_302 : i32 to vector<16xi32>
        %mul3A_304 = arith.muli %add3A_301, %mul3A_303 : vector<16xi32>
        %shift_right_arithmetic3A_305 = arith.constant 16 : i32
        %shift_right_arithmetic3A_306 = vector.broadcast %shift_right_arithmetic3A_305 : i32 to vector<16xi32>
        %shift_right_arithmetic3A_307 = arith.shrsi %mul3A_304, %shift_right_arithmetic3A_306 : vector<16xi32>
        %mul3A_308 = arith.constant 98 : i32
        %mul3A_309 = vector.broadcast %mul3A_308 : i32 to vector<16xi32>
        %mul3A_310 = arith.muli %shift_right_arithmetic3A_307, %mul3A_309 : vector<16xi32>
        %sub3A_311 = arith.subi %add3A_301, %mul3A_310 : vector<16xi32>
        tpu.vector_store_idx %arg6[%broadcast_in_dim3A_191, %shift_right_arithmetic3A_307, %sub3A_311], %add3A_271 masked %lt3A_280 : memref<2x2x104xi32, #tpu.memory_space<vmem>>[vector<16xi32>, vector<16xi32>, vector<16xi32>], vector<16xi32>, vector<16xi1>
        %broadcast_in_dim3A_312 = arith.constant 1 : i32
        %broadcast_in_dim3A_313 = vector.broadcast %broadcast_in_dim3A_312 : i32 to vector<16xi32>
        tpu.vector_store_idx %arg7[%broadcast_in_dim3A_191, %add3A_194, %broadcast_in_dim3A_313], %mul3A_275 masked %lt3A_280 : memref<2x49x16xf32, #tpu.memory_space<vmem>>[vector<16xi32>, vector<16xi32>, vector<16xi32>], vector<16xf32>, vector<16xi1>
        %add3A_314 = arith.constant 2 : i32
        %add3A_315 = vector.broadcast %add3A_314 : i32 to vector<16xi32>
        %add3A_316 = arith.addi %mul3A_283, %add3A_315 : vector<16xi32>
        %mul3A_317 = arith.constant 669 : i32
        %mul3A_318 = vector.broadcast %mul3A_317 : i32 to vector<16xi32>
        %mul3A_319 = arith.muli %add3A_316, %mul3A_318 : vector<16xi32>
        %shift_right_arithmetic3A_320 = arith.constant 16 : i32
        %shift_right_arithmetic3A_321 = vector.broadcast %shift_right_arithmetic3A_320 : i32 to vector<16xi32>
        %shift_right_arithmetic3A_322 = arith.shrsi %mul3A_319, %shift_right_arithmetic3A_321 : vector<16xi32>
        %mul3A_323 = arith.constant 98 : i32
        %mul3A_324 = vector.broadcast %mul3A_323 : i32 to vector<16xi32>
        %mul3A_325 = arith.muli %shift_right_arithmetic3A_322, %mul3A_324 : vector<16xi32>
        %sub3A_326 = arith.subi %add3A_316, %mul3A_325 : vector<16xi32>
        tpu.vector_store_idx %arg6[%broadcast_in_dim3A_191, %shift_right_arithmetic3A_322, %sub3A_326], %add3A_272 masked %lt3A_280 : memref<2x2x104xi32, #tpu.memory_space<vmem>>[vector<16xi32>, vector<16xi32>, vector<16xi32>], vector<16xi32>, vector<16xi1>
        %broadcast_in_dim3A_327 = arith.constant 2 : i32
        %broadcast_in_dim3A_328 = vector.broadcast %broadcast_in_dim3A_327 : i32 to vector<16xi32>
        tpu.vector_store_idx %arg7[%broadcast_in_dim3A_191, %add3A_194, %broadcast_in_dim3A_328], %mul3A_276 masked %lt3A_280 : memref<2x49x16xf32, #tpu.memory_space<vmem>>[vector<16xi32>, vector<16xi32>, vector<16xi32>], vector<16xf32>, vector<16xi1>
        %add3A_329 = arith.constant 3 : i32
        %add3A_330 = vector.broadcast %add3A_329 : i32 to vector<16xi32>
        %add3A_331 = arith.addi %mul3A_283, %add3A_330 : vector<16xi32>
        %mul3A_332 = arith.constant 669 : i32
        %mul3A_333 = vector.broadcast %mul3A_332 : i32 to vector<16xi32>
        %mul3A_334 = arith.muli %add3A_331, %mul3A_333 : vector<16xi32>
        %shift_right_arithmetic3A_335 = arith.constant 16 : i32
        %shift_right_arithmetic3A_336 = vector.broadcast %shift_right_arithmetic3A_335 : i32 to vector<16xi32>
        %shift_right_arithmetic3A_337 = arith.shrsi %mul3A_334, %shift_right_arithmetic3A_336 : vector<16xi32>
        %mul3A_338 = arith.constant 98 : i32
        %mul3A_339 = vector.broadcast %mul3A_338 : i32 to vector<16xi32>
        %mul3A_340 = arith.muli %shift_right_arithmetic3A_337, %mul3A_339 : vector<16xi32>
        %sub3A_341 = arith.subi %add3A_331, %mul3A_340 : vector<16xi32>
        tpu.vector_store_idx %arg6[%broadcast_in_dim3A_191, %shift_right_arithmetic3A_337, %sub3A_341], %add3A_273 masked %lt3A_280 : memref<2x2x104xi32, #tpu.memory_space<vmem>>[vector<16xi32>, vector<16xi32>, vector<16xi32>], vector<16xi32>, vector<16xi1>
        %broadcast_in_dim3A_342 = arith.constant 3 : i32
        %broadcast_in_dim3A_343 = vector.broadcast %broadcast_in_dim3A_342 : i32 to vector<16xi32>
        tpu.vector_store_idx %arg7[%broadcast_in_dim3A_191, %add3A_194, %broadcast_in_dim3A_343], %mul3A_277 masked %lt3A_280 : memref<2x49x16xf32, #tpu.memory_space<vmem>>[vector<16xi32>, vector<16xi32>, vector<16xi32>], vector<16xf32>, vector<16xi1>
        %add3A_344 = arith.constant 16 : i32
        %add3A_345 = vector.broadcast %add3A_344 : i32 to vector<16xi32>
        %add3A_346 = arith.addi %iota3A, %add3A_345 : vector<16xi32>
        %mul3A_347 = arith.constant 9363 : i32
        %mul3A_348 = vector.broadcast %mul3A_347 : i32 to vector<16xi32>
        %mul3A_349 = arith.muli %add3A_346, %mul3A_348 : vector<16xi32>
        %shift_right_arithmetic3A_350 = arith.constant 16 : i32
        %shift_right_arithmetic3A_351 = vector.broadcast %shift_right_arithmetic3A_350 : i32 to vector<16xi32>
        %shift_right_arithmetic3A_352 = arith.shrsi %mul3A_349, %shift_right_arithmetic3A_351 : vector<16xi32>
        %mul3A_353 = arith.constant 7 : i32
        %mul3A_354 = vector.broadcast %mul3A_353 : i32 to vector<16xi32>
        %mul3A_355 = arith.muli %shift_right_arithmetic3A_352, %mul3A_354 : vector<16xi32>
        %sub3A_356 = arith.subi %add3A_346, %mul3A_355 : vector<16xi32>
        %convert_element_type3A_357 = arith.sitofp %shift_right_arithmetic3A_352 : vector<16xi32> to vector<16xf32>
        %add3A_358 = arith.constant 5.000000e-01 : f32
        %add3A_359 = vector.broadcast %add3A_358 : f32 to vector<16xf32>
        %add3A_360 = arith.addf %convert_element_type3A_357, %add3A_359 : vector<16xf32>
        %mul3A_361 = arith.mulf %add3A_360, %div3A_186 : vector<16xf32>
        %add3A_362 = arith.addf %mul3A_177, %mul3A_361 : vector<16xf32>
        %sub3A_363 = arith.constant 5.000000e-01 : f32
        %sub3A_364 = vector.broadcast %sub3A_363 : f32 to vector<16xf32>
        %sub3A_365 = arith.subf %add3A_362, %sub3A_364 : vector<16xf32>
        %convert_element_type3A_366 = arith.sitofp %sub3A_356 : vector<16xi32> to vector<16xf32>
        %add3A_367 = arith.constant 5.000000e-01 : f32
        %add3A_368 = vector.broadcast %add3A_367 : f32 to vector<16xf32>
        %add3A_369 = arith.addf %convert_element_type3A_366, %add3A_368 : vector<16xf32>
        %mul3A_370 = arith.mulf %add3A_369, %div3A_181 : vector<16xf32>
        %add3A_371 = arith.addf %mul3A_176, %mul3A_370 : vector<16xf32>
        %sub3A_372 = arith.constant 5.000000e-01 : f32
        %sub3A_373 = vector.broadcast %sub3A_372 : f32 to vector<16xf32>
        %sub3A_374 = arith.subf %add3A_371, %sub3A_373 : vector<16xf32>
        %convert_element_type3A_375 = arith.fptosi %sub3A_365 : vector<16xf32> to vector<16xi32>
        %convert_element_type3A_376 = arith.sitofp %convert_element_type3A_375 : vector<16xi32> to vector<16xf32>
        %gt3A_377 = arith.cmpf ogt, %convert_element_type3A_376, %sub3A_365 : vector<16xf32>
        %sub3A_378 = arith.constant 1 : i32
        %sub3A_379 = vector.broadcast %sub3A_378 : i32 to vector<16xi32>
        %sub3A_380 = arith.subi %convert_element_type3A_375, %sub3A_379 : vector<16xi32>
        %select_n3A_381 = arith.select %gt3A_377, %sub3A_380, %convert_element_type3A_375 : vector<16xi1>, vector<16xi32>
        %convert_element_type3A_382 = arith.fptosi %sub3A_374 : vector<16xf32> to vector<16xi32>
        %convert_element_type3A_383 = arith.sitofp %convert_element_type3A_382 : vector<16xi32> to vector<16xf32>
        %gt3A_384 = arith.cmpf ogt, %convert_element_type3A_383, %sub3A_374 : vector<16xf32>
        %sub3A_385 = arith.constant 1 : i32
        %sub3A_386 = vector.broadcast %sub3A_385 : i32 to vector<16xi32>
        %sub3A_387 = arith.subi %convert_element_type3A_382, %sub3A_386 : vector<16xi32>
        %select_n3A_388 = arith.select %gt3A_384, %sub3A_387, %convert_element_type3A_382 : vector<16xi1>, vector<16xi32>
        %convert_element_type3A_389 = arith.sitofp %select_n3A_381 : vector<16xi32> to vector<16xf32>
        %sub3A_390 = arith.subf %sub3A_365, %convert_element_type3A_389 : vector<16xf32>
        %convert_element_type3A_391 = arith.sitofp %select_n3A_388 : vector<16xi32> to vector<16xf32>
        %sub3A_392 = arith.subf %sub3A_374, %convert_element_type3A_391 : vector<16xf32>
        %sub3A_393 = arith.constant 1.000000e+00 : f32
        %sub3A_394 = vector.broadcast %sub3A_393 : f32 to vector<16xf32>
        %sub3A_395 = arith.subf %sub3A_394, %sub3A_390 : vector<16xf32>
        %sub3A_396 = arith.constant 1.000000e+00 : f32
        %sub3A_397 = vector.broadcast %sub3A_396 : f32 to vector<16xf32>
        %sub3A_398 = arith.subf %sub3A_397, %sub3A_392 : vector<16xf32>
        %jit3A_399 = arith.constant 0 : i32
        %max3A_400 = vector.broadcast %jit3A_399 : i32 to vector<16xi32>
        %max3A_401 = arith.maxsi %max3A_400, %select_n3A_381 : vector<16xi32>
        %min3A_402 = arith.minsi %sub3A_189, %max3A_401 : vector<16xi32>
        %add3A_403 = arith.constant 1 : i32
        %add3A_404 = vector.broadcast %add3A_403 : i32 to vector<16xi32>
        %add3A_405 = arith.addi %select_n3A_381, %add3A_404 : vector<16xi32>
        %jit3A_406 = arith.constant 0 : i32
        %max3A_407 = vector.broadcast %jit3A_406 : i32 to vector<16xi32>
        %max3A_408 = arith.maxsi %max3A_407, %add3A_405 : vector<16xi32>
        %min3A_409 = arith.minsi %sub3A_189, %max3A_408 : vector<16xi32>
        %jit3A_410 = arith.constant 0 : i32
        %max3A_411 = vector.broadcast %jit3A_410 : i32 to vector<16xi32>
        %max3A_412 = arith.maxsi %max3A_411, %select_n3A_388 : vector<16xi32>
        %min3A_413 = arith.minsi %sub3A_189, %max3A_412 : vector<16xi32>
        %add3A_414 = arith.constant 1 : i32
        %add3A_415 = vector.broadcast %add3A_414 : i32 to vector<16xi32>
        %add3A_416 = arith.addi %select_n3A_388, %add3A_415 : vector<16xi32>
        %jit3A_417 = arith.constant 0 : i32
        %max3A_418 = vector.broadcast %jit3A_417 : i32 to vector<16xi32>
        %max3A_419 = arith.maxsi %max3A_418, %add3A_416 : vector<16xi32>
        %min3A_420 = arith.minsi %sub3A_189, %max3A_419 : vector<16xi32>
        %mul3A_421 = arith.muli %min3A_402, %select_n3A_175 : vector<16xi32>
        %add3A_422 = arith.addi %select_n3A_155, %mul3A_421 : vector<16xi32>
        %mul3A_423 = arith.muli %min3A_409, %select_n3A_175 : vector<16xi32>
        %add3A_424 = arith.addi %select_n3A_155, %mul3A_423 : vector<16xi32>
        %add3A_425 = arith.addi %add3A_422, %min3A_413 : vector<16xi32>
        %add3A_426 = arith.addi %add3A_422, %min3A_420 : vector<16xi32>
        %add3A_427 = arith.addi %add3A_424, %min3A_413 : vector<16xi32>
        %add3A_428 = arith.addi %add3A_424, %min3A_420 : vector<16xi32>
        %mul3A_429 = arith.mulf %sub3A_395, %sub3A_398 : vector<16xf32>
        %mul3A_430 = arith.mulf %sub3A_395, %sub3A_392 : vector<16xf32>
        %mul3A_431 = arith.mulf %sub3A_390, %sub3A_398 : vector<16xf32>
        %mul3A_432 = arith.mulf %sub3A_390, %sub3A_392 : vector<16xf32>
        %lt3A_433 = arith.constant 49 : i32
        %lt3A_434 = vector.broadcast %lt3A_433 : i32 to vector<16xi32>
        %lt3A_435 = arith.cmpi slt, %add3A_346, %lt3A_434 : vector<16xi32>
        %mul3A_436 = arith.constant 4 : i32
        %mul3A_437 = vector.broadcast %mul3A_436 : i32 to vector<16xi32>
        %mul3A_438 = arith.muli %add3A_346, %mul3A_437 : vector<16xi32>
        %add3A_439 = arith.constant 0 : i32
        %add3A_440 = vector.broadcast %add3A_439 : i32 to vector<16xi32>
        %add3A_441 = arith.addi %mul3A_438, %add3A_440 : vector<16xi32>
        %mul3A_442 = arith.constant 669 : i32
        %mul3A_443 = vector.broadcast %mul3A_442 : i32 to vector<16xi32>
        %mul3A_444 = arith.muli %add3A_441, %mul3A_443 : vector<16xi32>
        %shift_right_arithmetic3A_445 = arith.constant 16 : i32
        %shift_right_arithmetic3A_446 = vector.broadcast %shift_right_arithmetic3A_445 : i32 to vector<16xi32>
        %shift_right_arithmetic3A_447 = arith.shrsi %mul3A_444, %shift_right_arithmetic3A_446 : vector<16xi32>
        %mul3A_448 = arith.constant 98 : i32
        %mul3A_449 = vector.broadcast %mul3A_448 : i32 to vector<16xi32>
        %mul3A_450 = arith.muli %shift_right_arithmetic3A_447, %mul3A_449 : vector<16xi32>
        %sub3A_451 = arith.subi %add3A_441, %mul3A_450 : vector<16xi32>
        tpu.vector_store_idx %arg6[%broadcast_in_dim3A_191, %shift_right_arithmetic3A_447, %sub3A_451], %add3A_425 masked %lt3A_435 : memref<2x2x104xi32, #tpu.memory_space<vmem>>[vector<16xi32>, vector<16xi32>, vector<16xi32>], vector<16xi32>, vector<16xi1>
        %broadcast_in_dim3A_452 = arith.constant 0 : i32
        %broadcast_in_dim3A_453 = vector.broadcast %broadcast_in_dim3A_452 : i32 to vector<16xi32>
        tpu.vector_store_idx %arg7[%broadcast_in_dim3A_191, %add3A_346, %broadcast_in_dim3A_453], %mul3A_429 masked %lt3A_435 : memref<2x49x16xf32, #tpu.memory_space<vmem>>[vector<16xi32>, vector<16xi32>, vector<16xi32>], vector<16xf32>, vector<16xi1>
        %add3A_454 = arith.constant 1 : i32
        %add3A_455 = vector.broadcast %add3A_454 : i32 to vector<16xi32>
        %add3A_456 = arith.addi %mul3A_438, %add3A_455 : vector<16xi32>
        %mul3A_457 = arith.constant 669 : i32
        %mul3A_458 = vector.broadcast %mul3A_457 : i32 to vector<16xi32>
        %mul3A_459 = arith.muli %add3A_456, %mul3A_458 : vector<16xi32>
        %shift_right_arithmetic3A_460 = arith.constant 16 : i32
        %shift_right_arithmetic3A_461 = vector.broadcast %shift_right_arithmetic3A_460 : i32 to vector<16xi32>
        %shift_right_arithmetic3A_462 = arith.shrsi %mul3A_459, %shift_right_arithmetic3A_461 : vector<16xi32>
        %mul3A_463 = arith.constant 98 : i32
        %mul3A_464 = vector.broadcast %mul3A_463 : i32 to vector<16xi32>
        %mul3A_465 = arith.muli %shift_right_arithmetic3A_462, %mul3A_464 : vector<16xi32>
        %sub3A_466 = arith.subi %add3A_456, %mul3A_465 : vector<16xi32>
        tpu.vector_store_idx %arg6[%broadcast_in_dim3A_191, %shift_right_arithmetic3A_462, %sub3A_466], %add3A_426 masked %lt3A_435 : memref<2x2x104xi32, #tpu.memory_space<vmem>>[vector<16xi32>, vector<16xi32>, vector<16xi32>], vector<16xi32>, vector<16xi1>
        %broadcast_in_dim3A_467 = arith.constant 1 : i32
        %broadcast_in_dim3A_468 = vector.broadcast %broadcast_in_dim3A_467 : i32 to vector<16xi32>
        tpu.vector_store_idx %arg7[%broadcast_in_dim3A_191, %add3A_346, %broadcast_in_dim3A_468], %mul3A_430 masked %lt3A_435 : memref<2x49x16xf32, #tpu.memory_space<vmem>>[vector<16xi32>, vector<16xi32>, vector<16xi32>], vector<16xf32>, vector<16xi1>
        %add3A_469 = arith.constant 2 : i32
        %add3A_470 = vector.broadcast %add3A_469 : i32 to vector<16xi32>
        %add3A_471 = arith.addi %mul3A_438, %add3A_470 : vector<16xi32>
        %mul3A_472 = arith.constant 669 : i32
        %mul3A_473 = vector.broadcast %mul3A_472 : i32 to vector<16xi32>
        %mul3A_474 = arith.muli %add3A_471, %mul3A_473 : vector<16xi32>
        %shift_right_arithmetic3A_475 = arith.constant 16 : i32
        %shift_right_arithmetic3A_476 = vector.broadcast %shift_right_arithmetic3A_475 : i32 to vector<16xi32>
        %shift_right_arithmetic3A_477 = arith.shrsi %mul3A_474, %shift_right_arithmetic3A_476 : vector<16xi32>
        %mul3A_478 = arith.constant 98 : i32
        %mul3A_479 = vector.broadcast %mul3A_478 : i32 to vector<16xi32>
        %mul3A_480 = arith.muli %shift_right_arithmetic3A_477, %mul3A_479 : vector<16xi32>
        %sub3A_481 = arith.subi %add3A_471, %mul3A_480 : vector<16xi32>
        tpu.vector_store_idx %arg6[%broadcast_in_dim3A_191, %shift_right_arithmetic3A_477, %sub3A_481], %add3A_427 masked %lt3A_435 : memref<2x2x104xi32, #tpu.memory_space<vmem>>[vector<16xi32>, vector<16xi32>, vector<16xi32>], vector<16xi32>, vector<16xi1>
        %broadcast_in_dim3A_482 = arith.constant 2 : i32
        %broadcast_in_dim3A_483 = vector.broadcast %broadcast_in_dim3A_482 : i32 to vector<16xi32>
        tpu.vector_store_idx %arg7[%broadcast_in_dim3A_191, %add3A_346, %broadcast_in_dim3A_483], %mul3A_431 masked %lt3A_435 : memref<2x49x16xf32, #tpu.memory_space<vmem>>[vector<16xi32>, vector<16xi32>, vector<16xi32>], vector<16xf32>, vector<16xi1>
        %add3A_484 = arith.constant 3 : i32
        %add3A_485 = vector.broadcast %add3A_484 : i32 to vector<16xi32>
        %add3A_486 = arith.addi %mul3A_438, %add3A_485 : vector<16xi32>
        %mul3A_487 = arith.constant 669 : i32
        %mul3A_488 = vector.broadcast %mul3A_487 : i32 to vector<16xi32>
        %mul3A_489 = arith.muli %add3A_486, %mul3A_488 : vector<16xi32>
        %shift_right_arithmetic3A_490 = arith.constant 16 : i32
        %shift_right_arithmetic3A_491 = vector.broadcast %shift_right_arithmetic3A_490 : i32 to vector<16xi32>
        %shift_right_arithmetic3A_492 = arith.shrsi %mul3A_489, %shift_right_arithmetic3A_491 : vector<16xi32>
        %mul3A_493 = arith.constant 98 : i32
        %mul3A_494 = vector.broadcast %mul3A_493 : i32 to vector<16xi32>
        %mul3A_495 = arith.muli %shift_right_arithmetic3A_492, %mul3A_494 : vector<16xi32>
        %sub3A_496 = arith.subi %add3A_486, %mul3A_495 : vector<16xi32>
        tpu.vector_store_idx %arg6[%broadcast_in_dim3A_191, %shift_right_arithmetic3A_492, %sub3A_496], %add3A_428 masked %lt3A_435 : memref<2x2x104xi32, #tpu.memory_space<vmem>>[vector<16xi32>, vector<16xi32>, vector<16xi32>], vector<16xi32>, vector<16xi1>
        %broadcast_in_dim3A_497 = arith.constant 3 : i32
        %broadcast_in_dim3A_498 = vector.broadcast %broadcast_in_dim3A_497 : i32 to vector<16xi32>
        tpu.vector_store_idx %arg7[%broadcast_in_dim3A_191, %add3A_346, %broadcast_in_dim3A_498], %mul3A_432 masked %lt3A_435 : memref<2x49x16xf32, #tpu.memory_space<vmem>>[vector<16xi32>, vector<16xi32>, vector<16xi32>], vector<16xf32>, vector<16xi1>
        %add3A_499 = arith.constant 32 : i32
        %add3A_500 = vector.broadcast %add3A_499 : i32 to vector<16xi32>
        %add3A_501 = arith.addi %iota3A, %add3A_500 : vector<16xi32>
        %mul3A_502 = arith.constant 9363 : i32
        %mul3A_503 = vector.broadcast %mul3A_502 : i32 to vector<16xi32>
        %mul3A_504 = arith.muli %add3A_501, %mul3A_503 : vector<16xi32>
        %shift_right_arithmetic3A_505 = arith.constant 16 : i32
        %shift_right_arithmetic3A_506 = vector.broadcast %shift_right_arithmetic3A_505 : i32 to vector<16xi32>
        %shift_right_arithmetic3A_507 = arith.shrsi %mul3A_504, %shift_right_arithmetic3A_506 : vector<16xi32>
        %mul3A_508 = arith.constant 7 : i32
        %mul3A_509 = vector.broadcast %mul3A_508 : i32 to vector<16xi32>
        %mul3A_510 = arith.muli %shift_right_arithmetic3A_507, %mul3A_509 : vector<16xi32>
        %sub3A_511 = arith.subi %add3A_501, %mul3A_510 : vector<16xi32>
        %convert_element_type3A_512 = arith.sitofp %shift_right_arithmetic3A_507 : vector<16xi32> to vector<16xf32>
        %add3A_513 = arith.constant 5.000000e-01 : f32
        %add3A_514 = vector.broadcast %add3A_513 : f32 to vector<16xf32>
        %add3A_515 = arith.addf %convert_element_type3A_512, %add3A_514 : vector<16xf32>
        %mul3A_516 = arith.mulf %add3A_515, %div3A_186 : vector<16xf32>
        %add3A_517 = arith.addf %mul3A_177, %mul3A_516 : vector<16xf32>
        %sub3A_518 = arith.constant 5.000000e-01 : f32
        %sub3A_519 = vector.broadcast %sub3A_518 : f32 to vector<16xf32>
        %sub3A_520 = arith.subf %add3A_517, %sub3A_519 : vector<16xf32>
        %convert_element_type3A_521 = arith.sitofp %sub3A_511 : vector<16xi32> to vector<16xf32>
        %add3A_522 = arith.constant 5.000000e-01 : f32
        %add3A_523 = vector.broadcast %add3A_522 : f32 to vector<16xf32>
        %add3A_524 = arith.addf %convert_element_type3A_521, %add3A_523 : vector<16xf32>
        %mul3A_525 = arith.mulf %add3A_524, %div3A_181 : vector<16xf32>
        %add3A_526 = arith.addf %mul3A_176, %mul3A_525 : vector<16xf32>
        %sub3A_527 = arith.constant 5.000000e-01 : f32
        %sub3A_528 = vector.broadcast %sub3A_527 : f32 to vector<16xf32>
        %sub3A_529 = arith.subf %add3A_526, %sub3A_528 : vector<16xf32>
        %convert_element_type3A_530 = arith.fptosi %sub3A_520 : vector<16xf32> to vector<16xi32>
        %convert_element_type3A_531 = arith.sitofp %convert_element_type3A_530 : vector<16xi32> to vector<16xf32>
        %gt3A_532 = arith.cmpf ogt, %convert_element_type3A_531, %sub3A_520 : vector<16xf32>
        %sub3A_533 = arith.constant 1 : i32
        %sub3A_534 = vector.broadcast %sub3A_533 : i32 to vector<16xi32>
        %sub3A_535 = arith.subi %convert_element_type3A_530, %sub3A_534 : vector<16xi32>
        %select_n3A_536 = arith.select %gt3A_532, %sub3A_535, %convert_element_type3A_530 : vector<16xi1>, vector<16xi32>
        %convert_element_type3A_537 = arith.fptosi %sub3A_529 : vector<16xf32> to vector<16xi32>
        %convert_element_type3A_538 = arith.sitofp %convert_element_type3A_537 : vector<16xi32> to vector<16xf32>
        %gt3A_539 = arith.cmpf ogt, %convert_element_type3A_538, %sub3A_529 : vector<16xf32>
        %sub3A_540 = arith.constant 1 : i32
        %sub3A_541 = vector.broadcast %sub3A_540 : i32 to vector<16xi32>
        %sub3A_542 = arith.subi %convert_element_type3A_537, %sub3A_541 : vector<16xi32>
        %select_n3A_543 = arith.select %gt3A_539, %sub3A_542, %convert_element_type3A_537 : vector<16xi1>, vector<16xi32>
        %convert_element_type3A_544 = arith.sitofp %select_n3A_536 : vector<16xi32> to vector<16xf32>
        %sub3A_545 = arith.subf %sub3A_520, %convert_element_type3A_544 : vector<16xf32>
        %convert_element_type3A_546 = arith.sitofp %select_n3A_543 : vector<16xi32> to vector<16xf32>
        %sub3A_547 = arith.subf %sub3A_529, %convert_element_type3A_546 : vector<16xf32>
        %sub3A_548 = arith.constant 1.000000e+00 : f32
        %sub3A_549 = vector.broadcast %sub3A_548 : f32 to vector<16xf32>
        %sub3A_550 = arith.subf %sub3A_549, %sub3A_545 : vector<16xf32>
        %sub3A_551 = arith.constant 1.000000e+00 : f32
        %sub3A_552 = vector.broadcast %sub3A_551 : f32 to vector<16xf32>
        %sub3A_553 = arith.subf %sub3A_552, %sub3A_547 : vector<16xf32>
        %jit3A_554 = arith.constant 0 : i32
        %max3A_555 = vector.broadcast %jit3A_554 : i32 to vector<16xi32>
        %max3A_556 = arith.maxsi %max3A_555, %select_n3A_536 : vector<16xi32>
        %min3A_557 = arith.minsi %sub3A_189, %max3A_556 : vector<16xi32>
        %add3A_558 = arith.constant 1 : i32
        %add3A_559 = vector.broadcast %add3A_558 : i32 to vector<16xi32>
        %add3A_560 = arith.addi %select_n3A_536, %add3A_559 : vector<16xi32>
        %jit3A_561 = arith.constant 0 : i32
        %max3A_562 = vector.broadcast %jit3A_561 : i32 to vector<16xi32>
        %max3A_563 = arith.maxsi %max3A_562, %add3A_560 : vector<16xi32>
        %min3A_564 = arith.minsi %sub3A_189, %max3A_563 : vector<16xi32>
        %jit3A_565 = arith.constant 0 : i32
        %max3A_566 = vector.broadcast %jit3A_565 : i32 to vector<16xi32>
        %max3A_567 = arith.maxsi %max3A_566, %select_n3A_543 : vector<16xi32>
        %min3A_568 = arith.minsi %sub3A_189, %max3A_567 : vector<16xi32>
        %add3A_569 = arith.constant 1 : i32
        %add3A_570 = vector.broadcast %add3A_569 : i32 to vector<16xi32>
        %add3A_571 = arith.addi %select_n3A_543, %add3A_570 : vector<16xi32>
        %jit3A_572 = arith.constant 0 : i32
        %max3A_573 = vector.broadcast %jit3A_572 : i32 to vector<16xi32>
        %max3A_574 = arith.maxsi %max3A_573, %add3A_571 : vector<16xi32>
        %min3A_575 = arith.minsi %sub3A_189, %max3A_574 : vector<16xi32>
        %mul3A_576 = arith.muli %min3A_557, %select_n3A_175 : vector<16xi32>
        %add3A_577 = arith.addi %select_n3A_155, %mul3A_576 : vector<16xi32>
        %mul3A_578 = arith.muli %min3A_564, %select_n3A_175 : vector<16xi32>
        %add3A_579 = arith.addi %select_n3A_155, %mul3A_578 : vector<16xi32>
        %add3A_580 = arith.addi %add3A_577, %min3A_568 : vector<16xi32>
        %add3A_581 = arith.addi %add3A_577, %min3A_575 : vector<16xi32>
        %add3A_582 = arith.addi %add3A_579, %min3A_568 : vector<16xi32>
        %add3A_583 = arith.addi %add3A_579, %min3A_575 : vector<16xi32>
        %mul3A_584 = arith.mulf %sub3A_550, %sub3A_553 : vector<16xf32>
        %mul3A_585 = arith.mulf %sub3A_550, %sub3A_547 : vector<16xf32>
        %mul3A_586 = arith.mulf %sub3A_545, %sub3A_553 : vector<16xf32>
        %mul3A_587 = arith.mulf %sub3A_545, %sub3A_547 : vector<16xf32>
        %lt3A_588 = arith.constant 49 : i32
        %lt3A_589 = vector.broadcast %lt3A_588 : i32 to vector<16xi32>
        %lt3A_590 = arith.cmpi slt, %add3A_501, %lt3A_589 : vector<16xi32>
        %mul3A_591 = arith.constant 4 : i32
        %mul3A_592 = vector.broadcast %mul3A_591 : i32 to vector<16xi32>
        %mul3A_593 = arith.muli %add3A_501, %mul3A_592 : vector<16xi32>
        %add3A_594 = arith.constant 0 : i32
        %add3A_595 = vector.broadcast %add3A_594 : i32 to vector<16xi32>
        %add3A_596 = arith.addi %mul3A_593, %add3A_595 : vector<16xi32>
        %mul3A_597 = arith.constant 669 : i32
        %mul3A_598 = vector.broadcast %mul3A_597 : i32 to vector<16xi32>
        %mul3A_599 = arith.muli %add3A_596, %mul3A_598 : vector<16xi32>
        %shift_right_arithmetic3A_600 = arith.constant 16 : i32
        %shift_right_arithmetic3A_601 = vector.broadcast %shift_right_arithmetic3A_600 : i32 to vector<16xi32>
        %shift_right_arithmetic3A_602 = arith.shrsi %mul3A_599, %shift_right_arithmetic3A_601 : vector<16xi32>
        %mul3A_603 = arith.constant 98 : i32
        %mul3A_604 = vector.broadcast %mul3A_603 : i32 to vector<16xi32>
        %mul3A_605 = arith.muli %shift_right_arithmetic3A_602, %mul3A_604 : vector<16xi32>
        %sub3A_606 = arith.subi %add3A_596, %mul3A_605 : vector<16xi32>
        tpu.vector_store_idx %arg6[%broadcast_in_dim3A_191, %shift_right_arithmetic3A_602, %sub3A_606], %add3A_580 masked %lt3A_590 : memref<2x2x104xi32, #tpu.memory_space<vmem>>[vector<16xi32>, vector<16xi32>, vector<16xi32>], vector<16xi32>, vector<16xi1>
        %broadcast_in_dim3A_607 = arith.constant 0 : i32
        %broadcast_in_dim3A_608 = vector.broadcast %broadcast_in_dim3A_607 : i32 to vector<16xi32>
        tpu.vector_store_idx %arg7[%broadcast_in_dim3A_191, %add3A_501, %broadcast_in_dim3A_608], %mul3A_584 masked %lt3A_590 : memref<2x49x16xf32, #tpu.memory_space<vmem>>[vector<16xi32>, vector<16xi32>, vector<16xi32>], vector<16xf32>, vector<16xi1>
        %add3A_609 = arith.constant 1 : i32
        %add3A_610 = vector.broadcast %add3A_609 : i32 to vector<16xi32>
        %add3A_611 = arith.addi %mul3A_593, %add3A_610 : vector<16xi32>
        %mul3A_612 = arith.constant 669 : i32
        %mul3A_613 = vector.broadcast %mul3A_612 : i32 to vector<16xi32>
        %mul3A_614 = arith.muli %add3A_611, %mul3A_613 : vector<16xi32>
        %shift_right_arithmetic3A_615 = arith.constant 16 : i32
        %shift_right_arithmetic3A_616 = vector.broadcast %shift_right_arithmetic3A_615 : i32 to vector<16xi32>
        %shift_right_arithmetic3A_617 = arith.shrsi %mul3A_614, %shift_right_arithmetic3A_616 : vector<16xi32>
        %mul3A_618 = arith.constant 98 : i32
        %mul3A_619 = vector.broadcast %mul3A_618 : i32 to vector<16xi32>
        %mul3A_620 = arith.muli %shift_right_arithmetic3A_617, %mul3A_619 : vector<16xi32>
        %sub3A_621 = arith.subi %add3A_611, %mul3A_620 : vector<16xi32>
        tpu.vector_store_idx %arg6[%broadcast_in_dim3A_191, %shift_right_arithmetic3A_617, %sub3A_621], %add3A_581 masked %lt3A_590 : memref<2x2x104xi32, #tpu.memory_space<vmem>>[vector<16xi32>, vector<16xi32>, vector<16xi32>], vector<16xi32>, vector<16xi1>
        %broadcast_in_dim3A_622 = arith.constant 1 : i32
        %broadcast_in_dim3A_623 = vector.broadcast %broadcast_in_dim3A_622 : i32 to vector<16xi32>
        tpu.vector_store_idx %arg7[%broadcast_in_dim3A_191, %add3A_501, %broadcast_in_dim3A_623], %mul3A_585 masked %lt3A_590 : memref<2x49x16xf32, #tpu.memory_space<vmem>>[vector<16xi32>, vector<16xi32>, vector<16xi32>], vector<16xf32>, vector<16xi1>
        %add3A_624 = arith.constant 2 : i32
        %add3A_625 = vector.broadcast %add3A_624 : i32 to vector<16xi32>
        %add3A_626 = arith.addi %mul3A_593, %add3A_625 : vector<16xi32>
        %mul3A_627 = arith.constant 669 : i32
        %mul3A_628 = vector.broadcast %mul3A_627 : i32 to vector<16xi32>
        %mul3A_629 = arith.muli %add3A_626, %mul3A_628 : vector<16xi32>
        %shift_right_arithmetic3A_630 = arith.constant 16 : i32
        %shift_right_arithmetic3A_631 = vector.broadcast %shift_right_arithmetic3A_630 : i32 to vector<16xi32>
        %shift_right_arithmetic3A_632 = arith.shrsi %mul3A_629, %shift_right_arithmetic3A_631 : vector<16xi32>
        %mul3A_633 = arith.constant 98 : i32
        %mul3A_634 = vector.broadcast %mul3A_633 : i32 to vector<16xi32>
        %mul3A_635 = arith.muli %shift_right_arithmetic3A_632, %mul3A_634 : vector<16xi32>
        %sub3A_636 = arith.subi %add3A_626, %mul3A_635 : vector<16xi32>
        tpu.vector_store_idx %arg6[%broadcast_in_dim3A_191, %shift_right_arithmetic3A_632, %sub3A_636], %add3A_582 masked %lt3A_590 : memref<2x2x104xi32, #tpu.memory_space<vmem>>[vector<16xi32>, vector<16xi32>, vector<16xi32>], vector<16xi32>, vector<16xi1>
        %broadcast_in_dim3A_637 = arith.constant 2 : i32
        %broadcast_in_dim3A_638 = vector.broadcast %broadcast_in_dim3A_637 : i32 to vector<16xi32>
        tpu.vector_store_idx %arg7[%broadcast_in_dim3A_191, %add3A_501, %broadcast_in_dim3A_638], %mul3A_586 masked %lt3A_590 : memref<2x49x16xf32, #tpu.memory_space<vmem>>[vector<16xi32>, vector<16xi32>, vector<16xi32>], vector<16xf32>, vector<16xi1>
        %add3A_639 = arith.constant 3 : i32
        %add3A_640 = vector.broadcast %add3A_639 : i32 to vector<16xi32>
        %add3A_641 = arith.addi %mul3A_593, %add3A_640 : vector<16xi32>
        %mul3A_642 = arith.constant 669 : i32
        %mul3A_643 = vector.broadcast %mul3A_642 : i32 to vector<16xi32>
        %mul3A_644 = arith.muli %add3A_641, %mul3A_643 : vector<16xi32>
        %shift_right_arithmetic3A_645 = arith.constant 16 : i32
        %shift_right_arithmetic3A_646 = vector.broadcast %shift_right_arithmetic3A_645 : i32 to vector<16xi32>
        %shift_right_arithmetic3A_647 = arith.shrsi %mul3A_644, %shift_right_arithmetic3A_646 : vector<16xi32>
        %mul3A_648 = arith.constant 98 : i32
        %mul3A_649 = vector.broadcast %mul3A_648 : i32 to vector<16xi32>
        %mul3A_650 = arith.muli %shift_right_arithmetic3A_647, %mul3A_649 : vector<16xi32>
        %sub3A_651 = arith.subi %add3A_641, %mul3A_650 : vector<16xi32>
        tpu.vector_store_idx %arg6[%broadcast_in_dim3A_191, %shift_right_arithmetic3A_647, %sub3A_651], %add3A_583 masked %lt3A_590 : memref<2x2x104xi32, #tpu.memory_space<vmem>>[vector<16xi32>, vector<16xi32>, vector<16xi32>], vector<16xi32>, vector<16xi1>
        %broadcast_in_dim3A_652 = arith.constant 3 : i32
        %broadcast_in_dim3A_653 = vector.broadcast %broadcast_in_dim3A_652 : i32 to vector<16xi32>
        tpu.vector_store_idx %arg7[%broadcast_in_dim3A_191, %add3A_501, %broadcast_in_dim3A_653], %mul3A_587 masked %lt3A_590 : memref<2x49x16xf32, #tpu.memory_space<vmem>>[vector<16xi32>, vector<16xi32>, vector<16xi32>], vector<16xf32>, vector<16xi1>
        %add3A_654 = arith.constant 48 : i32
        %add3A_655 = vector.broadcast %add3A_654 : i32 to vector<16xi32>
        %add3A_656 = arith.addi %iota3A, %add3A_655 : vector<16xi32>
        %mul3A_657 = arith.constant 9363 : i32
        %mul3A_658 = vector.broadcast %mul3A_657 : i32 to vector<16xi32>
        %mul3A_659 = arith.muli %add3A_656, %mul3A_658 : vector<16xi32>
        %shift_right_arithmetic3A_660 = arith.constant 16 : i32
        %shift_right_arithmetic3A_661 = vector.broadcast %shift_right_arithmetic3A_660 : i32 to vector<16xi32>
        %shift_right_arithmetic3A_662 = arith.shrsi %mul3A_659, %shift_right_arithmetic3A_661 : vector<16xi32>
        %mul3A_663 = arith.constant 7 : i32
        %mul3A_664 = vector.broadcast %mul3A_663 : i32 to vector<16xi32>
        %mul3A_665 = arith.muli %shift_right_arithmetic3A_662, %mul3A_664 : vector<16xi32>
        %sub3A_666 = arith.subi %add3A_656, %mul3A_665 : vector<16xi32>
        %convert_element_type3A_667 = arith.sitofp %shift_right_arithmetic3A_662 : vector<16xi32> to vector<16xf32>
        %add3A_668 = arith.constant 5.000000e-01 : f32
        %add3A_669 = vector.broadcast %add3A_668 : f32 to vector<16xf32>
        %add3A_670 = arith.addf %convert_element_type3A_667, %add3A_669 : vector<16xf32>
        %mul3A_671 = arith.mulf %add3A_670, %div3A_186 : vector<16xf32>
        %add3A_672 = arith.addf %mul3A_177, %mul3A_671 : vector<16xf32>
        %sub3A_673 = arith.constant 5.000000e-01 : f32
        %sub3A_674 = vector.broadcast %sub3A_673 : f32 to vector<16xf32>
        %sub3A_675 = arith.subf %add3A_672, %sub3A_674 : vector<16xf32>
        %convert_element_type3A_676 = arith.sitofp %sub3A_666 : vector<16xi32> to vector<16xf32>
        %add3A_677 = arith.constant 5.000000e-01 : f32
        %add3A_678 = vector.broadcast %add3A_677 : f32 to vector<16xf32>
        %add3A_679 = arith.addf %convert_element_type3A_676, %add3A_678 : vector<16xf32>
        %mul3A_680 = arith.mulf %add3A_679, %div3A_181 : vector<16xf32>
        %add3A_681 = arith.addf %mul3A_176, %mul3A_680 : vector<16xf32>
        %sub3A_682 = arith.constant 5.000000e-01 : f32
        %sub3A_683 = vector.broadcast %sub3A_682 : f32 to vector<16xf32>
        %sub3A_684 = arith.subf %add3A_681, %sub3A_683 : vector<16xf32>
        %convert_element_type3A_685 = arith.fptosi %sub3A_675 : vector<16xf32> to vector<16xi32>
        %convert_element_type3A_686 = arith.sitofp %convert_element_type3A_685 : vector<16xi32> to vector<16xf32>
        %gt3A_687 = arith.cmpf ogt, %convert_element_type3A_686, %sub3A_675 : vector<16xf32>
        %sub3A_688 = arith.constant 1 : i32
        %sub3A_689 = vector.broadcast %sub3A_688 : i32 to vector<16xi32>
        %sub3A_690 = arith.subi %convert_element_type3A_685, %sub3A_689 : vector<16xi32>
        %select_n3A_691 = arith.select %gt3A_687, %sub3A_690, %convert_element_type3A_685 : vector<16xi1>, vector<16xi32>
        %convert_element_type3A_692 = arith.fptosi %sub3A_684 : vector<16xf32> to vector<16xi32>
        %convert_element_type3A_693 = arith.sitofp %convert_element_type3A_692 : vector<16xi32> to vector<16xf32>
        %gt3A_694 = arith.cmpf ogt, %convert_element_type3A_693, %sub3A_684 : vector<16xf32>
        %sub3A_695 = arith.constant 1 : i32
        %sub3A_696 = vector.broadcast %sub3A_695 : i32 to vector<16xi32>
        %sub3A_697 = arith.subi %convert_element_type3A_692, %sub3A_696 : vector<16xi32>
        %select_n3A_698 = arith.select %gt3A_694, %sub3A_697, %convert_element_type3A_692 : vector<16xi1>, vector<16xi32>
        %convert_element_type3A_699 = arith.sitofp %select_n3A_691 : vector<16xi32> to vector<16xf32>
        %sub3A_700 = arith.subf %sub3A_675, %convert_element_type3A_699 : vector<16xf32>
        %convert_element_type3A_701 = arith.sitofp %select_n3A_698 : vector<16xi32> to vector<16xf32>
        %sub3A_702 = arith.subf %sub3A_684, %convert_element_type3A_701 : vector<16xf32>
        %sub3A_703 = arith.constant 1.000000e+00 : f32
        %sub3A_704 = vector.broadcast %sub3A_703 : f32 to vector<16xf32>
        %sub3A_705 = arith.subf %sub3A_704, %sub3A_700 : vector<16xf32>
        %sub3A_706 = arith.constant 1.000000e+00 : f32
        %sub3A_707 = vector.broadcast %sub3A_706 : f32 to vector<16xf32>
        %sub3A_708 = arith.subf %sub3A_707, %sub3A_702 : vector<16xf32>
        %jit3A_709 = arith.constant 0 : i32
        %max3A_710 = vector.broadcast %jit3A_709 : i32 to vector<16xi32>
        %max3A_711 = arith.maxsi %max3A_710, %select_n3A_691 : vector<16xi32>
        %min3A_712 = arith.minsi %sub3A_189, %max3A_711 : vector<16xi32>
        %add3A_713 = arith.constant 1 : i32
        %add3A_714 = vector.broadcast %add3A_713 : i32 to vector<16xi32>
        %add3A_715 = arith.addi %select_n3A_691, %add3A_714 : vector<16xi32>
        %jit3A_716 = arith.constant 0 : i32
        %max3A_717 = vector.broadcast %jit3A_716 : i32 to vector<16xi32>
        %max3A_718 = arith.maxsi %max3A_717, %add3A_715 : vector<16xi32>
        %min3A_719 = arith.minsi %sub3A_189, %max3A_718 : vector<16xi32>
        %jit3A_720 = arith.constant 0 : i32
        %max3A_721 = vector.broadcast %jit3A_720 : i32 to vector<16xi32>
        %max3A_722 = arith.maxsi %max3A_721, %select_n3A_698 : vector<16xi32>
        %min3A_723 = arith.minsi %sub3A_189, %max3A_722 : vector<16xi32>
        %add3A_724 = arith.constant 1 : i32
        %add3A_725 = vector.broadcast %add3A_724 : i32 to vector<16xi32>
        %add3A_726 = arith.addi %select_n3A_698, %add3A_725 : vector<16xi32>
        %jit3A_727 = arith.constant 0 : i32
        %max3A_728 = vector.broadcast %jit3A_727 : i32 to vector<16xi32>
        %max3A_729 = arith.maxsi %max3A_728, %add3A_726 : vector<16xi32>
        %min3A_730 = arith.minsi %sub3A_189, %max3A_729 : vector<16xi32>
        %mul3A_731 = arith.muli %min3A_712, %select_n3A_175 : vector<16xi32>
        %add3A_732 = arith.addi %select_n3A_155, %mul3A_731 : vector<16xi32>
        %mul3A_733 = arith.muli %min3A_719, %select_n3A_175 : vector<16xi32>
        %add3A_734 = arith.addi %select_n3A_155, %mul3A_733 : vector<16xi32>
        %add3A_735 = arith.addi %add3A_732, %min3A_723 : vector<16xi32>
        %add3A_736 = arith.addi %add3A_732, %min3A_730 : vector<16xi32>
        %add3A_737 = arith.addi %add3A_734, %min3A_723 : vector<16xi32>
        %add3A_738 = arith.addi %add3A_734, %min3A_730 : vector<16xi32>
        %mul3A_739 = arith.mulf %sub3A_705, %sub3A_708 : vector<16xf32>
        %mul3A_740 = arith.mulf %sub3A_705, %sub3A_702 : vector<16xf32>
        %mul3A_741 = arith.mulf %sub3A_700, %sub3A_708 : vector<16xf32>
        %mul3A_742 = arith.mulf %sub3A_700, %sub3A_702 : vector<16xf32>
        %lt3A_743 = arith.constant 49 : i32
        %lt3A_744 = vector.broadcast %lt3A_743 : i32 to vector<16xi32>
        %lt3A_745 = arith.cmpi slt, %add3A_656, %lt3A_744 : vector<16xi32>
        %mul3A_746 = arith.constant 4 : i32
        %mul3A_747 = vector.broadcast %mul3A_746 : i32 to vector<16xi32>
        %mul3A_748 = arith.muli %add3A_656, %mul3A_747 : vector<16xi32>
        %add3A_749 = arith.constant 0 : i32
        %add3A_750 = vector.broadcast %add3A_749 : i32 to vector<16xi32>
        %add3A_751 = arith.addi %mul3A_748, %add3A_750 : vector<16xi32>
        %mul3A_752 = arith.constant 669 : i32
        %mul3A_753 = vector.broadcast %mul3A_752 : i32 to vector<16xi32>
        %mul3A_754 = arith.muli %add3A_751, %mul3A_753 : vector<16xi32>
        %shift_right_arithmetic3A_755 = arith.constant 16 : i32
        %shift_right_arithmetic3A_756 = vector.broadcast %shift_right_arithmetic3A_755 : i32 to vector<16xi32>
        %shift_right_arithmetic3A_757 = arith.shrsi %mul3A_754, %shift_right_arithmetic3A_756 : vector<16xi32>
        %mul3A_758 = arith.constant 98 : i32
        %mul3A_759 = vector.broadcast %mul3A_758 : i32 to vector<16xi32>
        %mul3A_760 = arith.muli %shift_right_arithmetic3A_757, %mul3A_759 : vector<16xi32>
        %sub3A_761 = arith.subi %add3A_751, %mul3A_760 : vector<16xi32>
        tpu.vector_store_idx %arg6[%broadcast_in_dim3A_191, %shift_right_arithmetic3A_757, %sub3A_761], %add3A_735 masked %lt3A_745 : memref<2x2x104xi32, #tpu.memory_space<vmem>>[vector<16xi32>, vector<16xi32>, vector<16xi32>], vector<16xi32>, vector<16xi1>
        %broadcast_in_dim3A_762 = arith.constant 0 : i32
        %broadcast_in_dim3A_763 = vector.broadcast %broadcast_in_dim3A_762 : i32 to vector<16xi32>
        tpu.vector_store_idx %arg7[%broadcast_in_dim3A_191, %add3A_656, %broadcast_in_dim3A_763], %mul3A_739 masked %lt3A_745 : memref<2x49x16xf32, #tpu.memory_space<vmem>>[vector<16xi32>, vector<16xi32>, vector<16xi32>], vector<16xf32>, vector<16xi1>
        %add3A_764 = arith.constant 1 : i32
        %add3A_765 = vector.broadcast %add3A_764 : i32 to vector<16xi32>
        %add3A_766 = arith.addi %mul3A_748, %add3A_765 : vector<16xi32>
        %mul3A_767 = arith.constant 669 : i32
        %mul3A_768 = vector.broadcast %mul3A_767 : i32 to vector<16xi32>
        %mul3A_769 = arith.muli %add3A_766, %mul3A_768 : vector<16xi32>
        %shift_right_arithmetic3A_770 = arith.constant 16 : i32
        %shift_right_arithmetic3A_771 = vector.broadcast %shift_right_arithmetic3A_770 : i32 to vector<16xi32>
        %shift_right_arithmetic3A_772 = arith.shrsi %mul3A_769, %shift_right_arithmetic3A_771 : vector<16xi32>
        %mul3A_773 = arith.constant 98 : i32
        %mul3A_774 = vector.broadcast %mul3A_773 : i32 to vector<16xi32>
        %mul3A_775 = arith.muli %shift_right_arithmetic3A_772, %mul3A_774 : vector<16xi32>
        %sub3A_776 = arith.subi %add3A_766, %mul3A_775 : vector<16xi32>
        tpu.vector_store_idx %arg6[%broadcast_in_dim3A_191, %shift_right_arithmetic3A_772, %sub3A_776], %add3A_736 masked %lt3A_745 : memref<2x2x104xi32, #tpu.memory_space<vmem>>[vector<16xi32>, vector<16xi32>, vector<16xi32>], vector<16xi32>, vector<16xi1>
        %broadcast_in_dim3A_777 = arith.constant 1 : i32
        %broadcast_in_dim3A_778 = vector.broadcast %broadcast_in_dim3A_777 : i32 to vector<16xi32>
        tpu.vector_store_idx %arg7[%broadcast_in_dim3A_191, %add3A_656, %broadcast_in_dim3A_778], %mul3A_740 masked %lt3A_745 : memref<2x49x16xf32, #tpu.memory_space<vmem>>[vector<16xi32>, vector<16xi32>, vector<16xi32>], vector<16xf32>, vector<16xi1>
        %add3A_779 = arith.constant 2 : i32
        %add3A_780 = vector.broadcast %add3A_779 : i32 to vector<16xi32>
        %add3A_781 = arith.addi %mul3A_748, %add3A_780 : vector<16xi32>
        %mul3A_782 = arith.constant 669 : i32
        %mul3A_783 = vector.broadcast %mul3A_782 : i32 to vector<16xi32>
        %mul3A_784 = arith.muli %add3A_781, %mul3A_783 : vector<16xi32>
        %shift_right_arithmetic3A_785 = arith.constant 16 : i32
        %shift_right_arithmetic3A_786 = vector.broadcast %shift_right_arithmetic3A_785 : i32 to vector<16xi32>
        %shift_right_arithmetic3A_787 = arith.shrsi %mul3A_784, %shift_right_arithmetic3A_786 : vector<16xi32>
        %mul3A_788 = arith.constant 98 : i32
        %mul3A_789 = vector.broadcast %mul3A_788 : i32 to vector<16xi32>
        %mul3A_790 = arith.muli %shift_right_arithmetic3A_787, %mul3A_789 : vector<16xi32>
        %sub3A_791 = arith.subi %add3A_781, %mul3A_790 : vector<16xi32>
        tpu.vector_store_idx %arg6[%broadcast_in_dim3A_191, %shift_right_arithmetic3A_787, %sub3A_791], %add3A_737 masked %lt3A_745 : memref<2x2x104xi32, #tpu.memory_space<vmem>>[vector<16xi32>, vector<16xi32>, vector<16xi32>], vector<16xi32>, vector<16xi1>
        %broadcast_in_dim3A_792 = arith.constant 2 : i32
        %broadcast_in_dim3A_793 = vector.broadcast %broadcast_in_dim3A_792 : i32 to vector<16xi32>
        tpu.vector_store_idx %arg7[%broadcast_in_dim3A_191, %add3A_656, %broadcast_in_dim3A_793], %mul3A_741 masked %lt3A_745 : memref<2x49x16xf32, #tpu.memory_space<vmem>>[vector<16xi32>, vector<16xi32>, vector<16xi32>], vector<16xf32>, vector<16xi1>
        %add3A_794 = arith.constant 3 : i32
        %add3A_795 = vector.broadcast %add3A_794 : i32 to vector<16xi32>
        %add3A_796 = arith.addi %mul3A_748, %add3A_795 : vector<16xi32>
        %mul3A_797 = arith.constant 669 : i32
        %mul3A_798 = vector.broadcast %mul3A_797 : i32 to vector<16xi32>
        %mul3A_799 = arith.muli %add3A_796, %mul3A_798 : vector<16xi32>
        %shift_right_arithmetic3A_800 = arith.constant 16 : i32
        %shift_right_arithmetic3A_801 = vector.broadcast %shift_right_arithmetic3A_800 : i32 to vector<16xi32>
        %shift_right_arithmetic3A_802 = arith.shrsi %mul3A_799, %shift_right_arithmetic3A_801 : vector<16xi32>
        %mul3A_803 = arith.constant 98 : i32
        %mul3A_804 = vector.broadcast %mul3A_803 : i32 to vector<16xi32>
        %mul3A_805 = arith.muli %shift_right_arithmetic3A_802, %mul3A_804 : vector<16xi32>
        %sub3A_806 = arith.subi %add3A_796, %mul3A_805 : vector<16xi32>
        tpu.vector_store_idx %arg6[%broadcast_in_dim3A_191, %shift_right_arithmetic3A_802, %sub3A_806], %add3A_738 masked %lt3A_745 : memref<2x2x104xi32, #tpu.memory_space<vmem>>[vector<16xi32>, vector<16xi32>, vector<16xi32>], vector<16xi32>, vector<16xi1>
        %broadcast_in_dim3A_807 = arith.constant 3 : i32
        %broadcast_in_dim3A_808 = vector.broadcast %broadcast_in_dim3A_807 : i32 to vector<16xi32>
        tpu.vector_store_idx %arg7[%broadcast_in_dim3A_191, %add3A_656, %broadcast_in_dim3A_808], %mul3A_742 masked %lt3A_745 : memref<2x49x16xf32, #tpu.memory_space<vmem>>[vector<16xi32>, vector<16xi32>, vector<16xi32>], vector<16xf32>, vector<16xi1>
        %dma_start3A = arith.constant 0 : i32
        %dma_start3A_809 = arith.constant 0 : i32
        %dma_start3A_810 = arith.constant 0 : i32
        %dma_start3A_811 = arith.constant 0 : i32
        %dma_start3A_812 = arith.constant 0 : i32
        %dma_start3A_813 = tpu.memref_slice %arg8[%dma_start3A_810, %dma_start3A_811, %dma_start3A_812] : memref<2x208x256xf32, #tpu.memory_space<vmem>> -> memref<1x104x256xf32, #tpu.memory_space<vmem>>
        %dma_start3A_814 = tpu.memref_squeeze %dma_start3A_813 : memref<1x104x256xf32, #tpu.memory_space<vmem>> -> memref<104x256xf32, #tpu.memory_space<vmem>>
        %dma_start3A_815 = arith.constant 0 : i32
        %dma_start3A_816 = tpu.memref_slice %arg6[%dma_start3A, %dma_start3A_809, %dma_start3A_815] : memref<2x2x104xi32, #tpu.memory_space<vmem>> -> memref<1x1x104xi32, #tpu.memory_space<vmem>>
        %dma_start3A_817 = tpu.memref_squeeze %dma_start3A_816 : memref<1x1x104xi32, #tpu.memory_space<vmem>> -> memref<104xi32, #tpu.memory_space<vmem>>
        %dma_start3A_818 = arith.constant 0 : i32
        %dma_start3A_819 = arith.constant 0 : i32
        %dma_start3A_820 = tpu.memref_slice %arg2[%dma_start3A_818, %dma_start3A_819] : memref<21760x256xf32, #tpu.memory_space<hbm>> -> memref<21760x256xf32, #tpu.memory_space<hbm>>
        tpu.enqueue_indirect_dma source(%dma_start3A_820 : memref<21760x256xf32, #tpu.memory_space<hbm>>) target(%dma_start3A_814 : memref<104x256xf32, #tpu.memory_space<vmem>>) offsets(%dma_start3A_817 : memref<104xi32, #tpu.memory_space<vmem>>) semaphore(%arg10 : memref<!tpu.dma_semaphore, #tpu.memory_space<semaphore_mem>>)
        %dma_start3A_821 = arith.constant 0 : i32
        %dma_start3A_822 = arith.constant 1 : i32
        %dma_start3A_823 = arith.constant 0 : i32
        %dma_start3A_824 = arith.constant 104 : i32
        %dma_start3A_825 = arith.constant 0 : i32
        %dma_start3A_826 = tpu.memref_slice %arg8[%dma_start3A_823, %dma_start3A_824, %dma_start3A_825] : memref<2x208x256xf32, #tpu.memory_space<vmem>> -> memref<1x104x256xf32, #tpu.memory_space<vmem>>
        %dma_start3A_827 = tpu.memref_squeeze %dma_start3A_826 : memref<1x104x256xf32, #tpu.memory_space<vmem>> -> memref<104x256xf32, #tpu.memory_space<vmem>>
        %dma_start3A_828 = arith.constant 0 : i32
        %dma_start3A_829 = tpu.memref_slice %arg6[%dma_start3A_821, %dma_start3A_822, %dma_start3A_828] : memref<2x2x104xi32, #tpu.memory_space<vmem>> -> memref<1x1x104xi32, #tpu.memory_space<vmem>>
        %dma_start3A_830 = tpu.memref_squeeze %dma_start3A_829 : memref<1x1x104xi32, #tpu.memory_space<vmem>> -> memref<104xi32, #tpu.memory_space<vmem>>
        %dma_start3A_831 = arith.constant 0 : i32
        %dma_start3A_832 = arith.constant 0 : i32
        %dma_start3A_833 = tpu.memref_slice %arg2[%dma_start3A_831, %dma_start3A_832] : memref<21760x256xf32, #tpu.memory_space<hbm>> -> memref<21760x256xf32, #tpu.memory_space<hbm>>
        tpu.enqueue_indirect_dma source(%dma_start3A_833 : memref<21760x256xf32, #tpu.memory_space<hbm>>) target(%dma_start3A_827 : memref<104x256xf32, #tpu.memory_space<vmem>>) offsets(%dma_start3A_830 : memref<104xi32, #tpu.memory_space<vmem>>) semaphore(%arg10 : memref<!tpu.dma_semaphore, #tpu.memory_space<semaphore_mem>>)
      } else {
      }
      %lt3A_75 = arith.constant 1000 : i32
      %lt3A_76 = arith.cmpi slt, %add3A_62, %lt3A_75 : i32
      %convert_element_type3A_77 = arith.extui %lt3A_76 : i1 to i32
      %cond3A_78 = arith.constant 0 : i32
      %cond3A_79 = arith.cmpi ne, %convert_element_type3A_77, %cond3A_78 : i32
      scf.if %cond3A_79 {
        %dma_wait3A = arith.constant 1 : i32
        %dma_wait3A_80 = arith.constant 0 : i32
        %dma_wait3A_81 = arith.constant 1 : i32
        %dma_wait3A_82 = arith.constant 0 : i32
        %dma_wait3A_83 = arith.constant 0 : i32
        %dma_wait3A_84 = tpu.memref_slice %arg8[%dma_wait3A_81, %dma_wait3A_82, %dma_wait3A_83] : memref<2x208x256xf32, #tpu.memory_space<vmem>> -> memref<1x104x256xf32, #tpu.memory_space<vmem>>
        %dma_wait3A_85 = tpu.memref_squeeze %dma_wait3A_84 : memref<1x104x256xf32, #tpu.memory_space<vmem>> -> memref<104x256xf32, #tpu.memory_space<vmem>>
        %dma_wait3A_86 = arith.constant 0 : i32
        %dma_wait3A_87 = tpu.memref_slice %arg6[%dma_wait3A, %dma_wait3A_80, %dma_wait3A_86] : memref<2x2x104xi32, #tpu.memory_space<vmem>> -> memref<1x1x104xi32, #tpu.memory_space<vmem>>
        %dma_wait3A_88 = tpu.memref_squeeze %dma_wait3A_87 : memref<1x1x104xi32, #tpu.memory_space<vmem>> -> memref<104xi32, #tpu.memory_space<vmem>>
        %dma_wait3A_89 = arith.constant 0 : i32
        %dma_wait3A_90 = arith.constant 0 : i32
        %dma_wait3A_91 = tpu.memref_slice %arg2[%dma_wait3A_89, %dma_wait3A_90] : memref<21760x256xf32, #tpu.memory_space<hbm>> -> memref<21760x256xf32, #tpu.memory_space<hbm>>
        tpu.wait_indirect_dma semaphore(%arg10 : memref<!tpu.dma_semaphore, #tpu.memory_space<semaphore_mem>>) src(%dma_wait3A_91 : memref<21760x256xf32, #tpu.memory_space<hbm>>) dst(%dma_wait3A_85 : memref<104x256xf32, #tpu.memory_space<vmem>>)
        %dma_wait3A_92 = arith.constant 1 : i32
        %dma_wait3A_93 = arith.constant 1 : i32
        %dma_wait3A_94 = arith.constant 1 : i32
        %dma_wait3A_95 = arith.constant 104 : i32
        %dma_wait3A_96 = arith.constant 0 : i32
        %dma_wait3A_97 = tpu.memref_slice %arg8[%dma_wait3A_94, %dma_wait3A_95, %dma_wait3A_96] : memref<2x208x256xf32, #tpu.memory_space<vmem>> -> memref<1x104x256xf32, #tpu.memory_space<vmem>>
        %dma_wait3A_98 = tpu.memref_squeeze %dma_wait3A_97 : memref<1x104x256xf32, #tpu.memory_space<vmem>> -> memref<104x256xf32, #tpu.memory_space<vmem>>
        %dma_wait3A_99 = arith.constant 0 : i32
        %dma_wait3A_100 = tpu.memref_slice %arg6[%dma_wait3A_92, %dma_wait3A_93, %dma_wait3A_99] : memref<2x2x104xi32, #tpu.memory_space<vmem>> -> memref<1x1x104xi32, #tpu.memory_space<vmem>>
        %dma_wait3A_101 = tpu.memref_squeeze %dma_wait3A_100 : memref<1x1x104xi32, #tpu.memory_space<vmem>> -> memref<104xi32, #tpu.memory_space<vmem>>
        %dma_wait3A_102 = arith.constant 0 : i32
        %dma_wait3A_103 = arith.constant 0 : i32
        %dma_wait3A_104 = tpu.memref_slice %arg2[%dma_wait3A_102, %dma_wait3A_103] : memref<21760x256xf32, #tpu.memory_space<hbm>> -> memref<21760x256xf32, #tpu.memory_space<hbm>>
        tpu.wait_indirect_dma semaphore(%arg10 : memref<!tpu.dma_semaphore, #tpu.memory_space<semaphore_mem>>) src(%dma_wait3A_104 : memref<21760x256xf32, #tpu.memory_space<hbm>>) dst(%dma_wait3A_98 : memref<104x256xf32, #tpu.memory_space<vmem>>)
        %scan3A_105 = arith.constant 0 : i32
        %scan3A_106 = arith.constant 0 : i32
        %scan3A_107 = arith.constant 7 : i32
        %scan3A_108 = arith.addi %scan3A_106, %scan3A_107 : i32
        %scan3A_109 = arith.constant 1 : i32
        scf.for %scan3A_113 = %scan3A_106 to %scan3A_108 step %scan3A_109  : i32 {
          %scan3A_114 = arith.constant 0 : i32
          %scan3A_115 = arith.constant 7 : i32
          %scan3A_116 = arith.addi %scan3A_114, %scan3A_115 : i32
          %scan3A_117 = arith.constant 1 : i32
          scf.for %scan3A_119 = %scan3A_114 to %scan3A_116 step %scan3A_117  : i32 {
            %mul3A_120 = arith.constant 7 : i32
            %mul3A_121 = arith.muli %scan3A_113, %mul3A_120 : i32
            %add3A_122 = arith.addi %mul3A_121, %scan3A_119 : i32
            %mul3A_123 = arith.constant 4 : i32
            %mul3A_124 = arith.muli %add3A_122, %mul3A_123 : i32
            %get3A = arith.constant 1 : i32
            %get3A_125 = arith.index_cast %get3A : i32 to index
            %get3A_126 = arith.index_cast %add3A_122 : i32 to index
            %get3A_127 = arith.constant 0 : index
            %get3A_128 = tpu.vector_load %arg7[%get3A_125, %get3A_126, %get3A_127] {strides = array<i32>} : memref<2x49x16xf32, #tpu.memory_space<vmem>>, vector<16xf32>,
            %slice3A = vector.extract_strided_slice %get3A_128 {offsets = [0], sizes = [1], strides = [1]} : vector<16xf32> to vector<1xf32>
            %squeeze3A = vector.extract %slice3A[0] : f32 from vector<1xf32>
            %slice3A_129 = vector.extract_strided_slice %get3A_128 {offsets = [1], sizes = [1], strides = [1]} : vector<16xf32> to vector<1xf32>
            %squeeze3A_130 = vector.extract %slice3A_129[0] : f32 from vector<1xf32>
            %slice3A_131 = vector.extract_strided_slice %get3A_128 {offsets = [2], sizes = [1], strides = [1]} : vector<16xf32> to vector<1xf32>
            %squeeze3A_132 = vector.extract %slice3A_131[0] : f32 from vector<1xf32>
            %slice3A_133 = vector.extract_strided_slice %get3A_128 {offsets = [3], sizes = [1], strides = [1]} : vector<16xf32> to vector<1xf32>
            %squeeze3A_134 = vector.extract %slice3A_133[0] : f32 from vector<1xf32>
            %add3A_135 = arith.constant 0 : i32
            %add3A_136 = arith.addi %mul3A_124, %add3A_135 : i32
            %mul3A_137 = arith.constant 669 : i32
            %mul3A_138 = arith.muli %add3A_136, %mul3A_137 : i32
            %shift_right_arithmetic3A = arith.constant 16 : i32
            %shift_right_arithmetic3A_139 = arith.shrsi %mul3A_138, %shift_right_arithmetic3A : i32
            %mul3A_140 = arith.constant 6 : i32
            %mul3A_141 = arith.muli %mul3A_140, %shift_right_arithmetic3A_139 : i32
            %add3A_142 = arith.addi %add3A_136, %mul3A_141 : i32
            %add3A_143 = arith.constant 1 : i32
            %add3A_144 = arith.addi %mul3A_124, %add3A_143 : i32
            %mul3A_145 = arith.constant 669 : i32
            %mul3A_146 = arith.muli %add3A_144, %mul3A_145 : i32
            %shift_right_arithmetic3A_147 = arith.constant 16 : i32
            %shift_right_arithmetic3A_148 = arith.shrsi %mul3A_146, %shift_right_arithmetic3A_147 : i32
            %mul3A_149 = arith.constant 6 : i32
            %mul3A_150 = arith.muli %mul3A_149, %shift_right_arithmetic3A_148 : i32
            %add3A_151 = arith.addi %add3A_144, %mul3A_150 : i32
            %add3A_152 = arith.constant 2 : i32
            %add3A_153 = arith.addi %mul3A_124, %add3A_152 : i32
            %mul3A_154 = arith.constant 669 : i32
            %mul3A_155 = arith.muli %add3A_153, %mul3A_154 : i32
            %shift_right_arithmetic3A_156 = arith.constant 16 : i32
            %shift_right_arithmetic3A_157 = arith.shrsi %mul3A_155, %shift_right_arithmetic3A_156 : i32
            %mul3A_158 = arith.constant 6 : i32
            %mul3A_159 = arith.muli %mul3A_158, %shift_right_arithmetic3A_157 : i32
            %add3A_160 = arith.addi %add3A_153, %mul3A_159 : i32
            %add3A_161 = arith.constant 3 : i32
            %add3A_162 = arith.addi %mul3A_124, %add3A_161 : i32
            %mul3A_163 = arith.constant 669 : i32
            %mul3A_164 = arith.muli %add3A_162, %mul3A_163 : i32
            %shift_right_arithmetic3A_165 = arith.constant 16 : i32
            %shift_right_arithmetic3A_166 = arith.shrsi %mul3A_164, %shift_right_arithmetic3A_165 : i32
            %mul3A_167 = arith.constant 6 : i32
            %mul3A_168 = arith.muli %mul3A_167, %shift_right_arithmetic3A_166 : i32
            %add3A_169 = arith.addi %add3A_162, %mul3A_168 : i32
            %mul3A_170 = arith.constant 49 : i32
            %mul3A_171 = vector.broadcast %mul3A_170 : i32 to vector<16xi32>
            %mul3A_172 = arith.muli %iota3A, %mul3A_171 : vector<16xi32>
            %add3A_173 = vector.broadcast %add3A_122 : i32 to vector<16xi32>
            %add3A_174 = arith.addi %mul3A_172, %add3A_173 : vector<16xi32>
            %get3A_175 = arith.constant 1 : i32
            %get3A_176 = arith.index_cast %get3A_175 : i32 to index
            %get3A_177 = arith.index_cast %add3A_142 : i32 to index
            %get3A_178 = arith.constant 0 : index
            %get3A_179 = tpu.vector_load %arg8[%get3A_176, %get3A_177, %get3A_178] {strides = array<i32>} : memref<2x208x256xf32, #tpu.memory_space<vmem>>, vector<16xf32>,
            %mul3A_180 = vector.broadcast %squeeze3A : f32 to vector<16xf32>
            %mul3A_181 = arith.mulf %get3A_179, %mul3A_180 : vector<16xf32>
            %get3A_182 = arith.constant 1 : i32
            %get3A_183 = arith.index_cast %get3A_182 : i32 to index
            %get3A_184 = arith.index_cast %add3A_151 : i32 to index
            %get3A_185 = arith.constant 0 : index
            %get3A_186 = tpu.vector_load %arg8[%get3A_183, %get3A_184, %get3A_185] {strides = array<i32>} : memref<2x208x256xf32, #tpu.memory_space<vmem>>, vector<16xf32>,
            %mul3A_187 = vector.broadcast %squeeze3A_130 : f32 to vector<16xf32>
            %mul3A_188 = arith.mulf %get3A_186, %mul3A_187 : vector<16xf32>
            %add3A_189 = arith.addf %mul3A_181, %mul3A_188 : vector<16xf32>
            %get3A_190 = arith.constant 1 : i32
            %get3A_191 = arith.index_cast %get3A_190 : i32 to index
            %get3A_192 = arith.index_cast %add3A_160 : i32 to index
            %get3A_193 = arith.constant 0 : index
            %get3A_194 = tpu.vector_load %arg8[%get3A_191, %get3A_192, %get3A_193] {strides = array<i32>} : memref<2x208x256xf32, #tpu.memory_space<vmem>>, vector<16xf32>,
            %mul3A_195 = vector.broadcast %squeeze3A_132 : f32 to vector<16xf32>
            %mul3A_196 = arith.mulf %get3A_194, %mul3A_195 : vector<16xf32>
            %get3A_197 = arith.constant 1 : i32
            %get3A_198 = arith.index_cast %get3A_197 : i32 to index
            %get3A_199 = arith.index_cast %add3A_169 : i32 to index
            %get3A_200 = arith.constant 0 : index
            %get3A_201 = tpu.vector_load %arg8[%get3A_198, %get3A_199, %get3A_200] {strides = array<i32>} : memref<2x208x256xf32, #tpu.memory_space<vmem>>, vector<16xf32>,
            %mul3A_202 = vector.broadcast %squeeze3A_134 : f32 to vector<16xf32>
            %mul3A_203 = arith.mulf %get3A_201, %mul3A_202 : vector<16xf32>
            %add3A_204 = arith.addf %mul3A_196, %mul3A_203 : vector<16xf32>
            %add3A_205 = arith.addf %add3A_189, %add3A_204 : vector<16xf32>
            %add3A_206 = arith.constant 0 : i32
            %add3A_207 = vector.broadcast %add3A_206 : i32 to vector<16xi32>
            %add3A_208 = arith.addi %add3A_174, %add3A_207 : vector<16xi32>
            %shift_right_arithmetic3A_209 = arith.constant 7 : i32
            %shift_right_arithmetic3A_210 = vector.broadcast %shift_right_arithmetic3A_209 : i32 to vector<16xi32>
            %shift_right_arithmetic3A_211 = arith.shrsi %add3A_208, %shift_right_arithmetic3A_210 : vector<16xi32>
            %and3A_212 = arith.constant 127 : i32
            %and3A_213 = vector.broadcast %and3A_212 : i32 to vector<16xi32>
            %and3A_214 = arith.andi %add3A_208, %and3A_213 : vector<16xi32>
            tpu.vector_store_idx %arg9[%shift_right_arithmetic3A_211, %and3A_214], %add3A_205 : memref<98x128xf32, #tpu.memory_space<vmem>>[vector<16xi32>, vector<16xi32>], vector<16xf32>,
            %get3A_215 = arith.constant 1 : i32
            %get3A_216 = arith.index_cast %get3A_215 : i32 to index
            %get3A_217 = arith.index_cast %add3A_142 : i32 to index
            %get3A_218 = arith.constant 16 : index
            %get3A_219 = tpu.vector_load %arg8[%get3A_216, %get3A_217, %get3A_218] {strides = array<i32>} : memref<2x208x256xf32, #tpu.memory_space<vmem>>, vector<16xf32>,
            %mul3A_220 = vector.broadcast %squeeze3A : f32 to vector<16xf32>
            %mul3A_221 = arith.mulf %get3A_219, %mul3A_220 : vector<16xf32>
            %get3A_222 = arith.constant 1 : i32
            %get3A_223 = arith.index_cast %get3A_222 : i32 to index
            %get3A_224 = arith.index_cast %add3A_151 : i32 to index
            %get3A_225 = arith.constant 16 : index
            %get3A_226 = tpu.vector_load %arg8[%get3A_223, %get3A_224, %get3A_225] {strides = array<i32>} : memref<2x208x256xf32, #tpu.memory_space<vmem>>, vector<16xf32>,
            %mul3A_227 = vector.broadcast %squeeze3A_130 : f32 to vector<16xf32>
            %mul3A_228 = arith.mulf %get3A_226, %mul3A_227 : vector<16xf32>
            %add3A_229 = arith.addf %mul3A_221, %mul3A_228 : vector<16xf32>
            %get3A_230 = arith.constant 1 : i32
            %get3A_231 = arith.index_cast %get3A_230 : i32 to index
            %get3A_232 = arith.index_cast %add3A_160 : i32 to index
            %get3A_233 = arith.constant 16 : index
            %get3A_234 = tpu.vector_load %arg8[%get3A_231, %get3A_232, %get3A_233] {strides = array<i32>} : memref<2x208x256xf32, #tpu.memory_space<vmem>>, vector<16xf32>,
            %mul3A_235 = vector.broadcast %squeeze3A_132 : f32 to vector<16xf32>
            %mul3A_236 = arith.mulf %get3A_234, %mul3A_235 : vector<16xf32>
            %get3A_237 = arith.constant 1 : i32
            %get3A_238 = arith.index_cast %get3A_237 : i32 to index
            %get3A_239 = arith.index_cast %add3A_169 : i32 to index
            %get3A_240 = arith.constant 16 : index
            %get3A_241 = tpu.vector_load %arg8[%get3A_238, %get3A_239, %get3A_240] {strides = array<i32>} : memref<2x208x256xf32, #tpu.memory_space<vmem>>, vector<16xf32>,
            %mul3A_242 = vector.broadcast %squeeze3A_134 : f32 to vector<16xf32>
            %mul3A_243 = arith.mulf %get3A_241, %mul3A_242 : vector<16xf32>
            %add3A_244 = arith.addf %mul3A_236, %mul3A_243 : vector<16xf32>
            %add3A_245 = arith.addf %add3A_229, %add3A_244 : vector<16xf32>
            %add3A_246 = arith.constant 784 : i32
            %add3A_247 = vector.broadcast %add3A_246 : i32 to vector<16xi32>
            %add3A_248 = arith.addi %add3A_174, %add3A_247 : vector<16xi32>
            %shift_right_arithmetic3A_249 = arith.constant 7 : i32
            %shift_right_arithmetic3A_250 = vector.broadcast %shift_right_arithmetic3A_249 : i32 to vector<16xi32>
            %shift_right_arithmetic3A_251 = arith.shrsi %add3A_248, %shift_right_arithmetic3A_250 : vector<16xi32>
            %and3A_252 = arith.constant 127 : i32
            %and3A_253 = vector.broadcast %and3A_252 : i32 to vector<16xi32>
            %and3A_254 = arith.andi %add3A_248, %and3A_253 : vector<16xi32>
            tpu.vector_store_idx %arg9[%shift_right_arithmetic3A_251, %and3A_254], %add3A_245 : memref<98x128xf32, #tpu.memory_space<vmem>>[vector<16xi32>, vector<16xi32>], vector<16xf32>,
            %get3A_255 = arith.constant 1 : i32
            %get3A_256 = arith.index_cast %get3A_255 : i32 to index
            %get3A_257 = arith.index_cast %add3A_142 : i32 to index
            %get3A_258 = arith.constant 32 : index
            %get3A_259 = tpu.vector_load %arg8[%get3A_256, %get3A_257, %get3A_258] {strides = array<i32>} : memref<2x208x256xf32, #tpu.memory_space<vmem>>, vector<16xf32>,
            %mul3A_260 = vector.broadcast %squeeze3A : f32 to vector<16xf32>
            %mul3A_261 = arith.mulf %get3A_259, %mul3A_260 : vector<16xf32>
            %get3A_262 = arith.constant 1 : i32
            %get3A_263 = arith.index_cast %get3A_262 : i32 to index
            %get3A_264 = arith.index_cast %add3A_151 : i32 to index
            %get3A_265 = arith.constant 32 : index
            %get3A_266 = tpu.vector_load %arg8[%get3A_263, %get3A_264, %get3A_265] {strides = array<i32>} : memref<2x208x256xf32, #tpu.memory_space<vmem>>, vector<16xf32>,
            %mul3A_267 = vector.broadcast %squeeze3A_130 : f32 to vector<16xf32>
            %mul3A_268 = arith.mulf %get3A_266, %mul3A_267 : vector<16xf32>
            %add3A_269 = arith.addf %mul3A_261, %mul3A_268 : vector<16xf32>
            %get3A_270 = arith.constant 1 : i32
            %get3A_271 = arith.index_cast %get3A_270 : i32 to index
            %get3A_272 = arith.index_cast %add3A_160 : i32 to index
            %get3A_273 = arith.constant 32 : index
            %get3A_274 = tpu.vector_load %arg8[%get3A_271, %get3A_272, %get3A_273] {strides = array<i32>} : memref<2x208x256xf32, #tpu.memory_space<vmem>>, vector<16xf32>,
            %mul3A_275 = vector.broadcast %squeeze3A_132 : f32 to vector<16xf32>
            %mul3A_276 = arith.mulf %get3A_274, %mul3A_275 : vector<16xf32>
            %get3A_277 = arith.constant 1 : i32
            %get3A_278 = arith.index_cast %get3A_277 : i32 to index
            %get3A_279 = arith.index_cast %add3A_169 : i32 to index
            %get3A_280 = arith.constant 32 : index
            %get3A_281 = tpu.vector_load %arg8[%get3A_278, %get3A_279, %get3A_280] {strides = array<i32>} : memref<2x208x256xf32, #tpu.memory_space<vmem>>, vector<16xf32>,
            %mul3A_282 = vector.broadcast %squeeze3A_134 : f32 to vector<16xf32>
            %mul3A_283 = arith.mulf %get3A_281, %mul3A_282 : vector<16xf32>
            %add3A_284 = arith.addf %mul3A_276, %mul3A_283 : vector<16xf32>
            %add3A_285 = arith.addf %add3A_269, %add3A_284 : vector<16xf32>
            %add3A_286 = arith.constant 1568 : i32
            %add3A_287 = vector.broadcast %add3A_286 : i32 to vector<16xi32>
            %add3A_288 = arith.addi %add3A_174, %add3A_287 : vector<16xi32>
            %shift_right_arithmetic3A_289 = arith.constant 7 : i32
            %shift_right_arithmetic3A_290 = vector.broadcast %shift_right_arithmetic3A_289 : i32 to vector<16xi32>
            %shift_right_arithmetic3A_291 = arith.shrsi %add3A_288, %shift_right_arithmetic3A_290 : vector<16xi32>
            %and3A_292 = arith.constant 127 : i32
            %and3A_293 = vector.broadcast %and3A_292 : i32 to vector<16xi32>
            %and3A_294 = arith.andi %add3A_288, %and3A_293 : vector<16xi32>
            tpu.vector_store_idx %arg9[%shift_right_arithmetic3A_291, %and3A_294], %add3A_285 : memref<98x128xf32, #tpu.memory_space<vmem>>[vector<16xi32>, vector<16xi32>], vector<16xf32>,
            %get3A_295 = arith.constant 1 : i32
            %get3A_296 = arith.index_cast %get3A_295 : i32 to index
            %get3A_297 = arith.index_cast %add3A_142 : i32 to index
            %get3A_298 = arith.constant 48 : index
            %get3A_299 = tpu.vector_load %arg8[%get3A_296, %get3A_297, %get3A_298] {strides = array<i32>} : memref<2x208x256xf32, #tpu.memory_space<vmem>>, vector<16xf32>,
            %mul3A_300 = vector.broadcast %squeeze3A : f32 to vector<16xf32>
            %mul3A_301 = arith.mulf %get3A_299, %mul3A_300 : vector<16xf32>
            %get3A_302 = arith.constant 1 : i32
            %get3A_303 = arith.index_cast %get3A_302 : i32 to index
            %get3A_304 = arith.index_cast %add3A_151 : i32 to index
            %get3A_305 = arith.constant 48 : index
            %get3A_306 = tpu.vector_load %arg8[%get3A_303, %get3A_304, %get3A_305] {strides = array<i32>} : memref<2x208x256xf32, #tpu.memory_space<vmem>>, vector<16xf32>,
            %mul3A_307 = vector.broadcast %squeeze3A_130 : f32 to vector<16xf32>
            %mul3A_308 = arith.mulf %get3A_306, %mul3A_307 : vector<16xf32>
            %add3A_309 = arith.addf %mul3A_301, %mul3A_308 : vector<16xf32>
            %get3A_310 = arith.constant 1 : i32
            %get3A_311 = arith.index_cast %get3A_310 : i32 to index
            %get3A_312 = arith.index_cast %add3A_160 : i32 to index
            %get3A_313 = arith.constant 48 : index
            %get3A_314 = tpu.vector_load %arg8[%get3A_311, %get3A_312, %get3A_313] {strides = array<i32>} : memref<2x208x256xf32, #tpu.memory_space<vmem>>, vector<16xf32>,
            %mul3A_315 = vector.broadcast %squeeze3A_132 : f32 to vector<16xf32>
            %mul3A_316 = arith.mulf %get3A_314, %mul3A_315 : vector<16xf32>
            %get3A_317 = arith.constant 1 : i32
            %get3A_318 = arith.index_cast %get3A_317 : i32 to index
            %get3A_319 = arith.index_cast %add3A_169 : i32 to index
            %get3A_320 = arith.constant 48 : index
            %get3A_321 = tpu.vector_load %arg8[%get3A_318, %get3A_319, %get3A_320] {strides = array<i32>} : memref<2x208x256xf32, #tpu.memory_space<vmem>>, vector<16xf32>,
            %mul3A_322 = vector.broadcast %squeeze3A_134 : f32 to vector<16xf32>
            %mul3A_323 = arith.mulf %get3A_321, %mul3A_322 : vector<16xf32>
            %add3A_324 = arith.addf %mul3A_316, %mul3A_323 : vector<16xf32>
            %add3A_325 = arith.addf %add3A_309, %add3A_324 : vector<16xf32>
            %add3A_326 = arith.constant 2352 : i32
            %add3A_327 = vector.broadcast %add3A_326 : i32 to vector<16xi32>
            %add3A_328 = arith.addi %add3A_174, %add3A_327 : vector<16xi32>
            %shift_right_arithmetic3A_329 = arith.constant 7 : i32
            %shift_right_arithmetic3A_330 = vector.broadcast %shift_right_arithmetic3A_329 : i32 to vector<16xi32>
            %shift_right_arithmetic3A_331 = arith.shrsi %add3A_328, %shift_right_arithmetic3A_330 : vector<16xi32>
            %and3A_332 = arith.constant 127 : i32
            %and3A_333 = vector.broadcast %and3A_332 : i32 to vector<16xi32>
            %and3A_334 = arith.andi %add3A_328, %and3A_333 : vector<16xi32>
            tpu.vector_store_idx %arg9[%shift_right_arithmetic3A_331, %and3A_334], %add3A_325 : memref<98x128xf32, #tpu.memory_space<vmem>>[vector<16xi32>, vector<16xi32>], vector<16xf32>,
            %get3A_335 = arith.constant 1 : i32
            %get3A_336 = arith.index_cast %get3A_335 : i32 to index
            %get3A_337 = arith.index_cast %add3A_142 : i32 to index
            %get3A_338 = arith.constant 64 : index
            %get3A_339 = tpu.vector_load %arg8[%get3A_336, %get3A_337, %get3A_338] {strides = array<i32>} : memref<2x208x256xf32, #tpu.memory_space<vmem>>, vector<16xf32>,
            %mul3A_340 = vector.broadcast %squeeze3A : f32 to vector<16xf32>
            %mul3A_341 = arith.mulf %get3A_339, %mul3A_340 : vector<16xf32>
            %get3A_342 = arith.constant 1 : i32
            %get3A_343 = arith.index_cast %get3A_342 : i32 to index
            %get3A_344 = arith.index_cast %add3A_151 : i32 to index
            %get3A_345 = arith.constant 64 : index
            %get3A_346 = tpu.vector_load %arg8[%get3A_343, %get3A_344, %get3A_345] {strides = array<i32>} : memref<2x208x256xf32, #tpu.memory_space<vmem>>, vector<16xf32>,
            %mul3A_347 = vector.broadcast %squeeze3A_130 : f32 to vector<16xf32>
            %mul3A_348 = arith.mulf %get3A_346, %mul3A_347 : vector<16xf32>
            %add3A_349 = arith.addf %mul3A_341, %mul3A_348 : vector<16xf32>
            %get3A_350 = arith.constant 1 : i32
            %get3A_351 = arith.index_cast %get3A_350 : i32 to index
            %get3A_352 = arith.index_cast %add3A_160 : i32 to index
            %get3A_353 = arith.constant 64 : index
            %get3A_354 = tpu.vector_load %arg8[%get3A_351, %get3A_352, %get3A_353] {strides = array<i32>} : memref<2x208x256xf32, #tpu.memory_space<vmem>>, vector<16xf32>,
            %mul3A_355 = vector.broadcast %squeeze3A_132 : f32 to vector<16xf32>
            %mul3A_356 = arith.mulf %get3A_354, %mul3A_355 : vector<16xf32>
            %get3A_357 = arith.constant 1 : i32
            %get3A_358 = arith.index_cast %get3A_357 : i32 to index
            %get3A_359 = arith.index_cast %add3A_169 : i32 to index
            %get3A_360 = arith.constant 64 : index
            %get3A_361 = tpu.vector_load %arg8[%get3A_358, %get3A_359, %get3A_360] {strides = array<i32>} : memref<2x208x256xf32, #tpu.memory_space<vmem>>, vector<16xf32>,
            %mul3A_362 = vector.broadcast %squeeze3A_134 : f32 to vector<16xf32>
            %mul3A_363 = arith.mulf %get3A_361, %mul3A_362 : vector<16xf32>
            %add3A_364 = arith.addf %mul3A_356, %mul3A_363 : vector<16xf32>
            %add3A_365 = arith.addf %add3A_349, %add3A_364 : vector<16xf32>
            %add3A_366 = arith.constant 3136 : i32
            %add3A_367 = vector.broadcast %add3A_366 : i32 to vector<16xi32>
            %add3A_368 = arith.addi %add3A_174, %add3A_367 : vector<16xi32>
            %shift_right_arithmetic3A_369 = arith.constant 7 : i32
            %shift_right_arithmetic3A_370 = vector.broadcast %shift_right_arithmetic3A_369 : i32 to vector<16xi32>
            %shift_right_arithmetic3A_371 = arith.shrsi %add3A_368, %shift_right_arithmetic3A_370 : vector<16xi32>
            %and3A_372 = arith.constant 127 : i32
            %and3A_373 = vector.broadcast %and3A_372 : i32 to vector<16xi32>
            %and3A_374 = arith.andi %add3A_368, %and3A_373 : vector<16xi32>
            tpu.vector_store_idx %arg9[%shift_right_arithmetic3A_371, %and3A_374], %add3A_365 : memref<98x128xf32, #tpu.memory_space<vmem>>[vector<16xi32>, vector<16xi32>], vector<16xf32>,
            %get3A_375 = arith.constant 1 : i32
            %get3A_376 = arith.index_cast %get3A_375 : i32 to index
            %get3A_377 = arith.index_cast %add3A_142 : i32 to index
            %get3A_378 = arith.constant 80 : index
            %get3A_379 = tpu.vector_load %arg8[%get3A_376, %get3A_377, %get3A_378] {strides = array<i32>} : memref<2x208x256xf32, #tpu.memory_space<vmem>>, vector<16xf32>,
            %mul3A_380 = vector.broadcast %squeeze3A : f32 to vector<16xf32>
            %mul3A_381 = arith.mulf %get3A_379, %mul3A_380 : vector<16xf32>
            %get3A_382 = arith.constant 1 : i32
            %get3A_383 = arith.index_cast %get3A_382 : i32 to index
            %get3A_384 = arith.index_cast %add3A_151 : i32 to index
            %get3A_385 = arith.constant 80 : index
            %get3A_386 = tpu.vector_load %arg8[%get3A_383, %get3A_384, %get3A_385] {strides = array<i32>} : memref<2x208x256xf32, #tpu.memory_space<vmem>>, vector<16xf32>,
            %mul3A_387 = vector.broadcast %squeeze3A_130 : f32 to vector<16xf32>
            %mul3A_388 = arith.mulf %get3A_386, %mul3A_387 : vector<16xf32>
            %add3A_389 = arith.addf %mul3A_381, %mul3A_388 : vector<16xf32>
            %get3A_390 = arith.constant 1 : i32
            %get3A_391 = arith.index_cast %get3A_390 : i32 to index
            %get3A_392 = arith.index_cast %add3A_160 : i32 to index
            %get3A_393 = arith.constant 80 : index
            %get3A_394 = tpu.vector_load %arg8[%get3A_391, %get3A_392, %get3A_393] {strides = array<i32>} : memref<2x208x256xf32, #tpu.memory_space<vmem>>, vector<16xf32>,
            %mul3A_395 = vector.broadcast %squeeze3A_132 : f32 to vector<16xf32>
            %mul3A_396 = arith.mulf %get3A_394, %mul3A_395 : vector<16xf32>
            %get3A_397 = arith.constant 1 : i32
            %get3A_398 = arith.index_cast %get3A_397 : i32 to index
            %get3A_399 = arith.index_cast %add3A_169 : i32 to index
            %get3A_400 = arith.constant 80 : index
            %get3A_401 = tpu.vector_load %arg8[%get3A_398, %get3A_399, %get3A_400] {strides = array<i32>} : memref<2x208x256xf32, #tpu.memory_space<vmem>>, vector<16xf32>,
            %mul3A_402 = vector.broadcast %squeeze3A_134 : f32 to vector<16xf32>
            %mul3A_403 = arith.mulf %get3A_401, %mul3A_402 : vector<16xf32>
            %add3A_404 = arith.addf %mul3A_396, %mul3A_403 : vector<16xf32>
            %add3A_405 = arith.addf %add3A_389, %add3A_404 : vector<16xf32>
            %add3A_406 = arith.constant 3920 : i32
            %add3A_407 = vector.broadcast %add3A_406 : i32 to vector<16xi32>
            %add3A_408 = arith.addi %add3A_174, %add3A_407 : vector<16xi32>
            %shift_right_arithmetic3A_409 = arith.constant 7 : i32
            %shift_right_arithmetic3A_410 = vector.broadcast %shift_right_arithmetic3A_409 : i32 to vector<16xi32>
            %shift_right_arithmetic3A_411 = arith.shrsi %add3A_408, %shift_right_arithmetic3A_410 : vector<16xi32>
            %and3A_412 = arith.constant 127 : i32
            %and3A_413 = vector.broadcast %and3A_412 : i32 to vector<16xi32>
            %and3A_414 = arith.andi %add3A_408, %and3A_413 : vector<16xi32>
            tpu.vector_store_idx %arg9[%shift_right_arithmetic3A_411, %and3A_414], %add3A_405 : memref<98x128xf32, #tpu.memory_space<vmem>>[vector<16xi32>, vector<16xi32>], vector<16xf32>,
            %get3A_415 = arith.constant 1 : i32
            %get3A_416 = arith.index_cast %get3A_415 : i32 to index
            %get3A_417 = arith.index_cast %add3A_142 : i32 to index
            %get3A_418 = arith.constant 96 : index
            %get3A_419 = tpu.vector_load %arg8[%get3A_416, %get3A_417, %get3A_418] {strides = array<i32>} : memref<2x208x256xf32, #tpu.memory_space<vmem>>, vector<16xf32>,
            %mul3A_420 = vector.broadcast %squeeze3A : f32 to vector<16xf32>
            %mul3A_421 = arith.mulf %get3A_419, %mul3A_420 : vector<16xf32>
            %get3A_422 = arith.constant 1 : i32
            %get3A_423 = arith.index_cast %get3A_422 : i32 to index
            %get3A_424 = arith.index_cast %add3A_151 : i32 to index
            %get3A_425 = arith.constant 96 : index
            %get3A_426 = tpu.vector_load %arg8[%get3A_423, %get3A_424, %get3A_425] {strides = array<i32>} : memref<2x208x256xf32, #tpu.memory_space<vmem>>, vector<16xf32>,
            %mul3A_427 = vector.broadcast %squeeze3A_130 : f32 to vector<16xf32>
            %mul3A_428 = arith.mulf %get3A_426, %mul3A_427 : vector<16xf32>
            %add3A_429 = arith.addf %mul3A_421, %mul3A_428 : vector<16xf32>
            %get3A_430 = arith.constant 1 : i32
            %get3A_431 = arith.index_cast %get3A_430 : i32 to index
            %get3A_432 = arith.index_cast %add3A_160 : i32 to index
            %get3A_433 = arith.constant 96 : index
            %get3A_434 = tpu.vector_load %arg8[%get3A_431, %get3A_432, %get3A_433] {strides = array<i32>} : memref<2x208x256xf32, #tpu.memory_space<vmem>>, vector<16xf32>,
            %mul3A_435 = vector.broadcast %squeeze3A_132 : f32 to vector<16xf32>
            %mul3A_436 = arith.mulf %get3A_434, %mul3A_435 : vector<16xf32>
            %get3A_437 = arith.constant 1 : i32
            %get3A_438 = arith.index_cast %get3A_437 : i32 to index
            %get3A_439 = arith.index_cast %add3A_169 : i32 to index
            %get3A_440 = arith.constant 96 : index
            %get3A_441 = tpu.vector_load %arg8[%get3A_438, %get3A_439, %get3A_440] {strides = array<i32>} : memref<2x208x256xf32, #tpu.memory_space<vmem>>, vector<16xf32>,
            %mul3A_442 = vector.broadcast %squeeze3A_134 : f32 to vector<16xf32>
            %mul3A_443 = arith.mulf %get3A_441, %mul3A_442 : vector<16xf32>
            %add3A_444 = arith.addf %mul3A_436, %mul3A_443 : vector<16xf32>
            %add3A_445 = arith.addf %add3A_429, %add3A_444 : vector<16xf32>
            %add3A_446 = arith.constant 4704 : i32
            %add3A_447 = vector.broadcast %add3A_446 : i32 to vector<16xi32>
            %add3A_448 = arith.addi %add3A_174, %add3A_447 : vector<16xi32>
            %shift_right_arithmetic3A_449 = arith.constant 7 : i32
            %shift_right_arithmetic3A_450 = vector.broadcast %shift_right_arithmetic3A_449 : i32 to vector<16xi32>
            %shift_right_arithmetic3A_451 = arith.shrsi %add3A_448, %shift_right_arithmetic3A_450 : vector<16xi32>
            %and3A_452 = arith.constant 127 : i32
            %and3A_453 = vector.broadcast %and3A_452 : i32 to vector<16xi32>
            %and3A_454 = arith.andi %add3A_448, %and3A_453 : vector<16xi32>
            tpu.vector_store_idx %arg9[%shift_right_arithmetic3A_451, %and3A_454], %add3A_445 : memref<98x128xf32, #tpu.memory_space<vmem>>[vector<16xi32>, vector<16xi32>], vector<16xf32>,
            %get3A_455 = arith.constant 1 : i32
            %get3A_456 = arith.index_cast %get3A_455 : i32 to index
            %get3A_457 = arith.index_cast %add3A_142 : i32 to index
            %get3A_458 = arith.constant 112 : index
            %get3A_459 = tpu.vector_load %arg8[%get3A_456, %get3A_457, %get3A_458] {strides = array<i32>} : memref<2x208x256xf32, #tpu.memory_space<vmem>>, vector<16xf32>,
            %mul3A_460 = vector.broadcast %squeeze3A : f32 to vector<16xf32>
            %mul3A_461 = arith.mulf %get3A_459, %mul3A_460 : vector<16xf32>
            %get3A_462 = arith.constant 1 : i32
            %get3A_463 = arith.index_cast %get3A_462 : i32 to index
            %get3A_464 = arith.index_cast %add3A_151 : i32 to index
            %get3A_465 = arith.constant 112 : index
            %get3A_466 = tpu.vector_load %arg8[%get3A_463, %get3A_464, %get3A_465] {strides = array<i32>} : memref<2x208x256xf32, #tpu.memory_space<vmem>>, vector<16xf32>,
            %mul3A_467 = vector.broadcast %squeeze3A_130 : f32 to vector<16xf32>
            %mul3A_468 = arith.mulf %get3A_466, %mul3A_467 : vector<16xf32>
            %add3A_469 = arith.addf %mul3A_461, %mul3A_468 : vector<16xf32>
            %get3A_470 = arith.constant 1 : i32
            %get3A_471 = arith.index_cast %get3A_470 : i32 to index
            %get3A_472 = arith.index_cast %add3A_160 : i32 to index
            %get3A_473 = arith.constant 112 : index
            %get3A_474 = tpu.vector_load %arg8[%get3A_471, %get3A_472, %get3A_473] {strides = array<i32>} : memref<2x208x256xf32, #tpu.memory_space<vmem>>, vector<16xf32>,
            %mul3A_475 = vector.broadcast %squeeze3A_132 : f32 to vector<16xf32>
            %mul3A_476 = arith.mulf %get3A_474, %mul3A_475 : vector<16xf32>
            %get3A_477 = arith.constant 1 : i32
            %get3A_478 = arith.index_cast %get3A_477 : i32 to index
            %get3A_479 = arith.index_cast %add3A_169 : i32 to index
            %get3A_480 = arith.constant 112 : index
            %get3A_481 = tpu.vector_load %arg8[%get3A_478, %get3A_479, %get3A_480] {strides = array<i32>} : memref<2x208x256xf32, #tpu.memory_space<vmem>>, vector<16xf32>,
            %mul3A_482 = vector.broadcast %squeeze3A_134 : f32 to vector<16xf32>
            %mul3A_483 = arith.mulf %get3A_481, %mul3A_482 : vector<16xf32>
            %add3A_484 = arith.addf %mul3A_476, %mul3A_483 : vector<16xf32>
            %add3A_485 = arith.addf %add3A_469, %add3A_484 : vector<16xf32>
            %add3A_486 = arith.constant 5488 : i32
            %add3A_487 = vector.broadcast %add3A_486 : i32 to vector<16xi32>
            %add3A_488 = arith.addi %add3A_174, %add3A_487 : vector<16xi32>
            %shift_right_arithmetic3A_489 = arith.constant 7 : i32
            %shift_right_arithmetic3A_490 = vector.broadcast %shift_right_arithmetic3A_489 : i32 to vector<16xi32>
            %shift_right_arithmetic3A_491 = arith.shrsi %add3A_488, %shift_right_arithmetic3A_490 : vector<16xi32>
            %and3A_492 = arith.constant 127 : i32
            %and3A_493 = vector.broadcast %and3A_492 : i32 to vector<16xi32>
            %and3A_494 = arith.andi %add3A_488, %and3A_493 : vector<16xi32>
            tpu.vector_store_idx %arg9[%shift_right_arithmetic3A_491, %and3A_494], %add3A_485 : memref<98x128xf32, #tpu.memory_space<vmem>>[vector<16xi32>, vector<16xi32>], vector<16xf32>,
            %get3A_495 = arith.constant 1 : i32
            %get3A_496 = arith.index_cast %get3A_495 : i32 to index
            %get3A_497 = arith.index_cast %add3A_142 : i32 to index
            %get3A_498 = arith.constant 128 : index
            %get3A_499 = tpu.vector_load %arg8[%get3A_496, %get3A_497, %get3A_498] {strides = array<i32>} : memref<2x208x256xf32, #tpu.memory_space<vmem>>, vector<16xf32>,
            %mul3A_500 = vector.broadcast %squeeze3A : f32 to vector<16xf32>
            %mul3A_501 = arith.mulf %get3A_499, %mul3A_500 : vector<16xf32>
            %get3A_502 = arith.constant 1 : i32
            %get3A_503 = arith.index_cast %get3A_502 : i32 to index
            %get3A_504 = arith.index_cast %add3A_151 : i32 to index
            %get3A_505 = arith.constant 128 : index
            %get3A_506 = tpu.vector_load %arg8[%get3A_503, %get3A_504, %get3A_505] {strides = array<i32>} : memref<2x208x256xf32, #tpu.memory_space<vmem>>, vector<16xf32>,
            %mul3A_507 = vector.broadcast %squeeze3A_130 : f32 to vector<16xf32>
            %mul3A_508 = arith.mulf %get3A_506, %mul3A_507 : vector<16xf32>
            %add3A_509 = arith.addf %mul3A_501, %mul3A_508 : vector<16xf32>
            %get3A_510 = arith.constant 1 : i32
            %get3A_511 = arith.index_cast %get3A_510 : i32 to index
            %get3A_512 = arith.index_cast %add3A_160 : i32 to index
            %get3A_513 = arith.constant 128 : index
            %get3A_514 = tpu.vector_load %arg8[%get3A_511, %get3A_512, %get3A_513] {strides = array<i32>} : memref<2x208x256xf32, #tpu.memory_space<vmem>>, vector<16xf32>,
            %mul3A_515 = vector.broadcast %squeeze3A_132 : f32 to vector<16xf32>
            %mul3A_516 = arith.mulf %get3A_514, %mul3A_515 : vector<16xf32>
            %get3A_517 = arith.constant 1 : i32
            %get3A_518 = arith.index_cast %get3A_517 : i32 to index
            %get3A_519 = arith.index_cast %add3A_169 : i32 to index
            %get3A_520 = arith.constant 128 : index
            %get3A_521 = tpu.vector_load %arg8[%get3A_518, %get3A_519, %get3A_520] {strides = array<i32>} : memref<2x208x256xf32, #tpu.memory_space<vmem>>, vector<16xf32>,
            %mul3A_522 = vector.broadcast %squeeze3A_134 : f32 to vector<16xf32>
            %mul3A_523 = arith.mulf %get3A_521, %mul3A_522 : vector<16xf32>
            %add3A_524 = arith.addf %mul3A_516, %mul3A_523 : vector<16xf32>
            %add3A_525 = arith.addf %add3A_509, %add3A_524 : vector<16xf32>
            %add3A_526 = arith.constant 6272 : i32
            %add3A_527 = vector.broadcast %add3A_526 : i32 to vector<16xi32>
            %add3A_528 = arith.addi %add3A_174, %add3A_527 : vector<16xi32>
            %shift_right_arithmetic3A_529 = arith.constant 7 : i32
            %shift_right_arithmetic3A_530 = vector.broadcast %shift_right_arithmetic3A_529 : i32 to vector<16xi32>
            %shift_right_arithmetic3A_531 = arith.shrsi %add3A_528, %shift_right_arithmetic3A_530 : vector<16xi32>
            %and3A_532 = arith.constant 127 : i32
            %and3A_533 = vector.broadcast %and3A_532 : i32 to vector<16xi32>
            %and3A_534 = arith.andi %add3A_528, %and3A_533 : vector<16xi32>
            tpu.vector_store_idx %arg9[%shift_right_arithmetic3A_531, %and3A_534], %add3A_525 : memref<98x128xf32, #tpu.memory_space<vmem>>[vector<16xi32>, vector<16xi32>], vector<16xf32>,
            %get3A_535 = arith.constant 1 : i32
            %get3A_536 = arith.index_cast %get3A_535 : i32 to index
            %get3A_537 = arith.index_cast %add3A_142 : i32 to index
            %get3A_538 = arith.constant 144 : index
            %get3A_539 = tpu.vector_load %arg8[%get3A_536, %get3A_537, %get3A_538] {strides = array<i32>} : memref<2x208x256xf32, #tpu.memory_space<vmem>>, vector<16xf32>,
            %mul3A_540 = vector.broadcast %squeeze3A : f32 to vector<16xf32>
            %mul3A_541 = arith.mulf %get3A_539, %mul3A_540 : vector<16xf32>
            %get3A_542 = arith.constant 1 : i32
            %get3A_543 = arith.index_cast %get3A_542 : i32 to index
            %get3A_544 = arith.index_cast %add3A_151 : i32 to index
            %get3A_545 = arith.constant 144 : index
            %get3A_546 = tpu.vector_load %arg8[%get3A_543, %get3A_544, %get3A_545] {strides = array<i32>} : memref<2x208x256xf32, #tpu.memory_space<vmem>>, vector<16xf32>,
            %mul3A_547 = vector.broadcast %squeeze3A_130 : f32 to vector<16xf32>
            %mul3A_548 = arith.mulf %get3A_546, %mul3A_547 : vector<16xf32>
            %add3A_549 = arith.addf %mul3A_541, %mul3A_548 : vector<16xf32>
            %get3A_550 = arith.constant 1 : i32
            %get3A_551 = arith.index_cast %get3A_550 : i32 to index
            %get3A_552 = arith.index_cast %add3A_160 : i32 to index
            %get3A_553 = arith.constant 144 : index
            %get3A_554 = tpu.vector_load %arg8[%get3A_551, %get3A_552, %get3A_553] {strides = array<i32>} : memref<2x208x256xf32, #tpu.memory_space<vmem>>, vector<16xf32>,
            %mul3A_555 = vector.broadcast %squeeze3A_132 : f32 to vector<16xf32>
            %mul3A_556 = arith.mulf %get3A_554, %mul3A_555 : vector<16xf32>
            %get3A_557 = arith.constant 1 : i32
            %get3A_558 = arith.index_cast %get3A_557 : i32 to index
            %get3A_559 = arith.index_cast %add3A_169 : i32 to index
            %get3A_560 = arith.constant 144 : index
            %get3A_561 = tpu.vector_load %arg8[%get3A_558, %get3A_559, %get3A_560] {strides = array<i32>} : memref<2x208x256xf32, #tpu.memory_space<vmem>>, vector<16xf32>,
            %mul3A_562 = vector.broadcast %squeeze3A_134 : f32 to vector<16xf32>
            %mul3A_563 = arith.mulf %get3A_561, %mul3A_562 : vector<16xf32>
            %add3A_564 = arith.addf %mul3A_556, %mul3A_563 : vector<16xf32>
            %add3A_565 = arith.addf %add3A_549, %add3A_564 : vector<16xf32>
            %add3A_566 = arith.constant 7056 : i32
            %add3A_567 = vector.broadcast %add3A_566 : i32 to vector<16xi32>
            %add3A_568 = arith.addi %add3A_174, %add3A_567 : vector<16xi32>
            %shift_right_arithmetic3A_569 = arith.constant 7 : i32
            %shift_right_arithmetic3A_570 = vector.broadcast %shift_right_arithmetic3A_569 : i32 to vector<16xi32>
            %shift_right_arithmetic3A_571 = arith.shrsi %add3A_568, %shift_right_arithmetic3A_570 : vector<16xi32>
            %and3A_572 = arith.constant 127 : i32
            %and3A_573 = vector.broadcast %and3A_572 : i32 to vector<16xi32>
            %and3A_574 = arith.andi %add3A_568, %and3A_573 : vector<16xi32>
            tpu.vector_store_idx %arg9[%shift_right_arithmetic3A_571, %and3A_574], %add3A_565 : memref<98x128xf32, #tpu.memory_space<vmem>>[vector<16xi32>, vector<16xi32>], vector<16xf32>,
            %get3A_575 = arith.constant 1 : i32
            %get3A_576 = arith.index_cast %get3A_575 : i32 to index
            %get3A_577 = arith.index_cast %add3A_142 : i32 to index
            %get3A_578 = arith.constant 160 : index
            %get3A_579 = tpu.vector_load %arg8[%get3A_576, %get3A_577, %get3A_578] {strides = array<i32>} : memref<2x208x256xf32, #tpu.memory_space<vmem>>, vector<16xf32>,
            %mul3A_580 = vector.broadcast %squeeze3A : f32 to vector<16xf32>
            %mul3A_581 = arith.mulf %get3A_579, %mul3A_580 : vector<16xf32>
            %get3A_582 = arith.constant 1 : i32
            %get3A_583 = arith.index_cast %get3A_582 : i32 to index
            %get3A_584 = arith.index_cast %add3A_151 : i32 to index
            %get3A_585 = arith.constant 160 : index
            %get3A_586 = tpu.vector_load %arg8[%get3A_583, %get3A_584, %get3A_585] {strides = array<i32>} : memref<2x208x256xf32, #tpu.memory_space<vmem>>, vector<16xf32>,
            %mul3A_587 = vector.broadcast %squeeze3A_130 : f32 to vector<16xf32>
            %mul3A_588 = arith.mulf %get3A_586, %mul3A_587 : vector<16xf32>
            %add3A_589 = arith.addf %mul3A_581, %mul3A_588 : vector<16xf32>
            %get3A_590 = arith.constant 1 : i32
            %get3A_591 = arith.index_cast %get3A_590 : i32 to index
            %get3A_592 = arith.index_cast %add3A_160 : i32 to index
            %get3A_593 = arith.constant 160 : index
            %get3A_594 = tpu.vector_load %arg8[%get3A_591, %get3A_592, %get3A_593] {strides = array<i32>} : memref<2x208x256xf32, #tpu.memory_space<vmem>>, vector<16xf32>,
            %mul3A_595 = vector.broadcast %squeeze3A_132 : f32 to vector<16xf32>
            %mul3A_596 = arith.mulf %get3A_594, %mul3A_595 : vector<16xf32>
            %get3A_597 = arith.constant 1 : i32
            %get3A_598 = arith.index_cast %get3A_597 : i32 to index
            %get3A_599 = arith.index_cast %add3A_169 : i32 to index
            %get3A_600 = arith.constant 160 : index
            %get3A_601 = tpu.vector_load %arg8[%get3A_598, %get3A_599, %get3A_600] {strides = array<i32>} : memref<2x208x256xf32, #tpu.memory_space<vmem>>, vector<16xf32>,
            %mul3A_602 = vector.broadcast %squeeze3A_134 : f32 to vector<16xf32>
            %mul3A_603 = arith.mulf %get3A_601, %mul3A_602 : vector<16xf32>
            %add3A_604 = arith.addf %mul3A_596, %mul3A_603 : vector<16xf32>
            %add3A_605 = arith.addf %add3A_589, %add3A_604 : vector<16xf32>
            %add3A_606 = arith.constant 7840 : i32
            %add3A_607 = vector.broadcast %add3A_606 : i32 to vector<16xi32>
            %add3A_608 = arith.addi %add3A_174, %add3A_607 : vector<16xi32>
            %shift_right_arithmetic3A_609 = arith.constant 7 : i32
            %shift_right_arithmetic3A_610 = vector.broadcast %shift_right_arithmetic3A_609 : i32 to vector<16xi32>
            %shift_right_arithmetic3A_611 = arith.shrsi %add3A_608, %shift_right_arithmetic3A_610 : vector<16xi32>
            %and3A_612 = arith.constant 127 : i32
            %and3A_613 = vector.broadcast %and3A_612 : i32 to vector<16xi32>
            %and3A_614 = arith.andi %add3A_608, %and3A_613 : vector<16xi32>
            tpu.vector_store_idx %arg9[%shift_right_arithmetic3A_611, %and3A_614], %add3A_605 : memref<98x128xf32, #tpu.memory_space<vmem>>[vector<16xi32>, vector<16xi32>], vector<16xf32>,
            %get3A_615 = arith.constant 1 : i32
            %get3A_616 = arith.index_cast %get3A_615 : i32 to index
            %get3A_617 = arith.index_cast %add3A_142 : i32 to index
            %get3A_618 = arith.constant 176 : index
            %get3A_619 = tpu.vector_load %arg8[%get3A_616, %get3A_617, %get3A_618] {strides = array<i32>} : memref<2x208x256xf32, #tpu.memory_space<vmem>>, vector<16xf32>,
            %mul3A_620 = vector.broadcast %squeeze3A : f32 to vector<16xf32>
            %mul3A_621 = arith.mulf %get3A_619, %mul3A_620 : vector<16xf32>
            %get3A_622 = arith.constant 1 : i32
            %get3A_623 = arith.index_cast %get3A_622 : i32 to index
            %get3A_624 = arith.index_cast %add3A_151 : i32 to index
            %get3A_625 = arith.constant 176 : index
            %get3A_626 = tpu.vector_load %arg8[%get3A_623, %get3A_624, %get3A_625] {strides = array<i32>} : memref<2x208x256xf32, #tpu.memory_space<vmem>>, vector<16xf32>,
            %mul3A_627 = vector.broadcast %squeeze3A_130 : f32 to vector<16xf32>
            %mul3A_628 = arith.mulf %get3A_626, %mul3A_627 : vector<16xf32>
            %add3A_629 = arith.addf %mul3A_621, %mul3A_628 : vector<16xf32>
            %get3A_630 = arith.constant 1 : i32
            %get3A_631 = arith.index_cast %get3A_630 : i32 to index
            %get3A_632 = arith.index_cast %add3A_160 : i32 to index
            %get3A_633 = arith.constant 176 : index
            %get3A_634 = tpu.vector_load %arg8[%get3A_631, %get3A_632, %get3A_633] {strides = array<i32>} : memref<2x208x256xf32, #tpu.memory_space<vmem>>, vector<16xf32>,
            %mul3A_635 = vector.broadcast %squeeze3A_132 : f32 to vector<16xf32>
            %mul3A_636 = arith.mulf %get3A_634, %mul3A_635 : vector<16xf32>
            %get3A_637 = arith.constant 1 : i32
            %get3A_638 = arith.index_cast %get3A_637 : i32 to index
            %get3A_639 = arith.index_cast %add3A_169 : i32 to index
            %get3A_640 = arith.constant 176 : index
            %get3A_641 = tpu.vector_load %arg8[%get3A_638, %get3A_639, %get3A_640] {strides = array<i32>} : memref<2x208x256xf32, #tpu.memory_space<vmem>>, vector<16xf32>,
            %mul3A_642 = vector.broadcast %squeeze3A_134 : f32 to vector<16xf32>
            %mul3A_643 = arith.mulf %get3A_641, %mul3A_642 : vector<16xf32>
            %add3A_644 = arith.addf %mul3A_636, %mul3A_643 : vector<16xf32>
            %add3A_645 = arith.addf %add3A_629, %add3A_644 : vector<16xf32>
            %add3A_646 = arith.constant 8624 : i32
            %add3A_647 = vector.broadcast %add3A_646 : i32 to vector<16xi32>
            %add3A_648 = arith.addi %add3A_174, %add3A_647 : vector<16xi32>
            %shift_right_arithmetic3A_649 = arith.constant 7 : i32
            %shift_right_arithmetic3A_650 = vector.broadcast %shift_right_arithmetic3A_649 : i32 to vector<16xi32>
            %shift_right_arithmetic3A_651 = arith.shrsi %add3A_648, %shift_right_arithmetic3A_650 : vector<16xi32>
            %and3A_652 = arith.constant 127 : i32
            %and3A_653 = vector.broadcast %and3A_652 : i32 to vector<16xi32>
            %and3A_654 = arith.andi %add3A_648, %and3A_653 : vector<16xi32>
            tpu.vector_store_idx %arg9[%shift_right_arithmetic3A_651, %and3A_654], %add3A_645 : memref<98x128xf32, #tpu.memory_space<vmem>>[vector<16xi32>, vector<16xi32>], vector<16xf32>,
            %get3A_655 = arith.constant 1 : i32
            %get3A_656 = arith.index_cast %get3A_655 : i32 to index
            %get3A_657 = arith.index_cast %add3A_142 : i32 to index
            %get3A_658 = arith.constant 192 : index
            %get3A_659 = tpu.vector_load %arg8[%get3A_656, %get3A_657, %get3A_658] {strides = array<i32>} : memref<2x208x256xf32, #tpu.memory_space<vmem>>, vector<16xf32>,
            %mul3A_660 = vector.broadcast %squeeze3A : f32 to vector<16xf32>
            %mul3A_661 = arith.mulf %get3A_659, %mul3A_660 : vector<16xf32>
            %get3A_662 = arith.constant 1 : i32
            %get3A_663 = arith.index_cast %get3A_662 : i32 to index
            %get3A_664 = arith.index_cast %add3A_151 : i32 to index
            %get3A_665 = arith.constant 192 : index
            %get3A_666 = tpu.vector_load %arg8[%get3A_663, %get3A_664, %get3A_665] {strides = array<i32>} : memref<2x208x256xf32, #tpu.memory_space<vmem>>, vector<16xf32>,
            %mul3A_667 = vector.broadcast %squeeze3A_130 : f32 to vector<16xf32>
            %mul3A_668 = arith.mulf %get3A_666, %mul3A_667 : vector<16xf32>
            %add3A_669 = arith.addf %mul3A_661, %mul3A_668 : vector<16xf32>
            %get3A_670 = arith.constant 1 : i32
            %get3A_671 = arith.index_cast %get3A_670 : i32 to index
            %get3A_672 = arith.index_cast %add3A_160 : i32 to index
            %get3A_673 = arith.constant 192 : index
            %get3A_674 = tpu.vector_load %arg8[%get3A_671, %get3A_672, %get3A_673] {strides = array<i32>} : memref<2x208x256xf32, #tpu.memory_space<vmem>>, vector<16xf32>,
            %mul3A_675 = vector.broadcast %squeeze3A_132 : f32 to vector<16xf32>
            %mul3A_676 = arith.mulf %get3A_674, %mul3A_675 : vector<16xf32>
            %get3A_677 = arith.constant 1 : i32
            %get3A_678 = arith.index_cast %get3A_677 : i32 to index
            %get3A_679 = arith.index_cast %add3A_169 : i32 to index
            %get3A_680 = arith.constant 192 : index
            %get3A_681 = tpu.vector_load %arg8[%get3A_678, %get3A_679, %get3A_680] {strides = array<i32>} : memref<2x208x256xf32, #tpu.memory_space<vmem>>, vector<16xf32>,
            %mul3A_682 = vector.broadcast %squeeze3A_134 : f32 to vector<16xf32>
            %mul3A_683 = arith.mulf %get3A_681, %mul3A_682 : vector<16xf32>
            %add3A_684 = arith.addf %mul3A_676, %mul3A_683 : vector<16xf32>
            %add3A_685 = arith.addf %add3A_669, %add3A_684 : vector<16xf32>
            %add3A_686 = arith.constant 9408 : i32
            %add3A_687 = vector.broadcast %add3A_686 : i32 to vector<16xi32>
            %add3A_688 = arith.addi %add3A_174, %add3A_687 : vector<16xi32>
            %shift_right_arithmetic3A_689 = arith.constant 7 : i32
            %shift_right_arithmetic3A_690 = vector.broadcast %shift_right_arithmetic3A_689 : i32 to vector<16xi32>
            %shift_right_arithmetic3A_691 = arith.shrsi %add3A_688, %shift_right_arithmetic3A_690 : vector<16xi32>
            %and3A_692 = arith.constant 127 : i32
            %and3A_693 = vector.broadcast %and3A_692 : i32 to vector<16xi32>
            %and3A_694 = arith.andi %add3A_688, %and3A_693 : vector<16xi32>
            tpu.vector_store_idx %arg9[%shift_right_arithmetic3A_691, %and3A_694], %add3A_685 : memref<98x128xf32, #tpu.memory_space<vmem>>[vector<16xi32>, vector<16xi32>], vector<16xf32>,
            %get3A_695 = arith.constant 1 : i32
            %get3A_696 = arith.index_cast %get3A_695 : i32 to index
            %get3A_697 = arith.index_cast %add3A_142 : i32 to index
            %get3A_698 = arith.constant 208 : index
            %get3A_699 = tpu.vector_load %arg8[%get3A_696, %get3A_697, %get3A_698] {strides = array<i32>} : memref<2x208x256xf32, #tpu.memory_space<vmem>>, vector<16xf32>,
            %mul3A_700 = vector.broadcast %squeeze3A : f32 to vector<16xf32>
            %mul3A_701 = arith.mulf %get3A_699, %mul3A_700 : vector<16xf32>
            %get3A_702 = arith.constant 1 : i32
            %get3A_703 = arith.index_cast %get3A_702 : i32 to index
            %get3A_704 = arith.index_cast %add3A_151 : i32 to index
            %get3A_705 = arith.constant 208 : index
            %get3A_706 = tpu.vector_load %arg8[%get3A_703, %get3A_704, %get3A_705] {strides = array<i32>} : memref<2x208x256xf32, #tpu.memory_space<vmem>>, vector<16xf32>,
            %mul3A_707 = vector.broadcast %squeeze3A_130 : f32 to vector<16xf32>
            %mul3A_708 = arith.mulf %get3A_706, %mul3A_707 : vector<16xf32>
            %add3A_709 = arith.addf %mul3A_701, %mul3A_708 : vector<16xf32>
            %get3A_710 = arith.constant 1 : i32
            %get3A_711 = arith.index_cast %get3A_710 : i32 to index
            %get3A_712 = arith.index_cast %add3A_160 : i32 to index
            %get3A_713 = arith.constant 208 : index
            %get3A_714 = tpu.vector_load %arg8[%get3A_711, %get3A_712, %get3A_713] {strides = array<i32>} : memref<2x208x256xf32, #tpu.memory_space<vmem>>, vector<16xf32>,
            %mul3A_715 = vector.broadcast %squeeze3A_132 : f32 to vector<16xf32>
            %mul3A_716 = arith.mulf %get3A_714, %mul3A_715 : vector<16xf32>
            %get3A_717 = arith.constant 1 : i32
            %get3A_718 = arith.index_cast %get3A_717 : i32 to index
            %get3A_719 = arith.index_cast %add3A_169 : i32 to index
            %get3A_720 = arith.constant 208 : index
            %get3A_721 = tpu.vector_load %arg8[%get3A_718, %get3A_719, %get3A_720] {strides = array<i32>} : memref<2x208x256xf32, #tpu.memory_space<vmem>>, vector<16xf32>,
            %mul3A_722 = vector.broadcast %squeeze3A_134 : f32 to vector<16xf32>
            %mul3A_723 = arith.mulf %get3A_721, %mul3A_722 : vector<16xf32>
            %add3A_724 = arith.addf %mul3A_716, %mul3A_723 : vector<16xf32>
            %add3A_725 = arith.addf %add3A_709, %add3A_724 : vector<16xf32>
            %add3A_726 = arith.constant 10192 : i32
            %add3A_727 = vector.broadcast %add3A_726 : i32 to vector<16xi32>
            %add3A_728 = arith.addi %add3A_174, %add3A_727 : vector<16xi32>
            %shift_right_arithmetic3A_729 = arith.constant 7 : i32
            %shift_right_arithmetic3A_730 = vector.broadcast %shift_right_arithmetic3A_729 : i32 to vector<16xi32>
            %shift_right_arithmetic3A_731 = arith.shrsi %add3A_728, %shift_right_arithmetic3A_730 : vector<16xi32>
            %and3A_732 = arith.constant 127 : i32
            %and3A_733 = vector.broadcast %and3A_732 : i32 to vector<16xi32>
            %and3A_734 = arith.andi %add3A_728, %and3A_733 : vector<16xi32>
            tpu.vector_store_idx %arg9[%shift_right_arithmetic3A_731, %and3A_734], %add3A_725 : memref<98x128xf32, #tpu.memory_space<vmem>>[vector<16xi32>, vector<16xi32>], vector<16xf32>,
            %get3A_735 = arith.constant 1 : i32
            %get3A_736 = arith.index_cast %get3A_735 : i32 to index
            %get3A_737 = arith.index_cast %add3A_142 : i32 to index
            %get3A_738 = arith.constant 224 : index
            %get3A_739 = tpu.vector_load %arg8[%get3A_736, %get3A_737, %get3A_738] {strides = array<i32>} : memref<2x208x256xf32, #tpu.memory_space<vmem>>, vector<16xf32>,
            %mul3A_740 = vector.broadcast %squeeze3A : f32 to vector<16xf32>
            %mul3A_741 = arith.mulf %get3A_739, %mul3A_740 : vector<16xf32>
            %get3A_742 = arith.constant 1 : i32
            %get3A_743 = arith.index_cast %get3A_742 : i32 to index
            %get3A_744 = arith.index_cast %add3A_151 : i32 to index
            %get3A_745 = arith.constant 224 : index
            %get3A_746 = tpu.vector_load %arg8[%get3A_743, %get3A_744, %get3A_745] {strides = array<i32>} : memref<2x208x256xf32, #tpu.memory_space<vmem>>, vector<16xf32>,
            %mul3A_747 = vector.broadcast %squeeze3A_130 : f32 to vector<16xf32>
            %mul3A_748 = arith.mulf %get3A_746, %mul3A_747 : vector<16xf32>
            %add3A_749 = arith.addf %mul3A_741, %mul3A_748 : vector<16xf32>
            %get3A_750 = arith.constant 1 : i32
            %get3A_751 = arith.index_cast %get3A_750 : i32 to index
            %get3A_752 = arith.index_cast %add3A_160 : i32 to index
            %get3A_753 = arith.constant 224 : index
            %get3A_754 = tpu.vector_load %arg8[%get3A_751, %get3A_752, %get3A_753] {strides = array<i32>} : memref<2x208x256xf32, #tpu.memory_space<vmem>>, vector<16xf32>,
            %mul3A_755 = vector.broadcast %squeeze3A_132 : f32 to vector<16xf32>
            %mul3A_756 = arith.mulf %get3A_754, %mul3A_755 : vector<16xf32>
            %get3A_757 = arith.constant 1 : i32
            %get3A_758 = arith.index_cast %get3A_757 : i32 to index
            %get3A_759 = arith.index_cast %add3A_169 : i32 to index
            %get3A_760 = arith.constant 224 : index
            %get3A_761 = tpu.vector_load %arg8[%get3A_758, %get3A_759, %get3A_760] {strides = array<i32>} : memref<2x208x256xf32, #tpu.memory_space<vmem>>, vector<16xf32>,
            %mul3A_762 = vector.broadcast %squeeze3A_134 : f32 to vector<16xf32>
            %mul3A_763 = arith.mulf %get3A_761, %mul3A_762 : vector<16xf32>
            %add3A_764 = arith.addf %mul3A_756, %mul3A_763 : vector<16xf32>
            %add3A_765 = arith.addf %add3A_749, %add3A_764 : vector<16xf32>
            %add3A_766 = arith.constant 10976 : i32
            %add3A_767 = vector.broadcast %add3A_766 : i32 to vector<16xi32>
            %add3A_768 = arith.addi %add3A_174, %add3A_767 : vector<16xi32>
            %shift_right_arithmetic3A_769 = arith.constant 7 : i32
            %shift_right_arithmetic3A_770 = vector.broadcast %shift_right_arithmetic3A_769 : i32 to vector<16xi32>
            %shift_right_arithmetic3A_771 = arith.shrsi %add3A_768, %shift_right_arithmetic3A_770 : vector<16xi32>
            %and3A_772 = arith.constant 127 : i32
            %and3A_773 = vector.broadcast %and3A_772 : i32 to vector<16xi32>
            %and3A_774 = arith.andi %add3A_768, %and3A_773 : vector<16xi32>
            tpu.vector_store_idx %arg9[%shift_right_arithmetic3A_771, %and3A_774], %add3A_765 : memref<98x128xf32, #tpu.memory_space<vmem>>[vector<16xi32>, vector<16xi32>], vector<16xf32>,
            %get3A_775 = arith.constant 1 : i32
            %get3A_776 = arith.index_cast %get3A_775 : i32 to index
            %get3A_777 = arith.index_cast %add3A_142 : i32 to index
            %get3A_778 = arith.constant 240 : index
            %get3A_779 = tpu.vector_load %arg8[%get3A_776, %get3A_777, %get3A_778] {strides = array<i32>} : memref<2x208x256xf32, #tpu.memory_space<vmem>>, vector<16xf32>,
            %mul3A_780 = vector.broadcast %squeeze3A : f32 to vector<16xf32>
            %mul3A_781 = arith.mulf %get3A_779, %mul3A_780 : vector<16xf32>
            %get3A_782 = arith.constant 1 : i32
            %get3A_783 = arith.index_cast %get3A_782 : i32 to index
            %get3A_784 = arith.index_cast %add3A_151 : i32 to index
            %get3A_785 = arith.constant 240 : index
            %get3A_786 = tpu.vector_load %arg8[%get3A_783, %get3A_784, %get3A_785] {strides = array<i32>} : memref<2x208x256xf32, #tpu.memory_space<vmem>>, vector<16xf32>,
            %mul3A_787 = vector.broadcast %squeeze3A_130 : f32 to vector<16xf32>
            %mul3A_788 = arith.mulf %get3A_786, %mul3A_787 : vector<16xf32>
            %add3A_789 = arith.addf %mul3A_781, %mul3A_788 : vector<16xf32>
            %get3A_790 = arith.constant 1 : i32
            %get3A_791 = arith.index_cast %get3A_790 : i32 to index
            %get3A_792 = arith.index_cast %add3A_160 : i32 to index
            %get3A_793 = arith.constant 240 : index
            %get3A_794 = tpu.vector_load %arg8[%get3A_791, %get3A_792, %get3A_793] {strides = array<i32>} : memref<2x208x256xf32, #tpu.memory_space<vmem>>, vector<16xf32>,
            %mul3A_795 = vector.broadcast %squeeze3A_132 : f32 to vector<16xf32>
            %mul3A_796 = arith.mulf %get3A_794, %mul3A_795 : vector<16xf32>
            %get3A_797 = arith.constant 1 : i32
            %get3A_798 = arith.index_cast %get3A_797 : i32 to index
            %get3A_799 = arith.index_cast %add3A_169 : i32 to index
            %get3A_800 = arith.constant 240 : index
            %get3A_801 = tpu.vector_load %arg8[%get3A_798, %get3A_799, %get3A_800] {strides = array<i32>} : memref<2x208x256xf32, #tpu.memory_space<vmem>>, vector<16xf32>,
            %mul3A_802 = vector.broadcast %squeeze3A_134 : f32 to vector<16xf32>
            %mul3A_803 = arith.mulf %get3A_801, %mul3A_802 : vector<16xf32>
            %add3A_804 = arith.addf %mul3A_796, %mul3A_803 : vector<16xf32>
            %add3A_805 = arith.addf %add3A_789, %add3A_804 : vector<16xf32>
            %add3A_806 = arith.constant 11760 : i32
            %add3A_807 = vector.broadcast %add3A_806 : i32 to vector<16xi32>
            %add3A_808 = arith.addi %add3A_174, %add3A_807 : vector<16xi32>
            %shift_right_arithmetic3A_809 = arith.constant 7 : i32
            %shift_right_arithmetic3A_810 = vector.broadcast %shift_right_arithmetic3A_809 : i32 to vector<16xi32>
            %shift_right_arithmetic3A_811 = arith.shrsi %add3A_808, %shift_right_arithmetic3A_810 : vector<16xi32>
            %and3A_812 = arith.constant 127 : i32
            %and3A_813 = vector.broadcast %and3A_812 : i32 to vector<16xi32>
            %and3A_814 = arith.andi %add3A_808, %and3A_813 : vector<16xi32>
            tpu.vector_store_idx %arg9[%shift_right_arithmetic3A_811, %and3A_814], %add3A_805 : memref<98x128xf32, #tpu.memory_space<vmem>>[vector<16xi32>, vector<16xi32>], vector<16xf32>,
          }
          %scan3A_118 = arith.constant 7 : i32
        }
        %scan3A_110 = arith.constant 7 : i32
        %mul3A_111 = arith.constant 98 : i32
        %mul3A_112 = arith.muli %add3A_62, %mul3A_111 : i32
        "tpu.region"() ({
          %run_scoped3A = tpu.sem_alloc : memref<!tpu.dma_semaphore, #tpu.memory_space<semaphore_mem>>
          %dma_start3A = arith.constant 0 : i32
          %dma_start3A_113 = tpu.memref_slice %arg4[%mul3A_112, %dma_start3A] : memref<98000x128xf32, #tpu.memory_space<hbm>> -> memref<98x128xf32, #tpu.memory_space<hbm>>
          %dma_start3A_114 = arith.constant 0 : i32
          %dma_start3A_115 = tpu.memref_slice %arg4[%mul3A_112, %dma_start3A_114] : memref<98000x128xf32, #tpu.memory_space<hbm>> -> memref<98x128xf32, #tpu.memory_space<hbm>>
          tpu.enqueue_dma source(%arg9 : memref<98x128xf32, #tpu.memory_space<vmem>>) target(%dma_start3A_115 : memref<98x128xf32, #tpu.memory_space<hbm>>) target_semaphore(%run_scoped3A : memref<!tpu.dma_semaphore, #tpu.memory_space<semaphore_mem>>)
          %dma_wait3A_116 = arith.constant 0 : i32
          %dma_wait3A_117 = tpu.memref_slice %arg4[%mul3A_112, %dma_wait3A_116] : memref<98000x128xf32, #tpu.memory_space<hbm>> -> memref<98x128xf32, #tpu.memory_space<hbm>>
          %dma_wait3A_118 = arith.constant 0 : i32
          %dma_wait3A_119 = tpu.memref_slice %arg4[%mul3A_112, %dma_wait3A_118] : memref<98000x128xf32, #tpu.memory_space<hbm>> -> memref<98x128xf32, #tpu.memory_space<hbm>>
          tpu.wait_dma2 semaphore(%run_scoped3A : memref<!tpu.dma_semaphore, #tpu.memory_space<semaphore_mem>>) src(%arg9 : memref<98x128xf32, #tpu.memory_space<vmem>>) dst(%dma_wait3A_119 : memref<98x128xf32, #tpu.memory_space<hbm>>)
          tpu.yield
        }) : () -> ()
      } else {
      }
    }
    %scan3A_35 = arith.constant 16 : i32
    return
  }
}

</mosaic_0001>

<sc_bundles>
// kernel: kernel.3.cloned.1.call-start
scs
__scs_entry_jumppad:
0x0: {  	(pc) =	sbr.rel $0x88, $3  }
0x1: {  	(tag) =	ssettag $0x0;
	lr =	simm.s32 $0x1  }
0x2: {  	[smem:$0x3F9C] =	sst lr;
	_ =	strace $0xD0000000  }
0x3: {  	_ = 	snop  }
0x4: {  	_ = 	snop  }
0x5: {  	_ = 	snop  }
0x6: {  	_ = 	snop  }
0x7: {  	_ = 	snop  }
__scs_overlays_trampoline_lowered:
0x8: {  	[smem:$0x3FAB] =	sst s0  }
0x9: {  	[smem:$0x3FAC] =	sst s1  }
0xa: {  	[smem:$0x3FAD] =	sst s2  }
0xb: {  	[smem:$0x3FAE] =	sst s3  }
0xc: {  	[smem:$0x3FAF] =	sst s4  }
0xd: {  	[smem:$0x3FB0] =	sst s5  }
0xe: {  	[smem:$0x3FB1] =	sst s6  }
0xf: {  	[smem:$0x3FB2] =	sst s7  }
0x10: {  	[smem:$0x3FB3] =	sst s8  }
0x11: {  	[smem:$0x3FB4] =	sst s9;
	s0 =	simm.s32 @!p0 $0x0  }
0x12: {  	s1 =	sld [smem:$0x3F9A];
	s0 =	simm.s32 @p0 $0x1  }
0x13: {  	[smem:$0x3FB5] =	sst s0;
	s0 =	simm.s32 @!p1 $0x0  }
0x14: {  	s2 =	sld [smem:$0x3F99];
	s0 =	simm.s32 @p1 $0x1  }
0x15: {  	[smem:$0x3FB6] =	sst s0;
	s0 =	simm.s32 @!p2 $0x0  }
0x16: {  	s3 =	sld [smem:$0x3FDB];
	s0 =	simm.s32 @p2 $0x1  }
0x17: {  	s4 =	simm.s32 $0x1BF5;
	[smem:$0x3FB8] =	sst s0  }
0x18: {  	s0 =	sld [smem:$0x3F9B];
	_ =	swait.ge [sflag:s4], $0x0  }
0x19: {  	s7 =	sld [smem:$0x3F9C]  }
0x1a: {  	s8 =	sadd.s32 $0xFFFFE003, lr  }
0x1b: {  	s9 =	sadd.s32 $0xFFFFFEF7, lr;
	s5 =	simm.s32 $0xFFFFFFFF;
	p2 =	slt.u32 s8, $0xFFFFF086  }
0x1c: {  	p1 =	slt.u32 s9, $0xF7A;
	s5 =	simm.s32 @!p2 $0x0  }
0x1d: {  	s5 =	simm.s32 @p1 $0x1;
	p0 =	seq.s32 s7, s2  }
0x1e: {  	s7 =	smul.u32 @!p0 $0xF7A, s2;
	p2 =	seq.s32 @!p0 s5, $0x0  }
0x1f: {  	s9 =	smul.u32 $0xF7A, s1;
	s8 =	simm.s32 @!p0 $0x1BF5;
	p2 =	por !p2, p0  }
0x20: {  	[sflag:s8] =	ssyncset.s32 @!p0 $0xFFFFF086;
	s6 =	sadd.s32 @!p0 s3, s7;
	s7 =	simm.s32 @!p0 $0x108  }
0x21: {  	s3 =	sadd.s32 s3, s9;
	s6 =	sadd.s32 @!p0 $0x88, s6;
	s7 =	simm.s32 @p2 $0x1082  }
0x22: {  	[simem:s7], [sflag:s8] =	dma.local @!p0 [hbm:s6], $0xF7A  }
0x23: {  	s9 =	sor.u32 $0xD0000000, s2;
	s6 =	simm.s32 $0x108;
	_ =	swait.ge @!p0 [sflag:s8], $0x0  }
0x24: {  	s3 =	sadd.s32 $0x88, s3;
	s6 =	simm.s32 @!p1 $0x1082;
	[sflag:s4] =	ssyncset.s32 $0xFFFFF086  }
0x25: {  	[simem:s6], [sflag:s4] =	dma.local [hbm:s3], $0xF7A  }
0x26: {  	[smem:$0x3F9C] =	sst s1;
	(tag) =	ssettag s2;
	_ =	strace s9  }
0x27: {  	s1 =	sld [smem:$0x3FAC]  }
0x28: {  	s2 =	sld [smem:$0x3FAD]  }
0x29: {  	s4 =	sld [smem:$0x3FAF]  }
0x2a: {  	p0 =	seq.s32 s5, $0x0;
	s5 =	sld [smem:$0x3FB0]  }
0x2b: {  	s6 =	sld [smem:$0x3FB1]  }
0x2c: {  	s7 =	sld [smem:$0x3FB2]  }
0x2d: {  	s3 =	simm.s32 $0x108;
	s8 =	sld [smem:$0x3FB3]  }
0x2e: {  	s3 =	simm.s32 @!p0 $0x1082;
	s9 =	sld [smem:$0x3FB4]  }
0x2f: {  	lr =	sadd.s32 s0, s3;
	s0 =	sld [smem:$0x3FAB]  }
0x30: {  	s3 =	sld [smem:$0x3FAE]  }
0x31: {  	[smem:$0x3FB7] =	sst s10  }
0x32: {  	s10 =	sld [smem:$0x3FB5];
	_ =	sdelay $0x3  }
0x33: {  	p0 =	seq.s32 s10, $0x1;
	s10 =	sld [smem:$0x3FB7];
	_ =	sdelay $0x3  }
0x34: {  	[smem:$0x3FB7] =	sst s10  }
0x35: {  	s10 =	sld [smem:$0x3FB6];
	_ =	sdelay $0x3  }
0x36: {  	p1 =	seq.s32 s10, $0x1;
	s10 =	sld [smem:$0x3FB7];
	_ =	sdelay $0x3  }
0x37: {  	[smem:$0x3FB7] =	sst s10  }
0x38: {  	s10 =	sld [smem:$0x3FB8]  }
0x39: {  	_ = 	snop;
	(pc) =	sbr.ind lr, $3  }
0x3a: {  	_ = 	snop  }
0x3b: {  	_ = 	snop  }
0x3c: {  	p2 =	seq.s32 s10, $0x1;
	s10 =	sld [smem:$0x3FB7]  }
0x3d: {  	_ =	shalt  }
0x3e: {  	_ =	shalt  }
0x3f: {  	_ =	shalt  }
0x40: {  	_ =	shalt  }
0x41: {  	_ =	shalt  }
0x42: {  	_ =	shalt  }
0x43: {  	_ =	shalt  }
0x44: {  	_ =	shalt  }
0x45: {  	_ =	shalt  }
0x46: {  	_ =	shalt  }
0x47: {  	_ =	shalt  }
0x48: {  	_ =	shalt  }
0x49: {  	_ =	shalt  }
0x4a: {  	_ =	shalt  }
0x4b: {  	_ =	shalt  }
0x4c: {  	_ =	shalt  }
0x4d: {  	_ =	shalt  }
0x4e: {  	_ =	shalt  }
0x4f: {  	_ =	shalt  }
0x50: {  	_ =	shalt  }
0x51: {  	_ =	shalt  }
0x52: {  	_ =	shalt  }
0x53: {  	_ =	shalt  }
0x54: {  	_ =	shalt  }
0x55: {  	_ =	shalt  }
0x56: {  	_ =	shalt  }
0x57: {  	_ =	shalt  }
0x58: {  	_ =	shalt  }
0x59: {  	_ =	shalt  }
0x5a: {  	_ =	shalt  }
0x5b: {  	_ =	shalt  }
0x5c: {  	_ =	shalt  }
0x5d: {  	_ =	shalt  }
0x5e: {  	_ =	shalt  }
0x5f: {  	_ =	shalt  }
0x60: {  	_ =	shalt  }
0x61: {  	_ =	shalt  }
0x62: {  	_ =	shalt  }
0x63: {  	_ =	shalt  }
0x64: {  	_ =	shalt  }
0x65: {  	_ =	shalt  }
0x66: {  	_ =	shalt  }
0x67: {  	_ =	shalt  }
0x68: {  	_ =	shalt  }
0x69: {  	_ =	shalt  }
0x6a: {  	_ =	shalt  }
0x6b: {  	_ =	shalt  }
0x6c: {  	_ =	shalt  }
0x6d: {  	_ =	shalt  }
0x6e: {  	_ =	shalt  }
0x6f: {  	_ =	shalt  }
0x70: {  	_ =	shalt  }
0x71: {  	_ =	shalt  }
0x72: {  	_ =	shalt  }
0x73: {  	_ =	shalt  }
0x74: {  	_ =	shalt  }
0x75: {  	_ =	shalt  }
0x76: {  	_ =	shalt  }
0x77: {  	_ =	shalt  }
0x78: {  	_ =	shalt  }
0x79: {  	_ =	shalt  }
0x7a: {  	_ =	shalt  }
0x7b: {  	_ =	shalt  }
0x7c: {  	_ =	shalt  }
0x7d: {  	_ =	shalt  }
0x7e: {  	_ =	shalt  }
0x7f: {  	_ =	shalt  }
0x80: {  	_ =	shalt  }
0x81: {  	_ =	shalt  }
0x82: {  	_ =	shalt  }
0x83: {  	_ =	shalt  }
0x84: {  	_ =	shalt  }
0x85: {  	_ =	shalt  }
0x86: {  	_ =	shalt  }
0x87: {  	_ =	shalt  }
.Lfunc_end0:
.L_simem_size_0:
called_computation.1_lowered:
.L_overlay_start_0:
0x88: {  	s2 =	sld [smem:$0x3FD9]  }
0x89: {  	s3 =	sld [smem:$0x3FFE];
	_ =	sdelay $0x1  }
0x8a: {  	s1 =	srdreg.scid  }
0x8b: {  	s0 =	sand.u32 $0x1, s1  }
0x8c: {  	s17 =	sshll.u32 s0, $0xA;
	s2 =	sadd.s32 s3, s2  }
0x8d: {  	s2 =	sadd.s32 s2, s17  }
0x8e: {  	[smem:$0x3FC3] =	sst s2  }
0x8f: {  	_ = 	snop  }
0x90: {  	s2 =	sld [smem:$0x3FD0];
	(tm) =	ssettm $0x1  }
0x91: {  	s18 =	sld [smem:$0x3FFB];
	_ =	sdelay $0x3  }
0x92: {  	_ =	strace s18  }
0x93: {  	s3 =	sld [smem:$0x3FFC];
	_ =	sdelay $0x3  }
0x94: {  	_ =	strace s3  }
0x95: {  	s3 =	sld [smem:$0x3FFD];
	_ =	sdelay $0x3  }
0x96: {  	_ =	strace s3  }
0x97: {  	_ =	strace $0x8FFFFFFF  }
0x98: {  	s19 =	sld [smem:$0x3FDB];
	_ =	sdelay $0x1  }
0x99: {  	s4 =	simm.s32 $_scs_section_size  }
0x9a: {  	s5 =	simm.s32 $_size__tile_overlayer_lowered;
	s6 =	simm.s32 $_tile_overlayer_lowered  }
0x9b: {  	s22 =	simm.s32 $0x1BFF;
	s21 =	sshll.u32 s6, $0x1;
	s3 =	sadd.s32 s4, s19  }
0x9c: {  	s7 =	simm.s32 $0x0;
	s20 =	sshll.u32 s5, $0x1;
	s5 =	sadd.s32 s21, s3  }
0x9d: {  	[timem:s7], [sflag:s22] =	dma.local [hbm:s5], s20  }
0x9e: {  	_ =	swait.ge [sflag:s22], s20  }
0x9f: {  	s4 =	ssub.s32 $0x0, s20;
	[sflag:s22] =	ssyncset.done $0x0  }
0xa0: {  	[sflag:s22] =	ssyncadd.s32 s4;
	_ =	sdelay $0x1  }
0xa1: {  	s23 =	simm.s32 $0x1B8B  }
0xa2: {  	_ =	swait.ge [sflag:s23], $0x1  }
0xa3: {  	[sflag:s23] =	ssyncset.done $0x0  }
0xa4: {  	s25 =	simm.s32 $0x1B8E;
	s24 =	sld [smem:$0x3FFE];
	[sflag:s23] =	ssyncadd.s32 $0xFFFFFFFF  }
0xa5: {  	s26 =	simm.s32 $execute0_lowered;
	[smem:$0x3FD2] =	sst s25  }
0xa6: {  	s5 =	sshll.u32 s26, $0x1;
	_ =	strace $0x80000046;
	[dreg:$0x1] =	wrdreg $0xFFFFFFFF  }
0xa7: {  	s28 =	simm.s32 $_size_execute0_lowered;
	s3 =	sadd.s32 s3, s5;
	[dreg:$0x0] =	wrdreg $0x0  }
0xa8: {  	s5 =	sshll.u32 s28, $0x1;
	[dreg:$0x2] =	wrdreg s3  }
0xa9: {  	[dreg:$0x3] =	wrdreg s5  }
0xaa: {  	[dreg:$0x4] =	wrdreg $0xC0  }
0xab: {  	_ =	task [dreg:s7], $0x5FFFF  }
0xac: {  	[dreg:$0x1] =	wrdreg $0xFFFFFFFF  }
0xad: {  	[dreg:$0x0] =	wrdreg $0x60  }
0xae: {  	[dreg:$0x2] =	wrdreg s24  }
0xaf: {  	[dreg:$0x3] =	wrdreg s2  }
0xb0: {  	[dreg:$0x4] =	wrdreg $0x9  }
0xb1: {  	_ =	task.clear_ibuf [dreg:s7], $0x5FFFF;
	_ =	strace $0x90000046  }
0xb2: {  	s29 =	simm.s32 $0x9;
	_ =	strace $0x80000048  }
0xb3: {  	_ =	swait.ge [sflag:s29], $0x1  }
0xb4: {  	[sflag:s29] =	ssyncadd.s32 $0xFFFFFFFF  }
0xb5: {  	_ =	strace $0x90000048  }
0xb6: {  	_ =	sfence  }
0xb7: {  	s30 =	sld [smem:$0x0];
	_ =	sdelay $0x2  }
0xb8: {  	s31 =	sshll.u32 s1, $0xD;
	s1 =	sshrl.u32 s1, $0x2  }
0xb9: {  	s3 =	sand.u32 $0x4000, s31;
	s1 =	sadd.s32 s1, s30  }
0xba: {  	s0 =	sor.u32 s3, s0;
	s1 =	sshll.u32 s1, $0x11  }
0xbb: {  	s0 =	sor.u32 s1, s0  }
0xbc: {  	s0 =	sadd.s32 $0x8F2B, s0  }
0xbd: {  	[sflag:s0] =	ssyncadd.remote.s32 $0x1  }
0xbe: {  	_ =	sfence.sel $0xFFFF  }
0xbf: {  	[dreg:$0x0] =	wrdreg $0xFFFFFFFF;
	(pc) =	sbr.abs _section_cstart, $3  }
0xc0: {  	[dreg:$0x1] =	wrdreg $0xFFFFFFFF  }
0xc1: {  	_ =	task.clear_ibuf [dreg:s7], $0x2FFFF;
	_ =	strace $0x9FFFFFFF  }
0xc2: {  	(tm) =	ssettm $0x7FFFFFFF  }
0xc3: {  	_ =	shalt  }
tec
execute0_lowered:
.L_overlay_start_1:
0x0: {  	(tag) =	ssettag $0x1  }
0x1: {  	vm12 =	vcmask $0x300;
	v1 =	vimm.f32 $1.500000000e+00  }
0x2: {  	vm11 =	vcmask $0xB08;
	vm10 =	vcmask $0xF0C;
	vm9 =	vcmask $0x1310  }
0x3: {  	vm8 =	vcmask $0x1714;
	vm7 =	vcmask $0x1B18;
	vm6 =	vcmask $0x1F1C  }
0x4: {  	vm0 =	vcmask $0x1B00;
	vm5 =	vcmask $0x2724;
	v1 =	vsel vm12, $0x3F000000, v1  }
0x5: {  	v2 =	vimm.f32 $2.500000000e+00;
	vm4 =	vcmask $0x2B28;
	v1 =	vsel vm11, $0x40200000, v1  }
0x6: {  	vm3 =	vcmask $0x2F2C;
	vm2 =	vcmask $0x3330;
	v1 =	vsel vm10, $0x40600000, v1  }
0x7: {  	v3 =	vimm.f32 $3.500000000e+00;
	vm1 =	vcmask $0x3734;
	v1 =	vsel vm9, $0x40900000, v1  }
0x8: {  	vm13 =	vcmask $0x371C;
	v8 =	vlaneseq.u32;
	v1 =	vsel vm8, $0x40B00000, v1  }
0x9: {  	v4 =	vimm.s32 $0x827E7A76;
	v2 =	vsel vm0, $0x3F000000, v2;
	v1 =	vsel vm7, $0x40D00000, v1  }
0xa: {  	v3 =	vsel vm12, $0x40200000, v3;
	v9 =	vmul.u32 $0x4, v8;
	v1 =	vsel vm6, $0x3F000000, v1  }
0xb: {  	s0 =	rddreg [dreg:$0x0];
	s28 =	simm.s32 $0x0;
	vm0 =	vcmask $0x3B38;
	v10 =	vmul.u32 $0x10, v8;
	v1 =	vsel vm5, $0x40200000, v1  }
0xc: {  	[smem:$0x7FF] =	sst s28;
	v11 =	vsel vm13, $0x3FC00000, v2;
	v2 =	vor.u32 $0x1, v9;
	v1 =	vsel vm4, $0x40600000, v1  }
0xd: {  	s26 =	rddreg [dreg:$0x1];
	_ =	strace $0x80000047;
	v3 =	vsel vm11, $0x40900000, v3;
	[tilespmem:$0x1FE90] =	vst v2;
	v2 =	vor.u32 $0x1, v10;
	v1 =	vsel vm3, $0x40900000, v1  }
0xe: {  	v3 =	vsel vm10, $0x40B00000, v3;
	[tilespmem:$0x1FEA0] =	vst v2;
	v2 =	vor.u32 $0x2, v9;
	v1 =	vsel vm2, $0x40B00000, v1  }
0xf: {  	v3 =	vsel vm9, $0x40D00000, v3;
	[tilespmem:$0x1FEB0] =	vst v2;
	v2 =	vor.u32 $0x2, v10;
	v1 =	vsel vm1, $0x40D00000, v1  }
0x10: {  	[tilespmem:$0x1FEC0] =	vst v2;
	v2 =	vor.u32 $0x3, v9;
	v12 =	vsel vm0, $0x3F000000, v1;
	v1 =	vsel vm8, $0x3F000000, v3  }
0x11: {  	v5 =	vimm.s32 $0x726E6A60;
	[tilespmem:$0x1FED0] =	vst v2;
	v2 =	vor.u32 $0x3, v10;
	v1 =	vsel vm7, $0x3FC00000, v1  }
0x12: {  	vm13 =	vcmask $0x1300;
	[tilespmem:$0x1FEE0] =	vst v2;
	v2 =	vimm.f32 $4.500000000e+00;
	v1 =	vsel vm6, $0x40200000, v1  }
0x13: {  	v2 =	vsel vm13, $0x40200000, v2;
	vm13 =	vcmask $0x2F14;
	v1 =	vsel vm5, $0x40900000, v1  }
0x14: {  	v4 =	vunpack.c.0.s8.s32 v4;
	v19 =	vsel vm13, $0x40600000, v2;
	v1 =	vsel vm4, $0x40B00000, v1  }
0x15: {  	v2 =	vimm.s32 $0x4C484440;
	v3 =	vimm.s32 $0x5C585450;
	v1 =	vsel vm3, $0x40D00000, v1  }
0x16: {  	v2 =	vunpack.c.0.s8.s32 v2;
	v3 =	vunpack.c.0.s8.s32 v3;
	v1 =	vsel vm2, $0x3F000000, v1  }
0x17: {  	v5 =	vunpack.c.0.s8.s32 v5;
	vm13 =	vcmask $0x1F10;
	v1 =	vsel vm1, $0x3FC00000, v1  }
0x18: {  	v20 =	vsel vm0, $0x40200000, v1;
	v1 =	vsel vm13, v3, v2;
	v2 =	vand.u32 $0xFF, v4  }
0x19: {  	v40 =	vimm.s32 $0x837F7B77;
	v2 =	vsel vm13, v2, v5  }
0x1a: {  	v41 =	vimm.s32 $0x5D595551;
	v6 =	vimm.s32 $0x736F6B61;
	v1 =	vcombine.low v1, v2  }
0x1b: {  	v6 =	vunpack.c.0.s8.s32 v6;
	v3 =	vimm.s32 $0x4D494541;
	v4 =	vunpack.c.0.s8.s32 v40  }
0x1c: {  	v3 =	vunpack.c.0.s8.s32 v3;
	v5 =	vunpack.c.0.s8.s32 v41;
	[tilespmem:$0x1FEF0] =	vst v1;
	v1 =	vor.u32 $0x100, v10  }
0x1d: {  	[tilespmem:$0x1FF00] =	vst v1;
	v1 =	vand.u32 $0xFF, v4  }
0x1e: {  	v2 =	vsel vm13, v5, v3;
	v1 =	vsel vm13, v1, v6  }
0x1f: {  	v43 =	vimm.s32 $0x84807C78;
	v3 =	vimm.s32 $0x4E4A4642;
	v1 =	vcombine.low v2, v1  }
0x20: {  	v42 =	vimm.s32 $0x5E5A5652;
	v5 =	vunpack.c.0.s8.s32 v43;
	v3 =	vunpack.c.0.s8.s32 v3  }
0x21: {  	v4 =	vunpack.c.0.s8.s32 v42;
	v6 =	vimm.s32 $0x74706C68;
	[tilespmem:$0x1FF10] =	vst v1;
	v1 =	vor.u32 $0x101, v10  }
0x22: {  	[tilespmem:$0x1FF20] =	vst v1;
	v1 =	vunpack.c.0.s8.s32 v6  }
0x23: {  	v2 =	vsel vm13, v4, v3;
	v3 =	vand.u32 $0xFF, v5  }
0x24: {  	v44 =	vimm.f32 $5.500000000e+00;
	v1 =	vsel vm13, v3, v1  }
0x25: {  	v45 =	vimm.s32 $0x85817D79;
	v4 =	vsel vm12, $0x40900000, v44;
	v1 =	vcombine.low v2, v1  }
0x26: {  	v46 =	vimm.s32 $0x75716D69;
	v3 =	vimm.s32 $0x4F4B4743;
	v2 =	vsel vm11, $0x40D00000, v4  }
0x27: {  	v4 =	vunpack.c.0.s8.s32 v45;
	[tilespmem:$0x1FF30] =	vst v1;
	v1 =	vunpack.c.0.s8.s32 v3;
	v3 =	vimm.s32 $0x5F5B5753  }
0x28: {  	v5 =	vunpack.c.0.s8.s32 v46;
	v3 =	vunpack.c.0.s8.s32 v3  }
0x29: {  	v2 =	vsel vm10, $0x3F000000, v2;
	v4 =	vand.u32 $0xFF, v4  }
0x2a: {  	v2 =	vsel vm9, $0x3FC00000, v2;
	v1 =	vsel vm13, v3, v1;
	v3 =	vsel vm13, v4, v5  }
0x2b: {  	v2 =	vsel vm8, $0x40200000, v2;
	v1 =	vcombine.low v1, v3  }
0x2c: {  	vm14 =	vcmask $0xB00;
	v47 =	vimm.s32 $0xE8E4E0DC;
	v2 =	vsel vm7, $0x40600000, v2  }
0x2d: {  	vm15 =	vcmask $0x3B20;
	v2 =	vsel vm6, $0x40900000, v2;
	[tilespmem:$0x1FF50] =	vst v1;
	v1 =	vor.u32 $0x103, v10  }
0x2e: {  	v48 =	vimm.s32 $0xF8F4F0EC;
	v49 =	vimm.s32 $0xD9D5D1C7;
	[tilespmem:$0x1FF60] =	vst v1;
	v1 =	vsel vm5, $0x40D00000, v2  }
0x2f: {  	v50 =	vimm.s32 $0xE9E5E1DD;
	v51 =	vimm.s32 $0xF9F5F1ED;
	v1 =	vsel vm4, $0x3F000000, v1  }
0x30: {  	v3 =	vimm.f32 $5.000000000e-01;
	v2 =	vimm.f32 $6.500000000e+00;
	v1 =	vsel vm3, $0x3FC00000, v1  }
0x31: {  	v2 =	vsel vm14, $0x40900000, v2;
	vm14 =	vcmask $0x270C;
	v1 =	vsel vm2, $0x40200000, v1  }
0x32: {  	v3 =	vsel vm12, $0x40D00000, v3;
	v29 =	vsel vm14, $0x40B00000, v2;
	v1 =	vsel vm1, $0x40600000, v1  }
0x33: {  	v2 =	vsel vm11, $0x3FC00000, v3;
	v30 =	vsel vm0, $0x40900000, v1;
	v1 =	vadd.s32 $0x86, v9  }
0x34: {  	v52 =	vimm.s32 $0xEAE6E2DE;
	v53 =	vimm.s32 $0xFAF6F2EE;
	[tilespmem:$0x1FF70] =	vst v1;
	v1 =	vsel vm10, $0x40200000, v2  }
0x35: {  	v4 =	vunpack.c.0.s8.s32 v47;
	v3 =	vimm.s32 $0xD8D4D0C6;
	v1 =	vsel vm9, $0x40600000, v1  }
0x36: {  	v5 =	vunpack.c.0.s8.s32 v48;
	v3 =	vunpack.c.0.s8.s32 v3;
	v1 =	vsel vm8, $0x40900000, v1  }
0x37: {  	vm14 =	vcmask $0x1F04;
	v2 =	vimm.f32 $9.500000000e+00;
	v1 =	vsel vm7, $0x40B00000, v1  }
0x38: {  	v3 =	vand.u32 $0xFF, v3;
	v2 =	vsel vm12, $0x40D00000, v2;
	v1 =	vsel vm6, $0x40D00000, v1  }
0x39: {  	v2 =	vsel vm14, $0x40F00000, v2;
	vm14 =	vcmask $0xF00;
	v1 =	vsel vm5, $0x3FC00000, v1  }
0x3a: {  	v4 =	vand.u32 $0xFF, v4;
	v3 =	vnsel vm14, $0x108, v3;
	v1 =	vsel vm4, $0x40200000, v1  }
0x3b: {  	v39 =	vsel vm15, $0x41080000, v2;
	vm15 =	vcmask $0x2F20;
	v1 =	vsel vm3, $0x40600000, v1  }
0x3c: {  	v2 =	vsel vm13, v4, v3;
	v3 =	vand.u32 $0xFF, v5;
	v1 =	vsel vm2, $0x40900000, v1  }
0x3d: {  	v2 =	vsel vm15, v3, v2;
	v3 =	vunpack.c.0.s8.s32 v49;
	v1 =	vsel vm1, $0x40B00000, v1  }
0x3e: {  	v40 =	vsel vm0, $0x40D00000, v1;
	v1 =	vsel vm2, $0xFC, v2;
	v2 =	vunpack.c.0.s8.s32 v50  }
0x3f: {  	v54 =	vimm.s32 $0xDBD7D3C9;
	v4 =	vunpack.c.0.s8.s32 v51;
	v3 =	vand.u32 $0xFF, v3  }
0x40: {  	v3 =	vnsel vm14, $0x109, v3;
	v1 =	vsel vm1, $0x100, v1;
	v2 =	vand.u32 $0xFF, v2  }
0x41: {  	v41 =	vsel vm0, $0x104, v1;
	v1 =	vsel vm13, v2, v3;
	v2 =	vimm.s32 $0xDAD6D2C8  }
0x42: {  	v60 =	vimm.s32 $0x152;
	v3 =	vand.u32 $0xFF, v4;
	v2 =	vunpack.c.0.s8.s32 v2  }
0x43: {  	v61 =	vimm.s32 $0x153;
	v1 =	vsel vm15, v3, v1;
	v3 =	vunpack.c.0.s8.s32 v52  }
0x44: {  	v55 =	vunpack.c.0.s8.s32 v54;
	v4 =	vunpack.c.0.s8.s32 v53;
	v2 =	vand.u32 $0xFF, v2  }
0x45: {  	v1 =	vsel vm2, $0xFD, v1;
	v3 =	vand.u32 $0xFF, v3;
	v2 =	vnsel vm14, $0x10A, v2  }
0x46: {  	v1 =	vsel vm1, $0x101, v1;
	v2 =	vsel vm13, v3, v2;
	v3 =	vand.u32 $0xFF, v4  }
0x47: {  	v5 =	vsel vm12, $0x111, v61;
	v43 =	vsel vm0, $0x105, v1;
	v2 =	vsel vm15, v3, v2  }
0x48: {  	v4 =	vsel vm12, $0x110, v60;
	v1 =	vsel vm2, $0xFE, v2;
	v2 =	vand.u32 $0xFF, v55  }
0x49: {  	v3 =	vimm.s32 $0xEBE7E3DF;
	v2 =	vnsel vm14, $0x10B, v2;
	vm14 =	vcmask $0x704  }
0x4a: {  	v3 =	vunpack.c.0.s8.s32 v3;
	v1 =	vsel vm1, $0x102, v1;
	v4 =	vsel vm14, $0x114, v4  }
0x4b: {  	v5 =	vsel vm14, $0x115, v5;
	v45 =	vsel vm0, $0x106, v1;
	v1 =	vsel vm11, $0x118, v4  }
0x4c: {  	v0 =	vimm.f32 $7.000000000e+00;
	v62 =	vsel vm11, $0x119, v5;
	v1 =	vsel vm10, $0x11C, v1  }
0x4d: {  	v3 =	vand.u32 $0xFF, v3;
	v4 =	vsel vm10, $0x11D, v62;
	v1 =	vsel vm9, $0x120, v1  }
0x4e: {  	v2 =	vsel vm13, v3, v2;
	v3 =	vsel vm9, $0x121, v4;
	v1 =	vsel vm8, $0x124, v1  }
0x4f: {  	v63 =	vimm.s32 $0xFBF7F3EF;
	v3 =	vsel vm8, $0x125, v3;
	v1 =	vsel vm7, $0x128, v1  }
0x50: {  	vm13 =	vcmask $0x2320;
	v3 =	vsel vm7, $0x129, v3;
	v1 =	vsel vm6, $0x12C, v1  }
0x51: {  	v4 =	vunpack.c.0.s8.s32 v63;
	v3 =	vsel vm6, $0x12D, v3;
	v1 =	vsel vm13, $0x130, v1  }
0x52: {  	v56 =	vimm.s32 $0x4;
	v3 =	vsel vm13, $0x131, v3;
	v1 =	vsel vm5, $0x13A, v1  }
0x53: {  	v4 =	vand.u32 $0xFF, v4;
	v3 =	vsel vm5, $0x13B, v3;
	v1 =	vsel vm4, $0x13E, v1  }
0x54: {  	v2 =	vsel vm15, v4, v2;
	v3 =	vsel vm4, $0x13F, v3;
	v1 =	vsel vm3, $0x142, v1  }
0x55: {  	v2 =	vsel vm2, $0xFF, v2;
	v3 =	vsel vm3, $0x143, v3;
	v1 =	vsel vm2, $0x146, v1  }
0x56: {  	v2 =	vsel vm1, $0x103, v2;
	v3 =	vsel vm2, $0x147, v3;
	v1 =	vsel vm1, $0x14A, v1  }
0x57: {  	v47 =	vsel vm0, $0x107, v2;
	v2 =	vsel vm1, $0x14B, v3;
	v1 =	vsel vm0, $0x14E, v1  }
0x58: {  	v57 =	vimm.f32 $3.125000000e-02;
	v58 =	vimm.s32 $0x5400;
	[tilespmem:$0x1FF80] =	vst v1;
	v1 =	vsel vm0, $0x14F, v2  }
0x59: {  	v59 =	vimm.s32 $0xF;
	(erf) = vrcp.f32 v0;
	[tilespmem:$0x1FF90] =	vst v1;
	v1 =	vimm.s32 $0x154  }
0x5a: {  	v0 =	vimm.s32 $0x0;
	v2 =	vimm.s32 $0x155;
	v1 =	vsel vm12, $0x112, v1  }
0x5b: {  	v3 =	vimm.s32 $0x1D8;
	v2 =	vsel vm12, $0x113, v2;
	v1 =	vsel vm14, $0x116, v1  }
0x5c: {  	v3 =	vsel vm12, $0x196, v3;
	v2 =	vsel vm14, $0x117, v2;
	v1 =	vsel vm11, $0x11A, v1  }
0x5d: {  	v3 =	vsel vm14, $0x1A0, v3;
	v2 =	vsel vm11, $0x11B, v2;
	v1 =	vsel vm10, $0x11E, v1  }
0x5e: {  	v3 =	vsel vm11, $0x1A4, v3;
	v2 =	vsel vm10, $0x11F, v2;
	v1 =	vsel vm9, $0x122, v1  }
0x5f: {  	v3 =	vsel vm10, $0x1A8, v3;
	v2 =	vsel vm9, $0x123, v2;
	v1 =	vsel vm8, $0x126, v1  }
0x60: {  	v3 =	vsel vm9, $0x1AC, v3;
	v2 =	vsel vm8, $0x127, v2;
	v1 =	vsel vm7, $0x12A, v1  }
0x61: {  	v3 =	vsel vm8, $0x1B0, v3;
	v2 =	vsel vm7, $0x12B, v2;
	v1 =	vsel vm6, $0x12E, v1  }
0x62: {  	v3 =	vsel vm7, $0x1B4, v3;
	v2 =	vsel vm6, $0x12F, v2;
	v1 =	vsel vm13, $0x138, v1  }
0x63: {  	v3 =	vsel vm6, $0x1B8, v3;
	v2 =	vsel vm13, $0x139, v2;
	v1 =	vsel vm5, $0x13C, v1  }
0x64: {  	v3 =	vsel vm13, $0x1BC, v3;
	v2 =	vsel vm5, $0x13D, v2;
	v1 =	vsel vm4, $0x140, v1  }
0x65: {  	v3 =	vsel vm5, $0x1C0, v3;
	v2 =	vsel vm4, $0x141, v2;
	v1 =	vsel vm3, $0x144, v1  }
0x66: {  	v3 =	vsel vm4, $0x1C4, v3;
	v2 =	vsel vm3, $0x145, v2;
	v1 =	vsel vm2, $0x148, v1  }
0x67: {  	v3 =	vsel vm3, $0x1C8, v3;
	v2 =	vsel vm2, $0x149, v2;
	v1 =	vsel vm1, $0x14C, v1  }
0x68: {  	v3 =	vsel vm2, $0x1CC, v3;
	v2 =	vsel vm1, $0x14D, v2;
	v1 =	vsel vm0, $0x150, v1  }
0x69: {  	v32 =	vor.u32 $0x200, v10;
	v3 =	vsel vm1, $0x1D0, v3;
	[tilespmem:$0x1FFA0] =	vst v1;
	v1 =	vsel vm0, $0x151, v2  }
0x6a: {  	v33 =	vadd.s32 $0x87, v9;
	v34 =	vor.u32 $0x201, v10;
	[tilespmem:$0x1FFB0] =	vst v1;
	v1 =	vsel vm0, $0x1D4, v3  }
0x6b: {  	v35 =	vadd.s32 $0x88, v9;
	v36 =	vor.u32 $0x202, v10;
	[tilespmem:$0x1FFC0] =	vst v1;
	v1 =	vimm.s32 $0x1D9  }
0x6c: {  	v6 =	vor.u32 $0x102, v10;
	v2 =	vimm.s32 $0x1DA;
	v1 =	vsel vm12, $0x197, v1  }
0x6d: {  	v3 =	vimm.s32 $0x1DB;
	v2 =	vsel vm12, $0x198, v2;
	v1 =	vsel vm14, $0x1A1, v1  }
0x6e: {  	v3 =	vsel vm12, $0x199, v3;
	v2 =	vsel vm14, $0x1A2, v2;
	v1 =	vsel vm11, $0x1A5, v1  }
0x6f: {  	v3 =	vsel vm14, $0x1A3, v3;
	v2 =	vsel vm11, $0x1A6, v2;
	v1 =	vsel vm10, $0x1A9, v1  }
0x70: {  	v3 =	vsel vm11, $0x1A7, v3;
	v2 =	vsel vm10, $0x1AA, v2;
	v1 =	vsel vm9, $0x1AD, v1  }
0x71: {  	v3 =	vsel vm10, $0x1AB, v3;
	v2 =	vsel vm9, $0x1AE, v2;
	v1 =	vsel vm8, $0x1B1, v1  }
0x72: {  	v3 =	vsel vm9, $0x1AF, v3;
	v2 =	vsel vm8, $0x1B2, v2;
	v1 =	vsel vm7, $0x1B5, v1  }
0x73: {  	v3 =	vsel vm8, $0x1B3, v3;
	v2 =	vsel vm7, $0x1B6, v2;
	v1 =	vsel vm6, $0x1B9, v1  }
0x74: {  	v3 =	vsel vm7, $0x1B7, v3;
	v2 =	vsel vm6, $0x1BA, v2;
	v1 =	vsel vm13, $0x1BD, v1  }
0x75: {  	s1 =	srdreg.scid;
	s2 =	stileid.u32;
	v3 =	vsel vm6, $0x1BB, v3;
	v2 =	vsel vm13, $0x1BE, v2;
	v1 =	vsel vm5, $0x1C1, v1  }
0x76: {  	s1 =	sand.u32 $0x1, s1;
	s2 =	sshll.u32 s2, $0x1;
	v3 =	vsel vm13, $0x1BF, v3;
	v2 =	vsel vm5, $0x1C2, v2;
	v1 =	vsel vm4, $0x1C5, v1  }
0x77: {  	s9 =	simm.s32 $0xE0;
	s2 =	sor.u32 s1, s2;
	v3 =	vsel vm5, $0x1C3, v3;
	v2 =	vsel vm4, $0x1C6, v2;
	v1 =	vsel vm3, $0x1C9, v1  }
0x78: {  	s10 =	simm.s32 $0x280;
	s1 =	ssub.s32 $0x2, s1;
	s3 =	smul.u32 $0x1C, s2;
	v3 =	vsel vm4, $0x1C7, v3;
	v2 =	vsel vm3, $0x1CA, v2;
	v1 =	vsel vm2, $0x1CD, v1  }
.Ltmp0:
0x79: {  	s29 =	sadd.s32 $0x1200, s0;
	s4 =	sshrl.u32 s1, $0x1;
	v3 =	vsel vm3, $0x1CB, v3;
	v2 =	vsel vm2, $0x1CE, v2;
	v1 =	vsel vm1, $0x1D1, v1;
	(pc) =	sbr.rel .LBB2_1-.Ltmp0, $4  }
0x7a: {  	[dreg:$0x4] =	wrdreg s29;
	s30 =	sshll.u32 s2, $0x5;
	s1 =	ssub.s32 s1, s4;
	[tilespmem:$0x1FF40] =	vst v6;
	v3 =	vsel vm2, $0x1CF, v3;
	v2 =	vsel vm1, $0x1D2, v2;
	v1 =	vsel vm0, $0x1D5, v1  }
0x7b: {  	v37 =	vadd.s32 $0x89, v9;
	[dreg:$0x5] =	wrdreg s30;
	s0 =	sadd.s32 s3, s0;
	s25 =	smax.u32 s1, $0x1;
	v3 =	vsel vm1, $0x1D3, v3;
	[tilespmem:$0x1FFD0] =	vst v1;
	v1 =	vsel vm0, $0x1D6, v2  }
0x7c: {  	s31 =	simm.s32 $0x68;
	v38 =	vor.u32 $0x203, v10;
	s0 =	sadd.s32 $0xE00, s0;
	[dreg:$0x7] =	wrdreg s25;
	v42 =	vor.u32 $0x300, v10;
	[tilespmem:$0x1FFE0] =	vst v1;
	v1 =	vsel vm0, $0x1D7, v3  }
0x7d: {  	s20 =	simm.s32 $0x1A8A0;
	s1 =	simm.s32 $0x0;
	[dreg:$0x6] =	wrdreg s0;
	v54 =	vpop (erf);
	v44 =	vor.u32 $0x301, v10;
	v46 =	vor.u32 $0x302, v10;
	v48 =	vor.u32 $0x303, v10;
	[tilespmem:$0x1FFF0] =	vst v1  }
.LBB2_17:
0x7e: {  	s1 =	rddreg [dreg:$0x8]  }
0x7f: {  	s0 =	rddreg [dreg:$0x7];
	s1 =	sadd.s32 $0x1, s1  }
0x80: {  	p0 =	sne.s32 s1, s0  }
.Ltmp1:
0x81: {  	_ = 	snop;
	(pc) =	sbr.rel @!p0 .LBB2_18-.Ltmp1, $1  }
0x82: {  	_ =	sdelay $0x3  }
.LBB2_1:
0x83: {  	[dreg:$0x8] =	wrdreg s1  }
0x84: {  	s0 =	rddreg [dreg:$0x6];
	s22 =	simm.s32 $0x2  }
0x85: {  	[tilespmem:s28], [sflag:$0x2] =	stream.linear.gather [hbm4b:s0+s28], $0xE0, $0x38;
	[tilespmem:$0x1D9A0] =	vst v63  }
0x86: {  	_ =	swait.ge [sflag:s22], $0xE0  }
0x87: {  	[sflag:s22] =	ssyncset.done $0x0  }
0x88: {  	v1 =	vimm.s32 $0x1;
	[sflag:s22] =	ssyncadd.s32 $0xFFFFFF20  }
0x89: {  	v2 =	vimm.s32 $0x2;
	[tilespmem:$0x138] =	vst v0  }
0x8a: {  	v3 =	vimm.s32 $0x3;
	[tilespmem:$0x1A0] =	vst v0  }
0x8b: {  	[tilespmem:$0x208] =	vst v0  }
0x8c: {  	[tilespmem:$0x270] =	vst v0  }
0x8d: {  	v1 =	vld.idx.msk [tilespmem:v1+s28+$0x0], $0xffff  }
0x8e: {  	v2 =	vld.idx.msk [tilespmem:v2+s28+$0x0], $0xffff  }
0x8f: {  	v3 =	vld.idx.msk [tilespmem:v3+s28+$0x0], $0xffff  }
0x90: {  	v4 =	vld.idx.msk [tilespmem:v56+s28+$0x0], $0xffff;
	_ =	sdelay $0x4  }
0x91: {  	v5 =	vsub.f32 v3, v1;
	v6 =	vsub.f32 v4, v2;
	_ =	sdelay $0x1  }
0x92: {  	v5 =	vmul.f32 v6, v5;
	_ =	sdelay $0x1  }
0x93: {  	vm0 =	vgt.f32 v5, $2.304000000e+03;
	vm1 =	vgt.f32 v5, $9.216000000e+03  }
0x94: {  	vm12 =	vgt.f32 v5, $3.686400000e+04;
	v6 =	vsel vm0, $0x1, v0;
	v7 =	vsel vm1, $0x1, v0  }
0x95: {  	v56 =	vadd.s32 v7, v6;
	v6 =	vsel vm12, $0x1, v0  }
0x96: {  	v5 =	vadd.s32 v6, v56  }
0x97: {  	vm2 =	veq.s32 v5, $0x2  }
0x98: {  	vm13 =	veq.s32 v5, $0x1;
	v6 =	vsel vm2, $0x3D800000, v57  }
0x99: {  	vm14 =	veq.s32 v5, $0x0;
	v60 =	vsel vm13, $0x3E000000, v6  }
0x9a: {  	v7 =	vsel vm14, $0x3E800000, v60  }
0x9b: {  	v6 =	vmul.f32 v7, v2;
	v2 =	vmul.f32 v7, v4  }
0x9c: {  	v5 =	vmul.f32 v7, v1;
	v1 =	vmul.f32 v7, v3  }
0x9d: {  	v2 =	vsub.f32 v2, v6  }
0x9e: {  	v1 =	vsub.f32 v1, v5  }
0x9f: {  	v50 =	vmul.f32 v2, v54  }
0xa0: {  	v49 =	vmul.f32 v1, v54  }
0xa1: {  	v1 =	vmul.f32 v11, v50  }
0xa2: {  	v2 =	vmul.f32 v12, v49  }
0xa3: {  	v1 =	vadd.f32 v1, v6  }
0xa4: {  	v2 =	vadd.f32 v2, v5  }
0xa5: {  	v3 =	vadd.f32 $-5.000000000e-01, v1  }
0xa6: {  	v61 =	vadd.f32 $-5.000000000e-01, v2  }
0xa7: {  	v2 =	vtrunc.f32 v3  }
0xa8: {  	v7 =	vcvt.f32.s32 v2;
	vm3 =	vlt.f32 v3, v2;
	v2 =	vtrunc.f32 v61  }
0xa9: {  	v13 =	vsel vm3, $0xFFFFFFFF, v0;
	v14 =	vcvt.f32.s32 v2;
	vm15 =	vlt.f32 v61, v2  }
0xaa: {  	v15 =	vimm.s32 $0x4;
	v7 =	vadd.s32 v7, v13;
	v13 =	vsel vm15, $0xFFFFFFFF, v0  }
0xab: {  	v62 =	vsel vm2, $0x5, v15;
	v13 =	vadd.s32 v14, v13;
	v14 =	vcvt.s32.f32 v7  }
0xac: {  	v56 =	vsel vm13, $0x6, v62;
	v1 =	vsel vm2, $0x5000, v58;
	v2 =	vsel vm2, $0x1F, v59  }
0xad: {  	v2 =	vsel vm13, $0x3F, v2;
	v14 =	vsub.f32 v3, v14;
	v3 =	vadd.s32 $0x1, v7  }
0xae: {  	v1 =	vsel vm13, $0x4000, v1;
	v2 =	vsel vm14, $0x7F, v2;
	vm7 =	vgt.s32 v3, $0x0  }
0xaf: {  	vm6 =	vgt.s32 v7, $0x0;
	v51 =	vcvt.s32.f32 v13;
	v3 =	vnsel vm7, $0x0, v3  }
0xb0: {  	vm8 =	vgt.s32 v13, $0x0;
	v55 =	vmin.u32 v2, v3;
	v3 =	vmul.f32 v19, v50  }
0xb1: {  	v1 =	vsel vm14, $0x0, v1;
	v7 =	vnsel vm6, $0x0, v7;
	v53 =	vnsel vm8, $0x0, v13  }
0xb2: {  	v22 =	vld [tilespmem:$0x1FE90];
	v13 =	vadd.s32 $0x1, v13;
	v4 =	vsub.f32 v61, v51;
	v24 =	vadd.f32 v3, v6  }
0xb3: {  	v7 =	vmin.u32 v2, v7;
	v53 =	vmin.u32 v2, v53;
	v3 =	vsel vm14, $0x7, v56  }
0xb4: {  	vm9 =	vgt.s32 v13, $0x0;
	v7 =	vshll.u32 v7, v3;
	v57 =	vadd.f32 $-5.000000000e-01, v24  }
0xb5: {  	v51 =	vsub.f32 $1.000000000e+00, v14;
	v52 =	vsub.f32 $1.000000000e+00, v4;
	v7 =	vadd.s32 v1, v7  }
0xb6: {  	v13 =	vnsel vm9, $0x0, v13;
	v58 =	vadd.s32 v53, v7;
	v26 =	vtrunc.f32 v57  }
0xb7: {  	v60 =	vcvt.f32.s32 v26;
	vm10 =	vlt.f32 v57, v26;
	v26 =	vmul.f32 v52, v51  }
0xb8: {  	v13 =	vmin.u32 v2, v13;
	[tilespmem:v9+s9+$0x0] =	vst.idx.msk $0xffff, v58  }
0xb9: {  	v7 =	vadd.s32 v13, v7;
	[tilespmem:v10+s10+$0x0] =	vst.idx.msk $0xffff, v26  }
0xba: {  	[tilespmem:v22+s9+$0x0] =	vst.idx.msk $0xffff, v7;
	v22 =	vld [tilespmem:$0x1FEA0];
	_ =	sdelay $0x5  }
0xbb: {  	v51 =	vmul.f32 v51, v4;
	_ =	sdelay $0x1  }
0xbc: {  	[tilespmem:v22+s10+$0x0] =	vst.idx.msk $0xffff, v51;
	v22 =	vld [tilespmem:$0x1FEB0];
	_ =	sdelay $0x4  }
0xbd: {  	v55 =	vshll.u32 v55, v3  }
0xbe: {  	v55 =	vadd.s32 v1, v55  }
0xbf: {  	v53 =	vadd.s32 v53, v55  }
0xc0: {  	[tilespmem:v22+s9+$0x0] =	vst.idx.msk $0xffff, v53;
	v22 =	vld [tilespmem:$0x1FEC0];
	_ =	sdelay $0x5  }
0xc1: {  	v52 =	vmul.f32 v52, v14;
	_ =	sdelay $0x1  }
0xc2: {  	[tilespmem:v22+s10+$0x0] =	vst.idx.msk $0xffff, v52;
	v22 =	vld [tilespmem:$0x1FED0];
	_ =	sdelay $0x6  }
0xc3: {  	v13 =	vadd.s32 v13, v55  }
0xc4: {  	[tilespmem:v22+s9+$0x0] =	vst.idx.msk $0xffff, v13;
	v22 =	vld [tilespmem:$0x1FEE0]  }
0xc5: {  	v63 =	vmul.f32 v20, v49;
	_ =	sdelay $0x1  }
0xc6: {  	v25 =	vadd.f32 v63, v5;
	_ =	sdelay $0x1  }
0xc7: {  	v56 =	vadd.f32 $-5.000000000e-01, v25  }
0xc8: {  	v4 =	vmul.f32 v4, v14  }
0xc9: {  	v24 =	vtrunc.f32 v56  }
0xca: {  	v62 =	vcvt.f32.s32 v24;
	vm11 =	vlt.f32 v56, v24;
	v61 =	vsel vm10, $0xFFFFFFFF, v0;
	[tilespmem:v22+s10+$0x0] =	vst.idx.msk $0xffff, v4;
	v22 =	vld [tilespmem:$0x1FEF0]  }
0xcb: {  	v25 =	vsel vm11, $0xFFFFFFFF, v0;
	v59 =	vadd.s32 v60, v61  }
0xcc: {  	v60 =	vadd.s32 v62, v25;
	vm12 =	vgt.s32 v59, $0x0  }
0xcd: {  	v61 =	vcvt.s32.f32 v59;
	v24 =	vadd.s32 $0x1, v59;
	v59 =	vnsel vm12, $0x0, v59  }
0xce: {  	v62 =	vcvt.s32.f32 v60;
	vm14 =	vgt.s32 v60, $0x0;
	v59 =	vmin.u32 v2, v59  }
0xcf: {  	v15 =	vadd.s32 $0x1, v60;
	v60 =	vnsel vm14, $0x0, v60;
	v59 =	vshll.u32 v59, v3  }
0xd0: {  	v60 =	vmin.u32 v2, v60;
	v59 =	vadd.s32 v1, v59  }
0xd1: {  	v17 =	vadd.s32 v60, v59  }
0xd2: {  	[tilespmem:v22+s9+$0x0] =	vst.idx.msk $0xffff, v17;
	v22 =	vld [tilespmem:$0x1FF00];
	_ =	sdelay $0x1  }
0xd3: {  	v57 =	vsub.f32 v57, v61;
	v14 =	vsub.f32 v56, v62;
	_ =	sdelay $0x1  }
0xd4: {  	v61 =	vsub.f32 $1.000000000e+00, v57;
	v62 =	vsub.f32 $1.000000000e+00, v14  }
0xd5: {  	vm13 =	vgt.s32 v24, $0x0  }
0xd6: {  	v56 =	vnsel vm13, $0x0, v24;
	v24 =	vmul.f32 v62, v61;
	_ =	sdelay $0x1  }
0xd7: {  	[tilespmem:v22+s10+$0x0] =	vst.idx.msk $0xffff, v24;
	v22 =	vld [tilespmem:$0x1FF10];
	_ =	sdelay $0x3  }
0xd8: {  	vm15 =	vgt.s32 v15, $0x0  }
0xd9: {  	v15 =	vnsel vm15, $0x0, v15  }
0xda: {  	v15 =	vmin.u32 v2, v15  }
0xdb: {  	v55 =	vadd.s32 v15, v59  }
0xdc: {  	[tilespmem:v22+s9+$0x0] =	vst.idx.msk $0xffff, v55;
	v22 =	vld [tilespmem:$0x1FF20];
	_ =	sdelay $0x5  }
0xdd: {  	v61 =	vmul.f32 v61, v14;
	_ =	sdelay $0x1  }
0xde: {  	[tilespmem:v22+s10+$0x0] =	vst.idx.msk $0xffff, v61;
	v22 =	vld [tilespmem:$0x1FF30];
	_ =	sdelay $0x3  }
0xdf: {  	v56 =	vmin.u32 v2, v56  }
0xe0: {  	v56 =	vshll.u32 v56, v3  }
0xe1: {  	v56 =	vadd.s32 v1, v56  }
0xe2: {  	v7 =	vadd.s32 v60, v56  }
0xe3: {  	[tilespmem:v22+s9+$0x0] =	vst.idx.msk $0xffff, v7;
	v22 =	vld [tilespmem:$0x1FF40];
	_ =	sdelay $0x5  }
0xe4: {  	v63 =	vmul.f32 v29, v50;
	v15 =	vadd.s32 v15, v56;
	v56 =	vmul.f32 v62, v57  }
0xe5: {  	v16 =	vmul.f32 v30, v49  }
0xe6: {  	v63 =	vadd.f32 v63, v6;
	[tilespmem:v22+s10+$0x0] =	vst.idx.msk $0xffff, v56;
	v22 =	vld [tilespmem:$0x1FF50]  }
0xe7: {  	v16 =	vadd.f32 v16, v5  }
0xe8: {  	v63 =	vadd.f32 $-5.000000000e-01, v63  }
0xe9: {  	v16 =	vadd.f32 $-5.000000000e-01, v16  }
0xea: {  	v49 =	vmul.f32 v40, v49;
	v18 =	vtrunc.f32 v63  }
0xeb: {  	v21 =	vcvt.f32.s32 v18;
	vm4 =	vlt.f32 v63, v18;
	v18 =	vtrunc.f32 v16  }
0xec: {  	vm5 =	vlt.f32 v16, v18;
	v18 =	vcvt.f32.s32 v18;
	v50 =	vmul.f32 v39, v50  }
0xed: {  	v5 =	vadd.f32 v49, v5;
	v26 =	vsel vm5, $0xFFFFFFFF, v0  }
0xee: {  	v6 =	vadd.f32 v50, v6;
	v25 =	vsel vm4, $0xFFFFFFFF, v0;
	v18 =	vadd.s32 v18, v26;
	[tilespmem:v22+s9+$0x0] =	vst.idx.msk $0xffff, v15;
	v22 =	vld [tilespmem:$0x1FF60]  }
0xef: {  	v5 =	vadd.f32 $-5.000000000e-01, v5;
	v21 =	vadd.s32 v21, v25;
	v26 =	vcvt.s32.f32 v18  }
0xf0: {  	v6 =	vadd.f32 $-5.000000000e-01, v6;
	v25 =	vcvt.s32.f32 v21;
	vm6 =	vgt.s32 v21, $0x0  }
0xf1: {  	vm8 =	vgt.s32 v18, $0x0;
	v16 =	vsub.f32 v16, v26;
	v60 =	vadd.s32 $0x1, v21  }
0xf2: {  	v14 =	vmul.f32 v14, v57;
	v21 =	vnsel vm6, $0x0, v21;
	vm7 =	vgt.s32 v60, $0x0  }
0xf3: {  	v21 =	vmin.u32 v2, v21;
	v51 =	vsub.f32 v63, v25;
	v62 =	vnsel vm7, $0x0, v60  }
0xf4: {  	v21 =	vshll.u32 v21, v3;
	v25 =	vtrunc.f32 v6;
	v60 =	vtrunc.f32 v5  }
0xf5: {  	v21 =	vadd.s32 v1, v21;
	v26 =	vcvt.f32.s32 v25;
	vm10 =	vlt.f32 v6, v25  }
0xf6: {  	vm11 =	vlt.f32 v5, v60;
	v63 =	vsub.f32 $1.000000000e+00, v51;
	v13 =	vadd.s32 $0x1, v18;
	[tilespmem:v22+s10+$0x0] =	vst.idx.msk $0xffff, v14;
	v22 =	vld [tilespmem:$0x1FF70]  }
0xf7: {  	v50 =	vsel vm11, $0xFFFFFFFF, v0;
	v53 =	vsel vm10, $0xFFFFFFFF, v0;
	vm9 =	vgt.s32 v13, $0x0  }
0xf8: {  	v18 =	vnsel vm8, $0x0, v18;
	v13 =	vnsel vm9, $0x0, v13;
	v24 =	vmin.u32 v2, v62  }
0xf9: {  	v18 =	vmin.u32 v2, v18;
	v13 =	vmin.u32 v2, v13;
	v49 =	vshll.u32 v24, v3  }
0xfa: {  	v4 =	vmul.f32 v63, v16;
	v7 =	vadd.s32 v1, v49;
	v49 =	vadd.s32 v26, v53  }
0xfb: {  	v17 =	vsub.f32 $1.000000000e+00, v16;
	v61 =	vcvt.f32.s32 v60;
	v62 =	vcvt.s32.f32 v49  }
0xfc: {  	v15 =	vadd.s32 v18, v21;
	v21 =	vadd.s32 v13, v21;
	v14 =	vadd.s32 v18, v7  }
0xfd: {  	v18 =	vadd.s32 v61, v50;
	v7 =	vadd.s32 v13, v7;
	v13 =	vmul.f32 v17, v63  }
0xfe: {  	v16 =	vmul.f32 v16, v51;
	vm12 =	vgt.s32 v49, $0x0;
	[tilespmem:v22+s9+$0x0] =	vst.idx.msk $0xffff, v15;
	v15 =	vcvt.s32.f32 v18  }
0xff: {  	v6 =	vsub.f32 v6, v62;
	v17 =	vmul.f32 v17, v51;
	[tilespmem:v32+s10+$0x0] =	vst.idx.msk $0xffff, v13;
	v13 =	vadd.s32 $0x1, v49  }
0x100: {  	vm14 =	vgt.s32 v18, $0x0;
	v5 =	vsub.f32 v5, v15;
	[tilespmem:v33+s9+$0x0] =	vst.idx.msk $0xffff, v21;
	vm13 =	vgt.s32 v13, $0x0  }
0x101: {  	v15 =	vsub.f32 $1.000000000e+00, v6;
	v21 =	vnsel vm12, $0x0, v49;
	[tilespmem:v34+s10+$0x0] =	vst.idx.msk $0xffff, v4;
	v13 =	vnsel vm13, $0x0, v13  }
0x102: {  	v63 =	vsub.f32 $1.000000000e+00, v5;
	[tilespmem:v35+s9+$0x0] =	vst.idx.msk $0xffff, v14;
	v14 =	vmin.u32 v2, v21;
	v13 =	vmin.u32 v2, v13  }
0x103: {  	[tilespmem:v36+s10+$0x0] =	vst.idx.msk $0xffff, v17;
	v17 =	vnsel vm14, $0x0, v18;
	v18 =	vadd.s32 $0x1, v18;
	v14 =	vshll.u32 v14, v3  }
0x104: {  	[tilespmem:v37+s9+$0x0] =	vst.idx.msk $0xffff, v7;
	v7 =	vmin.u32 v2, v17;
	vm15 =	vgt.s32 v18, $0x0;
	v14 =	vadd.s32 v1, v14  }
0x105: {  	[tilespmem:v38+s10+$0x0] =	vst.idx.msk $0xffff, v16;
	v16 =	vnsel vm15, $0x0, v18;
	v17 =	vadd.s32 v7, v14;
	v18 =	vmul.f32 v63, v15  }
0x106: {  	v3 =	vshll.u32 v13, v3;
	v2 =	vmin.u32 v2, v16;
	[tilespmem:v41+s9+$0x0] =	vst.idx.msk $0x1, v17  }
0x107: {  	[tilespmem:v42+s10+$0x0] =	vst.idx.msk $0x1, v18;
	v13 =	vadd.s32 v2, v14;
	v14 =	vmul.f32 v15, v5  }
0x108: {  	v1 =	vadd.s32 v1, v3;
	[tilespmem:v43+s9+$0x0] =	vst.idx.msk $0x1, v13  }
0x109: {  	v4 =	vmul.f32 v63, v6;
	v3 =	vadd.s32 v7, v1;
	[tilespmem:v44+s10+$0x0] =	vst.idx.msk $0x1, v14  }
0x10a: {  	[tilespmem:v45+s9+$0x0] =	vst.idx.msk $0x1, v3  }
0x10b: {  	v1 =	vadd.s32 v2, v1;
	v2 =	vmul.f32 v5, v6;
	[tilespmem:v46+s10+$0x0] =	vst.idx.msk $0x1, v4  }
.Ltmp2:
0x10c: {  	[tilespmem:v47+s9+$0x0] =	vst.idx.msk $0x1, v1;
	(pc) =	sbr.rel .LBB2_2-.Ltmp2, $4  }
0x10d: {  	s23 =	simm.s32 $0x8A0;
	[tilespmem:v48+s10+$0x0] =	vst.idx.msk $0x1, v2  }
0x10e: {  	[tilespmem:s23], [sflag:$0x1] =	stream.indirect.gather [hbm4b:s29+s31], $0x100, s9, s31, $0xb8;
	[tilespmem:$0x1D9A0] =	vst v63  }
0x10f: {  	s24 =	simm.s32 $0x148;
	s25 =	simm.s32 $0x70A0;
	v58 =	vimm.s32 $0x5400;
	s23 =	simm.s32 $0x0  }
0x110: {  	v59 =	vimm.s32 $0xF;
	v57 =	vimm.f32 $3.125000000e-02;
	v56 =	vimm.s32 $0x4;
	[tilespmem:s25], [sflag:$0x1] =	stream.indirect.gather [hbm4b:s29+s31], $0x100, s24, s31, $0xb8;
	[tilespmem:$0x1D9A0] =	vst v63  }
.LBB2_16:
0x111: {  	s23 =	sadd.s32 $0x1, s23  }
0x112: {  	p0 =	sne.s32 s23, $0x10  }
.Ltmp3:
0x113: {  	_ = 	snop;
	(pc) =	sbr.rel @!p0 .LBB2_17-.Ltmp3, $1  }
0x114: {  	_ =	sdelay $0x3  }
.LBB2_2:
0x115: {  	s0 =	sshll.u32 s23, $0x1  }
0x116: {  	s1 =	sor.u32 s30, s0  }
0x117: {  	p0 =	sgt.u32 s1, $0x3E7  }
.Ltmp4:
0x118: {  	_ = 	snop;
	(pc) =	sbr.rel @p0 .LBB2_8-.Ltmp4, $2  }
0x119: {  	_ =	sdelay $0x2  }
0x11a: {  	s0 =	sshllo.u32 s23, $0x1  }
0x11b: {  	s22 =	smul.u32 $0x7, s0;
	_ =	sdelay $0x1  }
0x11c: {  	v1 =	vmov s22  }
0x11d: {  	v2 =	vadd.s32 $0x1, v1  }
0x11e: {  	v3 =	vadd.s32 $0x2, v1  }
0x11f: {  	v4 =	vadd.s32 $0x3, v1  }
0x120: {  	v1 =	vadd.s32 $0x4, v1  }
0x121: {  	s12 =	simm.s32 $0x0  }
0x122: {  	v2 =	vld.idx.msk [tilespmem:v2+s12+$0x0], $0xffff  }
0x123: {  	v3 =	vld.idx.msk [tilespmem:v3+s12+$0x0], $0xffff  }
0x124: {  	v4 =	vld.idx.msk [tilespmem:v4+s12+$0x0], $0xffff  }
0x125: {  	v1 =	vld.idx.msk [tilespmem:v1+s12+$0x0], $0xffff;
	_ =	sdelay $0x4  }
0x126: {  	v5 =	vsub.f32 v4, v2;
	v6 =	vsub.f32 v1, v3;
	_ =	sdelay $0x1  }
0x127: {  	v5 =	vmul.f32 v6, v5;
	_ =	sdelay $0x1  }
0x128: {  	vm0 =	vgt.f32 v5, $2.304000000e+03;
	vm1 =	vgt.f32 v5, $9.216000000e+03  }
0x129: {  	vm12 =	vgt.f32 v5, $3.686400000e+04;
	v6 =	vsel vm0, $0x1, v0;
	v7 =	vsel vm1, $0x1, v0  }
0x12a: {  	v60 =	vadd.s32 v7, v6;
	v6 =	vsel vm12, $0x1, v0  }
0x12b: {  	v5 =	vadd.s32 v6, v60  }
0x12c: {  	vm2 =	veq.s32 v5, $0x2  }
0x12d: {  	vm13 =	veq.s32 v5, $0x1;
	v6 =	vsel vm2, $0x3D800000, v57  }
0x12e: {  	vm14 =	veq.s32 v5, $0x0;
	v61 =	vsel vm13, $0x3E000000, v6  }
0x12f: {  	v7 =	vsel vm14, $0x3E800000, v61  }
0x130: {  	v6 =	vmul.f32 v7, v3;
	v1 =	vmul.f32 v7, v1  }
0x131: {  	v5 =	vmul.f32 v7, v2;
	v2 =	vmul.f32 v7, v4  }
0x132: {  	v1 =	vsub.f32 v1, v6  }
0x133: {  	v2 =	vsub.f32 v2, v5  }
0x134: {  	v50 =	vmul.f32 v1, v54  }
0x135: {  	v49 =	vmul.f32 v2, v54  }
0x136: {  	v1 =	vmul.f32 v11, v50  }
0x137: {  	v14 =	vsel vm2, $0x1F, v59;
	v2 =	vmul.f32 v12, v49  }
0x138: {  	v18 =	vsel vm2, $0x5, v56;
	v51 =	vmul.f32 v20, v49;
	v1 =	vadd.f32 v1, v6  }
0x139: {  	v57 =	vadd.s32 $0x310, v10;
	v59 =	vadd.s32 $0x311, v10;
	v2 =	vadd.f32 v2, v5  }
0x13a: {  	v23 =	vmul.f32 v29, v50;
	v51 =	vadd.f32 v51, v5;
	v3 =	vadd.f32 $-5.000000000e-01, v1  }
0x13b: {  	v18 =	vsel vm13, $0x6, v18;
	v61 =	vadd.s32 $0xD2, v9;
	v62 =	vadd.f32 $-5.000000000e-01, v2  }
0x13c: {  	v23 =	vadd.f32 v23, v6;
	v51 =	vadd.f32 $-5.000000000e-01, v51;
	v1 =	vtrunc.f32 v3  }
0x13d: {  	v2 =	vcvt.f32.s32 v1;
	vm3 =	vlt.f32 v3, v1;
	v1 =	vtrunc.f32 v62  }
0x13e: {  	v23 =	vadd.f32 $-5.000000000e-01, v23;
	v7 =	vsel vm3, $0xFFFFFFFF, v0;
	v13 =	vcvt.f32.s32 v1  }
0x13f: {  	vm15 =	vlt.f32 v62, v1;
	v1 =	vsel vm2, $0x5000, v58;
	v7 =	vadd.s32 v2, v7  }
0x140: {  	v58 =	vadd.s32 $0xD1, v9;
	v2 =	vsel vm15, $0xFFFFFFFF, v0;
	v15 =	vcvt.s32.f32 v7  }
0x141: {  	v1 =	vsel vm13, $0x4000, v1;
	v13 =	vadd.s32 v13, v2;
	v2 =	vsel vm13, $0x3F, v14  }
0x142: {  	v1 =	vsel vm14, $0x0, v1;
	v15 =	vsub.f32 v3, v15;
	v3 =	vadd.s32 $0x1, v7  }
0x143: {  	vm6 =	vgt.s32 v7, $0x0;
	v14 =	vcvt.s32.f32 v13;
	vm7 =	vgt.s32 v3, $0x0  }
0x144: {  	v2 =	vsel vm14, $0x7F, v2;
	vm8 =	vgt.s32 v13, $0x0;
	v3 =	vnsel vm7, $0x0, v3  }
0x145: {  	v4 =	vsub.f32 v62, v14;
	v17 =	vmin.u32 v2, v3;
	v3 =	vadd.s32 $0x1, v13  }
0x146: {  	v7 =	vnsel vm6, $0x0, v7;
	v14 =	vsub.f32 $1.000000000e+00, v15;
	vm9 =	vgt.s32 v3, $0x0  }
0x147: {  	v16 =	vsub.f32 $1.000000000e+00, v4;
	v13 =	vnsel vm8, $0x0, v13;
	v3 =	vnsel vm9, $0x0, v3  }
0x148: {  	v21 =	vmin.u32 v2, v3;
	v3 =	vsel vm14, $0x7, v18;
	v18 =	vmul.f32 v19, v50  }
0x149: {  	v7 =	vmin.u32 v2, v7;
	v62 =	vadd.s32 $0x312, v10;
	v13 =	vmin.u32 v2, v13  }
0x14a: {  	v53 =	vmul.f32 v16, v14;
	v14 =	vmul.f32 v14, v4;
	v18 =	vadd.f32 v18, v6  }
0x14b: {  	v16 =	vmul.f32 v16, v15;
	v4 =	vmul.f32 v4, v15;
	v7 =	vshll.u32 v7, v3  }
0x14c: {  	v17 =	vshll.u32 v17, v3;
	v7 =	vadd.s32 v1, v7;
	v18 =	vadd.f32 $-5.000000000e-01, v18  }
0x14d: {  	v17 =	vadd.s32 v1, v17;
	v52 =	vadd.s32 v13, v7;
	v7 =	vadd.s32 v21, v7  }
0x14e: {  	v13 =	vadd.s32 v13, v17;
	v17 =	vadd.s32 v21, v17;
	v15 =	vtrunc.f32 v18  }
0x14f: {  	v21 =	vcvt.f32.s32 v15;
	vm10 =	vlt.f32 v18, v15;
	v15 =	vtrunc.f32 v51  }
0x150: {  	v55 =	vsel vm10, $0xFFFFFFFF, v0;
	v63 =	vcvt.f32.s32 v15;
	vm11 =	vlt.f32 v51, v15  }
0x151: {  	v15 =	vadd.s32 $0xD0, v9;
	v21 =	vadd.s32 v21, v55;
	v24 =	vsel vm11, $0xFFFFFFFF, v0  }
0x152: {  	v55 =	vadd.s32 v63, v24;
	v25 =	vcvt.s32.f32 v21;
	vm12 =	vgt.s32 v21, $0x0  }
0x153: {  	v26 =	vadd.s32 $0x1, v21;
	v24 =	vmul.f32 v30, v49;
	v60 =	vcvt.s32.f32 v55  }
0x154: {  	v21 =	vnsel vm12, $0x0, v21;
	vm13 =	vgt.s32 v26, $0x0;
	vm14 =	vgt.s32 v55, $0x0  }
0x155: {  	v22 =	vadd.s32 $0x1, v55;
	v18 =	vsub.f32 v18, v25;
	v21 =	vmin.u32 v2, v21  }
0x156: {  	v56 =	vnsel vm13, $0x0, v26;
	v55 =	vnsel vm14, $0x0, v55;
	vm15 =	vgt.s32 v22, $0x0  }
0x157: {  	v24 =	vadd.f32 v24, v5;
	v26 =	vtrunc.f32 v23;
	v51 =	vsub.f32 v51, v60  }
0x158: {  	v56 =	vmin.u32 v2, v56;
	v55 =	vmin.u32 v2, v55;
	v22 =	vnsel vm15, $0x0, v22  }
0x159: {  	v21 =	vshll.u32 v21, v3;
	v27 =	vcvt.f32.s32 v26;
	vm4 =	vlt.f32 v23, v26  }
0x15a: {  	v60 =	vsub.f32 $1.000000000e+00, v18;
	v22 =	vmin.u32 v2, v22;
	v21 =	vadd.s32 v1, v21  }
0x15b: {  	v56 =	vshll.u32 v56, v3;
	v24 =	vadd.f32 $-5.000000000e-01, v24;
	v63 =	vsub.f32 $1.000000000e+00, v51  }
0x15c: {  	v56 =	vadd.s32 v1, v56;
	v25 =	vadd.s32 v55, v21;
	v21 =	vadd.s32 v22, v21  }
0x15d: {  	v55 =	vadd.s32 v55, v56;
	v22 =	vadd.s32 v22, v56;
	v26 =	vtrunc.f32 v24  }
0x15e: {  	s5 =	simm.s32 $0x280;
	[tilespmem:v15+s9+$0x0] =	vst.idx.msk $0xffff, v52;
	v56 =	vmul.f32 v63, v60;
	v31 =	vcvt.f32.s32 v26;
	vm5 =	vlt.f32 v24, v26  }
0x15f: {  	[tilespmem:v57+s5+$0x0] =	vst.idx.msk $0xffff, v53;
	v26 =	vmul.f32 v60, v51;
	v60 =	vmul.f32 v63, v18;
	v63 =	vadd.s32 $0xD3, v9  }
0x160: {  	v15 =	vadd.s32 $0x313, v10;
	[tilespmem:v58+s9+$0x0] =	vst.idx.msk $0xffff, v7  }
0x161: {  	v28 =	vsel vm4, $0xFFFFFFFF, v0;
	[tilespmem:v59+s5+$0x0] =	vst.idx.msk $0xffff, v14  }
0x162: {  	v27 =	vadd.s32 v27, v28;
	[tilespmem:v61+s9+$0x0] =	vst.idx.msk $0xffff, v13  }
0x163: {  	v7 =	vadd.s32 $0x411, v10;
	v57 =	vadd.s32 $0x1, v27;
	[tilespmem:v62+s5+$0x0] =	vst.idx.msk $0xffff, v16  }
0x164: {  	vm6 =	vgt.s32 v27, $0x0;
	v18 =	vmul.f32 v51, v18;
	vm7 =	vgt.s32 v57, $0x0;
	[tilespmem:v63+s9+$0x0] =	vst.idx.msk $0xffff, v17  }
0x165: {  	v28 =	vsel vm5, $0xFFFFFFFF, v0;
	v14 =	vnsel vm7, $0x0, v57;
	v16 =	vadd.s32 $0x412, v10;
	[tilespmem:v15+s5+$0x0] =	vst.idx.msk $0xffff, v4;
	v15 =	vld [tilespmem:$0x1FF80]  }
0x166: {  	v28 =	vadd.s32 v31, v28;
	v31 =	vcvt.s32.f32 v27;
	v27 =	vnsel vm6, $0x0, v27  }
0x167: {  	v14 =	vmin.u32 v2, v14;
	v51 =	vcvt.s32.f32 v28;
	vm8 =	vgt.s32 v28, $0x0  }
0x168: {  	v59 =	vadd.s32 $0x1, v28;
	v27 =	vmin.u32 v2, v27;
	v14 =	vshll.u32 v14, v3  }
0x169: {  	v62 =	vld [tilespmem:$0x1FF90];
	v23 =	vsub.f32 v23, v31;
	v31 =	vadd.s32 $0x410, v10;
	v24 =	vsub.f32 v24, v51  }
0x16a: {  	v13 =	vnsel vm8, $0x0, v28;
	vm9 =	vgt.s32 v59, $0x0;
	v28 =	vmul.f32 v39, v50  }
0x16b: {  	v53 =	vld [tilespmem:$0x1FFA0];
	v27 =	vshll.u32 v27, v3;
	v58 =	vsub.f32 $1.000000000e+00, v23;
	v17 =	vsub.f32 $1.000000000e+00, v24  }
0x16c: {  	v14 =	vadd.s32 v1, v14;
	v6 =	vadd.f32 v28, v6;
	v28 =	vmul.f32 v40, v49  }
0x16d: {  	v57 =	vnsel vm9, $0x0, v59;
	[tilespmem:v15+s9+$0x0] =	vst.idx.msk $0xffff, v25;
	v15 =	vmul.f32 v17, v58;
	v25 =	vmul.f32 v58, v24;
	v58 =	vld [tilespmem:$0x1FFB0]  }
0x16e: {  	v13 =	vmin.u32 v2, v13;
	v59 =	vmin.u32 v2, v57;
	v6 =	vadd.f32 $-5.000000000e-01, v6  }
0x16f: {  	v27 =	vadd.s32 v1, v27;
	v4 =	vadd.s32 v59, v14;
	v5 =	vadd.f32 v28, v5  }
0x170: {  	v28 =	vadd.s32 v13, v27;
	v13 =	vadd.s32 v13, v14;
	v61 =	vtrunc.f32 v6;
	[tilespmem:v31+s5+$0x0] =	vst.idx.msk $0xffff, v56  }
0x171: {  	v14 =	vadd.s32 $0x413, v10;
	vm10 =	vlt.f32 v6, v61;
	[tilespmem:v62+s9+$0x0] =	vst.idx.msk $0xffff, v21;
	v21 =	vcvt.f32.s32 v61  }
0x172: {  	v31 =	vadd.s32 $0x156, v9;
	[tilespmem:v7+s5+$0x0] =	vst.idx.msk $0xffff, v26;
	v7 =	vsel vm10, $0xFFFFFFFF, v0  }
0x173: {  	[tilespmem:v53+s9+$0x0] =	vst.idx.msk $0xffff, v55;
	v7 =	vadd.s32 v21, v7;
	v21 =	vadd.s32 $0x510, v10  }
0x174: {  	v5 =	vadd.f32 $-5.000000000e-01, v5;
	[tilespmem:v16+s5+$0x0] =	vst.idx.msk $0xffff, v60;
	v16 =	vadd.s32 $0x157, v9  }
0x175: {  	v17 =	vmul.f32 v17, v23;
	[tilespmem:v58+s9+$0x0] =	vst.idx.msk $0xffff, v22;
	v22 =	vmul.f32 v24, v23;
	v23 =	vadd.s32 $0x511, v10  }
0x176: {  	v63 =	vtrunc.f32 v5;
	[tilespmem:v14+s5+$0x0] =	vst.idx.msk $0xffff, v18;
	v14 =	vadd.s32 $0x158, v9  }
0x177: {  	vm11 =	vlt.f32 v5, v63;
	v52 =	vcvt.f32.s32 v63;
	[tilespmem:v31+s9+$0x0] =	vst.idx.msk $0xffff, v28  }
0x178: {  	v27 =	vadd.s32 v59, v27;
	v56 =	vsel vm11, $0xFFFFFFFF, v0;
	[tilespmem:v21+s5+$0x0] =	vst.idx.msk $0xffff, v15;
	v21 =	vadd.s32 $0x1, v7  }
0x179: {  	v26 =	vadd.s32 v52, v56;
	vm12 =	vgt.s32 v7, $0x0;
	[tilespmem:v16+s9+$0x0] =	vst.idx.msk $0xffff, v27;
	vm13 =	vgt.s32 v21, $0x0  }
0x17a: {  	v57 =	vcvt.s32.f32 v7;
	v7 =	vnsel vm12, $0x0, v7;
	[tilespmem:v23+s5+$0x0] =	vst.idx.msk $0xffff, v25;
	v21 =	vnsel vm13, $0x0, v21  }
0x17b: {  	v7 =	vmin.u32 v2, v7;
	[tilespmem:v14+s9+$0x0] =	vst.idx.msk $0xffff, v13;
	v13 =	vmin.u32 v2, v21  }
0x17c: {  	v18 =	vadd.s32 $0x512, v10;
	v7 =	vshll.u32 v7, v3;
	v3 =	vshll.u32 v13, v3;
	v13 =	vld [tilespmem:$0x1FFC0]  }
0x17d: {  	v59 =	vcvt.s32.f32 v26;
	v60 =	vadd.s32 $0x513, v10;
	v28 =	vadd.s32 $0x159, v9  }
0x17e: {  	v6 =	vsub.f32 v6, v57;
	v61 =	vadd.s32 v1, v7;
	v1 =	vadd.s32 v1, v3;
	v3 =	vld [tilespmem:$0x1FFD0]  }
0x17f: {  	v5 =	vsub.f32 v5, v59  }
0x180: {  	vm14 =	vgt.s32 v26, $0x0;
	v15 =	vsub.f32 $1.000000000e+00, v6;
	v21 =	vadd.s32 $0x610, v10  }
0x181: {  	v16 =	vsub.f32 $1.000000000e+00, v5;
	v14 =	vnsel vm14, $0x0, v26;
	[tilespmem:v18+s5+$0x0] =	vst.idx.msk $0xffff, v17;
	v17 =	vadd.s32 $0x1, v26  }
0x182: {  	v7 =	vadd.s32 $0x611, v10;
	v14 =	vmin.u32 v2, v14;
	[tilespmem:v28+s9+$0x0] =	vst.idx.msk $0xffff, v4;
	vm15 =	vgt.s32 v17, $0x0  }
0x183: {  	v18 =	vadd.s32 v14, v61;
	[tilespmem:v60+s5+$0x0] =	vst.idx.msk $0xffff, v22;
	v17 =	vnsel vm15, $0x0, v17;
	v22 =	vmul.f32 v16, v15  }
0x184: {  	v2 =	vmin.u32 v2, v17;
	[tilespmem:v13+s9+$0x0] =	vst.idx.msk $0x1, v18  }
0x185: {  	v15 =	vmul.f32 v15, v5;
	v4 =	vadd.s32 v2, v61;
	[tilespmem:v21+s5+$0x0] =	vst.idx.msk $0x1, v22  }
0x186: {  	[tilespmem:v3+s9+$0x0] =	vst.idx.msk $0x1, v4  }
0x187: {  	[tilespmem:v7+s5+$0x0] =	vst.idx.msk $0x1, v15;
	v7 =	vld [tilespmem:$0x1FFE0];
	_ =	sdelay $0x1  }
0x188: {  	v63 =	vld [tilespmem:$0x1FFF0];
	_ =	sdelay $0x1  }
0x189: {  	v13 =	vadd.s32 $0x612, v10;
	_ =	sdelay $0x1  }
0x18a: {  	v3 =	vadd.s32 $0x613, v10  }
0x18b: {  	v62 =	vadd.s32 v14, v1;
	v14 =	vmul.f32 v16, v6  }
0x18c: {  	[tilespmem:v7+s9+$0x0] =	vst.idx.msk $0x1, v62  }
0x18d: {  	v1 =	vadd.s32 v2, v1;
	v2 =	vmul.f32 v5, v6;
	[tilespmem:v13+s5+$0x0] =	vst.idx.msk $0x1, v14  }
0x18e: {  	[tilespmem:v63+s9+$0x0] =	vst.idx.msk $0x1, v1  }
0x18f: {  	s24 =	simm.s32 $0x1B0;
	s25 =	simm.s32 $0xD8A0;
	[tilespmem:v3+s5+$0x0] =	vst.idx.msk $0x1, v2  }
0x190: {  	[tilespmem:s25], [sflag:$0x1] =	stream.indirect.gather [hbm4b:s29+s31], $0x100, s24, s31, $0xb8;
	[tilespmem:$0x1D9A0] =	vst v63  }
0x191: {  	[dreg:$0xa] =	wrdreg s1;
	s26 =	simm.s32 $0x218;
	s28 =	simm.s32 $0x140A0  }
0x192: {  	[tilespmem:s28], [sflag:$0x1] =	stream.indirect.gather [hbm4b:s29+s31], $0x100, s26, s31, $0xb8;
	[tilespmem:$0x1D9A0] =	vst v63  }
0x193: {  	[dreg:$0x9] =	wrdreg s0;
	s29 =	simm.s32 $0x1  }
0x194: {  	_ =	swait.ge [sflag:s29], $0x6800  }
0x195: {  	[sflag:s29] =	ssyncset.done $0x0  }
0x196: {  	[sflag:s29] =	ssyncadd.s32 $0xFFFF9800  }
0x197: {  	s4 =	simm.s32 $0x7D7;
	s30 =	simm.s32 $0x53A;
	_ =	swait.ge [sflag:s29], $0x6800  }
0x198: {  	s0 =	simm.s32 $0x0;
	s3 =	simm.s32 $0x0;
	[sflag:s29] =	ssyncset.done $0x0  }
0x199: {  	s6 =	simm.s32 $0x0;
	s31 =	simm.s32 $0x29D;
	[sflag:s29] =	ssyncadd.s32 $0xFFFF9800  }
.LBB2_4:
0x19a: {  	s1 =	sshra.s32 s3, $0x2;
	s2 =	sshrl.u32 s4, $0x10  }
0x19b: {  	s7 =	sshrl.u32 s0, $0x10;
	s22 =	sshrl.u32 s31, $0x10;
	s8 =	smul.u32 $0x1800, s2  }
0x19c: {  	s24 =	sshrl.u32 s30, $0x10;
	s1 =	sadd.s32 $0x8A0, s1;
	s7 =	smul.u32 $0x1800, s7  }
0x19d: {  	s2 =	smul.u32 $0x1800, s22;
	[dreg:$0x3] =	wrdreg s1;
	s13 =	sadd.s32 s8, s3  }
0x19e: {  	s1 =	smul.u32 $0x1800, s24;
	s7 =	sadd.s32 s7, s3;
	s13 =	sshra.s32 s13, $0x2  }
0x19f: {  	v1 =	vld [tilespmem:s5+$0x0];
	s11 =	rddreg [dreg:$0x3];
	s14 =	sadd.s32 $0x0, s7;
	s7 =	sadd.s32 $0x8A0, s13  }
0x1a0: {  	s11 =	sadd.s32 $0x0, s11;
	s25 =	sshrl.u32 s1, $0x2;
	s22 =	sshra.s32 s14, $0x2;
	v2 =	vld [tilespmem:s7+$0x300]  }
0x1a1: {  	s26 =	sshrl.u32 s2, $0x2;
	s16 =	sadd.s32 s11, s25;
	v3 =	vld [tilespmem:s22+$0x8A0]  }
0x1a2: {  	s15 =	sadd.s32 s26, s11;
	v4 =	vld [tilespmem:s16+$0x200]  }
0x1a3: {  	v5 =	vld [tilespmem:s15+$0x100];
	_ =	sdelay $0x1  }
0x1a4: {  	v59 =	vbroadcast v1, $0x3;
	v62 =	vbroadcast v1, $0x0  }
0x1a5: {  	v61 =	vbroadcast v1, $0x1;
	v60 =	vbroadcast v1, $0x2  }
0x1a6: {  	v58 =	vmul.u32 $0x31, v8;
	v1 =	vmul.f32 v2, v59;
	v2 =	vmul.f32 v62, v3  }
0x1a7: {  	v3 =	vmul.f32 v5, v61;
	v4 =	vmul.f32 v4, v60  }
0x1a8: {  	v5 =	vadd.s32 s12, v58  }
0x1a9: {  	v2 =	vadd.f32 v3, v2;
	v1 =	vadd.f32 v1, v4;
	_ =	sdelay $0x1  }
0x1aa: {  	v1 =	vadd.f32 v1, v2  }
0x1ab: {  	s8 =	sshrl.u32 s8, $0x2  }
0x1ac: {  	s17 =	sadd.s32 s11, s8;
	[tilespmem:v5+s20+$0x0] =	vst.idx.msk $0xffff, v1  }
0x1ad: {  	v1 =	vld [tilespmem:s17+$0x310]  }
0x1ae: {  	v2 =	vld [tilespmem:s22+$0x8B0]  }
0x1af: {  	v3 =	vld [tilespmem:s15+$0x110]  }
0x1b0: {  	v4 =	vld [tilespmem:s16+$0x210];
	_ =	sdelay $0x3  }
0x1b1: {  	v1 =	vmul.f32 v1, v59;
	v2 =	vmul.f32 v2, v62  }
0x1b2: {  	v63 =	vadd.s32 $0x310, v58;
	v3 =	vmul.f32 v3, v61;
	v4 =	vmul.f32 v4, v60  }
0x1b3: {  	v5 =	vadd.s32 s12, v63  }
0x1b4: {  	v2 =	vadd.f32 v3, v2;
	v1 =	vadd.f32 v1, v4;
	_ =	sdelay $0x1  }
0x1b5: {  	v1 =	vadd.f32 v1, v2;
	_ =	sdelay $0x1  }
0x1b6: {  	[tilespmem:v5+s20+$0x0] =	vst.idx.msk $0xffff, v1  }
0x1b7: {  	v1 =	vld [tilespmem:s22+$0x8C0]  }
0x1b8: {  	v2 =	vld [tilespmem:s16+$0x220]  }
0x1b9: {  	v3 =	vld [tilespmem:s15+$0x120]  }
0x1ba: {  	v4 =	vld [tilespmem:s17+$0x320];
	_ =	sdelay $0x3  }
0x1bb: {  	v5 =	vmul.f32 v1, v62;
	v2 =	vmul.f32 v2, v60  }
0x1bc: {  	v1 =	vadd.s32 $0x620, v58;
	v3 =	vmul.f32 v3, v61;
	v4 =	vmul.f32 v4, v59  }
0x1bd: {  	v6 =	vadd.s32 s12, v1  }
0x1be: {  	v3 =	vadd.f32 v3, v5;
	v2 =	vadd.f32 v4, v2;
	_ =	sdelay $0x1  }
0x1bf: {  	v2 =	vadd.f32 v2, v3;
	_ =	sdelay $0x1  }
0x1c0: {  	[tilespmem:v6+s20+$0x0] =	vst.idx.msk $0xffff, v2  }
0x1c1: {  	v2 =	vld [tilespmem:s22+$0x8D0]  }
0x1c2: {  	v3 =	vld [tilespmem:s15+$0x130]  }
0x1c3: {  	v4 =	vld [tilespmem:s16+$0x230]  }
0x1c4: {  	v5 =	vld [tilespmem:s17+$0x330];
	_ =	sdelay $0x3  }
0x1c5: {  	v6 =	vmul.f32 v2, v62;
	v3 =	vmul.f32 v3, v61  }
0x1c6: {  	v2 =	vadd.s32 $0x930, v58;
	v4 =	vmul.f32 v4, v60;
	v5 =	vmul.f32 v5, v59  }
0x1c7: {  	v7 =	vadd.s32 s12, v2  }
0x1c8: {  	v3 =	vadd.f32 v3, v6;
	v4 =	vadd.f32 v5, v4;
	_ =	sdelay $0x1  }
0x1c9: {  	v3 =	vadd.f32 v4, v3;
	_ =	sdelay $0x1  }
0x1ca: {  	[tilespmem:v7+s20+$0x0] =	vst.idx.msk $0xffff, v3  }
0x1cb: {  	v3 =	vld [tilespmem:s22+$0x8E0]  }
0x1cc: {  	v4 =	vld [tilespmem:s15+$0x140]  }
0x1cd: {  	v5 =	vld [tilespmem:s16+$0x240]  }
0x1ce: {  	v6 =	vld [tilespmem:s17+$0x340];
	_ =	sdelay $0x3  }
0x1cf: {  	v7 =	vmul.f32 v3, v62;
	v4 =	vmul.f32 v4, v61  }
0x1d0: {  	v3 =	vadd.s32 $0xC40, v58;
	v5 =	vmul.f32 v5, v60;
	v6 =	vmul.f32 v6, v59  }
0x1d1: {  	v13 =	vadd.s32 s12, v3  }
0x1d2: {  	v4 =	vadd.f32 v4, v7;
	v5 =	vadd.f32 v6, v5;
	_ =	sdelay $0x1  }
0x1d3: {  	v4 =	vadd.f32 v5, v4;
	_ =	sdelay $0x1  }
0x1d4: {  	[tilespmem:v13+s20+$0x0] =	vst.idx.msk $0xffff, v4  }
0x1d5: {  	v4 =	vld [tilespmem:s22+$0x8F0]  }
0x1d6: {  	v5 =	vld [tilespmem:s16+$0x250]  }
0x1d7: {  	v6 =	vld [tilespmem:s15+$0x150]  }
0x1d8: {  	v7 =	vld [tilespmem:s17+$0x350];
	_ =	sdelay $0x3  }
0x1d9: {  	v4 =	vmul.f32 v4, v62;
	v5 =	vmul.f32 v5, v60  }
0x1da: {  	v49 =	vadd.s32 $0xF50, v58;
	v6 =	vmul.f32 v6, v61;
	v7 =	vmul.f32 v7, v59  }
0x1db: {  	v13 =	vadd.s32 s12, v49  }
0x1dc: {  	v4 =	vadd.f32 v6, v4;
	v5 =	vadd.f32 v7, v5;
	_ =	sdelay $0x1  }
0x1dd: {  	v4 =	vadd.f32 v5, v4;
	_ =	sdelay $0x1  }
0x1de: {  	[tilespmem:v13+s20+$0x0] =	vst.idx.msk $0xffff, v4  }
0x1df: {  	v4 =	vld [tilespmem:s22+$0x900]  }
0x1e0: {  	v5 =	vld [tilespmem:s15+$0x160]  }
0x1e1: {  	v6 =	vld [tilespmem:s17+$0x360]  }
0x1e2: {  	v7 =	vld [tilespmem:s16+$0x260];
	_ =	sdelay $0x3  }
0x1e3: {  	v4 =	vmul.f32 v4, v62;
	v5 =	vmul.f32 v5, v61  }
0x1e4: {  	v50 =	vadd.s32 $0x1260, v58;
	v6 =	vmul.f32 v6, v59;
	v7 =	vmul.f32 v7, v60  }
0x1e5: {  	v13 =	vadd.s32 s12, v50  }
0x1e6: {  	v4 =	vadd.f32 v5, v4;
	v5 =	vadd.f32 v6, v7;
	_ =	sdelay $0x1  }
0x1e7: {  	v4 =	vadd.f32 v5, v4;
	_ =	sdelay $0x1  }
0x1e8: {  	[tilespmem:v13+s20+$0x0] =	vst.idx.msk $0xffff, v4  }
0x1e9: {  	v4 =	vld [tilespmem:s22+$0x910]  }
0x1ea: {  	v5 =	vld [tilespmem:s15+$0x170]  }
0x1eb: {  	v6 =	vld [tilespmem:s16+$0x270]  }
0x1ec: {  	v7 =	vld [tilespmem:s17+$0x370];
	_ =	sdelay $0x3  }
0x1ed: {  	v4 =	vmul.f32 v4, v62;
	v5 =	vmul.f32 v5, v61  }
0x1ee: {  	v51 =	vadd.s32 $0x1570, v58;
	v6 =	vmul.f32 v6, v60;
	v7 =	vmul.f32 v7, v59  }
0x1ef: {  	v13 =	vadd.s32 s12, v51  }
0x1f0: {  	v4 =	vadd.f32 v5, v4;
	v5 =	vadd.f32 v7, v6;
	_ =	sdelay $0x1  }
0x1f1: {  	v4 =	vadd.f32 v5, v4;
	_ =	sdelay $0x1  }
0x1f2: {  	[tilespmem:v13+s20+$0x0] =	vst.idx.msk $0xffff, v4  }
0x1f3: {  	v4 =	vld [tilespmem:s22+$0x920]  }
0x1f4: {  	v5 =	vld [tilespmem:s15+$0x180]  }
0x1f5: {  	v6 =	vld [tilespmem:s16+$0x280]  }
0x1f6: {  	v7 =	vld [tilespmem:s17+$0x380];
	_ =	sdelay $0x3  }
0x1f7: {  	v4 =	vmul.f32 v4, v62;
	v5 =	vmul.f32 v5, v61  }
0x1f8: {  	v52 =	vadd.s32 $0x1880, v58;
	v6 =	vmul.f32 v6, v60;
	v7 =	vmul.f32 v7, v59  }
0x1f9: {  	v13 =	vadd.s32 s12, v52  }
0x1fa: {  	v4 =	vadd.f32 v5, v4;
	v5 =	vadd.f32 v7, v6;
	_ =	sdelay $0x1  }
0x1fb: {  	v4 =	vadd.f32 v5, v4;
	_ =	sdelay $0x1  }
0x1fc: {  	[tilespmem:v13+s20+$0x0] =	vst.idx.msk $0xffff, v4  }
0x1fd: {  	v4 =	vld [tilespmem:s22+$0x930]  }
0x1fe: {  	v5 =	vld [tilespmem:s15+$0x190]  }
0x1ff: {  	v6 =	vld [tilespmem:s16+$0x290]  }
0x200: {  	v7 =	vld [tilespmem:s17+$0x390];
	_ =	sdelay $0x3  }
0x201: {  	v4 =	vmul.f32 v4, v62;
	v5 =	vmul.f32 v5, v61  }
0x202: {  	v53 =	vadd.s32 $0x1B90, v58;
	v6 =	vmul.f32 v6, v60;
	v7 =	vmul.f32 v7, v59  }
0x203: {  	v13 =	vadd.s32 s12, v53  }
0x204: {  	v4 =	vadd.f32 v5, v4;
	v5 =	vadd.f32 v7, v6;
	_ =	sdelay $0x1  }
0x205: {  	v4 =	vadd.f32 v5, v4;
	_ =	sdelay $0x1  }
0x206: {  	[tilespmem:v13+s20+$0x0] =	vst.idx.msk $0xffff, v4  }
0x207: {  	v4 =	vld [tilespmem:s15+$0x1A0]  }
0x208: {  	v5 =	vld [tilespmem:s16+$0x2A0]  }
0x209: {  	v6 =	vld [tilespmem:s22+$0x940]  }
0x20a: {  	v7 =	vld [tilespmem:s17+$0x3A0];
	_ =	sdelay $0x3  }
0x20b: {  	v4 =	vmul.f32 v4, v61;
	v5 =	vmul.f32 v5, v60  }
0x20c: {  	v55 =	vadd.s32 $0x1EA0, v58;
	v6 =	vmul.f32 v6, v62;
	v7 =	vmul.f32 v7, v59  }
0x20d: {  	v13 =	vadd.s32 s12, v55  }
0x20e: {  	v4 =	vadd.f32 v4, v6;
	v5 =	vadd.f32 v7, v5;
	_ =	sdelay $0x1  }
0x20f: {  	v4 =	vadd.f32 v5, v4;
	_ =	sdelay $0x1  }
0x210: {  	[tilespmem:v13+s20+$0x0] =	vst.idx.msk $0xffff, v4  }
0x211: {  	v4 =	vld [tilespmem:s22+$0x950]  }
0x212: {  	v5 =	vld [tilespmem:s15+$0x1B0]  }
0x213: {  	v6 =	vld [tilespmem:s16+$0x2B0]  }
0x214: {  	v7 =	vld [tilespmem:s17+$0x3B0];
	_ =	sdelay $0x3  }
0x215: {  	v4 =	vmul.f32 v4, v62;
	v13 =	vmul.f32 v5, v61  }
0x216: {  	v5 =	vadd.s32 $0x21B0, v58;
	v6 =	vmul.f32 v6, v60;
	v7 =	vmul.f32 v7, v59  }
0x217: {  	v14 =	vadd.s32 s12, v5  }
0x218: {  	v4 =	vadd.f32 v13, v4;
	v6 =	vadd.f32 v7, v6;
	_ =	sdelay $0x1  }
0x219: {  	v4 =	vadd.f32 v6, v4;
	_ =	sdelay $0x1  }
0x21a: {  	[tilespmem:v14+s20+$0x0] =	vst.idx.msk $0xffff, v4  }
0x21b: {  	s21 =	sadd.s32 $0x1, s12;
	s28 =	smov.u32 s5;
	v7 =	vld [tilespmem:s17+$0x3C0]  }
0x21c: {  	s29 =	smov.u32 s4;
	s18 =	sadd.s32 s2, s3;
	s2 =	sadd.s32 $0xA74, s0;
	v4 =	vld [tilespmem:s22+$0x960]  }
0x21d: {  	s14 =	simm.s32 $0x1000;
	s13 =	sadd.s32 s1, s3;
	s1 =	simm.s32 $0x8A0;
	v13 =	vld [tilespmem:s15+$0x1C0]  }
0x21e: {  	v57 =	vadd.s32 $0x27D0, v58;
	v56 =	vadd.s32 $0x2AE0, v58;
	s11 =	sadd.s32 $0xA74, s30;
	s8 =	sadd.s32 $0xA74, s31;
	s26 =	smov.u32 s12;
	v6 =	vadd.s32 $0x24C0, v58;
	v14 =	vld [tilespmem:s16+$0x2C0]  }
.LBB2_5:
0x21f: {  	_ =	sdelay $0x2  }
0x220: {  	v4 =	vmul.f32 v4, v62;
	v13 =	vmul.f32 v13, v61  }
0x221: {  	v14 =	vmul.f32 v14, v60;
	v7 =	vmul.f32 v7, v59  }
0x222: {  	v4 =	vadd.f32 v13, v4;
	v13 =	vadd.s32 s26, v6  }
0x223: {  	v7 =	vadd.f32 v7, v14;
	_ =	sdelay $0x1  }
0x224: {  	v4 =	vadd.f32 v7, v4;
	_ =	sdelay $0x1  }
0x225: {  	[tilespmem:v13+s20+$0x0] =	vst.idx.msk $0xffff, v4  }
0x226: {  	v4 =	vld [tilespmem:s22+$0x970]  }
0x227: {  	v7 =	vld [tilespmem:s15+$0x1D0]  }
0x228: {  	v13 =	vld [tilespmem:s17+$0x3D0]  }
0x229: {  	v14 =	vld [tilespmem:s16+$0x2D0];
	_ =	sdelay $0x3  }
0x22a: {  	v4 =	vmul.f32 v4, v62;
	v7 =	vmul.f32 v7, v61  }
0x22b: {  	v13 =	vmul.f32 v13, v59;
	v14 =	vmul.f32 v14, v60  }
0x22c: {  	v15 =	vadd.s32 s26, v57  }
0x22d: {  	v4 =	vadd.f32 v7, v4;
	v7 =	vadd.f32 v13, v14;
	_ =	sdelay $0x1  }
0x22e: {  	v4 =	vadd.f32 v7, v4;
	_ =	sdelay $0x1  }
0x22f: {  	[tilespmem:v15+s20+$0x0] =	vst.idx.msk $0xffff, v4  }
0x230: {  	v4 =	vld [tilespmem:s22+$0x980]  }
0x231: {  	v7 =	vld [tilespmem:s15+$0x1E0]  }
0x232: {  	v13 =	vld [tilespmem:s16+$0x2E0]  }
0x233: {  	v14 =	vld [tilespmem:s17+$0x3E0];
	_ =	sdelay $0x2  }
0x234: {  	v4 =	vmul.f32 v4, v62;
	v7 =	vmul.f32 v7, v61;
	_ =	sdelay $0x1  }
0x235: {  	v13 =	vmul.f32 v13, v60;
	v4 =	vadd.f32 v7, v4;
	v7 =	vmul.f32 v14, v59  }
0x236: {  	v14 =	vadd.s32 s26, v56  }
0x237: {  	v7 =	vadd.f32 v7, v13;
	_ =	sdelay $0x1  }
0x238: {  	v4 =	vadd.f32 v7, v4;
	_ =	sdelay $0x1  }
0x239: {  	s17 =	sshra.s32 s18, $0x2;
	[tilespmem:v14+s20+$0x0] =	vst.idx.msk $0xffff, v4  }
0x23a: {  	s15 =	sadd.s32 s17, s1;
	v4 =	vld [tilespmem:s22+$0x990]  }
0x23b: {  	s13 =	sshra.s32 s13, $0x2;
	v7 =	vld [tilespmem:s15+$0x1F0]  }
0x23c: {  	s22 =	sadd.s32 s13, s1;
	v14 =	vld [tilespmem:s7+$0x3F0]  }
0x23d: {  	v13 =	vld [tilespmem:s22+$0x2F0];
	_ =	sdelay $0x1  }
0x23e: {  	s24 =	sshrl.u32 s8, $0x10  }
0x23f: {  	s24 =	smul.u32 $0x1800, s24  }
0x240: {  	s29 =	sadd.s32 $0xA74, s29;
	v4 =	vmul.f32 v4, v62;
	v7 =	vmul.f32 v7, v61  }
0x241: {  	s19 =	smov.u32 s14;
	s25 =	sadd.s32 s24, s3;
	v15 =	vadd.s32 $0x2DF0, v58;
	s17 =	sshrl.u32 s2, $0x10;
	v14 =	vmul.f32 v14, v59;
	v13 =	vmul.f32 v13, v60  }
0x242: {  	s18 =	smov.u32 s25;
	v15 =	vadd.s32 s26, v15;
	s16 =	sshrl.u32 s11, $0x10;
	s1 =	smul.u32 $0x1800, s17  }
0x243: {  	s25 =	rddreg [dreg:$0x3];
	s13 =	sshrl.u32 s29, $0x10;
	s22 =	smul.u32 $0x1800, s16;
	v4 =	vadd.f32 v7, v4;
	v7 =	vadd.f32 v14, v13  }
0x244: {  	s7 =	sshra.s32 s19, $0x2;
	s15 =	sshrl.u32 s24, $0x2;
	s24 =	smul.u32 $0x1800, s13  }
0x245: {  	s25 =	sadd.s32 s7, s25;
	s13 =	sadd.s32 s22, s3;
	s22 =	sshrl.u32 s22, $0x2;
	v4 =	vadd.f32 v7, v4  }
0x246: {  	s28 =	sadd.s32 $0x10, s28;
	s17 =	sadd.s32 s24, s3;
	s16 =	sadd.s32 s25, s22  }
0x247: {  	s22 =	sadd.s32 s1, s3;
	s1 =	sadd.s32 $0x8A0, s7;
	s17 =	sshra.s32 s17, $0x2;
	[tilespmem:v15+s20+$0x0] =	vst.idx.msk $0xffff, v4  }
0x248: {  	s22 =	sadd.s32 s22, s19;
	s7 =	sadd.s32 s17, s1;
	v4 =	vld [tilespmem:s28+$0x0]  }
0x249: {  	s22 =	sshra.s32 s22, $0x2;
	v7 =	vld [tilespmem:s7+$0x300]  }
0x24a: {  	v13 =	vld [tilespmem:s22+$0x8A0]  }
0x24b: {  	s15 =	sadd.s32 s15, s25;
	v14 =	vld [tilespmem:s16+$0x200]  }
0x24c: {  	v15 =	vld [tilespmem:s15+$0x100];
	_ =	sdelay $0x1  }
0x24d: {  	v59 =	vbroadcast v4, $0x3;
	v62 =	vbroadcast v4, $0x0  }
0x24e: {  	v61 =	vbroadcast v4, $0x1;
	v60 =	vbroadcast v4, $0x2  }
0x24f: {  	v4 =	vmul.f32 v7, v59;
	v7 =	vmul.f32 v62, v13  }
0x250: {  	v13 =	vmul.f32 v15, v61;
	v14 =	vmul.f32 v14, v60  }
0x251: {  	v15 =	vadd.s32 s21, v58  }
0x252: {  	v7 =	vadd.f32 v13, v7;
	v4 =	vadd.f32 v4, v14;
	_ =	sdelay $0x1  }
0x253: {  	v4 =	vadd.f32 v4, v7  }
0x254: {  	s24 =	sshrl.u32 s24, $0x2  }
0x255: {  	s17 =	sadd.s32 s25, s24;
	[tilespmem:v15+s20+$0x0] =	vst.idx.msk $0xffff, v4  }
0x256: {  	v4 =	vld [tilespmem:s17+$0x310]  }
0x257: {  	v7 =	vld [tilespmem:s22+$0x8B0]  }
0x258: {  	v13 =	vld [tilespmem:s15+$0x110]  }
0x259: {  	v14 =	vld [tilespmem:s16+$0x210];
	_ =	sdelay $0x3  }
0x25a: {  	v4 =	vmul.f32 v4, v59;
	v7 =	vmul.f32 v7, v62  }
0x25b: {  	v13 =	vmul.f32 v13, v61;
	v14 =	vmul.f32 v14, v60  }
0x25c: {  	v15 =	vadd.s32 s21, v63  }
0x25d: {  	v7 =	vadd.f32 v13, v7;
	v4 =	vadd.f32 v4, v14;
	_ =	sdelay $0x1  }
0x25e: {  	v4 =	vadd.f32 v4, v7;
	_ =	sdelay $0x1  }
0x25f: {  	[tilespmem:v15+s20+$0x0] =	vst.idx.msk $0xffff, v4  }
0x260: {  	v4 =	vld [tilespmem:s22+$0x8C0]  }
0x261: {  	v7 =	vld [tilespmem:s16+$0x220]  }
0x262: {  	v13 =	vld [tilespmem:s15+$0x120]  }
0x263: {  	v14 =	vld [tilespmem:s17+$0x320];
	_ =	sdelay $0x3  }
0x264: {  	v4 =	vmul.f32 v4, v62;
	v7 =	vmul.f32 v7, v60  }
0x265: {  	v13 =	vmul.f32 v13, v61;
	v14 =	vmul.f32 v14, v59  }
0x266: {  	v15 =	vadd.s32 s21, v1  }
0x267: {  	v4 =	vadd.f32 v13, v4;
	v7 =	vadd.f32 v14, v7;
	_ =	sdelay $0x1  }
0x268: {  	v4 =	vadd.f32 v7, v4;
	_ =	sdelay $0x1  }
0x269: {  	[tilespmem:v15+s20+$0x0] =	vst.idx.msk $0xffff, v4  }
0x26a: {  	v4 =	vld [tilespmem:s22+$0x8D0]  }
0x26b: {  	v7 =	vld [tilespmem:s15+$0x130]  }
0x26c: {  	v13 =	vld [tilespmem:s16+$0x230]  }
0x26d: {  	v14 =	vld [tilespmem:s17+$0x330];
	_ =	sdelay $0x3  }
0x26e: {  	v4 =	vmul.f32 v4, v62;
	v7 =	vmul.f32 v7, v61  }
0x26f: {  	v13 =	vmul.f32 v13, v60;
	v14 =	vmul.f32 v14, v59  }
0x270: {  	v15 =	vadd.s32 s21, v2  }
0x271: {  	v4 =	vadd.f32 v7, v4;
	v7 =	vadd.f32 v14, v13;
	_ =	sdelay $0x1  }
0x272: {  	v4 =	vadd.f32 v7, v4;
	_ =	sdelay $0x1  }
0x273: {  	[tilespmem:v15+s20+$0x0] =	vst.idx.msk $0xffff, v4  }
0x274: {  	v4 =	vld [tilespmem:s22+$0x8E0]  }
0x275: {  	v7 =	vld [tilespmem:s15+$0x140]  }
0x276: {  	v13 =	vld [tilespmem:s16+$0x240]  }
0x277: {  	v14 =	vld [tilespmem:s17+$0x340];
	_ =	sdelay $0x3  }
0x278: {  	v4 =	vmul.f32 v4, v62;
	v7 =	vmul.f32 v7, v61  }
0x279: {  	v13 =	vmul.f32 v13, v60;
	v14 =	vmul.f32 v14, v59  }
0x27a: {  	v15 =	vadd.s32 s21, v3  }
0x27b: {  	v4 =	vadd.f32 v7, v4;
	v7 =	vadd.f32 v14, v13;
	_ =	sdelay $0x1  }
0x27c: {  	v4 =	vadd.f32 v7, v4;
	_ =	sdelay $0x1  }
0x27d: {  	[tilespmem:v15+s20+$0x0] =	vst.idx.msk $0xffff, v4  }
0x27e: {  	v4 =	vld [tilespmem:s22+$0x8F0]  }
0x27f: {  	v7 =	vld [tilespmem:s16+$0x250]  }
0x280: {  	v13 =	vld [tilespmem:s15+$0x150]  }
0x281: {  	v14 =	vld [tilespmem:s17+$0x350];
	_ =	sdelay $0x3  }
0x282: {  	v4 =	vmul.f32 v4, v62;
	v7 =	vmul.f32 v7, v60  }
0x283: {  	v13 =	vmul.f32 v13, v61;
	v14 =	vmul.f32 v14, v59  }
0x284: {  	v15 =	vadd.s32 s21, v49  }
0x285: {  	v4 =	vadd.f32 v13, v4;
	v7 =	vadd.f32 v14, v7;
	_ =	sdelay $0x1  }
0x286: {  	v4 =	vadd.f32 v7, v4;
	_ =	sdelay $0x1  }
0x287: {  	[tilespmem:v15+s20+$0x0] =	vst.idx.msk $0xffff, v4  }
0x288: {  	v4 =	vld [tilespmem:s22+$0x900]  }
0x289: {  	v7 =	vld [tilespmem:s15+$0x160]  }
0x28a: {  	v13 =	vld [tilespmem:s17+$0x360]  }
0x28b: {  	v14 =	vld [tilespmem:s16+$0x260];
	_ =	sdelay $0x2  }
0x28c: {  	v4 =	vmul.f32 v4, v62;
	v7 =	vmul.f32 v7, v61;
	_ =	sdelay $0x1  }
0x28d: {  	v13 =	vmul.f32 v13, v59;
	v4 =	vadd.f32 v7, v4;
	v7 =	vmul.f32 v14, v60  }
0x28e: {  	v14 =	vadd.s32 s21, v50  }
0x28f: {  	v7 =	vadd.f32 v13, v7;
	_ =	sdelay $0x1  }
0x290: {  	v4 =	vadd.f32 v7, v4;
	_ =	sdelay $0x1  }
0x291: {  	[tilespmem:v14+s20+$0x0] =	vst.idx.msk $0xffff, v4  }
0x292: {  	v4 =	vld [tilespmem:s22+$0x910]  }
0x293: {  	v7 =	vld [tilespmem:s15+$0x170]  }
0x294: {  	v13 =	vld [tilespmem:s16+$0x270]  }
0x295: {  	v14 =	vld [tilespmem:s17+$0x370];
	_ =	sdelay $0x2  }
0x296: {  	v4 =	vmul.f32 v4, v62;
	v7 =	vmul.f32 v7, v61;
	_ =	sdelay $0x1  }
0x297: {  	v13 =	vmul.f32 v13, v60;
	v4 =	vadd.f32 v7, v4;
	v7 =	vmul.f32 v14, v59  }
0x298: {  	v14 =	vadd.s32 s21, v51  }
0x299: {  	v7 =	vadd.f32 v7, v13;
	_ =	sdelay $0x1  }
0x29a: {  	v4 =	vadd.f32 v7, v4;
	_ =	sdelay $0x1  }
0x29b: {  	[tilespmem:v14+s20+$0x0] =	vst.idx.msk $0xffff, v4  }
0x29c: {  	v4 =	vld [tilespmem:s22+$0x920]  }
0x29d: {  	v7 =	vld [tilespmem:s15+$0x180]  }
0x29e: {  	v13 =	vld [tilespmem:s16+$0x280]  }
0x29f: {  	v14 =	vld [tilespmem:s17+$0x380];
	_ =	sdelay $0x3  }
0x2a0: {  	v4 =	vmul.f32 v4, v62;
	v7 =	vmul.f32 v7, v61  }
0x2a1: {  	v13 =	vmul.f32 v13, v60;
	v14 =	vmul.f32 v14, v59  }
0x2a2: {  	v15 =	vadd.s32 s21, v52  }
0x2a3: {  	v4 =	vadd.f32 v7, v4;
	v7 =	vadd.f32 v14, v13;
	_ =	sdelay $0x1  }
0x2a4: {  	v4 =	vadd.f32 v7, v4;
	_ =	sdelay $0x1  }
0x2a5: {  	[tilespmem:v15+s20+$0x0] =	vst.idx.msk $0xffff, v4  }
0x2a6: {  	v4 =	vld [tilespmem:s22+$0x930]  }
0x2a7: {  	v7 =	vld [tilespmem:s15+$0x190]  }
0x2a8: {  	v13 =	vld [tilespmem:s16+$0x290]  }
0x2a9: {  	v14 =	vld [tilespmem:s17+$0x390];
	_ =	sdelay $0x2  }
0x2aa: {  	v4 =	vmul.f32 v4, v62;
	v7 =	vmul.f32 v7, v61;
	_ =	sdelay $0x1  }
0x2ab: {  	v13 =	vmul.f32 v13, v60;
	v4 =	vadd.f32 v7, v4;
	v7 =	vmul.f32 v14, v59  }
0x2ac: {  	v14 =	vadd.s32 s21, v53  }
0x2ad: {  	v7 =	vadd.f32 v7, v13;
	_ =	sdelay $0x1  }
0x2ae: {  	v4 =	vadd.f32 v7, v4;
	_ =	sdelay $0x1  }
0x2af: {  	[tilespmem:v14+s20+$0x0] =	vst.idx.msk $0xffff, v4  }
0x2b0: {  	v4 =	vld [tilespmem:s15+$0x1A0]  }
0x2b1: {  	v7 =	vld [tilespmem:s16+$0x2A0]  }
0x2b2: {  	v13 =	vld [tilespmem:s22+$0x940]  }
0x2b3: {  	v14 =	vld [tilespmem:s17+$0x3A0];
	_ =	sdelay $0x3  }
0x2b4: {  	v4 =	vmul.f32 v4, v61;
	v13 =	vmul.f32 v13, v62  }
0x2b5: {  	v7 =	vmul.f32 v7, v60;
	v14 =	vmul.f32 v14, v59  }
0x2b6: {  	v4 =	vadd.f32 v4, v13;
	v13 =	vadd.s32 s21, v55  }
0x2b7: {  	v7 =	vadd.f32 v14, v7;
	_ =	sdelay $0x1  }
0x2b8: {  	v4 =	vadd.f32 v7, v4;
	_ =	sdelay $0x1  }
0x2b9: {  	[tilespmem:v13+s20+$0x0] =	vst.idx.msk $0xffff, v4  }
0x2ba: {  	v4 =	vld [tilespmem:s22+$0x950]  }
0x2bb: {  	v7 =	vld [tilespmem:s15+$0x1B0]  }
0x2bc: {  	v13 =	vld [tilespmem:s16+$0x2B0]  }
0x2bd: {  	v14 =	vld [tilespmem:s17+$0x3B0];
	_ =	sdelay $0x2  }
0x2be: {  	v4 =	vmul.f32 v4, v62;
	v7 =	vmul.f32 v7, v61;
	_ =	sdelay $0x1  }
0x2bf: {  	v13 =	vmul.f32 v13, v60;
	v4 =	vadd.f32 v7, v4;
	v7 =	vmul.f32 v14, v59  }
0x2c0: {  	v14 =	vadd.s32 s21, v5  }
0x2c1: {  	v7 =	vadd.f32 v7, v13;
	_ =	sdelay $0x1  }
0x2c2: {  	v4 =	vadd.f32 v7, v4  }
0x2c3: {  	p0 =	sne.s32 s14, $0x6000  }
.Ltmp5:
0x2c4: {  	[tilespmem:v14+s20+$0x0] =	vst.idx.msk $0xffff, v4;
	(pc) =	sbr.rel @p0 .LBB2_5-.Ltmp5, $4  }
0x2c5: {  	v7 =	vld [tilespmem:s17+$0x3C0]  }
0x2c6: {  	v4 =	vld [tilespmem:s22+$0x960]  }
0x2c7: {  	s14 =	sadd.s32 $0x1000, s14;
	s8 =	sadd.s32 $0xA74, s8;
	s11 =	sadd.s32 $0xA74, s11;
	v13 =	vld [tilespmem:s15+$0x1C0]  }
0x2c8: {  	s2 =	sadd.s32 $0xA74, s2;
	s26 =	smov.u32 s21;
	s21 =	sadd.s32 $0x1, s21;
	v14 =	vld [tilespmem:s16+$0x2C0]  }
0x2c9: {  	_ =	sdelay $0x2  }
0x2ca: {  	v51 =	vmul.f32 v7, v59;
	v1 =	vmul.f32 v4, v62  }
0x2cb: {  	v2 =	vmul.f32 v13, v61;
	v3 =	vmul.f32 v14, v60  }
0x2cc: {  	v5 =	vadd.s32 s26, v6  }
0x2cd: {  	v1 =	vadd.f32 v2, v1;
	v2 =	vadd.f32 v51, v3;
	_ =	sdelay $0x1  }
0x2ce: {  	v1 =	vadd.f32 v2, v1;
	_ =	sdelay $0x1  }
0x2cf: {  	[tilespmem:v5+s20+$0x0] =	vst.idx.msk $0xffff, v1  }
0x2d0: {  	v1 =	vld [tilespmem:s22+$0x970]  }
0x2d1: {  	v2 =	vld [tilespmem:s15+$0x1D0]  }
0x2d2: {  	v3 =	vld [tilespmem:s17+$0x3D0]  }
0x2d3: {  	v52 =	vld [tilespmem:s16+$0x2D0];
	_ =	sdelay $0x3  }
0x2d4: {  	v1 =	vmul.f32 v1, v62;
	v2 =	vmul.f32 v2, v61  }
0x2d5: {  	v3 =	vmul.f32 v3, v59;
	v4 =	vmul.f32 v52, v60  }
0x2d6: {  	v53 =	vadd.s32 s26, v57  }
0x2d7: {  	v1 =	vadd.f32 v2, v1;
	v2 =	vadd.f32 v3, v4;
	_ =	sdelay $0x1  }
0x2d8: {  	v1 =	vadd.f32 v2, v1;
	_ =	sdelay $0x1  }
0x2d9: {  	[tilespmem:v53+s20+$0x0] =	vst.idx.msk $0xffff, v1  }
0x2da: {  	v1 =	vld [tilespmem:s22+$0x980]  }
0x2db: {  	v2 =	vld [tilespmem:s15+$0x1E0]  }
0x2dc: {  	v3 =	vld [tilespmem:s16+$0x2E0]  }
0x2dd: {  	v55 =	vld [tilespmem:s17+$0x3E0];
	_ =	sdelay $0x3  }
0x2de: {  	v1 =	vmul.f32 v1, v62;
	v2 =	vmul.f32 v2, v61  }
0x2df: {  	v3 =	vmul.f32 v3, v60;
	v4 =	vmul.f32 v55, v59  }
0x2e0: {  	v56 =	vadd.s32 s26, v56  }
0x2e1: {  	v1 =	vadd.f32 v2, v1;
	v2 =	vadd.f32 v4, v3;
	_ =	sdelay $0x1  }
0x2e2: {  	v1 =	vadd.f32 v2, v1;
	_ =	sdelay $0x1  }
0x2e3: {  	s2 =	sshra.s32 s18, $0x2;
	[tilespmem:v56+s20+$0x0] =	vst.idx.msk $0xffff, v1  }
0x2e4: {  	s8 =	sshra.s32 s13, $0x2;
	s2 =	sadd.s32 s2, s1;
	v1 =	vld [tilespmem:s22+$0x990]  }
0x2e5: {  	s29 =	sadd.s32 s8, s1;
	v2 =	vld [tilespmem:s2+$0x1F0]  }
0x2e6: {  	v3 =	vld [tilespmem:s29+$0x2F0]  }
0x2e7: {  	v57 =	vld [tilespmem:s7+$0x3F0];
	_ =	sdelay $0x3  }
0x2e8: {  	v1 =	vmul.f32 v1, v62;
	v2 =	vmul.f32 v2, v61  }
0x2e9: {  	v63 =	vadd.s32 $0x2DF0, v58;
	s6 =	sadd.s32 $0x1, s6;
	v3 =	vmul.f32 v3, v60;
	v4 =	vmul.f32 v57, v59  }
0x2ea: {  	p0 =	sne.s32 s6, $0x7;
	v5 =	vadd.s32 s26, v63  }
.Ltmp6:
0x2eb: {  	v1 =	vadd.f32 v2, v1;
	v2 =	vadd.f32 v4, v3;
	(pc) =	sbr.rel @p0 .LBB2_4-.Ltmp6, $4  }
0x2ec: {  	_ = 	snop  }
0x2ed: {  	s5 =	sadd.s32 $0x70, s5;
	v1 =	vadd.f32 v2, v1  }
0x2ee: {  	s4 =	sadd.s32 $0x492C, s4;
	s3 =	sadd.s32 $0x7000, s3;
	s30 =	sadd.s32 $0x492C, s30  }
0x2ef: {  	s31 =	sadd.s32 $0x492C, s31;
	s0 =	sadd.s32 $0x492C, s0;
	s12 =	sadd.s32 $0x7, s12;
	[tilespmem:v5+s20+$0x0] =	vst.idx.msk $0xffff, v1  }
0x2f0: {  	s0 =	rddreg [dreg:$0xa]  }
0x2f1: {  	s0 =	smul.u32 $0x620, s0  }
0x2f2: {  	s26 =	rddreg [dreg:$0x1]  }
0x2f3: {  	s28 =	simm.s32 $0x0;
	s25 =	simm.s32 $0x3;
	s0 =	sadd.s32 s26, s0  }
0x2f4: {  	[hbm4b:s0+s28] =	stream.linear.scatter [tilespmem:s20], [sflag:$0x3], $0x3100, $0x38;
	[tilespmem:$0x1D9A0] =	vst v63  }
0x2f5: {  	_ =	swait.ge [sflag:s25], $0x3100  }
0x2f6: {  	s29 =	rddreg [dreg:$0x4]  }
0x2f7: {  	v56 =	vimm.s32 $0x4;
	[sflag:s25] =	ssyncset.done $0x0;
	s30 =	rddreg [dreg:$0x5]  }
0x2f8: {  	v57 =	vimm.f32 $3.125000000e-02;
	v58 =	vimm.s32 $0x5400;
	v59 =	vimm.s32 $0xF;
	s31 =	simm.s32 $0x68;
	s0 =	rddreg [dreg:$0x9];
	[sflag:s25] =	ssyncadd.s32 $0xFFFFCF00  }
.LBB2_8:
0x2f9: {  	s0 =	sor.u32 s30, s0;
	p0 =	seq.s32 s23, $0xF  }
0x2fa: {  	p1 =	sgt.u32 @!p0 s0, $0x3E6  }
0x2fb: {  	p0 =	por p0, p1  }
.Ltmp7:
0x2fc: {  	_ = 	snop;
	(pc) =	sbr.rel @p0 .LBB2_10-.Ltmp7, $1  }
0x2fd: {  	_ =	sdelay $0x3  }
0x2fe: {  	s1 =	smul.u32 $0xE, s23;
	_ =	sdelay $0x1  }
0x2ff: {  	s1 =	sadd.s32 $0xE, s1  }
0x300: {  	v1 =	vmov s1  }
0x301: {  	v2 =	vor.u32 $0x1, v1  }
0x302: {  	v3 =	vadd.s32 $0x2, v1  }
0x303: {  	v4 =	vadd.s32 $0x3, v1  }
0x304: {  	v1 =	vadd.s32 $0x4, v1;
	_ =	sdelay $0x1  }
0x305: {  	v2 =	vld.idx.msk [tilespmem:v2+s28+$0x0], $0xffff  }
0x306: {  	v3 =	vld.idx.msk [tilespmem:v3+s28+$0x0], $0xffff  }
0x307: {  	v4 =	vld.idx.msk [tilespmem:v4+s28+$0x0], $0xffff  }
0x308: {  	v1 =	vld.idx.msk [tilespmem:v1+s28+$0x0], $0xffff;
	_ =	sdelay $0x4  }
0x309: {  	v5 =	vsub.f32 v4, v2;
	v6 =	vsub.f32 v1, v3;
	_ =	sdelay $0x1  }
0x30a: {  	v5 =	vmul.f32 v6, v5;
	_ =	sdelay $0x1  }
0x30b: {  	vm0 =	vgt.f32 v5, $2.304000000e+03;
	vm1 =	vgt.f32 v5, $9.216000000e+03  }
0x30c: {  	vm12 =	vgt.f32 v5, $3.686400000e+04;
	v6 =	vsel vm0, $0x1, v0;
	v7 =	vsel vm1, $0x1, v0  }
0x30d: {  	v52 =	vadd.s32 v7, v6;
	v6 =	vsel vm12, $0x1, v0  }
0x30e: {  	v5 =	vadd.s32 v6, v52  }
0x30f: {  	vm2 =	veq.s32 v5, $0x2  }
0x310: {  	vm13 =	veq.s32 v5, $0x1;
	v6 =	vsel vm2, $0x3D800000, v57  }
0x311: {  	vm14 =	veq.s32 v5, $0x0;
	v53 =	vsel vm13, $0x3E000000, v6  }
0x312: {  	v7 =	vsel vm14, $0x3E800000, v53  }
0x313: {  	v6 =	vmul.f32 v7, v3;
	v1 =	vmul.f32 v7, v1  }
0x314: {  	v5 =	vmul.f32 v7, v2;
	v2 =	vmul.f32 v7, v4  }
0x315: {  	v1 =	vsub.f32 v1, v6  }
0x316: {  	v2 =	vsub.f32 v2, v5  }
0x317: {  	v50 =	vmul.f32 v1, v54  }
0x318: {  	v49 =	vmul.f32 v2, v54  }
0x319: {  	v1 =	vmul.f32 v11, v50;
	v28 =	vmul.f32 v29, v50  }
0x31a: {  	v2 =	vmul.f32 v12, v49  }
0x31b: {  	v21 =	vsel vm2, $0x5, v56;
	v1 =	vadd.f32 v1, v6;
	v28 =	vadd.f32 v28, v6  }
0x31c: {  	v21 =	vsel vm13, $0x6, v21;
	v2 =	vadd.f32 v2, v5  }
0x31d: {  	v3 =	vadd.f32 $-5.000000000e-01, v1;
	v1 =	vsel vm2, $0x5000, v58;
	v28 =	vadd.f32 $-5.000000000e-01, v28  }
0x31e: {  	v22 =	vmul.f32 v20, v49;
	v55 =	vadd.f32 $-5.000000000e-01, v2;
	v1 =	vsel vm13, $0x4000, v1  }
0x31f: {  	v2 =	vtrunc.f32 v3;
	v1 =	vsel vm14, $0x0, v1;
	v53 =	vtrunc.f32 v28  }
0x320: {  	v7 =	vcvt.f32.s32 v2;
	vm3 =	vlt.f32 v3, v2;
	v2 =	vtrunc.f32 v55  }
0x321: {  	v13 =	vsel vm3, $0xFFFFFFFF, v0;
	v14 =	vcvt.f32.s32 v2;
	vm15 =	vlt.f32 v55, v2  }
0x322: {  	v2 =	vsel vm2, $0x1F, v59;
	v7 =	vadd.s32 v7, v13;
	v13 =	vsel vm15, $0xFFFFFFFF, v0  }
0x323: {  	v2 =	vsel vm13, $0x3F, v2;
	v13 =	vadd.s32 v14, v13;
	v14 =	vcvt.s32.f32 v7  }
0x324: {  	v2 =	vsel vm14, $0x7F, v2;
	vm6 =	vgt.s32 v7, $0x0;
	v15 =	vcvt.s32.f32 v13  }
0x325: {  	vm8 =	vgt.s32 v13, $0x0;
	v14 =	vsub.f32 v3, v14;
	v3 =	vadd.s32 $0x1, v7  }
0x326: {  	v7 =	vnsel vm6, $0x0, v7;
	v17 =	vnsel vm8, $0x0, v13;
	vm7 =	vgt.s32 v3, $0x0  }
0x327: {  	v13 =	vadd.s32 $0x1, v13;
	v4 =	vsub.f32 v55, v15;
	v3 =	vnsel vm7, $0x0, v3  }
0x328: {  	v7 =	vmin.u32 v2, v7;
	v18 =	vmin.u32 v2, v3;
	v3 =	vmul.f32 v19, v50  }
0x329: {  	v17 =	vmin.u32 v2, v17;
	vm9 =	vgt.s32 v13, $0x0;
	v15 =	vsub.f32 $1.000000000e+00, v14  }
0x32a: {  	v13 =	vnsel vm9, $0x0, v13;
	v16 =	vsub.f32 $1.000000000e+00, v4;
	v23 =	vadd.f32 v3, v6  }
0x32b: {  	v13 =	vmin.u32 v2, v13;
	v3 =	vsel vm14, $0x7, v21;
	v21 =	vadd.f32 v22, v5  }
0x32c: {  	v7 =	vshll.u32 v7, v3;
	v18 =	vshll.u32 v18, v3;
	v22 =	vadd.f32 $-5.000000000e-01, v23  }
0x32d: {  	v7 =	vadd.s32 v1, v7;
	v21 =	vadd.f32 $-5.000000000e-01, v21;
	v18 =	vadd.s32 v1, v18  }
0x32e: {  	v23 =	vadd.s32 v17, v7;
	v7 =	vadd.s32 v13, v7;
	v24 =	vtrunc.f32 v22  }
0x32f: {  	v17 =	vadd.s32 v17, v18;
	v60 =	vtrunc.f32 v21;
	v25 =	vcvt.f32.s32 v24  }
0x330: {  	vm10 =	vlt.f32 v22, v24;
	v27 =	vcvt.f32.s32 v60;
	vm11 =	vlt.f32 v21, v60  }
0x331: {  	v13 =	vadd.s32 v13, v18;
	v26 =	vsel vm10, $0xFFFFFFFF, v0;
	v62 =	vsel vm11, $0xFFFFFFFF, v0  }
0x332: {  	v18 =	vmul.f32 v16, v15;
	v61 =	vadd.s32 v25, v26;
	v25 =	vadd.s32 v27, v62  }
0x333: {  	v26 =	vcvt.s32.f32 v61;
	v27 =	vcvt.s32.f32 v25  }
0x334: {  	vm4 =	vlt.f32 v28, v53;
	v15 =	vmul.f32 v15, v4;
	v16 =	vmul.f32 v16, v14  }
0x335: {  	v4 =	vmul.f32 v4, v14;
	v22 =	vsub.f32 v22, v26;
	v14 =	vsub.f32 v21, v27  }
0x336: {  	v55 =	vcvt.f32.s32 v53;
	[tilespmem:v9+s9+$0x0] =	vst.idx.msk $0xffff, v23;
	v23 =	vsel vm4, $0xFFFFFFFF, v0  }
0x337: {  	vm12 =	vgt.s32 v61, $0x0;
	v26 =	vsub.f32 $1.000000000e+00, v22;
	v27 =	vsub.f32 $1.000000000e+00, v14  }
0x338: {  	v23 =	vadd.s32 v55, v23;
	v24 =	vnsel vm12, $0x0, v61  }
0x339: {  	v21 =	vadd.s32 $0x1, v61;
	v61 =	vld [tilespmem:$0x1FE90];
	v55 =	vmul.f32 v27, v26;
	v26 =	vmul.f32 v26, v14  }
0x33a: {  	v27 =	vmul.f32 v27, v22;
	v14 =	vmul.f32 v14, v22;
	v22 =	vld [tilespmem:$0x1FEA0];
	_ =	sdelay $0x3  }
0x33b: {  	v51 =	vmul.f32 v30, v49;
	_ =	sdelay $0x1  }
0x33c: {  	v51 =	vadd.f32 v51, v5;
	[tilespmem:v10+s10+$0x0] =	vst.idx.msk $0xffff, v18;
	v62 =	vcvt.s32.f32 v23  }
0x33d: {  	[tilespmem:v61+s9+$0x0] =	vst.idx.msk $0xffff, v7  }
0x33e: {  	v51 =	vadd.f32 $-5.000000000e-01, v51;
	[tilespmem:v22+s10+$0x0] =	vst.idx.msk $0xffff, v15;
	v15 =	vsub.f32 v28, v62;
	v28 =	vld [tilespmem:$0x1FEB0];
	_ =	sdelay $0x1  }
0x33f: {  	v63 =	vtrunc.f32 v51  }
0x340: {  	vm5 =	vlt.f32 v51, v63;
	v53 =	vcvt.f32.s32 v63  }
0x341: {  	vm14 =	vgt.s32 v25, $0x0;
	v31 =	vadd.s32 $0x1, v25;
	v24 =	vmin.u32 v2, v24  }
0x342: {  	v25 =	vnsel vm14, $0x0, v25;
	vm15 =	vgt.s32 v31, $0x0;
	v24 =	vshll.u32 v24, v3  }
0x343: {  	v25 =	vmin.u32 v2, v25;
	v31 =	vnsel vm15, $0x0, v31;
	v24 =	vadd.s32 v1, v24  }
0x344: {  	v60 =	vsel vm5, $0xFFFFFFFF, v0;
	v31 =	vmin.u32 v2, v31;
	v52 =	vadd.s32 v25, v24  }
0x345: {  	v18 =	vadd.s32 v31, v24;
	v24 =	vadd.s32 v53, v60;
	[tilespmem:v28+s9+$0x0] =	vst.idx.msk $0xffff, v17;
	v28 =	vld [tilespmem:$0x1FEC0]  }
0x346: {  	v63 =	vcvt.s32.f32 v24;
	v61 =	vld [tilespmem:$0x1FED0]  }
0x347: {  	v62 =	vld [tilespmem:$0x1FEE0];
	v17 =	vmul.f32 v39, v50  }
0x348: {  	v22 =	vsub.f32 v51, v63;
	v63 =	vld [tilespmem:$0x1FEF0]  }
0x349: {  	v6 =	vadd.f32 v17, v6;
	v17 =	vmul.f32 v40, v49;
	v49 =	vld [tilespmem:$0x1FF00]  }
0x34a: {  	v50 =	vld [tilespmem:$0x1FF10];
	_ =	sdelay $0x2  }
0x34b: {  	[tilespmem:v28+s10+$0x0] =	vst.idx.msk $0xffff, v16  }
0x34c: {  	[tilespmem:v61+s9+$0x0] =	vst.idx.msk $0xffff, v13  }
0x34d: {  	[tilespmem:v62+s10+$0x0] =	vst.idx.msk $0xffff, v4  }
0x34e: {  	v6 =	vadd.f32 $-5.000000000e-01, v6;
	[tilespmem:v63+s9+$0x0] =	vst.idx.msk $0xffff, v52  }
0x34f: {  	[tilespmem:v49+s10+$0x0] =	vst.idx.msk $0xffff, v55  }
0x350: {  	v51 =	vld [tilespmem:$0x1FF20];
	[tilespmem:v50+s9+$0x0] =	vst.idx.msk $0xffff, v18;
	v18 =	vtrunc.f32 v6  }
0x351: {  	v52 =	vcvt.f32.s32 v18;
	vm10 =	vlt.f32 v6, v18;
	v18 =	vld [tilespmem:$0x1FF30];
	_ =	sdelay $0x1  }
0x352: {  	vm13 =	vgt.s32 v21, $0x0  }
0x353: {  	vm6 =	vgt.s32 v23, $0x0;
	v21 =	vnsel vm13, $0x0, v21;
	v60 =	vadd.s32 $0x1, v23  }
0x354: {  	v21 =	vmin.u32 v2, v21;
	vm7 =	vgt.s32 v60, $0x0;
	v5 =	vadd.f32 v17, v5  }
0x355: {  	v21 =	vshll.u32 v21, v3;
	v16 =	vnsel vm6, $0x0, v23;
	v23 =	vnsel vm7, $0x0, v60  }
0x356: {  	v21 =	vadd.s32 v1, v21;
	v5 =	vadd.f32 $-5.000000000e-01, v5;
	v23 =	vmin.u32 v2, v23  }
0x357: {  	v7 =	vadd.s32 v25, v21;
	v23 =	vshll.u32 v23, v3;
	[tilespmem:v51+s10+$0x0] =	vst.idx.msk $0xffff, v26  }
0x358: {  	v53 =	vld [tilespmem:$0x1FF40];
	[tilespmem:v18+s9+$0x0] =	vst.idx.msk $0xffff, v7;
	v7 =	vadd.s32 v1, v23;
	v23 =	vtrunc.f32 v5  }
0x359: {  	v55 =	vcvt.f32.s32 v23;
	vm11 =	vlt.f32 v5, v23;
	v23 =	vld [tilespmem:$0x1FF50]  }
0x35a: {  	v60 =	vld [tilespmem:$0x1FF60];
	_ =	sdelay $0x1  }
0x35b: {  	vm8 =	vgt.s32 v24, $0x0;
	v21 =	vadd.s32 v31, v21;
	v17 =	vsub.f32 $1.000000000e+00, v22;
	v62 =	vld [tilespmem:$0x1FF70]  }
0x35c: {  	v13 =	vadd.s32 $0x1, v24;
	v24 =	vnsel vm8, $0x0, v24;
	v16 =	vmin.u32 v2, v16  }
0x35d: {  	vm9 =	vgt.s32 v13, $0x0;
	v24 =	vmin.u32 v2, v24;
	v16 =	vshll.u32 v16, v3  }
0x35e: {  	v13 =	vnsel vm9, $0x0, v13;
	v16 =	vadd.s32 v1, v16;
	v18 =	vsel vm10, $0xFFFFFFFF, v0  }
0x35f: {  	v4 =	vsub.f32 $1.000000000e+00, v15;
	v13 =	vmin.u32 v2, v13;
	[tilespmem:v53+s10+$0x0] =	vst.idx.msk $0xffff, v27;
	v18 =	vadd.s32 v52, v18  }
0x360: {  	v61 =	vcvt.s32.f32 v18;
	vm12 =	vgt.s32 v18, $0x0;
	[tilespmem:v23+s9+$0x0] =	vst.idx.msk $0xffff, v21;
	v21 =	vadd.s32 v24, v16  }
0x361: {  	v16 =	vadd.s32 v13, v16;
	v23 =	vsel vm11, $0xFFFFFFFF, v0;
	[tilespmem:v60+s10+$0x0] =	vst.idx.msk $0xffff, v14;
	v14 =	vadd.s32 v24, v7  }
0x362: {  	v23 =	vadd.s32 v55, v23;
	v7 =	vadd.s32 v13, v7;
	v13 =	vmul.f32 v17, v4  }
0x363: {  	v6 =	vsub.f32 v6, v61;
	v4 =	vmul.f32 v4, v22;
	[tilespmem:v62+s9+$0x0] =	vst.idx.msk $0xffff, v21;
	v21 =	vcvt.s32.f32 v23  }
0x364: {  	v17 =	vmul.f32 v17, v15;
	v15 =	vmul.f32 v22, v15;
	[tilespmem:v32+s10+$0x0] =	vst.idx.msk $0xffff, v13;
	v13 =	vadd.s32 $0x1, v18  }
0x365: {  	vm14 =	vgt.s32 v23, $0x0;
	v5 =	vsub.f32 v5, v21;
	[tilespmem:v33+s9+$0x0] =	vst.idx.msk $0xffff, v16;
	vm13 =	vgt.s32 v13, $0x0  }
0x366: {  	v18 =	vnsel vm12, $0x0, v18;
	v16 =	vsub.f32 $1.000000000e+00, v6;
	[tilespmem:v34+s10+$0x0] =	vst.idx.msk $0xffff, v4;
	v13 =	vnsel vm13, $0x0, v13  }
0x367: {  	v63 =	vsub.f32 $1.000000000e+00, v5;
	[tilespmem:v35+s9+$0x0] =	vst.idx.msk $0xffff, v14;
	v14 =	vmin.u32 v2, v18;
	v13 =	vmin.u32 v2, v13  }
0x368: {  	v18 =	vadd.s32 $0x1, v23;
	[tilespmem:v36+s10+$0x0] =	vst.idx.msk $0xffff, v17;
	v17 =	vnsel vm14, $0x0, v23;
	v14 =	vshll.u32 v14, v3  }
0x369: {  	vm15 =	vgt.s32 v18, $0x0;
	[tilespmem:v37+s9+$0x0] =	vst.idx.msk $0xffff, v7;
	v7 =	vmin.u32 v2, v17;
	v14 =	vadd.s32 v1, v14  }
0x36a: {  	[tilespmem:v38+s10+$0x0] =	vst.idx.msk $0xffff, v15;
	v15 =	vnsel vm15, $0x0, v18;
	v17 =	vadd.s32 v7, v14;
	v18 =	vmul.f32 v63, v16  }
0x36b: {  	v3 =	vshll.u32 v13, v3;
	v2 =	vmin.u32 v2, v15;
	[tilespmem:v41+s9+$0x0] =	vst.idx.msk $0x1, v17  }
0x36c: {  	v13 =	vadd.s32 v2, v14;
	v14 =	vmul.f32 v16, v5;
	[tilespmem:v42+s10+$0x0] =	vst.idx.msk $0x1, v18  }
0x36d: {  	v1 =	vadd.s32 v1, v3;
	[tilespmem:v43+s9+$0x0] =	vst.idx.msk $0x1, v13  }
0x36e: {  	v4 =	vmul.f32 v63, v6;
	v3 =	vadd.s32 v7, v1;
	[tilespmem:v44+s10+$0x0] =	vst.idx.msk $0x1, v14  }
0x36f: {  	[tilespmem:v45+s9+$0x0] =	vst.idx.msk $0x1, v3  }
0x370: {  	v1 =	vadd.s32 v2, v1;
	v2 =	vmul.f32 v5, v6;
	[tilespmem:v46+s10+$0x0] =	vst.idx.msk $0x1, v4  }
0x371: {  	[tilespmem:v47+s9+$0x0] =	vst.idx.msk $0x1, v1  }
0x372: {  	s24 =	simm.s32 $0x8A0;
	[tilespmem:v48+s10+$0x0] =	vst.idx.msk $0x1, v2  }
0x373: {  	[tilespmem:s24], [sflag:$0x1] =	stream.indirect.gather [hbm4b:s29+s31], $0x100, s9, s31, $0xb8;
	[tilespmem:$0x1D9A0] =	vst v63  }
0x374: {  	s25 =	simm.s32 $0x148;
	s2 =	simm.s32 $0x70A0  }
0x375: {  	[tilespmem:s2], [sflag:$0x1] =	stream.indirect.gather [hbm4b:s29+s31], $0x100, s25, s31, $0xb8;
	[tilespmem:$0x1D9A0] =	vst v63  }
.LBB2_11:
0x376: {  	s1 =	simm.s32 $0x1  }
0x377: {  	_ =	swait.ge [sflag:s1], $0x6800  }
0x378: {  	[sflag:s1] =	ssyncset.done $0x0  }
0x379: {  	s2 =	simm.s32 $0x0;
	s3 =	simm.s32 $0x8A0;
	[sflag:s1] =	ssyncadd.s32 $0xFFFF9800  }
0x37a: {  	s4 =	simm.s32 $0x29D;
	s5 =	simm.s32 $0x53A;
	_ =	swait.ge [sflag:s1], $0x6800  }
0x37b: {  	s6 =	simm.s32 $0x7D7;
	s7 =	simm.s32 $0x0;
	[sflag:s1] =	ssyncset.done $0x0  }
0x37c: {  	s8 =	simm.s32 $0x0;
	[sflag:s1] =	ssyncadd.s32 $0xFFFF9800;
	s1 =	simm.s32 $0x590  }
.LBB2_12:
0x37d: {  	s11 =	smov.u32 s6;
	s12 =	smov.u32 s5  }
0x37e: {  	s13 =	smov.u32 s4;
	s14 =	smov.u32 s7;
	s15 =	smov.u32 s3  }
0x37f: {  	s16 =	smov.u32 s2;
	s17 =	smov.u32 s1;
	s18 =	simm.s32 $0x0  }
.LBB2_13:
0x380: {  	s19 =	sshrl.u32 s14, $0x10  }
0x381: {  	s21 =	sshrl.u32 s13, $0x10;
	s19 =	smul.u32 $0x1800, s19  }
0x382: {  	s24 =	sshrl.u32 s12, $0x10;
	s22 =	smul.u32 $0x1800, s21  }
0x383: {  	s25 =	sshrl.u32 s11, $0x10;
	s24 =	smul.u32 $0x1800, s24;
	s19 =	sshrl.u32 s19, $0x2  }
0x384: {  	v1 =	vld [tilespmem:s17+$0x0];
	s25 =	smul.u32 $0x1800, s25;
	s22 =	sshrl.u32 s22, $0x2;
	s21 =	sadd.s32 s15, s19  }
0x385: {  	s24 =	sshrl.u32 s24, $0x2;
	s22 =	sadd.s32 s15, s22;
	v4 =	vld [tilespmem:s21+$0xD000]  }
0x386: {  	s25 =	sshrl.u32 s25, $0x2;
	s24 =	sadd.s32 s15, s24;
	v7 =	vld [tilespmem:s22+$0xD100]  }
0x387: {  	s25 =	sadd.s32 s15, s25;
	v13 =	vld [tilespmem:s24+$0xD200]  }
0x388: {  	v14 =	vld [tilespmem:s25+$0xD300];
	_ =	sdelay $0x1  }
0x389: {  	v2 =	vbroadcast v1, $0x0;
	v3 =	vbroadcast v1, $0x1  }
0x38a: {  	v5 =	vbroadcast v1, $0x2;
	v6 =	vbroadcast v1, $0x3  }
0x38b: {  	v1 =	vmul.u32 $0x31, v8;
	v4 =	vmul.f32 v2, v4;
	v7 =	vmul.f32 v7, v3  }
0x38c: {  	v13 =	vmul.f32 v13, v5;
	v14 =	vmul.f32 v14, v6  }
0x38d: {  	v15 =	vadd.s32 s16, v1  }
0x38e: {  	v4 =	vadd.f32 v7, v4;
	v7 =	vadd.f32 v14, v13;
	_ =	sdelay $0x1  }
0x38f: {  	v4 =	vadd.f32 v7, v4;
	_ =	sdelay $0x1  }
0x390: {  	[tilespmem:v15+s20+$0x0] =	vst.idx.msk $0xffff, v4  }
0x391: {  	v4 =	vld [tilespmem:s21+$0xD010]  }
0x392: {  	v7 =	vld [tilespmem:s22+$0xD110]  }
0x393: {  	v13 =	vld [tilespmem:s24+$0xD210]  }
0x394: {  	v14 =	vld [tilespmem:s25+$0xD310];
	_ =	sdelay $0x3  }
0x395: {  	v4 =	vmul.f32 v4, v2;
	v7 =	vmul.f32 v7, v3  }
0x396: {  	v15 =	vadd.s32 $0x310, v1;
	v13 =	vmul.f32 v13, v5;
	v14 =	vmul.f32 v14, v6  }
0x397: {  	v15 =	vadd.s32 s16, v15  }
0x398: {  	v4 =	vadd.f32 v7, v4;
	v7 =	vadd.f32 v14, v13;
	_ =	sdelay $0x1  }
0x399: {  	v4 =	vadd.f32 v7, v4;
	_ =	sdelay $0x1  }
0x39a: {  	[tilespmem:v15+s20+$0x0] =	vst.idx.msk $0xffff, v4  }
0x39b: {  	v4 =	vld [tilespmem:s21+$0xD020]  }
0x39c: {  	v7 =	vld [tilespmem:s22+$0xD120]  }
0x39d: {  	v13 =	vld [tilespmem:s24+$0xD220]  }
0x39e: {  	v14 =	vld [tilespmem:s25+$0xD320];
	_ =	sdelay $0x3  }
0x39f: {  	v4 =	vmul.f32 v4, v2;
	v7 =	vmul.f32 v7, v3  }
0x3a0: {  	v15 =	vadd.s32 $0x620, v1;
	v13 =	vmul.f32 v13, v5;
	v14 =	vmul.f32 v14, v6  }
0x3a1: {  	v15 =	vadd.s32 s16, v15  }
0x3a2: {  	v4 =	vadd.f32 v7, v4;
	v7 =	vadd.f32 v14, v13;
	_ =	sdelay $0x1  }
0x3a3: {  	v4 =	vadd.f32 v7, v4;
	_ =	sdelay $0x1  }
0x3a4: {  	[tilespmem:v15+s20+$0x0] =	vst.idx.msk $0xffff, v4  }
0x3a5: {  	v4 =	vld [tilespmem:s21+$0xD030]  }
0x3a6: {  	v7 =	vld [tilespmem:s22+$0xD130]  }
0x3a7: {  	v13 =	vld [tilespmem:s24+$0xD230]  }
0x3a8: {  	v14 =	vld [tilespmem:s25+$0xD330];
	_ =	sdelay $0x3  }
0x3a9: {  	v4 =	vmul.f32 v4, v2;
	v7 =	vmul.f32 v7, v3  }
0x3aa: {  	v15 =	vadd.s32 $0x930, v1;
	v13 =	vmul.f32 v13, v5;
	v14 =	vmul.f32 v14, v6  }
0x3ab: {  	v15 =	vadd.s32 s16, v15  }
0x3ac: {  	v4 =	vadd.f32 v7, v4;
	v7 =	vadd.f32 v14, v13;
	_ =	sdelay $0x1  }
0x3ad: {  	v4 =	vadd.f32 v7, v4;
	_ =	sdelay $0x1  }
0x3ae: {  	[tilespmem:v15+s20+$0x0] =	vst.idx.msk $0xffff, v4  }
0x3af: {  	v4 =	vld [tilespmem:s21+$0xD040]  }
0x3b0: {  	v7 =	vld [tilespmem:s22+$0xD140]  }
0x3b1: {  	v13 =	vld [tilespmem:s24+$0xD240]  }
0x3b2: {  	v14 =	vld [tilespmem:s25+$0xD340];
	_ =	sdelay $0x3  }
0x3b3: {  	v4 =	vmul.f32 v4, v2;
	v7 =	vmul.f32 v7, v3  }
0x3b4: {  	v15 =	vadd.s32 $0xC40, v1;
	v13 =	vmul.f32 v13, v5;
	v14 =	vmul.f32 v14, v6  }
0x3b5: {  	v15 =	vadd.s32 s16, v15  }
0x3b6: {  	v4 =	vadd.f32 v7, v4;
	v7 =	vadd.f32 v14, v13;
	_ =	sdelay $0x1  }
0x3b7: {  	v4 =	vadd.f32 v7, v4;
	_ =	sdelay $0x1  }
0x3b8: {  	[tilespmem:v15+s20+$0x0] =	vst.idx.msk $0xffff, v4  }
0x3b9: {  	v4 =	vld [tilespmem:s21+$0xD050]  }
0x3ba: {  	v7 =	vld [tilespmem:s22+$0xD150]  }
0x3bb: {  	v13 =	vld [tilespmem:s24+$0xD250]  }
0x3bc: {  	v14 =	vld [tilespmem:s25+$0xD350];
	_ =	sdelay $0x3  }
0x3bd: {  	v4 =	vmul.f32 v4, v2;
	v7 =	vmul.f32 v7, v3  }
0x3be: {  	v15 =	vadd.s32 $0xF50, v1;
	v13 =	vmul.f32 v13, v5;
	v14 =	vmul.f32 v14, v6  }
0x3bf: {  	v15 =	vadd.s32 s16, v15  }
0x3c0: {  	v4 =	vadd.f32 v7, v4;
	v7 =	vadd.f32 v14, v13;
	_ =	sdelay $0x1  }
0x3c1: {  	v4 =	vadd.f32 v7, v4;
	_ =	sdelay $0x1  }
0x3c2: {  	[tilespmem:v15+s20+$0x0] =	vst.idx.msk $0xffff, v4  }
0x3c3: {  	v4 =	vld [tilespmem:s21+$0xD060]  }
0x3c4: {  	v7 =	vld [tilespmem:s22+$0xD160]  }
0x3c5: {  	v13 =	vld [tilespmem:s24+$0xD260]  }
0x3c6: {  	v14 =	vld [tilespmem:s25+$0xD360];
	_ =	sdelay $0x3  }
0x3c7: {  	v4 =	vmul.f32 v4, v2;
	v7 =	vmul.f32 v7, v3  }
0x3c8: {  	v15 =	vadd.s32 $0x1260, v1;
	v13 =	vmul.f32 v13, v5;
	v14 =	vmul.f32 v14, v6  }
0x3c9: {  	v15 =	vadd.s32 s16, v15  }
0x3ca: {  	v4 =	vadd.f32 v7, v4;
	v7 =	vadd.f32 v14, v13;
	_ =	sdelay $0x1  }
0x3cb: {  	v4 =	vadd.f32 v7, v4;
	_ =	sdelay $0x1  }
0x3cc: {  	[tilespmem:v15+s20+$0x0] =	vst.idx.msk $0xffff, v4  }
0x3cd: {  	v4 =	vld [tilespmem:s21+$0xD070]  }
0x3ce: {  	v7 =	vld [tilespmem:s22+$0xD170]  }
0x3cf: {  	v13 =	vld [tilespmem:s24+$0xD270]  }
0x3d0: {  	v14 =	vld [tilespmem:s25+$0xD370];
	_ =	sdelay $0x3  }
0x3d1: {  	v4 =	vmul.f32 v4, v2;
	v7 =	vmul.f32 v7, v3  }
0x3d2: {  	v15 =	vadd.s32 $0x1570, v1;
	v13 =	vmul.f32 v13, v5;
	v14 =	vmul.f32 v14, v6  }
0x3d3: {  	v15 =	vadd.s32 s16, v15  }
0x3d4: {  	v4 =	vadd.f32 v7, v4;
	v7 =	vadd.f32 v14, v13;
	_ =	sdelay $0x1  }
0x3d5: {  	v4 =	vadd.f32 v7, v4;
	_ =	sdelay $0x1  }
0x3d6: {  	[tilespmem:v15+s20+$0x0] =	vst.idx.msk $0xffff, v4  }
0x3d7: {  	v4 =	vld [tilespmem:s21+$0xD080]  }
0x3d8: {  	v7 =	vld [tilespmem:s22+$0xD180]  }
0x3d9: {  	v13 =	vld [tilespmem:s24+$0xD280]  }
0x3da: {  	v14 =	vld [tilespmem:s25+$0xD380];
	_ =	sdelay $0x3  }
0x3db: {  	v4 =	vmul.f32 v4, v2;
	v7 =	vmul.f32 v7, v3  }
0x3dc: {  	v15 =	vadd.s32 $0x1880, v1;
	v13 =	vmul.f32 v13, v5;
	v14 =	vmul.f32 v14, v6  }
0x3dd: {  	v15 =	vadd.s32 s16, v15  }
0x3de: {  	v4 =	vadd.f32 v7, v4;
	v7 =	vadd.f32 v14, v13;
	_ =	sdelay $0x1  }
0x3df: {  	v4 =	vadd.f32 v7, v4;
	_ =	sdelay $0x1  }
0x3e0: {  	[tilespmem:v15+s20+$0x0] =	vst.idx.msk $0xffff, v4  }
0x3e1: {  	v4 =	vld [tilespmem:s21+$0xD090]  }
0x3e2: {  	v7 =	vld [tilespmem:s22+$0xD190]  }
0x3e3: {  	v13 =	vld [tilespmem:s24+$0xD290]  }
0x3e4: {  	v14 =	vld [tilespmem:s25+$0xD390];
	_ =	sdelay $0x3  }
0x3e5: {  	v4 =	vmul.f32 v4, v2;
	v7 =	vmul.f32 v7, v3  }
0x3e6: {  	v15 =	vadd.s32 $0x1B90, v1;
	v13 =	vmul.f32 v13, v5;
	v14 =	vmul.f32 v14, v6  }
0x3e7: {  	v15 =	vadd.s32 s16, v15  }
0x3e8: {  	v4 =	vadd.f32 v7, v4;
	v7 =	vadd.f32 v14, v13;
	_ =	sdelay $0x1  }
0x3e9: {  	v4 =	vadd.f32 v7, v4;
	_ =	sdelay $0x1  }
0x3ea: {  	[tilespmem:v15+s20+$0x0] =	vst.idx.msk $0xffff, v4  }
0x3eb: {  	v4 =	vld [tilespmem:s21+$0xD0A0]  }
0x3ec: {  	v7 =	vld [tilespmem:s22+$0xD1A0]  }
0x3ed: {  	v13 =	vld [tilespmem:s24+$0xD2A0]  }
0x3ee: {  	v14 =	vld [tilespmem:s25+$0xD3A0];
	_ =	sdelay $0x3  }
0x3ef: {  	v4 =	vmul.f32 v4, v2;
	v7 =	vmul.f32 v7, v3  }
0x3f0: {  	v15 =	vadd.s32 $0x1EA0, v1;
	v13 =	vmul.f32 v13, v5;
	v14 =	vmul.f32 v14, v6  }
0x3f1: {  	v15 =	vadd.s32 s16, v15  }
0x3f2: {  	v4 =	vadd.f32 v7, v4;
	v7 =	vadd.f32 v14, v13;
	_ =	sdelay $0x1  }
0x3f3: {  	v4 =	vadd.f32 v7, v4;
	_ =	sdelay $0x1  }
0x3f4: {  	[tilespmem:v15+s20+$0x0] =	vst.idx.msk $0xffff, v4  }
0x3f5: {  	v4 =	vld [tilespmem:s21+$0xD0B0]  }
0x3f6: {  	v7 =	vld [tilespmem:s22+$0xD1B0]  }
0x3f7: {  	v13 =	vld [tilespmem:s24+$0xD2B0]  }
0x3f8: {  	v14 =	vld [tilespmem:s25+$0xD3B0];
	_ =	sdelay $0x3  }
0x3f9: {  	v4 =	vmul.f32 v4, v2;
	v7 =	vmul.f32 v7, v3  }
0x3fa: {  	v15 =	vadd.s32 $0x21B0, v1;
	v13 =	vmul.f32 v13, v5;
	v14 =	vmul.f32 v14, v6  }
0x3fb: {  	v15 =	vadd.s32 s16, v15  }
0x3fc: {  	v4 =	vadd.f32 v7, v4;
	v7 =	vadd.f32 v14, v13;
	_ =	sdelay $0x1  }
0x3fd: {  	v4 =	vadd.f32 v7, v4;
	_ =	sdelay $0x1  }
0x3fe: {  	[tilespmem:v15+s20+$0x0] =	vst.idx.msk $0xffff, v4  }
0x3ff: {  	v4 =	vld [tilespmem:s21+$0xD0C0]  }
0x400: {  	v7 =	vld [tilespmem:s22+$0xD1C0]  }
0x401: {  	v13 =	vld [tilespmem:s24+$0xD2C0]  }
0x402: {  	v14 =	vld [tilespmem:s25+$0xD3C0];
	_ =	sdelay $0x3  }
0x403: {  	v4 =	vmul.f32 v4, v2;
	v7 =	vmul.f32 v7, v3  }
0x404: {  	v15 =	vadd.s32 $0x24C0, v1;
	v13 =	vmul.f32 v13, v5;
	v14 =	vmul.f32 v14, v6  }
0x405: {  	v15 =	vadd.s32 s16, v15  }
0x406: {  	v4 =	vadd.f32 v7, v4;
	v7 =	vadd.f32 v14, v13;
	_ =	sdelay $0x1  }
0x407: {  	v4 =	vadd.f32 v7, v4;
	_ =	sdelay $0x1  }
0x408: {  	[tilespmem:v15+s20+$0x0] =	vst.idx.msk $0xffff, v4  }
0x409: {  	v4 =	vld [tilespmem:s21+$0xD0D0]  }
0x40a: {  	v7 =	vld [tilespmem:s22+$0xD1D0]  }
0x40b: {  	v13 =	vld [tilespmem:s24+$0xD2D0]  }
0x40c: {  	v14 =	vld [tilespmem:s25+$0xD3D0];
	_ =	sdelay $0x3  }
0x40d: {  	v4 =	vmul.f32 v4, v2;
	v7 =	vmul.f32 v7, v3  }
0x40e: {  	v15 =	vadd.s32 $0x27D0, v1;
	v13 =	vmul.f32 v13, v5;
	v14 =	vmul.f32 v14, v6  }
0x40f: {  	v15 =	vadd.s32 s16, v15  }
0x410: {  	v4 =	vadd.f32 v7, v4;
	v7 =	vadd.f32 v14, v13;
	_ =	sdelay $0x1  }
0x411: {  	v4 =	vadd.f32 v7, v4;
	_ =	sdelay $0x1  }
0x412: {  	[tilespmem:v15+s20+$0x0] =	vst.idx.msk $0xffff, v4  }
0x413: {  	v4 =	vld [tilespmem:s21+$0xD0E0]  }
0x414: {  	v7 =	vld [tilespmem:s22+$0xD1E0]  }
0x415: {  	v13 =	vld [tilespmem:s24+$0xD2E0]  }
0x416: {  	v14 =	vld [tilespmem:s25+$0xD3E0];
	_ =	sdelay $0x3  }
0x417: {  	v4 =	vmul.f32 v4, v2;
	v7 =	vmul.f32 v7, v3  }
0x418: {  	v15 =	vadd.s32 $0x2AE0, v1;
	v13 =	vmul.f32 v13, v5;
	v14 =	vmul.f32 v14, v6  }
0x419: {  	v15 =	vadd.s32 s16, v15  }
0x41a: {  	v4 =	vadd.f32 v7, v4;
	v7 =	vadd.f32 v14, v13;
	_ =	sdelay $0x1  }
0x41b: {  	v4 =	vadd.f32 v7, v4;
	_ =	sdelay $0x1  }
0x41c: {  	[tilespmem:v15+s20+$0x0] =	vst.idx.msk $0xffff, v4  }
0x41d: {  	v4 =	vld [tilespmem:s21+$0xD0F0]  }
0x41e: {  	v7 =	vld [tilespmem:s22+$0xD1F0]  }
0x41f: {  	v13 =	vld [tilespmem:s24+$0xD2F0]  }
0x420: {  	v14 =	vld [tilespmem:s25+$0xD3F0];
	_ =	sdelay $0x3  }
0x421: {  	v2 =	vmul.f32 v4, v2;
	v3 =	vmul.f32 v7, v3  }
0x422: {  	v1 =	vadd.s32 $0x2DF0, v1;
	v62 =	vmul.f32 v13, v5;
	v63 =	vmul.f32 v14, v6  }
0x423: {  	p0 =	sne.s32 s18, $0x3EB8;
	v1 =	vadd.s32 s16, v1  }
.Ltmp8:
0x424: {  	v2 =	vadd.f32 v3, v2;
	v3 =	vadd.f32 v63, v62;
	(pc) =	sbr.rel @p0 .LBB2_13-.Ltmp8, $4  }
0x425: {  	_ = 	snop  }
0x426: {  	s17 =	sadd.s32 $0x10, s17;
	s14 =	sadd.s32 $0xA74, s14;
	v2 =	vadd.f32 v3, v2  }
0x427: {  	s13 =	sadd.s32 $0xA74, s13;
	s12 =	sadd.s32 $0xA74, s12;
	s11 =	sadd.s32 $0xA74, s11  }
0x428: {  	s18 =	sadd.s32 $0xA74, s18;
	s15 =	sadd.s32 $0x400, s15;
	s16 =	sadd.s32 $0x1, s16;
	[tilespmem:v1+s20+$0x0] =	vst.idx.msk $0xffff, v2  }
0x429: {  	s8 =	sadd.s32 $0x1, s8  }
0x42a: {  	p0 =	sne.s32 s8, $0x7  }
.Ltmp9:
0x42b: {  	_ = 	snop;
	(pc) =	sbr.rel @p0 .LBB2_12-.Ltmp9, $4  }
0x42c: {  	_ = 	snop  }
0x42d: {  	s1 =	sadd.s32 $0x70, s1  }
0x42e: {  	s7 =	sadd.s32 $0x492C, s7;
	s2 =	sadd.s32 $0x7, s2;
	s3 =	sadd.s32 $0x1C00, s3  }
0x42f: {  	s4 =	sadd.s32 $0x492C, s4;
	s5 =	sadd.s32 $0x492C, s5;
	s6 =	sadd.s32 $0x492C, s6  }
0x430: {  	s0 =	smul.u32 $0x620, s0;
	_ =	sdelay $0x1  }
.Ltmp10:
0x431: {  	s25 =	simm.s32 $0x2;
	s0 =	sadd.s32 s26, s0;
	(pc) =	sbr.rel .LBB2_16-.Ltmp10, $4  }
0x432: {  	[hbm4b:s0+s28] =	stream.linear.scatter [tilespmem:s20], [sflag:$0x2], $0x3100, $0x38;
	[tilespmem:$0x1D9A0] =	vst v63  }
0x433: {  	_ =	swait.ge [sflag:s25], $0x3100  }
0x434: {  	[sflag:s25] =	ssyncset.done $0x0  }
0x435: {  	[sflag:s25] =	ssyncadd.s32 $0xFFFFCF00  }
.LBB2_10:
0x436: {  	p0 =	sgt.u32 s0, $0x3E7  }
.Ltmp11:
0x437: {  	_ = 	snop;
	(pc) =	sbr.rel @p0 .LBB2_16-.Ltmp11, $4  }
.Ltmp12:
0x438: {  	_ = 	snop;
	(pc) =	sbr.rel @!p0 .LBB2_11-.Ltmp12, $4  }
0x439: {  	_ = 	snop  }
0x43a: {  	_ = 	snop  }
0x43b: {  	_ = 	snop  }
0x43c: {  	_ = 	snop  }
.LBB2_18:
0x43d: {  	_ =	sfence.sel $0x180000  }
0x43e: {  	[bflag:$0x0] =	sbarrier.arrive $0xFFFF  }
0x43f: {  	_ =	strace $0x90000047  }
0x440: {  	s0 =	stileid.u32;
	[bflag:$0x2] =	sbarrier.arrive $0xFFFF  }
0x441: {  	p0 =	sne.s32 s0, $0x0;
	s0 =	rddreg [dreg:$0x2]  }
0x442: {  	s0 =	sadd.s32 @!p0 $0x100000, s0  }
0x443: {  	[sflag:s0] =	ssyncadd.tile.s32 @!p0 $0x1;
	_ =	shalt  }
.Lfunc_end2:
_tile_overlayer_lowered:
.L_overlay_start_2:
0x444: {  	(tag) =	ssettag $0x2  }
0x445: {  	s0 =	rddreg [dreg:$0x0];
	s2 =	stileid.u32  }
0x446: {  	s1 =	rddreg [dreg:$0x1];
	p0 =	sne.s32 s2, $0x0  }
0x447: {  	s3 =	rddreg [dreg:$0x2];
	[bflag:$0x3] =	sbarrier.arrive $0xFFFF;
	s2 =	simm.s32 @!p0 $0x1C02  }
0x448: {  	[timem:s3], [sflag:s2] =	dma.local @!p0 [hbm:s0], s1  }
0x449: {  	s0 =	simm.s32 @!p0 $0x2  }
0x44a: {  	_ =	swait.ge @!p0 [sflag:s0], s1  }
0x44b: {  	s1 =	ssub.s32 @!p0 $0x0, s1;
	[sflag:s0] =	ssyncset.done @!p0 $0x0  }
0x44c: {  	[sflag:s0] =	ssyncadd.s32 @!p0 s1  }
0x44d: {  	[bflag:$0x3] =	sbarrier.arrive $0xFFFF  }
0x44e: {  	_ =	shalt  }

// kernel: sparse-core-data-format-call.cloned.1.call-start
scs
called_computation_lowered:
.L_overlay_start_0:
0x0: {  	s2 =	sld [smem:$0x3FD9]  }
0x1: {  	s3 =	sld [smem:$0x3FFE];
	_ =	sdelay $0x1  }
0x2: {  	s1 =	srdreg.scid  }
0x3: {  	s0 =	sand.u32 $0x1, s1  }
0x4: {  	s18 =	sshll.u32 s0, $0xA;
	s2 =	sadd.s32 s3, s2  }
0x5: {  	s2 =	sadd.s32 s2, s18  }
0x6: {  	[smem:$0x3FC3] =	sst s2  }
0x7: {  	_ = 	snop  }
0x8: {  	s2 =	sld [smem:$0x3FD0];
	(tm) =	ssettm $0x1  }
0x9: {  	s19 =	sld [smem:$0x3FFB];
	_ =	sdelay $0x3  }
0xa: {  	_ =	strace s19  }
0xb: {  	s3 =	sld [smem:$0x3FFC];
	_ =	sdelay $0x3  }
0xc: {  	_ =	strace s3  }
0xd: {  	s3 =	sld [smem:$0x3FFD];
	_ =	sdelay $0x3  }
0xe: {  	_ =	strace s3  }
0xf: {  	_ =	strace $0x8FFFFFFF  }
0x10: {  	s20 =	sld [smem:$0x3FDB];
	_ =	sdelay $0x1  }
0x11: {  	s4 =	simm.s32 $_scs_section_size  }
0x12: {  	s5 =	simm.s32 $_size__tile_overlayer_lowered;
	s6 =	simm.s32 $_tile_overlayer_lowered  }
0x13: {  	s23 =	simm.s32 $0x1BFF;
	s22 =	sshll.u32 s6, $0x1;
	s3 =	sadd.s32 s4, s20  }
0x14: {  	s7 =	simm.s32 $0x0;
	s21 =	sshll.u32 s5, $0x1;
	s5 =	sadd.s32 s22, s3  }
0x15: {  	[timem:s7], [sflag:s23] =	dma.local [hbm:s5], s21  }
0x16: {  	_ =	swait.ge [sflag:s23], s21  }
0x17: {  	s4 =	ssub.s32 $0x0, s21;
	[sflag:s23] =	ssyncset.done $0x0  }
0x18: {  	[sflag:s23] =	ssyncadd.s32 s4;
	_ =	sdelay $0x1  }
0x19: {  	s24 =	simm.s32 $0x1B8B  }
0x1a: {  	_ =	swait.ge [sflag:s24], $0x1  }
0x1b: {  	[sflag:s24] =	ssyncset.done $0x0  }
0x1c: {  	s26 =	simm.s32 $0x1B8E;
	s25 =	sld [smem:$0x3FFE];
	[sflag:s24] =	ssyncadd.s32 $0xFFFFFFFF  }
0x1d: {  	s27 =	simm.s32 $execute0_lowered;
	[smem:$0x3FD2] =	sst s26  }
0x1e: {  	s5 =	sshll.u32 s27, $0x1;
	_ =	strace $0x80000049;
	[dreg:$0x1] =	wrdreg $0xFFFFFFFF  }
0x1f: {  	s28 =	simm.s32 $_size_execute0_lowered;
	s3 =	sadd.s32 s3, s5;
	[dreg:$0x0] =	wrdreg $0x0  }
0x20: {  	s5 =	sshll.u32 s28, $0x1;
	[dreg:$0x2] =	wrdreg s3  }
0x21: {  	[dreg:$0x3] =	wrdreg s5  }
0x22: {  	[dreg:$0x4] =	wrdreg $0xC0  }
0x23: {  	_ =	task [dreg:s7], $0x5FFFF  }
0x24: {  	[dreg:$0x1] =	wrdreg $0xFFFFFFFF  }
0x25: {  	[dreg:$0x0] =	wrdreg $0x60  }
0x26: {  	[dreg:$0x2] =	wrdreg s25  }
0x27: {  	[dreg:$0x3] =	wrdreg s2  }
0x28: {  	[dreg:$0x4] =	wrdreg $0x9  }
0x29: {  	_ =	task.clear_ibuf [dreg:s7], $0x5FFFF;
	_ =	strace $0x90000049  }
0x2a: {  	s29 =	simm.s32 $0x9;
	_ =	strace $0x8000004B  }
0x2b: {  	_ =	swait.ge [sflag:s29], $0x1  }
0x2c: {  	[sflag:s29] =	ssyncadd.s32 $0xFFFFFFFF  }
0x2d: {  	_ =	strace $0x9000004B  }
0x2e: {  	_ =	sfence  }
0x2f: {  	s30 =	sld [smem:$0x0];
	_ =	sdelay $0x2  }
0x30: {  	s31 =	sshll.u32 s1, $0xD;
	s1 =	sshrl.u32 s1, $0x2  }
0x31: {  	s3 =	sand.u32 $0x4000, s31;
	s1 =	sadd.s32 s1, s30  }
0x32: {  	s0 =	sor.u32 s3, s0;
	s1 =	sshll.u32 s1, $0x11  }
0x33: {  	s0 =	sor.u32 s1, s0  }
0x34: {  	s0 =	sadd.s32 $0x8F2B, s0  }
0x35: {  	[sflag:s0] =	ssyncadd.remote.s32 $0x1  }
0x36: {  	_ =	sfence.sel $0xFFFF  }
0x37: {  	[dreg:$0x0] =	wrdreg $0xFFFFFFFF;
	(pc) =	sbr.abs _section_cstart, $3  }
0x38: {  	[dreg:$0x1] =	wrdreg $0xFFFFFFFF  }
0x39: {  	_ =	task.clear_ibuf [dreg:s7], $0x2FFFF;
	_ =	strace $0x9FFFFFFF  }
0x3a: {  	(tm) =	ssettm $0x7FFFFFFF  }
0x3b: {  	_ =	shalt  }
tec
execute0_lowered:
.L_overlay_start_1:
0x0: {  	(tag) =	ssettag $0x1  }
0x1: {  	s0 =	stileid.u32;
	s2 =	srdreg.scid  }
0x2: {  	s4 =	rddreg [dreg:$0x0];
	_ =	strace $0x8000004A;
	s31 =	simm.s32 $0x2  }
0x3: {  	s26 =	simm.s32 $0x0;
	s16 =	simm.s32 $0x3E800;
	s24 =	simm.s32 $0x0  }
0x4: {  	s25 =	simm.s32 $0x0;
	s17 =	simm.s32 $0x0;
	s18 =	simm.s32 $0x0  }
0x5: {  	s19 =	simm.s32 $0x0;
	s1 =	sshll.u32 s0, $0x3;
	s3 =	sshll.u32 s2, $0x7  }
0x6: {  	s20 =	simm.s32 $0x0;
	s3 =	sand.u32 $0x80, s3;
	s5 =	ssub.s32 $0x3E8, s1  }
0x7: {  	s6 =	sshrl.u32 s5, $0x7;
	s5 =	sand.u32 $0x78, s5;
	s7 =	ssub.s32 $0x100, s3  }
0x8: {  	p0 =	sne.s32 s5, $0x0;
	s5 =	simm.s32 $0x1;
	s8 =	sshrl.u32 s7, $0x7  }
0x9: {  	s7 =	sshrl.u32 s7, $0x8;
	s5 =	simm.s32 @!p0 $0x0;
	s8 =	sand.u32 $0x1, s8  }
0xa: {  	s23 =	simm.s32 $0x0;
	s6 =	sadd.s32 s5, s6;
	s7 =	sadd.s32 s7, s8  }
0xb: {  	s9 =	sadd.s32 $0x10E00, s4;
	s10 =	sadd.s32 $0x18E00, s4;
	s7 =	smul.u32 s7, s6  }
.Ltmp0:
0xc: {  	s11 =	sadd.s32 $0x20E00, s4;
	s12 =	sadd.s32 $0x28E00, s4;
	(pc) =	sbr.rel .LBB1_1-.Ltmp0, $4  }
0xd: {  	s13 =	sadd.s32 $0x30E00, s4;
	s14 =	sadd.s32 $0x38E00, s4;
	s22 =	smov.u32 s1  }
0xe: {  	s21 =	smov.u32 s3;
	s5 =	simm.s32 $0x1;
	s7 =	smul.u32 $0x7, s7  }
0xf: {  	p0 =	por $0x0, $0x0;
	s8 =	sadd.s32 $0x8E00, s4;
	[sflag:s5] =	ssyncpa.u1 $0x0  }
0x10: {  	s6 =	sadd.s32 $0xE00, s4;
	[sflag:s31] =	ssyncpa.u1 $0x0;
	s15 =	sadd.s32 $0x1, s7  }
.LBB1_7:
0x11: {  	p1 =	slt.u32 s23, $0x2  }
0x12: {  	s0 =	smov.u32 s26;
	s27 =	smov.u32 s21;
	p2 =	sgt.s32 @!p1 s26, $0x6  }
0x13: {  	s2 =	sshra.s32 @!p1 s26, $0x1F;
	s4 =	sshra.s32 @!p1 s25, $0x1F;
	p2 =	por !p2, p1  }
0x14: {  	s2 =	sand.u32 @!p1 s2, s26;
	s0 =	simm.s32 @p2 $0x6;
	p2 =	sgt.s32 @!p1 s25, $0x3E0  }
0x15: {  	s0 =	ssub.s32 @!p1 s0, s2;
	p2 =	por !p2, p1;
	s2 =	smov.u32 s25  }
0x16: {  	s4 =	sand.u32 @!p1 s4, s25;
	s2 =	simm.s32 @p2 $0x3E0;
	p2 =	sgt.s32 @!p1 s24, $0x80  }
0x17: {  	s26 =	sshra.s32 @!p1 s24, $0x1F;
	s25 =	smov.u32 s24;
	p2 =	por !p2, p1  }
0x18: {  	s2 =	ssub.s32 @!p1 s2, s4;
	s4 =	sand.u32 @!p1 s26, s24;
	s25 =	simm.s32 @p2 $0x80  }
0x19: {  	s24 =	sadd.s32 @!p1 $0xFFFFFFFA, s0;
	s4 =	ssub.s32 @!p1 s25, s4;
	s25 =	sadd.s32 @!p1 $0xFFFFFC20, s2  }
0x1a: {  	s0 =	ssub.s32 @!p1 $0x7, s0;
	p2 =	sgt.s32 @!p1 s25, $0x7;
	s25 =	sadd.s32 @!p1 $0xFFFFFF80, s4  }
0x1b: {  	s2 =	ssub.s32 @!p1 $0x3E8, s2;
	p2 =	por !p2, p1;
	p3 =	sgt.s32 @!p1 s25, $0x7F  }
0x1c: {  	s4 =	ssub.s32 @!p1 $0x100, s4;
	s2 =	simm.s32 @!p2 $0x0;
	p2 =	por !p3, p1  }
0x1d: {  	s0 =	smul.u32 @!p1 $0x7, s0;
	p3 =	sgt.s32 @!p1 s24, $0x0;
	s4 =	simm.s32 @!p2 $0x0  }
0x1e: {  	p2 =	por !p3, p1;
	s2 =	smul.u32 @!p1 s2, s4;
	s4 =	sadd.s32 $0x1, s20  }
0x1f: {  	s24 =	sadd.s32 $0x100, s21;
	s0 =	simm.s32 @!p2 $0x0;
	p2 =	sgt.s32 s4, $0x6  }
0x20: {  	s28 =	smov.u32 s22;
	s27 =	smov.u32 @p2 s24  }
0x21: {  	s0 =	smul.u32 @!p1 s0, s2;
	s2 =	sadd.s32 $0x80, s22;
	p3 =	sgt.s32 s27, $0xFF  }
0x22: {  	p0 =	por !p0, !p0;
	s26 =	smov.u32 s17;
	s28 =	smov.u32 @p3 s2  }
0x23: {  	s17 =	smov.u32 s20;
	s4 =	simm.s32 @p2 $0x0;
	p2 =	sgt.s32 s28, $0x3E7  }
0x24: {  	s25 =	smov.u32 s19;
	s28 =	smov.u32 @p2 s1;
	p2 =	sne.s32 s23, s15  }
.Ltmp1:
0x25: {  	s19 =	smov.u32 s22;
	s24 =	smov.u32 s18;
	(pc) =	sbr.rel @!p2 .LBB1_8-.Ltmp1, $4  }
0x26: {  	s18 =	smov.u32 s21;
	s0 =	sand.u32 @!p1 $0x3FFFFFFF, s0;
	s2 =	simm.s32 @!p1 $0x2  }
0x27: {  	s20 =	smov.u32 s4;
	s27 =	smov.u32 @p3 s3;
	_ =	swait.ge @!p1 [sflag:s2], s0  }
0x28: {  	s0 =	ssub.s32 @!p1 $0x0, s0;
	s21 =	smov.u32 s27;
	[sflag:s2] =	ssyncset.done @!p1 $0x0  }
0x29: {  	s23 =	sadd.s32 $0x1, s23;
	[sflag:s2] =	ssyncadd.s32 @!p1 s0;
	s22 =	smov.u32 s28  }
.LBB1_1:
0x2a: {  	p1 =	sge.u32 s23, s7  }
0x2b: {  	s4 =	sxor.u32 @!p1 $0xFFFFFFFF, s23;
	s27 =	sshll.u32 @!p1 s22, $0xF;
	s28 =	sshll.u32 @!p1 s21, $0x7  }
0x2c: {  	s30 =	sshll.u32 @!p1 s20, $0x4;
	s31 =	simm.s32 @!p1 $0x8;
	s29 =	sadd.s32 @!p1 s27, s28  }
0x2d: {  	s4 =	sshll.u32 @!p1 s4, $0xD;
	s30 =	sand.u32 @!p1 $0x70, s30;
	s29 =	sadd.s32 @!p1 s6, s29  }
0x2e: {  	s0 =	simm.s32 @!p1 $0x400;
	s4 =	sand.u32 @!p1 $0x2000, s4;
	s29 =	sadd.s32 @!p1 s30, s29  }
0x2f: {  	[tilespmem:s4], [sflag:$0x1] =	stream.strided.gather @!p1 [hbm4b:s29+s31], $0x400, s0, s31, $0x38;
	[tilespmem:$0x8080] =	vst v63  }
0x30: {  	s29 =	sadd.s32 @!p1 s27, s8  }
0x31: {  	s29 =	sadd.s32 @!p1 s28, s29  }
0x32: {  	s2 =	sor.u32 @!p1 $0x400, s4;
	s29 =	sadd.s32 @!p1 s30, s29  }
0x33: {  	[tilespmem:s2], [sflag:$0x1] =	stream.strided.gather @!p1 [hbm4b:s29+s31], $0x400, s0, s31, $0x38;
	[tilespmem:$0x8080] =	vst v63  }
0x34: {  	s2 =	sadd.s32 @!p1 s27, s9  }
0x35: {  	s2 =	sadd.s32 @!p1 s28, s2  }
0x36: {  	s29 =	sor.u32 @!p1 $0x800, s4;
	s2 =	sadd.s32 @!p1 s30, s2  }
0x37: {  	[tilespmem:s29], [sflag:$0x1] =	stream.strided.gather @!p1 [hbm4b:s2+s31], $0x400, s0, s31, $0x38;
	[tilespmem:$0x8080] =	vst v63  }
0x38: {  	s2 =	sadd.s32 @!p1 s27, s10  }
0x39: {  	s2 =	sadd.s32 @!p1 s28, s2  }
0x3a: {  	s29 =	sor.u32 @!p1 $0xC00, s4;
	s2 =	sadd.s32 @!p1 s30, s2  }
0x3b: {  	[tilespmem:s29], [sflag:$0x1] =	stream.strided.gather @!p1 [hbm4b:s2+s31], $0x400, s0, s31, $0x38;
	[tilespmem:$0x8080] =	vst v63  }
0x3c: {  	s2 =	sadd.s32 @!p1 s27, s11  }
0x3d: {  	s2 =	sadd.s32 @!p1 s28, s2  }
0x3e: {  	s29 =	sor.u32 @!p1 $0x1000, s4;
	s2 =	sadd.s32 @!p1 s30, s2  }
0x3f: {  	[tilespmem:s29], [sflag:$0x1] =	stream.strided.gather @!p1 [hbm4b:s2+s31], $0x400, s0, s31, $0x38;
	[tilespmem:$0x8080] =	vst v63  }
0x40: {  	s2 =	sadd.s32 @!p1 s27, s12  }
0x41: {  	s2 =	sadd.s32 @!p1 s28, s2  }
0x42: {  	s29 =	sor.u32 @!p1 $0x1400, s4;
	s2 =	sadd.s32 @!p1 s30, s2  }
0x43: {  	[tilespmem:s29], [sflag:$0x1] =	stream.strided.gather @!p1 [hbm4b:s2+s31], $0x400, s0, s31, $0x38;
	[tilespmem:$0x8080] =	vst v63  }
0x44: {  	s2 =	sadd.s32 @!p1 s27, s13  }
0x45: {  	s2 =	sadd.s32 @!p1 s28, s2  }
0x46: {  	s29 =	sor.u32 @!p1 $0x1800, s4;
	s2 =	sadd.s32 @!p1 s30, s2  }
0x47: {  	[tilespmem:s29], [sflag:$0x1] =	stream.strided.gather @!p1 [hbm4b:s2+s31], $0x400, s0, s31, $0x38;
	[tilespmem:$0x8080] =	vst v63  }
0x48: {  	s2 =	sadd.s32 @!p1 s27, s14  }
0x49: {  	s2 =	sadd.s32 @!p1 s28, s2  }
0x4a: {  	s4 =	sor.u32 @!p1 $0x1C00, s4;
	s2 =	sadd.s32 @!p1 s30, s2  }
0x4b: {  	[tilespmem:s4], [sflag:$0x1] =	stream.strided.gather @!p1 [hbm4b:s2+s31], $0x400, s0, s31, $0x38;
	[tilespmem:$0x8080] =	vst v63  }
0x4c: {  	s31 =	sadd.s32 $0xFFFFFFFF, s23  }
0x4d: {  	p1 =	sge.u32 s31, s7  }
.Ltmp2:
0x4e: {  	_ = 	snop;
	(pc) =	sbr.rel @p1 .LBB1_7-.Ltmp2, $1  }
0x4f: {  	_ =	sdelay $0x3  }
0x50: {  	s0 =	simm.s32 $0x1;
	s4 =	sand.u32 $0x1, s23  }
0x51: {  	s0 =	simm.s32 @!p0 $0x0;
	s4 =	smul.u32 $0x8100, s4  }
0x52: {  	_ =	swait.ge [sflag:s5], $0x2000;
	s2 =	smul.u32 $0x8100, s0  }
0x53: {  	s30 =	simm.s32 $0x0;
	[sflag:s5] =	ssyncset.done $0x0  }
0x54: {  	s28 =	sshll.u32 s0, $0xD;
	s31 =	sshrl.u32 s4, $0x2;
	s2 =	sshrl.u32 s2, $0x2  }
0x55: {  	[sflag:s5] =	ssyncadd.s32 $0xFFFFE000;
	s27 =	sor.u32 $0x4000, s31;
	s29 =	sor.u32 $0x4000, s2  }
.LBB1_3:
0x56: {  	v0 =	vmov s28;
	_ =	sdelay $0x3  }
0x57: {  	s0 =	simm.s32 $0x0  }
0x58: {  	v1 =	vld.idx.msk [tilespmem:v0+s0+$0x0 ss:$0x1], $0xff;
	_ =	sdelay $0x2  }
0x59: {  	s4 =	simm.s32 $0x20;
	s31 =	smov.u32 s29  }
.LBB1_4:
0x5a: {  	s0 =	sshra.s32 s4, $0x2;
	p1 =	sne.s32 s4, $0xFE0;
	s4 =	sadd.s32 $0x20, s4  }
.Ltmp3:
0x5b: {  	[tilespmem:s31+$0x0 ss:$0x408] =	vst.msk $0xff, v1;
	v1 =	vld.idx.msk [tilespmem:v0+s0+$0x0 ss:$0x1], $0xff;
	(pc) =	sbr.rel @p1 .LBB1_4-.Ltmp3, $2  }
0x5c: {  	_ =	sdelay $0x2  }
0x5d: {  	s31 =	sadd.s32 $0x1, s31  }
0x5e: {  	s30 =	sadd.s32 $0x1, s30  }
0x5f: {  	p1 =	sne.s32 s30, $0x8  }
.Ltmp4:
0x60: {  	_ = 	snop;
	(pc) =	sbr.rel @p1 .LBB1_3-.Ltmp4, $2  }
0x61: {  	_ =	sdelay $0x2  }
0x62: {  	[tilespmem:s31+$0x0 ss:$0x408] =	vst.msk $0xff, v1;
	s28 =	sadd.s32 $0x400, s28;
	s29 =	sadd.s32 $0x81, s29  }
0x63: {  	s0 =	sshll.u32 s19, $0x8  }
0x64: {  	s2 =	sshll.u32 s18, $0x3;
	p1 =	sgt.s32 s19, $0x3E0;
	s28 =	smov.u32 s19  }
0x65: {  	s29 =	sshra.s32 s19, $0x1F;
	p3 =	sgt.s32 s18, $0x80;
	s0 =	sand.u32 $0xFFFFF800, s0  }
0x66: {  	s2 =	sand.u32 $0xFFFFFC00, s2;
	s28 =	simm.s32 @!p1 $0x3E0;
	s30 =	sand.u32 s29, s19  }
0x67: {  	s29 =	smov.u32 s18;
	s0 =	sadd.s32 s0, s2;
	s2 =	sshll.u32 s19, $0x7  }
0x68: {  	p1 =	sgt.s32 s17, $0x6;
	s29 =	simm.s32 @!p3 $0x80;
	s4 =	sand.u32 $0x300, s2  }
0x69: {  	s2 =	sand.u32 $0x80, s2;
	s0 =	sor.u32 s4, s0;
	s4 =	ssub.s32 s28, s30  }
0x6a: {  	s30 =	smov.u32 s17;
	s0 =	sshrl.u32 s0, $0x8;
	s31 =	sadd.s32 $0xFFFFFC20, s4  }
0x6b: {  	s28 =	smulhi.u32 $0x83126F, s0;
	p2 =	sgt.s32 s31, $0x7;
	s31 =	sshra.s32 s18, $0x1F  }
0x6c: {  	s30 =	simm.s32 @!p1 $0x6;
	s4 =	ssub.s32 $0x3E8, s4;
	s31 =	sand.u32 s31, s18  }
0x6d: {  	s28 =	sshrl.u32 s28, $0x1;
	s29 =	ssub.s32 s29, s31;
	s31 =	sshra.s32 s17, $0x1F  }
0x6e: {  	s4 =	simm.s32 @p2 $0x0;
	s28 =	smul.u32 $0x3E8, s28;
	s31 =	sand.u32 s31, s17  }
0x6f: {  	s30 =	ssub.s32 s30, s31;
	s31 =	sadd.s32 $0xFFFFFF80, s29;
	s29 =	ssub.s32 $0x100, s29  }
0x70: {  	p1 =	sgt.s32 s31, $0x7F;
	s31 =	ssub.s32 $0x7, s30;
	s30 =	sadd.s32 $0xFFFFFFFA, s30  }
0x71: {  	s0 =	ssub.s32 s0, s28;
	s31 =	smul.u32 $0x7, s31;
	s29 =	simm.s32 @p1 $0x0  }
0x72: {  	p1 =	sgt.s32 s30, $0x0;
	s30 =	sand.u32 $0x78, s18;
	s4 =	smul.u32 s4, s29  }
0x73: {  	s29 =	smul.u32 $0x36B00, s17;
	s2 =	sor.u32 s30, s2;
	s30 =	rddreg [dreg:$0x1]  }
.Ltmp5:
0x74: {  	s31 =	simm.s32 @p1 $0x0;
	s2 =	sshrl.u32 s2, $0x3;
	(pc) =	sbr.rel .LBB1_7-.Ltmp5, $4  }
0x75: {  	s4 =	smul.u32 s31, s4;
	s28 =	sadd.s32 s30, s29;
	s31 =	sand.u32 $0x7, s18  }
0x76: {  	s0 =	sshll.u32 s0, $0x5;
	s2 =	sadd.s32 s2, s28;
	s30 =	sshll.u32 s31, $0x12  }
0x77: {  	s4 =	sand.u32 $0x3FFFFFFF, s4;
	s0 =	sadd.s32 s0, s2;
	s31 =	sor.u32 $0x400, s30  }
0x78: {  	[hbm4b:s0+s31] =	stream.strided.scatter [tilespmem:s27], [sflag:$0x2], s4, s16, s31, $0x20;
	[tilespmem:$0x8080] =	vst v63  }
.LBB1_8:
0x79: {  	_ =	sfence.sel $0x180000  }
0x7a: {  	s0 =	simm.s32 $0x1;
	[bflag:$0x0] =	sbarrier.arrive $0xFFFF  }
0x7b: {  	s30 =	simm.s32 $0x2;
	[sflag:s0] =	ssyncpa.u1 $0x1  }
0x7c: {  	[sflag:s30] =	ssyncpa.u1 $0x1  }
0x7d: {  	_ =	strace $0x9000004A  }
0x7e: {  	s31 =	stileid.u32;
	[bflag:$0x2] =	sbarrier.arrive $0xFFFF  }
0x7f: {  	p0 =	sne.s32 s31, $0x0;
	s0 =	rddreg [dreg:$0x2]  }
0x80: {  	s0 =	sadd.s32 @!p0 $0x100000, s0  }
0x81: {  	[sflag:s0] =	ssyncadd.tile.s32 @!p0 $0x1;
	_ =	shalt  }
.Lfunc_end1:
_tile_overlayer_lowered:
.L_overlay_start_2:
0x82: {  	(tag) =	ssettag $0x2  }
0x83: {  	s0 =	rddreg [dreg:$0x0];
	s2 =	stileid.u32  }
0x84: {  	s1 =	rddreg [dreg:$0x1];
	p0 =	sne.s32 s2, $0x0  }
0x85: {  	s3 =	rddreg [dreg:$0x2];
	[bflag:$0x3] =	sbarrier.arrive $0xFFFF;
	s2 =	simm.s32 @!p0 $0x1C01  }
0x86: {  	[timem:s3], [sflag:s2] =	dma.local @!p0 [hbm:s0], s1  }
0x87: {  	s0 =	simm.s32 @!p0 $0x1  }
0x88: {  	_ =	swait.ge @!p0 [sflag:s0], s1  }
0x89: {  	s1 =	ssub.s32 @!p0 $0x0, s1;
	[sflag:s0] =	ssyncset.done @!p0 $0x0  }
0x8a: {  	[sflag:s0] =	ssyncadd.s32 @!p0 s1  }
0x8b: {  	[bflag:$0x3] =	sbarrier.arrive $0xFFFF  }
0x8c: {  	_ =	shalt  }

</sc_bundles>
